<compile_context>
chip_gen: v7x
topology: tpu7x:2x2x1
jax: 0.10.2.dev20260603
libtpu: 0.0.44.dev20260713+nightly
codegen_flags: <defaults>
</compile_context>

<pallas_src>
import functools

import jax
import jax.numpy as jnp
from jax import lax
from jax.experimental import pallas as pl
from jax.experimental.pallas import tpu as pltpu
from jax.experimental.pallas import tpu_sc as plsc


def _segsum_sc(flat, B, P, D):
    info = plsc.get_sparse_core_info()
    NC, NS, L = info.num_cores, info.num_subcores, info.num_lanes
    NW = NC * NS
    NV = D // L
    BPW = B // NW
    RPC = 256
    SPC = RPC // P
    NCHUNK = (BPW * P) // RPC
    NBUF = 3
    mesh = plsc.VectorSubcoreMesh(core_axis_name="c", subcore_axis_name="s")

    @functools.partial(
        pl.kernel,
        out_type=jax.ShapeDtypeStruct((B, D), jnp.float32),
        mesh=mesh,
        scratch_types=[
            [pltpu.VMEM((RPC, D), jnp.float32)] * NBUF,
            pltpu.VMEM((BPW, D), jnp.float32),
            [pltpu.SemaphoreType.DMA] * NBUF,
        ],
    )
    def seg(flat_hbm, out_hbm, bufs, res, hsems):
        sid = lax.axis_index("s")
        wid = lax.axis_index("c") * NS + sid
        in_base = wid * (BPW * P)

        def hbm_start(g):
            return pltpu.async_copy(
                flat_hbm.at[pl.ds(in_base + g * RPC, RPC)],
                bufs[g % NBUF], hsems[g % NBUF])

        def reduce_chunk(buf, g):
            def seg_body(t, _):
                base = t * P
                acc = [buf[base, pl.ds(j * L, L)] for j in range(NV)]
                def row_body(r, acc):
                    return tuple(
                        acc[j] + buf[base + r, pl.ds(j * L, L)]
                        for j in range(NV)
                    )
                acc = lax.fori_loop(1, P, row_body, tuple(acc))
                for j in range(NV):
                    res[g * SPC + t, pl.ds(j * L, L)] = acc[j]
                return _
            lax.fori_loop(0, SPC, seg_body, 0)

        hbm_d = [hbm_start(0), hbm_start(1)]
        for gg in range(0, NCHUNK, NBUF):
            for b in range(NBUF):
                g = gg + b
                if g >= NCHUNK:
                    break
                hbm_d.pop(0).wait()
                if g + 2 < NCHUNK:
                    hbm_d.append(hbm_start(g + 2))
                reduce_chunk(bufs[g % NBUF], g)

        pltpu.sync_copy(res, out_hbm.at[pl.ds(wid * BPW, BPW)])

    return seg(flat)


def _mlp_body(s_ref, w_ref, b_ref, o_ref):
    y = jax.lax.dot_general(
        s_ref[...], w_ref[...], (((1,), (1,)), ((), ())),
        preferred_element_type=jnp.float32,
        precision=jax.lax.Precision.HIGHEST,
    )
    o_ref[...] = y + b_ref[...]


def kernel(pert_batch, W, b):
    B, P, D = pert_batch.shape
    OUT = W.shape[0]
    flat = pert_batch.reshape(B * P, D)
    s = _segsum_sc(flat, B, P, D)
    bias = (P * b).reshape(1, OUT)
    return pl.pallas_call(
        _mlp_body,
        in_specs=[
            pl.BlockSpec((B, D), lambda: (0, 0)),
            pl.BlockSpec((OUT, D), lambda: (0, 0)),
            pl.BlockSpec((1, OUT), lambda: (0, 0)),
        ],
        out_specs=pl.BlockSpec((B, OUT), lambda: (0, 0)),
        out_shape=jax.ShapeDtypeStruct((B, OUT), jnp.float32),
    )(s, W, bias)

# --- scband reference (transcript-rebuilt; emitter-appended) ---
"""Pipeline reference for scband-pert-aggregator-9869834846789 (READ-ONLY COPY).

The authoritative reference and input builder live on the scoring server;
editing this copy changes nothing except your own understanding.
"""

import jax, jax.numpy as jnp
import numpy as np

B, P, D, OUT = 4096, 32, 128, 128


def setup_inputs(seed: int = 0) -> dict:
    key = jax.random.key(seed)
    k1, k2, k3 = jax.random.split(key, 3)
    pert_batch = jax.random.normal(k1, (B, P, D), dtype=jnp.float32)
    # Linear(emb_dim=128, out=128) parameters, torch layout W[out, in]
    W = jax.random.normal(k2, (OUT, D), dtype=jnp.float32) * (1.0 / np.sqrt(D))
    b = jax.random.normal(k3, (OUT,), dtype=jnp.float32) * 0.01
    return {"pert_batch": pert_batch, "W": W, "b": b}


def reference(pert_batch, W, b):
    # Faithful translation of PertAggregator.forward:
    # 1) stack all per-sample perturbation embeddings -> [B*P, D]
    # 2) pos_in_batch[i] = which batch element each stacked embedding came from
    # 3) apply the MLP (single Linear here since hidden_dims is None)
    # 4) sum embeddings per batch element (pos_in_batch == idx -> segment_sum)
    Bn, Pn, Dn = pert_batch.shape
    flat = pert_batch.reshape(Bn * Pn, Dn)
    pos_in_batch = jnp.repeat(jnp.arange(Bn, dtype=jnp.int32), Pn)
    y = flat @ W.T + b  # MLP: Linear(128 -> 128)
    agged = jax.ops.segment_sum(y, pos_in_batch, num_segments=Bn)
    return agged

if __name__ == "__main__":
    import jax
    _d = setup_inputs()
    print(jax.jit(kernel)(*tuple(_d.values())))

</pallas_src>

<mosaic_0001>
#map = affine_map<(d0, d1) -> (0, 0)>
module attributes {stable_mosaic.version = 14 : i64} {
  func.func @seg(%arg0: i32, %arg1: i32, %arg2: memref<131072x128xf32, #tpu.memory_space<hbm>>, %arg3: memref<4096x128xf32, #tpu.memory_space<hbm>>, %arg4: memref<256x128xf32, #tpu.memory_space<vmem>>, %arg5: memref<256x128xf32, #tpu.memory_space<vmem>>, %arg6: memref<256x128xf32, #tpu.memory_space<vmem>>, %arg7: memref<128x128xf32, #tpu.memory_space<vmem>>, %arg8: memref<!tpu.dma_semaphore, #tpu.memory_space<semaphore_mem>>, %arg9: memref<!tpu.dma_semaphore, #tpu.memory_space<semaphore_mem>>, %arg10: memref<!tpu.dma_semaphore, #tpu.memory_space<semaphore_mem>>) attributes {dimension_semantics = [#tpu.dimension_semantics<core_parallel>, #tpu.dimension_semantics<subcore_parallel>], iteration_bounds = array<i64: 2, 16>, scalar_prefetch = 0 : i64, scratch_operands = 7 : i64, tpu.core_type = #tpu.core_type<sc_vector_subcore>, window_params = [{transform_indices = #map}, {transform_indices = #map}]} {
    %mul3A = arith.constant 16 : i32
    %mul3A_0 = arith.muli %arg0, %mul3A : i32
    %add3A = arith.addi %mul3A_0, %arg1 : i32
    %mul3A_1 = arith.constant 4096 : i32
    %mul3A_2 = arith.muli %add3A, %mul3A_1 : i32
    %add3A_3 = arith.constant 0 : i32
    %add3A_4 = arith.addi %mul3A_2, %add3A_3 : i32
    %dma_start3A = arith.constant 0 : i32
    %dma_start3A_5 = tpu.memref_slice %arg2[%add3A_4, %dma_start3A] : memref<131072x128xf32, #tpu.memory_space<hbm>> -> memref<256x128xf32, #tpu.memory_space<hbm>>
    %dma_start3A_6 = arith.constant 0 : i32
    %dma_start3A_7 = tpu.memref_slice %arg2[%add3A_4, %dma_start3A_6] : memref<131072x128xf32, #tpu.memory_space<hbm>> -> memref<256x128xf32, #tpu.memory_space<hbm>>
    tpu.enqueue_dma source(%dma_start3A_7 : memref<256x128xf32, #tpu.memory_space<hbm>>) target(%arg4 : memref<256x128xf32, #tpu.memory_space<vmem>>) target_semaphore(%arg8 : memref<!tpu.dma_semaphore, #tpu.memory_space<semaphore_mem>>)
    %add3A_8 = arith.constant 256 : i32
    %add3A_9 = arith.addi %mul3A_2, %add3A_8 : i32
    %dma_start3A_10 = arith.constant 0 : i32
    %dma_start3A_11 = tpu.memref_slice %arg2[%add3A_9, %dma_start3A_10] : memref<131072x128xf32, #tpu.memory_space<hbm>> -> memref<256x128xf32, #tpu.memory_space<hbm>>
    %dma_start3A_12 = arith.constant 0 : i32
    %dma_start3A_13 = tpu.memref_slice %arg2[%add3A_9, %dma_start3A_12] : memref<131072x128xf32, #tpu.memory_space<hbm>> -> memref<256x128xf32, #tpu.memory_space<hbm>>
    tpu.enqueue_dma source(%dma_start3A_13 : memref<256x128xf32, #tpu.memory_space<hbm>>) target(%arg5 : memref<256x128xf32, #tpu.memory_space<vmem>>) target_semaphore(%arg9 : memref<!tpu.dma_semaphore, #tpu.memory_space<semaphore_mem>>)
    %dma_wait3A = arith.constant 0 : i32
    %dma_wait3A_14 = tpu.memref_slice %arg2[%add3A_4, %dma_wait3A] : memref<131072x128xf32, #tpu.memory_space<hbm>> -> memref<256x128xf32, #tpu.memory_space<hbm>>
    %dma_wait3A_15 = arith.constant 0 : i32
    %dma_wait3A_16 = tpu.memref_slice %arg2[%add3A_4, %dma_wait3A_15] : memref<131072x128xf32, #tpu.memory_space<hbm>> -> memref<256x128xf32, #tpu.memory_space<hbm>>
    tpu.wait_dma2 semaphore(%arg8 : memref<!tpu.dma_semaphore, #tpu.memory_space<semaphore_mem>>) src(%dma_wait3A_16 : memref<256x128xf32, #tpu.memory_space<hbm>>) dst(%arg4 : memref<256x128xf32, #tpu.memory_space<vmem>>)
    %add3A_17 = arith.constant 512 : i32
    %add3A_18 = arith.addi %mul3A_2, %add3A_17 : i32
    %dma_start3A_19 = arith.constant 0 : i32
    %dma_start3A_20 = tpu.memref_slice %arg2[%add3A_18, %dma_start3A_19] : memref<131072x128xf32, #tpu.memory_space<hbm>> -> memref<256x128xf32, #tpu.memory_space<hbm>>
    %dma_start3A_21 = arith.constant 0 : i32
    %dma_start3A_22 = tpu.memref_slice %arg2[%add3A_18, %dma_start3A_21] : memref<131072x128xf32, #tpu.memory_space<hbm>> -> memref<256x128xf32, #tpu.memory_space<hbm>>
    tpu.enqueue_dma source(%dma_start3A_22 : memref<256x128xf32, #tpu.memory_space<hbm>>) target(%arg6 : memref<256x128xf32, #tpu.memory_space<vmem>>) target_semaphore(%arg10 : memref<!tpu.dma_semaphore, #tpu.memory_space<semaphore_mem>>)
    %scan3A = arith.constant 0 : i32
    %scan3A_23 = arith.constant 0 : i32
    %scan3A_24 = arith.constant 8 : i32
    %scan3A_25 = arith.addi %scan3A_23, %scan3A_24 : i32
    %scan3A_26 = arith.constant 1 : i32
    scf.for %scan3A_258 = %scan3A_23 to %scan3A_25 step %scan3A_26  : i32 {
      %mul3A_259 = arith.constant 32 : i32
      %mul3A_260 = arith.muli %scan3A_258, %mul3A_259 : i32
      %get3A = arith.index_cast %mul3A_260 : i32 to index
      %get3A_261 = arith.constant 0 : index
      %get3A_262 = tpu.vector_load %arg4[%get3A, %get3A_261] {strides = array<i32>} : memref<256x128xf32, #tpu.memory_space<vmem>>, vector<1x16xf32>,
      %get3A_263 = vector.shape_cast %get3A_262 : vector<1x16xf32> to vector<16xf32>
      %get3A_264 = arith.index_cast %mul3A_260 : i32 to index
      %get3A_265 = arith.constant 16 : index
      %get3A_266 = tpu.vector_load %arg4[%get3A_264, %get3A_265] {strides = array<i32>} : memref<256x128xf32, #tpu.memory_space<vmem>>, vector<1x16xf32>,
      %get3A_267 = vector.shape_cast %get3A_266 : vector<1x16xf32> to vector<16xf32>
      %get3A_268 = arith.index_cast %mul3A_260 : i32 to index
      %get3A_269 = arith.constant 32 : index
      %get3A_270 = tpu.vector_load %arg4[%get3A_268, %get3A_269] {strides = array<i32>} : memref<256x128xf32, #tpu.memory_space<vmem>>, vector<1x16xf32>,
      %get3A_271 = vector.shape_cast %get3A_270 : vector<1x16xf32> to vector<16xf32>
      %get3A_272 = arith.index_cast %mul3A_260 : i32 to index
      %get3A_273 = arith.constant 48 : index
      %get3A_274 = tpu.vector_load %arg4[%get3A_272, %get3A_273] {strides = array<i32>} : memref<256x128xf32, #tpu.memory_space<vmem>>, vector<1x16xf32>,
      %get3A_275 = vector.shape_cast %get3A_274 : vector<1x16xf32> to vector<16xf32>
      %get3A_276 = arith.index_cast %mul3A_260 : i32 to index
      %get3A_277 = arith.constant 64 : index
      %get3A_278 = tpu.vector_load %arg4[%get3A_276, %get3A_277] {strides = array<i32>} : memref<256x128xf32, #tpu.memory_space<vmem>>, vector<1x16xf32>,
      %get3A_279 = vector.shape_cast %get3A_278 : vector<1x16xf32> to vector<16xf32>
      %get3A_280 = arith.index_cast %mul3A_260 : i32 to index
      %get3A_281 = arith.constant 80 : index
      %get3A_282 = tpu.vector_load %arg4[%get3A_280, %get3A_281] {strides = array<i32>} : memref<256x128xf32, #tpu.memory_space<vmem>>, vector<1x16xf32>,
      %get3A_283 = vector.shape_cast %get3A_282 : vector<1x16xf32> to vector<16xf32>
      %get3A_284 = arith.index_cast %mul3A_260 : i32 to index
      %get3A_285 = arith.constant 96 : index
      %get3A_286 = tpu.vector_load %arg4[%get3A_284, %get3A_285] {strides = array<i32>} : memref<256x128xf32, #tpu.memory_space<vmem>>, vector<1x16xf32>,
      %get3A_287 = vector.shape_cast %get3A_286 : vector<1x16xf32> to vector<16xf32>
      %get3A_288 = arith.index_cast %mul3A_260 : i32 to index
      %get3A_289 = arith.constant 112 : index
      %get3A_290 = tpu.vector_load %arg4[%get3A_288, %get3A_289] {strides = array<i32>} : memref<256x128xf32, #tpu.memory_space<vmem>>, vector<1x16xf32>,
      %get3A_291 = vector.shape_cast %get3A_290 : vector<1x16xf32> to vector<16xf32>
      %scan3A_292 = arith.constant 1 : i32
      %scan3A_293 = arith.constant 31 : i32
      %scan3A_294 = arith.addi %scan3A_292, %scan3A_293 : i32
      %scan3A_295 = arith.constant 1 : i32
      %scan3A_296:8 = scf.for %scan3A_353 = %scan3A_292 to %scan3A_294 step %scan3A_295 iter_args(%scan3A_354 = %get3A_263, %scan3A_355 = %get3A_267, %scan3A_356 = %get3A_271, %scan3A_357 = %get3A_275, %scan3A_358 = %get3A_279, %scan3A_359 = %get3A_283, %scan3A_360 = %get3A_287, %scan3A_361 = %get3A_291) -> (vector<16xf32>, vector<16xf32>, vector<16xf32>, vector<16xf32>, vector<16xf32>, vector<16xf32>, vector<16xf32>, vector<16xf32>)  : i32 {
        %add3A_362 = arith.addi %mul3A_260, %scan3A_353 : i32
        %get3A_363 = arith.index_cast %add3A_362 : i32 to index
        %get3A_364 = arith.constant 0 : index
        %get3A_365 = tpu.vector_load %arg4[%get3A_363, %get3A_364] {strides = array<i32>} : memref<256x128xf32, #tpu.memory_space<vmem>>, vector<1x16xf32>,
        %get3A_366 = vector.shape_cast %get3A_365 : vector<1x16xf32> to vector<16xf32>
        %add3A_367 = arith.addf %scan3A_354, %get3A_366 : vector<16xf32>
        %add3A_368 = arith.addi %mul3A_260, %scan3A_353 : i32
        %get3A_369 = arith.index_cast %add3A_368 : i32 to index
        %get3A_370 = arith.constant 16 : index
        %get3A_371 = tpu.vector_load %arg4[%get3A_369, %get3A_370] {strides = array<i32>} : memref<256x128xf32, #tpu.memory_space<vmem>>, vector<1x16xf32>,
        %get3A_372 = vector.shape_cast %get3A_371 : vector<1x16xf32> to vector<16xf32>
        %add3A_373 = arith.addf %scan3A_355, %get3A_372 : vector<16xf32>
        %add3A_374 = arith.addi %mul3A_260, %scan3A_353 : i32
        %get3A_375 = arith.index_cast %add3A_374 : i32 to index
        %get3A_376 = arith.constant 32 : index
        %get3A_377 = tpu.vector_load %arg4[%get3A_375, %get3A_376] {strides = array<i32>} : memref<256x128xf32, #tpu.memory_space<vmem>>, vector<1x16xf32>,
        %get3A_378 = vector.shape_cast %get3A_377 : vector<1x16xf32> to vector<16xf32>
        %add3A_379 = arith.addf %scan3A_356, %get3A_378 : vector<16xf32>
        %add3A_380 = arith.addi %mul3A_260, %scan3A_353 : i32
        %get3A_381 = arith.index_cast %add3A_380 : i32 to index
        %get3A_382 = arith.constant 48 : index
        %get3A_383 = tpu.vector_load %arg4[%get3A_381, %get3A_382] {strides = array<i32>} : memref<256x128xf32, #tpu.memory_space<vmem>>, vector<1x16xf32>,
        %get3A_384 = vector.shape_cast %get3A_383 : vector<1x16xf32> to vector<16xf32>
        %add3A_385 = arith.addf %scan3A_357, %get3A_384 : vector<16xf32>
        %add3A_386 = arith.addi %mul3A_260, %scan3A_353 : i32
        %get3A_387 = arith.index_cast %add3A_386 : i32 to index
        %get3A_388 = arith.constant 64 : index
        %get3A_389 = tpu.vector_load %arg4[%get3A_387, %get3A_388] {strides = array<i32>} : memref<256x128xf32, #tpu.memory_space<vmem>>, vector<1x16xf32>,
        %get3A_390 = vector.shape_cast %get3A_389 : vector<1x16xf32> to vector<16xf32>
        %add3A_391 = arith.addf %scan3A_358, %get3A_390 : vector<16xf32>
        %add3A_392 = arith.addi %mul3A_260, %scan3A_353 : i32
        %get3A_393 = arith.index_cast %add3A_392 : i32 to index
        %get3A_394 = arith.constant 80 : index
        %get3A_395 = tpu.vector_load %arg4[%get3A_393, %get3A_394] {strides = array<i32>} : memref<256x128xf32, #tpu.memory_space<vmem>>, vector<1x16xf32>,
        %get3A_396 = vector.shape_cast %get3A_395 : vector<1x16xf32> to vector<16xf32>
        %add3A_397 = arith.addf %scan3A_359, %get3A_396 : vector<16xf32>
        %add3A_398 = arith.addi %mul3A_260, %scan3A_353 : i32
        %get3A_399 = arith.index_cast %add3A_398 : i32 to index
        %get3A_400 = arith.constant 96 : index
        %get3A_401 = tpu.vector_load %arg4[%get3A_399, %get3A_400] {strides = array<i32>} : memref<256x128xf32, #tpu.memory_space<vmem>>, vector<1x16xf32>,
        %get3A_402 = vector.shape_cast %get3A_401 : vector<1x16xf32> to vector<16xf32>
        %add3A_403 = arith.addf %scan3A_360, %get3A_402 : vector<16xf32>
        %add3A_404 = arith.addi %mul3A_260, %scan3A_353 : i32
        %get3A_405 = arith.index_cast %add3A_404 : i32 to index
        %get3A_406 = arith.constant 112 : index
        %get3A_407 = tpu.vector_load %arg4[%get3A_405, %get3A_406] {strides = array<i32>} : memref<256x128xf32, #tpu.memory_space<vmem>>, vector<1x16xf32>,
        %get3A_408 = vector.shape_cast %get3A_407 : vector<1x16xf32> to vector<16xf32>
        %add3A_409 = arith.addf %scan3A_361, %get3A_408 : vector<16xf32>
        scf.yield %add3A_367, %add3A_373, %add3A_379, %add3A_385, %add3A_391, %add3A_397, %add3A_403, %add3A_409 : vector<16xf32>, vector<16xf32>, vector<16xf32>, vector<16xf32>, vector<16xf32>, vector<16xf32>, vector<16xf32>, vector<16xf32>
      }
      %scan3A_297 = arith.constant 31 : i32
      %add3A_298 = arith.constant 0 : i32
      %add3A_299 = arith.addi %add3A_298, %scan3A_258 : i32
      %swap3A = arith.index_cast %add3A_299 : i32 to index
      %swap3A_300 = arith.constant 0 : index
      %swap3A_301 = tpu.vector_load %arg7[%swap3A, %swap3A_300] {strides = array<i32>} : memref<128x128xf32, #tpu.memory_space<vmem>>, vector<1x16xf32>,
      %swap3A_302 = vector.shape_cast %swap3A_301 : vector<1x16xf32> to vector<16xf32>
      %swap3A_303 = vector.shape_cast %scan3A_296#0 : vector<16xf32> to vector<1x16xf32>
      tpu.vector_store %arg7[%swap3A, %swap3A_300], %swap3A_303 {strides = array<i32>} : memref<128x128xf32, #tpu.memory_space<vmem>>, vector<1x16xf32>,
      %add3A_304 = arith.constant 0 : i32
      %add3A_305 = arith.addi %add3A_304, %scan3A_258 : i32
      %swap3A_306 = arith.index_cast %add3A_305 : i32 to index
      %swap3A_307 = arith.constant 16 : index
      %swap3A_308 = tpu.vector_load %arg7[%swap3A_306, %swap3A_307] {strides = array<i32>} : memref<128x128xf32, #tpu.memory_space<vmem>>, vector<1x16xf32>,
      %swap3A_309 = vector.shape_cast %swap3A_308 : vector<1x16xf32> to vector<16xf32>
      %swap3A_310 = vector.shape_cast %scan3A_296#1 : vector<16xf32> to vector<1x16xf32>
      tpu.vector_store %arg7[%swap3A_306, %swap3A_307], %swap3A_310 {strides = array<i32>} : memref<128x128xf32, #tpu.memory_space<vmem>>, vector<1x16xf32>,
      %add3A_311 = arith.constant 0 : i32
      %add3A_312 = arith.addi %add3A_311, %scan3A_258 : i32
      %swap3A_313 = arith.index_cast %add3A_312 : i32 to index
      %swap3A_314 = arith.constant 32 : index
      %swap3A_315 = tpu.vector_load %arg7[%swap3A_313, %swap3A_314] {strides = array<i32>} : memref<128x128xf32, #tpu.memory_space<vmem>>, vector<1x16xf32>,
      %swap3A_316 = vector.shape_cast %swap3A_315 : vector<1x16xf32> to vector<16xf32>
      %swap3A_317 = vector.shape_cast %scan3A_296#2 : vector<16xf32> to vector<1x16xf32>
      tpu.vector_store %arg7[%swap3A_313, %swap3A_314], %swap3A_317 {strides = array<i32>} : memref<128x128xf32, #tpu.memory_space<vmem>>, vector<1x16xf32>,
      %add3A_318 = arith.constant 0 : i32
      %add3A_319 = arith.addi %add3A_318, %scan3A_258 : i32
      %swap3A_320 = arith.index_cast %add3A_319 : i32 to index
      %swap3A_321 = arith.constant 48 : index
      %swap3A_322 = tpu.vector_load %arg7[%swap3A_320, %swap3A_321] {strides = array<i32>} : memref<128x128xf32, #tpu.memory_space<vmem>>, vector<1x16xf32>,
      %swap3A_323 = vector.shape_cast %swap3A_322 : vector<1x16xf32> to vector<16xf32>
      %swap3A_324 = vector.shape_cast %scan3A_296#3 : vector<16xf32> to vector<1x16xf32>
      tpu.vector_store %arg7[%swap3A_320, %swap3A_321], %swap3A_324 {strides = array<i32>} : memref<128x128xf32, #tpu.memory_space<vmem>>, vector<1x16xf32>,
      %add3A_325 = arith.constant 0 : i32
      %add3A_326 = arith.addi %add3A_325, %scan3A_258 : i32
      %swap3A_327 = arith.index_cast %add3A_326 : i32 to index
      %swap3A_328 = arith.constant 64 : index
      %swap3A_329 = tpu.vector_load %arg7[%swap3A_327, %swap3A_328] {strides = array<i32>} : memref<128x128xf32, #tpu.memory_space<vmem>>, vector<1x16xf32>,
      %swap3A_330 = vector.shape_cast %swap3A_329 : vector<1x16xf32> to vector<16xf32>
      %swap3A_331 = vector.shape_cast %scan3A_296#4 : vector<16xf32> to vector<1x16xf32>
      tpu.vector_store %arg7[%swap3A_327, %swap3A_328], %swap3A_331 {strides = array<i32>} : memref<128x128xf32, #tpu.memory_space<vmem>>, vector<1x16xf32>,
      %add3A_332 = arith.constant 0 : i32
      %add3A_333 = arith.addi %add3A_332, %scan3A_258 : i32
      %swap3A_334 = arith.index_cast %add3A_333 : i32 to index
      %swap3A_335 = arith.constant 80 : index
      %swap3A_336 = tpu.vector_load %arg7[%swap3A_334, %swap3A_335] {strides = array<i32>} : memref<128x128xf32, #tpu.memory_space<vmem>>, vector<1x16xf32>,
      %swap3A_337 = vector.shape_cast %swap3A_336 : vector<1x16xf32> to vector<16xf32>
      %swap3A_338 = vector.shape_cast %scan3A_296#5 : vector<16xf32> to vector<1x16xf32>
      tpu.vector_store %arg7[%swap3A_334, %swap3A_335], %swap3A_338 {strides = array<i32>} : memref<128x128xf32, #tpu.memory_space<vmem>>, vector<1x16xf32>,
      %add3A_339 = arith.constant 0 : i32
      %add3A_340 = arith.addi %add3A_339, %scan3A_258 : i32
      %swap3A_341 = arith.index_cast %add3A_340 : i32 to index
      %swap3A_342 = arith.constant 96 : index
      %swap3A_343 = tpu.vector_load %arg7[%swap3A_341, %swap3A_342] {strides = array<i32>} : memref<128x128xf32, #tpu.memory_space<vmem>>, vector<1x16xf32>,
      %swap3A_344 = vector.shape_cast %swap3A_343 : vector<1x16xf32> to vector<16xf32>
      %swap3A_345 = vector.shape_cast %scan3A_296#6 : vector<16xf32> to vector<1x16xf32>
      tpu.vector_store %arg7[%swap3A_341, %swap3A_342], %swap3A_345 {strides = array<i32>} : memref<128x128xf32, #tpu.memory_space<vmem>>, vector<1x16xf32>,
      %add3A_346 = arith.constant 0 : i32
      %add3A_347 = arith.addi %add3A_346, %scan3A_258 : i32
      %swap3A_348 = arith.index_cast %add3A_347 : i32 to index
      %swap3A_349 = arith.constant 112 : index
      %swap3A_350 = tpu.vector_load %arg7[%swap3A_348, %swap3A_349] {strides = array<i32>} : memref<128x128xf32, #tpu.memory_space<vmem>>, vector<1x16xf32>,
      %swap3A_351 = vector.shape_cast %swap3A_350 : vector<1x16xf32> to vector<16xf32>
      %swap3A_352 = vector.shape_cast %scan3A_296#7 : vector<16xf32> to vector<1x16xf32>
      tpu.vector_store %arg7[%swap3A_348, %swap3A_349], %swap3A_352 {strides = array<i32>} : memref<128x128xf32, #tpu.memory_space<vmem>>, vector<1x16xf32>,
    }
    %scan3A_27 = arith.constant 8 : i32
    %dma_wait3A_28 = arith.constant 0 : i32
    %dma_wait3A_29 = tpu.memref_slice %arg2[%add3A_9, %dma_wait3A_28] : memref<131072x128xf32, #tpu.memory_space<hbm>> -> memref<256x128xf32, #tpu.memory_space<hbm>>
    %dma_wait3A_30 = arith.constant 0 : i32
    %dma_wait3A_31 = tpu.memref_slice %arg2[%add3A_9, %dma_wait3A_30] : memref<131072x128xf32, #tpu.memory_space<hbm>> -> memref<256x128xf32, #tpu.memory_space<hbm>>
    tpu.wait_dma2 semaphore(%arg9 : memref<!tpu.dma_semaphore, #tpu.memory_space<semaphore_mem>>) src(%dma_wait3A_31 : memref<256x128xf32, #tpu.memory_space<hbm>>) dst(%arg5 : memref<256x128xf32, #tpu.memory_space<vmem>>)
    %add3A_32 = arith.constant 768 : i32
    %add3A_33 = arith.addi %mul3A_2, %add3A_32 : i32
    %dma_start3A_34 = arith.constant 0 : i32
    %dma_start3A_35 = tpu.memref_slice %arg2[%add3A_33, %dma_start3A_34] : memref<131072x128xf32, #tpu.memory_space<hbm>> -> memref<256x128xf32, #tpu.memory_space<hbm>>
    %dma_start3A_36 = arith.constant 0 : i32
    %dma_start3A_37 = tpu.memref_slice %arg2[%add3A_33, %dma_start3A_36] : memref<131072x128xf32, #tpu.memory_space<hbm>> -> memref<256x128xf32, #tpu.memory_space<hbm>>
    tpu.enqueue_dma source(%dma_start3A_37 : memref<256x128xf32, #tpu.memory_space<hbm>>) target(%arg4 : memref<256x128xf32, #tpu.memory_space<vmem>>) target_semaphore(%arg8 : memref<!tpu.dma_semaphore, #tpu.memory_space<semaphore_mem>>)
    %scan3A_38 = arith.constant 0 : i32
    %scan3A_39 = arith.constant 0 : i32
    %scan3A_40 = arith.constant 8 : i32
    %scan3A_41 = arith.addi %scan3A_39, %scan3A_40 : i32
    %scan3A_42 = arith.constant 1 : i32
    scf.for %scan3A_258 = %scan3A_39 to %scan3A_41 step %scan3A_42  : i32 {
      %mul3A_259 = arith.constant 32 : i32
      %mul3A_260 = arith.muli %scan3A_258, %mul3A_259 : i32
      %get3A = arith.index_cast %mul3A_260 : i32 to index
      %get3A_261 = arith.constant 0 : index
      %get3A_262 = tpu.vector_load %arg5[%get3A, %get3A_261] {strides = array<i32>} : memref<256x128xf32, #tpu.memory_space<vmem>>, vector<1x16xf32>,
      %get3A_263 = vector.shape_cast %get3A_262 : vector<1x16xf32> to vector<16xf32>
      %get3A_264 = arith.index_cast %mul3A_260 : i32 to index
      %get3A_265 = arith.constant 16 : index
      %get3A_266 = tpu.vector_load %arg5[%get3A_264, %get3A_265] {strides = array<i32>} : memref<256x128xf32, #tpu.memory_space<vmem>>, vector<1x16xf32>,
      %get3A_267 = vector.shape_cast %get3A_266 : vector<1x16xf32> to vector<16xf32>
      %get3A_268 = arith.index_cast %mul3A_260 : i32 to index
      %get3A_269 = arith.constant 32 : index
      %get3A_270 = tpu.vector_load %arg5[%get3A_268, %get3A_269] {strides = array<i32>} : memref<256x128xf32, #tpu.memory_space<vmem>>, vector<1x16xf32>,
      %get3A_271 = vector.shape_cast %get3A_270 : vector<1x16xf32> to vector<16xf32>
      %get3A_272 = arith.index_cast %mul3A_260 : i32 to index
      %get3A_273 = arith.constant 48 : index
      %get3A_274 = tpu.vector_load %arg5[%get3A_272, %get3A_273] {strides = array<i32>} : memref<256x128xf32, #tpu.memory_space<vmem>>, vector<1x16xf32>,
      %get3A_275 = vector.shape_cast %get3A_274 : vector<1x16xf32> to vector<16xf32>
      %get3A_276 = arith.index_cast %mul3A_260 : i32 to index
      %get3A_277 = arith.constant 64 : index
      %get3A_278 = tpu.vector_load %arg5[%get3A_276, %get3A_277] {strides = array<i32>} : memref<256x128xf32, #tpu.memory_space<vmem>>, vector<1x16xf32>,
      %get3A_279 = vector.shape_cast %get3A_278 : vector<1x16xf32> to vector<16xf32>
      %get3A_280 = arith.index_cast %mul3A_260 : i32 to index
      %get3A_281 = arith.constant 80 : index
      %get3A_282 = tpu.vector_load %arg5[%get3A_280, %get3A_281] {strides = array<i32>} : memref<256x128xf32, #tpu.memory_space<vmem>>, vector<1x16xf32>,
      %get3A_283 = vector.shape_cast %get3A_282 : vector<1x16xf32> to vector<16xf32>
      %get3A_284 = arith.index_cast %mul3A_260 : i32 to index
      %get3A_285 = arith.constant 96 : index
      %get3A_286 = tpu.vector_load %arg5[%get3A_284, %get3A_285] {strides = array<i32>} : memref<256x128xf32, #tpu.memory_space<vmem>>, vector<1x16xf32>,
      %get3A_287 = vector.shape_cast %get3A_286 : vector<1x16xf32> to vector<16xf32>
      %get3A_288 = arith.index_cast %mul3A_260 : i32 to index
      %get3A_289 = arith.constant 112 : index
      %get3A_290 = tpu.vector_load %arg5[%get3A_288, %get3A_289] {strides = array<i32>} : memref<256x128xf32, #tpu.memory_space<vmem>>, vector<1x16xf32>,
      %get3A_291 = vector.shape_cast %get3A_290 : vector<1x16xf32> to vector<16xf32>
      %scan3A_292 = arith.constant 1 : i32
      %scan3A_293 = arith.constant 31 : i32
      %scan3A_294 = arith.addi %scan3A_292, %scan3A_293 : i32
      %scan3A_295 = arith.constant 1 : i32
      %scan3A_296:8 = scf.for %scan3A_353 = %scan3A_292 to %scan3A_294 step %scan3A_295 iter_args(%scan3A_354 = %get3A_263, %scan3A_355 = %get3A_267, %scan3A_356 = %get3A_271, %scan3A_357 = %get3A_275, %scan3A_358 = %get3A_279, %scan3A_359 = %get3A_283, %scan3A_360 = %get3A_287, %scan3A_361 = %get3A_291) -> (vector<16xf32>, vector<16xf32>, vector<16xf32>, vector<16xf32>, vector<16xf32>, vector<16xf32>, vector<16xf32>, vector<16xf32>)  : i32 {
        %add3A_362 = arith.addi %mul3A_260, %scan3A_353 : i32
        %get3A_363 = arith.index_cast %add3A_362 : i32 to index
        %get3A_364 = arith.constant 0 : index
        %get3A_365 = tpu.vector_load %arg5[%get3A_363, %get3A_364] {strides = array<i32>} : memref<256x128xf32, #tpu.memory_space<vmem>>, vector<1x16xf32>,
        %get3A_366 = vector.shape_cast %get3A_365 : vector<1x16xf32> to vector<16xf32>
        %add3A_367 = arith.addf %scan3A_354, %get3A_366 : vector<16xf32>
        %add3A_368 = arith.addi %mul3A_260, %scan3A_353 : i32
        %get3A_369 = arith.index_cast %add3A_368 : i32 to index
        %get3A_370 = arith.constant 16 : index
        %get3A_371 = tpu.vector_load %arg5[%get3A_369, %get3A_370] {strides = array<i32>} : memref<256x128xf32, #tpu.memory_space<vmem>>, vector<1x16xf32>,
        %get3A_372 = vector.shape_cast %get3A_371 : vector<1x16xf32> to vector<16xf32>
        %add3A_373 = arith.addf %scan3A_355, %get3A_372 : vector<16xf32>
        %add3A_374 = arith.addi %mul3A_260, %scan3A_353 : i32
        %get3A_375 = arith.index_cast %add3A_374 : i32 to index
        %get3A_376 = arith.constant 32 : index
        %get3A_377 = tpu.vector_load %arg5[%get3A_375, %get3A_376] {strides = array<i32>} : memref<256x128xf32, #tpu.memory_space<vmem>>, vector<1x16xf32>,
        %get3A_378 = vector.shape_cast %get3A_377 : vector<1x16xf32> to vector<16xf32>
        %add3A_379 = arith.addf %scan3A_356, %get3A_378 : vector<16xf32>
        %add3A_380 = arith.addi %mul3A_260, %scan3A_353 : i32
        %get3A_381 = arith.index_cast %add3A_380 : i32 to index
        %get3A_382 = arith.constant 48 : index
        %get3A_383 = tpu.vector_load %arg5[%get3A_381, %get3A_382] {strides = array<i32>} : memref<256x128xf32, #tpu.memory_space<vmem>>, vector<1x16xf32>,
        %get3A_384 = vector.shape_cast %get3A_383 : vector<1x16xf32> to vector<16xf32>
        %add3A_385 = arith.addf %scan3A_357, %get3A_384 : vector<16xf32>
        %add3A_386 = arith.addi %mul3A_260, %scan3A_353 : i32
        %get3A_387 = arith.index_cast %add3A_386 : i32 to index
        %get3A_388 = arith.constant 64 : index
        %get3A_389 = tpu.vector_load %arg5[%get3A_387, %get3A_388] {strides = array<i32>} : memref<256x128xf32, #tpu.memory_space<vmem>>, vector<1x16xf32>,
        %get3A_390 = vector.shape_cast %get3A_389 : vector<1x16xf32> to vector<16xf32>
        %add3A_391 = arith.addf %scan3A_358, %get3A_390 : vector<16xf32>
        %add3A_392 = arith.addi %mul3A_260, %scan3A_353 : i32
        %get3A_393 = arith.index_cast %add3A_392 : i32 to index
        %get3A_394 = arith.constant 80 : index
        %get3A_395 = tpu.vector_load %arg5[%get3A_393, %get3A_394] {strides = array<i32>} : memref<256x128xf32, #tpu.memory_space<vmem>>, vector<1x16xf32>,
        %get3A_396 = vector.shape_cast %get3A_395 : vector<1x16xf32> to vector<16xf32>
        %add3A_397 = arith.addf %scan3A_359, %get3A_396 : vector<16xf32>
        %add3A_398 = arith.addi %mul3A_260, %scan3A_353 : i32
        %get3A_399 = arith.index_cast %add3A_398 : i32 to index
        %get3A_400 = arith.constant 96 : index
        %get3A_401 = tpu.vector_load %arg5[%get3A_399, %get3A_400] {strides = array<i32>} : memref<256x128xf32, #tpu.memory_space<vmem>>, vector<1x16xf32>,
        %get3A_402 = vector.shape_cast %get3A_401 : vector<1x16xf32> to vector<16xf32>
        %add3A_403 = arith.addf %scan3A_360, %get3A_402 : vector<16xf32>
        %add3A_404 = arith.addi %mul3A_260, %scan3A_353 : i32
        %get3A_405 = arith.index_cast %add3A_404 : i32 to index
        %get3A_406 = arith.constant 112 : index
        %get3A_407 = tpu.vector_load %arg5[%get3A_405, %get3A_406] {strides = array<i32>} : memref<256x128xf32, #tpu.memory_space<vmem>>, vector<1x16xf32>,
        %get3A_408 = vector.shape_cast %get3A_407 : vector<1x16xf32> to vector<16xf32>
        %add3A_409 = arith.addf %scan3A_361, %get3A_408 : vector<16xf32>
        scf.yield %add3A_367, %add3A_373, %add3A_379, %add3A_385, %add3A_391, %add3A_397, %add3A_403, %add3A_409 : vector<16xf32>, vector<16xf32>, vector<16xf32>, vector<16xf32>, vector<16xf32>, vector<16xf32>, vector<16xf32>, vector<16xf32>
      }
      %scan3A_297 = arith.constant 31 : i32
      %add3A_298 = arith.constant 8 : i32
      %add3A_299 = arith.addi %add3A_298, %scan3A_258 : i32
      %swap3A = arith.index_cast %add3A_299 : i32 to index
      %swap3A_300 = arith.constant 0 : index
      %swap3A_301 = tpu.vector_load %arg7[%swap3A, %swap3A_300] {strides = array<i32>} : memref<128x128xf32, #tpu.memory_space<vmem>>, vector<1x16xf32>,
      %swap3A_302 = vector.shape_cast %swap3A_301 : vector<1x16xf32> to vector<16xf32>
      %swap3A_303 = vector.shape_cast %scan3A_296#0 : vector<16xf32> to vector<1x16xf32>
      tpu.vector_store %arg7[%swap3A, %swap3A_300], %swap3A_303 {strides = array<i32>} : memref<128x128xf32, #tpu.memory_space<vmem>>, vector<1x16xf32>,
      %add3A_304 = arith.constant 8 : i32
      %add3A_305 = arith.addi %add3A_304, %scan3A_258 : i32
      %swap3A_306 = arith.index_cast %add3A_305 : i32 to index
      %swap3A_307 = arith.constant 16 : index
      %swap3A_308 = tpu.vector_load %arg7[%swap3A_306, %swap3A_307] {strides = array<i32>} : memref<128x128xf32, #tpu.memory_space<vmem>>, vector<1x16xf32>,
      %swap3A_309 = vector.shape_cast %swap3A_308 : vector<1x16xf32> to vector<16xf32>
      %swap3A_310 = vector.shape_cast %scan3A_296#1 : vector<16xf32> to vector<1x16xf32>
      tpu.vector_store %arg7[%swap3A_306, %swap3A_307], %swap3A_310 {strides = array<i32>} : memref<128x128xf32, #tpu.memory_space<vmem>>, vector<1x16xf32>,
      %add3A_311 = arith.constant 8 : i32
      %add3A_312 = arith.addi %add3A_311, %scan3A_258 : i32
      %swap3A_313 = arith.index_cast %add3A_312 : i32 to index
      %swap3A_314 = arith.constant 32 : index
      %swap3A_315 = tpu.vector_load %arg7[%swap3A_313, %swap3A_314] {strides = array<i32>} : memref<128x128xf32, #tpu.memory_space<vmem>>, vector<1x16xf32>,
      %swap3A_316 = vector.shape_cast %swap3A_315 : vector<1x16xf32> to vector<16xf32>
      %swap3A_317 = vector.shape_cast %scan3A_296#2 : vector<16xf32> to vector<1x16xf32>
      tpu.vector_store %arg7[%swap3A_313, %swap3A_314], %swap3A_317 {strides = array<i32>} : memref<128x128xf32, #tpu.memory_space<vmem>>, vector<1x16xf32>,
      %add3A_318 = arith.constant 8 : i32
      %add3A_319 = arith.addi %add3A_318, %scan3A_258 : i32
      %swap3A_320 = arith.index_cast %add3A_319 : i32 to index
      %swap3A_321 = arith.constant 48 : index
      %swap3A_322 = tpu.vector_load %arg7[%swap3A_320, %swap3A_321] {strides = array<i32>} : memref<128x128xf32, #tpu.memory_space<vmem>>, vector<1x16xf32>,
      %swap3A_323 = vector.shape_cast %swap3A_322 : vector<1x16xf32> to vector<16xf32>
      %swap3A_324 = vector.shape_cast %scan3A_296#3 : vector<16xf32> to vector<1x16xf32>
      tpu.vector_store %arg7[%swap3A_320, %swap3A_321], %swap3A_324 {strides = array<i32>} : memref<128x128xf32, #tpu.memory_space<vmem>>, vector<1x16xf32>,
      %add3A_325 = arith.constant 8 : i32
      %add3A_326 = arith.addi %add3A_325, %scan3A_258 : i32
      %swap3A_327 = arith.index_cast %add3A_326 : i32 to index
      %swap3A_328 = arith.constant 64 : index
      %swap3A_329 = tpu.vector_load %arg7[%swap3A_327, %swap3A_328] {strides = array<i32>} : memref<128x128xf32, #tpu.memory_space<vmem>>, vector<1x16xf32>,
      %swap3A_330 = vector.shape_cast %swap3A_329 : vector<1x16xf32> to vector<16xf32>
      %swap3A_331 = vector.shape_cast %scan3A_296#4 : vector<16xf32> to vector<1x16xf32>
      tpu.vector_store %arg7[%swap3A_327, %swap3A_328], %swap3A_331 {strides = array<i32>} : memref<128x128xf32, #tpu.memory_space<vmem>>, vector<1x16xf32>,
      %add3A_332 = arith.constant 8 : i32
      %add3A_333 = arith.addi %add3A_332, %scan3A_258 : i32
      %swap3A_334 = arith.index_cast %add3A_333 : i32 to index
      %swap3A_335 = arith.constant 80 : index
      %swap3A_336 = tpu.vector_load %arg7[%swap3A_334, %swap3A_335] {strides = array<i32>} : memref<128x128xf32, #tpu.memory_space<vmem>>, vector<1x16xf32>,
      %swap3A_337 = vector.shape_cast %swap3A_336 : vector<1x16xf32> to vector<16xf32>
      %swap3A_338 = vector.shape_cast %scan3A_296#5 : vector<16xf32> to vector<1x16xf32>
      tpu.vector_store %arg7[%swap3A_334, %swap3A_335], %swap3A_338 {strides = array<i32>} : memref<128x128xf32, #tpu.memory_space<vmem>>, vector<1x16xf32>,
      %add3A_339 = arith.constant 8 : i32
      %add3A_340 = arith.addi %add3A_339, %scan3A_258 : i32
      %swap3A_341 = arith.index_cast %add3A_340 : i32 to index
      %swap3A_342 = arith.constant 96 : index
      %swap3A_343 = tpu.vector_load %arg7[%swap3A_341, %swap3A_342] {strides = array<i32>} : memref<128x128xf32, #tpu.memory_space<vmem>>, vector<1x16xf32>,
      %swap3A_344 = vector.shape_cast %swap3A_343 : vector<1x16xf32> to vector<16xf32>
      %swap3A_345 = vector.shape_cast %scan3A_296#6 : vector<16xf32> to vector<1x16xf32>
      tpu.vector_store %arg7[%swap3A_341, %swap3A_342], %swap3A_345 {strides = array<i32>} : memref<128x128xf32, #tpu.memory_space<vmem>>, vector<1x16xf32>,
      %add3A_346 = arith.constant 8 : i32
      %add3A_347 = arith.addi %add3A_346, %scan3A_258 : i32
      %swap3A_348 = arith.index_cast %add3A_347 : i32 to index
      %swap3A_349 = arith.constant 112 : index
      %swap3A_350 = tpu.vector_load %arg7[%swap3A_348, %swap3A_349] {strides = array<i32>} : memref<128x128xf32, #tpu.memory_space<vmem>>, vector<1x16xf32>,
      %swap3A_351 = vector.shape_cast %swap3A_350 : vector<1x16xf32> to vector<16xf32>
      %swap3A_352 = vector.shape_cast %scan3A_296#7 : vector<16xf32> to vector<1x16xf32>
      tpu.vector_store %arg7[%swap3A_348, %swap3A_349], %swap3A_352 {strides = array<i32>} : memref<128x128xf32, #tpu.memory_space<vmem>>, vector<1x16xf32>,
    }
    %scan3A_43 = arith.constant 8 : i32
    %dma_wait3A_44 = arith.constant 0 : i32
    %dma_wait3A_45 = tpu.memref_slice %arg2[%add3A_18, %dma_wait3A_44] : memref<131072x128xf32, #tpu.memory_space<hbm>> -> memref<256x128xf32, #tpu.memory_space<hbm>>
    %dma_wait3A_46 = arith.constant 0 : i32
    %dma_wait3A_47 = tpu.memref_slice %arg2[%add3A_18, %dma_wait3A_46] : memref<131072x128xf32, #tpu.memory_space<hbm>> -> memref<256x128xf32, #tpu.memory_space<hbm>>
    tpu.wait_dma2 semaphore(%arg10 : memref<!tpu.dma_semaphore, #tpu.memory_space<semaphore_mem>>) src(%dma_wait3A_47 : memref<256x128xf32, #tpu.memory_space<hbm>>) dst(%arg6 : memref<256x128xf32, #tpu.memory_space<vmem>>)
    %add3A_48 = arith.constant 1024 : i32
    %add3A_49 = arith.addi %mul3A_2, %add3A_48 : i32
    %dma_start3A_50 = arith.constant 0 : i32
    %dma_start3A_51 = tpu.memref_slice %arg2[%add3A_49, %dma_start3A_50] : memref<131072x128xf32, #tpu.memory_space<hbm>> -> memref<256x128xf32, #tpu.memory_space<hbm>>
    %dma_start3A_52 = arith.constant 0 : i32
    %dma_start3A_53 = tpu.memref_slice %arg2[%add3A_49, %dma_start3A_52] : memref<131072x128xf32, #tpu.memory_space<hbm>> -> memref<256x128xf32, #tpu.memory_space<hbm>>
    tpu.enqueue_dma source(%dma_start3A_53 : memref<256x128xf32, #tpu.memory_space<hbm>>) target(%arg5 : memref<256x128xf32, #tpu.memory_space<vmem>>) target_semaphore(%arg9 : memref<!tpu.dma_semaphore, #tpu.memory_space<semaphore_mem>>)
    %scan3A_54 = arith.constant 0 : i32
    %scan3A_55 = arith.constant 0 : i32
    %scan3A_56 = arith.constant 8 : i32
    %scan3A_57 = arith.addi %scan3A_55, %scan3A_56 : i32
    %scan3A_58 = arith.constant 1 : i32
    scf.for %scan3A_258 = %scan3A_55 to %scan3A_57 step %scan3A_58  : i32 {
      %mul3A_259 = arith.constant 32 : i32
      %mul3A_260 = arith.muli %scan3A_258, %mul3A_259 : i32
      %get3A = arith.index_cast %mul3A_260 : i32 to index
      %get3A_261 = arith.constant 0 : index
      %get3A_262 = tpu.vector_load %arg6[%get3A, %get3A_261] {strides = array<i32>} : memref<256x128xf32, #tpu.memory_space<vmem>>, vector<1x16xf32>,
      %get3A_263 = vector.shape_cast %get3A_262 : vector<1x16xf32> to vector<16xf32>
      %get3A_264 = arith.index_cast %mul3A_260 : i32 to index
      %get3A_265 = arith.constant 16 : index
      %get3A_266 = tpu.vector_load %arg6[%get3A_264, %get3A_265] {strides = array<i32>} : memref<256x128xf32, #tpu.memory_space<vmem>>, vector<1x16xf32>,
      %get3A_267 = vector.shape_cast %get3A_266 : vector<1x16xf32> to vector<16xf32>
      %get3A_268 = arith.index_cast %mul3A_260 : i32 to index
      %get3A_269 = arith.constant 32 : index
      %get3A_270 = tpu.vector_load %arg6[%get3A_268, %get3A_269] {strides = array<i32>} : memref<256x128xf32, #tpu.memory_space<vmem>>, vector<1x16xf32>,
      %get3A_271 = vector.shape_cast %get3A_270 : vector<1x16xf32> to vector<16xf32>
      %get3A_272 = arith.index_cast %mul3A_260 : i32 to index
      %get3A_273 = arith.constant 48 : index
      %get3A_274 = tpu.vector_load %arg6[%get3A_272, %get3A_273] {strides = array<i32>} : memref<256x128xf32, #tpu.memory_space<vmem>>, vector<1x16xf32>,
      %get3A_275 = vector.shape_cast %get3A_274 : vector<1x16xf32> to vector<16xf32>
      %get3A_276 = arith.index_cast %mul3A_260 : i32 to index
      %get3A_277 = arith.constant 64 : index
      %get3A_278 = tpu.vector_load %arg6[%get3A_276, %get3A_277] {strides = array<i32>} : memref<256x128xf32, #tpu.memory_space<vmem>>, vector<1x16xf32>,
      %get3A_279 = vector.shape_cast %get3A_278 : vector<1x16xf32> to vector<16xf32>
      %get3A_280 = arith.index_cast %mul3A_260 : i32 to index
      %get3A_281 = arith.constant 80 : index
      %get3A_282 = tpu.vector_load %arg6[%get3A_280, %get3A_281] {strides = array<i32>} : memref<256x128xf32, #tpu.memory_space<vmem>>, vector<1x16xf32>,
      %get3A_283 = vector.shape_cast %get3A_282 : vector<1x16xf32> to vector<16xf32>
      %get3A_284 = arith.index_cast %mul3A_260 : i32 to index
      %get3A_285 = arith.constant 96 : index
      %get3A_286 = tpu.vector_load %arg6[%get3A_284, %get3A_285] {strides = array<i32>} : memref<256x128xf32, #tpu.memory_space<vmem>>, vector<1x16xf32>,
      %get3A_287 = vector.shape_cast %get3A_286 : vector<1x16xf32> to vector<16xf32>
      %get3A_288 = arith.index_cast %mul3A_260 : i32 to index
      %get3A_289 = arith.constant 112 : index
      %get3A_290 = tpu.vector_load %arg6[%get3A_288, %get3A_289] {strides = array<i32>} : memref<256x128xf32, #tpu.memory_space<vmem>>, vector<1x16xf32>,
      %get3A_291 = vector.shape_cast %get3A_290 : vector<1x16xf32> to vector<16xf32>
      %scan3A_292 = arith.constant 1 : i32
      %scan3A_293 = arith.constant 31 : i32
      %scan3A_294 = arith.addi %scan3A_292, %scan3A_293 : i32
      %scan3A_295 = arith.constant 1 : i32
      %scan3A_296:8 = scf.for %scan3A_353 = %scan3A_292 to %scan3A_294 step %scan3A_295 iter_args(%scan3A_354 = %get3A_263, %scan3A_355 = %get3A_267, %scan3A_356 = %get3A_271, %scan3A_357 = %get3A_275, %scan3A_358 = %get3A_279, %scan3A_359 = %get3A_283, %scan3A_360 = %get3A_287, %scan3A_361 = %get3A_291) -> (vector<16xf32>, vector<16xf32>, vector<16xf32>, vector<16xf32>, vector<16xf32>, vector<16xf32>, vector<16xf32>, vector<16xf32>)  : i32 {
        %add3A_362 = arith.addi %mul3A_260, %scan3A_353 : i32
        %get3A_363 = arith.index_cast %add3A_362 : i32 to index
        %get3A_364 = arith.constant 0 : index
        %get3A_365 = tpu.vector_load %arg6[%get3A_363, %get3A_364] {strides = array<i32>} : memref<256x128xf32, #tpu.memory_space<vmem>>, vector<1x16xf32>,
        %get3A_366 = vector.shape_cast %get3A_365 : vector<1x16xf32> to vector<16xf32>
        %add3A_367 = arith.addf %scan3A_354, %get3A_366 : vector<16xf32>
        %add3A_368 = arith.addi %mul3A_260, %scan3A_353 : i32
        %get3A_369 = arith.index_cast %add3A_368 : i32 to index
        %get3A_370 = arith.constant 16 : index
        %get3A_371 = tpu.vector_load %arg6[%get3A_369, %get3A_370] {strides = array<i32>} : memref<256x128xf32, #tpu.memory_space<vmem>>, vector<1x16xf32>,
        %get3A_372 = vector.shape_cast %get3A_371 : vector<1x16xf32> to vector<16xf32>
        %add3A_373 = arith.addf %scan3A_355, %get3A_372 : vector<16xf32>
        %add3A_374 = arith.addi %mul3A_260, %scan3A_353 : i32
        %get3A_375 = arith.index_cast %add3A_374 : i32 to index
        %get3A_376 = arith.constant 32 : index
        %get3A_377 = tpu.vector_load %arg6[%get3A_375, %get3A_376] {strides = array<i32>} : memref<256x128xf32, #tpu.memory_space<vmem>>, vector<1x16xf32>,
        %get3A_378 = vector.shape_cast %get3A_377 : vector<1x16xf32> to vector<16xf32>
        %add3A_379 = arith.addf %scan3A_356, %get3A_378 : vector<16xf32>
        %add3A_380 = arith.addi %mul3A_260, %scan3A_353 : i32
        %get3A_381 = arith.index_cast %add3A_380 : i32 to index
        %get3A_382 = arith.constant 48 : index
        %get3A_383 = tpu.vector_load %arg6[%get3A_381, %get3A_382] {strides = array<i32>} : memref<256x128xf32, #tpu.memory_space<vmem>>, vector<1x16xf32>,
        %get3A_384 = vector.shape_cast %get3A_383 : vector<1x16xf32> to vector<16xf32>
        %add3A_385 = arith.addf %scan3A_357, %get3A_384 : vector<16xf32>
        %add3A_386 = arith.addi %mul3A_260, %scan3A_353 : i32
        %get3A_387 = arith.index_cast %add3A_386 : i32 to index
        %get3A_388 = arith.constant 64 : index
        %get3A_389 = tpu.vector_load %arg6[%get3A_387, %get3A_388] {strides = array<i32>} : memref<256x128xf32, #tpu.memory_space<vmem>>, vector<1x16xf32>,
        %get3A_390 = vector.shape_cast %get3A_389 : vector<1x16xf32> to vector<16xf32>
        %add3A_391 = arith.addf %scan3A_358, %get3A_390 : vector<16xf32>
        %add3A_392 = arith.addi %mul3A_260, %scan3A_353 : i32
        %get3A_393 = arith.index_cast %add3A_392 : i32 to index
        %get3A_394 = arith.constant 80 : index
        %get3A_395 = tpu.vector_load %arg6[%get3A_393, %get3A_394] {strides = array<i32>} : memref<256x128xf32, #tpu.memory_space<vmem>>, vector<1x16xf32>,
        %get3A_396 = vector.shape_cast %get3A_395 : vector<1x16xf32> to vector<16xf32>
        %add3A_397 = arith.addf %scan3A_359, %get3A_396 : vector<16xf32>
        %add3A_398 = arith.addi %mul3A_260, %scan3A_353 : i32
        %get3A_399 = arith.index_cast %add3A_398 : i32 to index
        %get3A_400 = arith.constant 96 : index
        %get3A_401 = tpu.vector_load %arg6[%get3A_399, %get3A_400] {strides = array<i32>} : memref<256x128xf32, #tpu.memory_space<vmem>>, vector<1x16xf32>,
        %get3A_402 = vector.shape_cast %get3A_401 : vector<1x16xf32> to vector<16xf32>
        %add3A_403 = arith.addf %scan3A_360, %get3A_402 : vector<16xf32>
        %add3A_404 = arith.addi %mul3A_260, %scan3A_353 : i32
        %get3A_405 = arith.index_cast %add3A_404 : i32 to index
        %get3A_406 = arith.constant 112 : index
        %get3A_407 = tpu.vector_load %arg6[%get3A_405, %get3A_406] {strides = array<i32>} : memref<256x128xf32, #tpu.memory_space<vmem>>, vector<1x16xf32>,
        %get3A_408 = vector.shape_cast %get3A_407 : vector<1x16xf32> to vector<16xf32>
        %add3A_409 = arith.addf %scan3A_361, %get3A_408 : vector<16xf32>
        scf.yield %add3A_367, %add3A_373, %add3A_379, %add3A_385, %add3A_391, %add3A_397, %add3A_403, %add3A_409 : vector<16xf32>, vector<16xf32>, vector<16xf32>, vector<16xf32>, vector<16xf32>, vector<16xf32>, vector<16xf32>, vector<16xf32>
      }
      %scan3A_297 = arith.constant 31 : i32
      %add3A_298 = arith.constant 16 : i32
      %add3A_299 = arith.addi %add3A_298, %scan3A_258 : i32
      %swap3A = arith.index_cast %add3A_299 : i32 to index
      %swap3A_300 = arith.constant 0 : index
      %swap3A_301 = tpu.vector_load %arg7[%swap3A, %swap3A_300] {strides = array<i32>} : memref<128x128xf32, #tpu.memory_space<vmem>>, vector<1x16xf32>,
      %swap3A_302 = vector.shape_cast %swap3A_301 : vector<1x16xf32> to vector<16xf32>
      %swap3A_303 = vector.shape_cast %scan3A_296#0 : vector<16xf32> to vector<1x16xf32>
      tpu.vector_store %arg7[%swap3A, %swap3A_300], %swap3A_303 {strides = array<i32>} : memref<128x128xf32, #tpu.memory_space<vmem>>, vector<1x16xf32>,
      %add3A_304 = arith.constant 16 : i32
      %add3A_305 = arith.addi %add3A_304, %scan3A_258 : i32
      %swap3A_306 = arith.index_cast %add3A_305 : i32 to index
      %swap3A_307 = arith.constant 16 : index
      %swap3A_308 = tpu.vector_load %arg7[%swap3A_306, %swap3A_307] {strides = array<i32>} : memref<128x128xf32, #tpu.memory_space<vmem>>, vector<1x16xf32>,
      %swap3A_309 = vector.shape_cast %swap3A_308 : vector<1x16xf32> to vector<16xf32>
      %swap3A_310 = vector.shape_cast %scan3A_296#1 : vector<16xf32> to vector<1x16xf32>
      tpu.vector_store %arg7[%swap3A_306, %swap3A_307], %swap3A_310 {strides = array<i32>} : memref<128x128xf32, #tpu.memory_space<vmem>>, vector<1x16xf32>,
      %add3A_311 = arith.constant 16 : i32
      %add3A_312 = arith.addi %add3A_311, %scan3A_258 : i32
      %swap3A_313 = arith.index_cast %add3A_312 : i32 to index
      %swap3A_314 = arith.constant 32 : index
      %swap3A_315 = tpu.vector_load %arg7[%swap3A_313, %swap3A_314] {strides = array<i32>} : memref<128x128xf32, #tpu.memory_space<vmem>>, vector<1x16xf32>,
      %swap3A_316 = vector.shape_cast %swap3A_315 : vector<1x16xf32> to vector<16xf32>
      %swap3A_317 = vector.shape_cast %scan3A_296#2 : vector<16xf32> to vector<1x16xf32>
      tpu.vector_store %arg7[%swap3A_313, %swap3A_314], %swap3A_317 {strides = array<i32>} : memref<128x128xf32, #tpu.memory_space<vmem>>, vector<1x16xf32>,
      %add3A_318 = arith.constant 16 : i32
      %add3A_319 = arith.addi %add3A_318, %scan3A_258 : i32
      %swap3A_320 = arith.index_cast %add3A_319 : i32 to index
      %swap3A_321 = arith.constant 48 : index
      %swap3A_322 = tpu.vector_load %arg7[%swap3A_320, %swap3A_321] {strides = array<i32>} : memref<128x128xf32, #tpu.memory_space<vmem>>, vector<1x16xf32>,
      %swap3A_323 = vector.shape_cast %swap3A_322 : vector<1x16xf32> to vector<16xf32>
      %swap3A_324 = vector.shape_cast %scan3A_296#3 : vector<16xf32> to vector<1x16xf32>
      tpu.vector_store %arg7[%swap3A_320, %swap3A_321], %swap3A_324 {strides = array<i32>} : memref<128x128xf32, #tpu.memory_space<vmem>>, vector<1x16xf32>,
      %add3A_325 = arith.constant 16 : i32
      %add3A_326 = arith.addi %add3A_325, %scan3A_258 : i32
      %swap3A_327 = arith.index_cast %add3A_326 : i32 to index
      %swap3A_328 = arith.constant 64 : index
      %swap3A_329 = tpu.vector_load %arg7[%swap3A_327, %swap3A_328] {strides = array<i32>} : memref<128x128xf32, #tpu.memory_space<vmem>>, vector<1x16xf32>,
      %swap3A_330 = vector.shape_cast %swap3A_329 : vector<1x16xf32> to vector<16xf32>
      %swap3A_331 = vector.shape_cast %scan3A_296#4 : vector<16xf32> to vector<1x16xf32>
      tpu.vector_store %arg7[%swap3A_327, %swap3A_328], %swap3A_331 {strides = array<i32>} : memref<128x128xf32, #tpu.memory_space<vmem>>, vector<1x16xf32>,
      %add3A_332 = arith.constant 16 : i32
      %add3A_333 = arith.addi %add3A_332, %scan3A_258 : i32
      %swap3A_334 = arith.index_cast %add3A_333 : i32 to index
      %swap3A_335 = arith.constant 80 : index
      %swap3A_336 = tpu.vector_load %arg7[%swap3A_334, %swap3A_335] {strides = array<i32>} : memref<128x128xf32, #tpu.memory_space<vmem>>, vector<1x16xf32>,
      %swap3A_337 = vector.shape_cast %swap3A_336 : vector<1x16xf32> to vector<16xf32>
      %swap3A_338 = vector.shape_cast %scan3A_296#5 : vector<16xf32> to vector<1x16xf32>
      tpu.vector_store %arg7[%swap3A_334, %swap3A_335], %swap3A_338 {strides = array<i32>} : memref<128x128xf32, #tpu.memory_space<vmem>>, vector<1x16xf32>,
      %add3A_339 = arith.constant 16 : i32
      %add3A_340 = arith.addi %add3A_339, %scan3A_258 : i32
      %swap3A_341 = arith.index_cast %add3A_340 : i32 to index
      %swap3A_342 = arith.constant 96 : index
      %swap3A_343 = tpu.vector_load %arg7[%swap3A_341, %swap3A_342] {strides = array<i32>} : memref<128x128xf32, #tpu.memory_space<vmem>>, vector<1x16xf32>,
      %swap3A_344 = vector.shape_cast %swap3A_343 : vector<1x16xf32> to vector<16xf32>
      %swap3A_345 = vector.shape_cast %scan3A_296#6 : vector<16xf32> to vector<1x16xf32>
      tpu.vector_store %arg7[%swap3A_341, %swap3A_342], %swap3A_345 {strides = array<i32>} : memref<128x128xf32, #tpu.memory_space<vmem>>, vector<1x16xf32>,
      %add3A_346 = arith.constant 16 : i32
      %add3A_347 = arith.addi %add3A_346, %scan3A_258 : i32
      %swap3A_348 = arith.index_cast %add3A_347 : i32 to index
      %swap3A_349 = arith.constant 112 : index
      %swap3A_350 = tpu.vector_load %arg7[%swap3A_348, %swap3A_349] {strides = array<i32>} : memref<128x128xf32, #tpu.memory_space<vmem>>, vector<1x16xf32>,
      %swap3A_351 = vector.shape_cast %swap3A_350 : vector<1x16xf32> to vector<16xf32>
      %swap3A_352 = vector.shape_cast %scan3A_296#7 : vector<16xf32> to vector<1x16xf32>
      tpu.vector_store %arg7[%swap3A_348, %swap3A_349], %swap3A_352 {strides = array<i32>} : memref<128x128xf32, #tpu.memory_space<vmem>>, vector<1x16xf32>,
    }
    %scan3A_59 = arith.constant 8 : i32
    %dma_wait3A_60 = arith.constant 0 : i32
    %dma_wait3A_61 = tpu.memref_slice %arg2[%add3A_33, %dma_wait3A_60] : memref<131072x128xf32, #tpu.memory_space<hbm>> -> memref<256x128xf32, #tpu.memory_space<hbm>>
    %dma_wait3A_62 = arith.constant 0 : i32
    %dma_wait3A_63 = tpu.memref_slice %arg2[%add3A_33, %dma_wait3A_62] : memref<131072x128xf32, #tpu.memory_space<hbm>> -> memref<256x128xf32, #tpu.memory_space<hbm>>
    tpu.wait_dma2 semaphore(%arg8 : memref<!tpu.dma_semaphore, #tpu.memory_space<semaphore_mem>>) src(%dma_wait3A_63 : memref<256x128xf32, #tpu.memory_space<hbm>>) dst(%arg4 : memref<256x128xf32, #tpu.memory_space<vmem>>)
    %add3A_64 = arith.constant 1280 : i32
    %add3A_65 = arith.addi %mul3A_2, %add3A_64 : i32
    %dma_start3A_66 = arith.constant 0 : i32
    %dma_start3A_67 = tpu.memref_slice %arg2[%add3A_65, %dma_start3A_66] : memref<131072x128xf32, #tpu.memory_space<hbm>> -> memref<256x128xf32, #tpu.memory_space<hbm>>
    %dma_start3A_68 = arith.constant 0 : i32
    %dma_start3A_69 = tpu.memref_slice %arg2[%add3A_65, %dma_start3A_68] : memref<131072x128xf32, #tpu.memory_space<hbm>> -> memref<256x128xf32, #tpu.memory_space<hbm>>
    tpu.enqueue_dma source(%dma_start3A_69 : memref<256x128xf32, #tpu.memory_space<hbm>>) target(%arg6 : memref<256x128xf32, #tpu.memory_space<vmem>>) target_semaphore(%arg10 : memref<!tpu.dma_semaphore, #tpu.memory_space<semaphore_mem>>)
    %scan3A_70 = arith.constant 0 : i32
    %scan3A_71 = arith.constant 0 : i32
    %scan3A_72 = arith.constant 8 : i32
    %scan3A_73 = arith.addi %scan3A_71, %scan3A_72 : i32
    %scan3A_74 = arith.constant 1 : i32
    scf.for %scan3A_258 = %scan3A_71 to %scan3A_73 step %scan3A_74  : i32 {
      %mul3A_259 = arith.constant 32 : i32
      %mul3A_260 = arith.muli %scan3A_258, %mul3A_259 : i32
      %get3A = arith.index_cast %mul3A_260 : i32 to index
      %get3A_261 = arith.constant 0 : index
      %get3A_262 = tpu.vector_load %arg4[%get3A, %get3A_261] {strides = array<i32>} : memref<256x128xf32, #tpu.memory_space<vmem>>, vector<1x16xf32>,
      %get3A_263 = vector.shape_cast %get3A_262 : vector<1x16xf32> to vector<16xf32>
      %get3A_264 = arith.index_cast %mul3A_260 : i32 to index
      %get3A_265 = arith.constant 16 : index
      %get3A_266 = tpu.vector_load %arg4[%get3A_264, %get3A_265] {strides = array<i32>} : memref<256x128xf32, #tpu.memory_space<vmem>>, vector<1x16xf32>,
      %get3A_267 = vector.shape_cast %get3A_266 : vector<1x16xf32> to vector<16xf32>
      %get3A_268 = arith.index_cast %mul3A_260 : i32 to index
      %get3A_269 = arith.constant 32 : index
      %get3A_270 = tpu.vector_load %arg4[%get3A_268, %get3A_269] {strides = array<i32>} : memref<256x128xf32, #tpu.memory_space<vmem>>, vector<1x16xf32>,
      %get3A_271 = vector.shape_cast %get3A_270 : vector<1x16xf32> to vector<16xf32>
      %get3A_272 = arith.index_cast %mul3A_260 : i32 to index
      %get3A_273 = arith.constant 48 : index
      %get3A_274 = tpu.vector_load %arg4[%get3A_272, %get3A_273] {strides = array<i32>} : memref<256x128xf32, #tpu.memory_space<vmem>>, vector<1x16xf32>,
      %get3A_275 = vector.shape_cast %get3A_274 : vector<1x16xf32> to vector<16xf32>
      %get3A_276 = arith.index_cast %mul3A_260 : i32 to index
      %get3A_277 = arith.constant 64 : index
      %get3A_278 = tpu.vector_load %arg4[%get3A_276, %get3A_277] {strides = array<i32>} : memref<256x128xf32, #tpu.memory_space<vmem>>, vector<1x16xf32>,
      %get3A_279 = vector.shape_cast %get3A_278 : vector<1x16xf32> to vector<16xf32>
      %get3A_280 = arith.index_cast %mul3A_260 : i32 to index
      %get3A_281 = arith.constant 80 : index
      %get3A_282 = tpu.vector_load %arg4[%get3A_280, %get3A_281] {strides = array<i32>} : memref<256x128xf32, #tpu.memory_space<vmem>>, vector<1x16xf32>,
      %get3A_283 = vector.shape_cast %get3A_282 : vector<1x16xf32> to vector<16xf32>
      %get3A_284 = arith.index_cast %mul3A_260 : i32 to index
      %get3A_285 = arith.constant 96 : index
      %get3A_286 = tpu.vector_load %arg4[%get3A_284, %get3A_285] {strides = array<i32>} : memref<256x128xf32, #tpu.memory_space<vmem>>, vector<1x16xf32>,
      %get3A_287 = vector.shape_cast %get3A_286 : vector<1x16xf32> to vector<16xf32>
      %get3A_288 = arith.index_cast %mul3A_260 : i32 to index
      %get3A_289 = arith.constant 112 : index
      %get3A_290 = tpu.vector_load %arg4[%get3A_288, %get3A_289] {strides = array<i32>} : memref<256x128xf32, #tpu.memory_space<vmem>>, vector<1x16xf32>,
      %get3A_291 = vector.shape_cast %get3A_290 : vector<1x16xf32> to vector<16xf32>
      %scan3A_292 = arith.constant 1 : i32
      %scan3A_293 = arith.constant 31 : i32
      %scan3A_294 = arith.addi %scan3A_292, %scan3A_293 : i32
      %scan3A_295 = arith.constant 1 : i32
      %scan3A_296:8 = scf.for %scan3A_353 = %scan3A_292 to %scan3A_294 step %scan3A_295 iter_args(%scan3A_354 = %get3A_263, %scan3A_355 = %get3A_267, %scan3A_356 = %get3A_271, %scan3A_357 = %get3A_275, %scan3A_358 = %get3A_279, %scan3A_359 = %get3A_283, %scan3A_360 = %get3A_287, %scan3A_361 = %get3A_291) -> (vector<16xf32>, vector<16xf32>, vector<16xf32>, vector<16xf32>, vector<16xf32>, vector<16xf32>, vector<16xf32>, vector<16xf32>)  : i32 {
        %add3A_362 = arith.addi %mul3A_260, %scan3A_353 : i32
        %get3A_363 = arith.index_cast %add3A_362 : i32 to index
        %get3A_364 = arith.constant 0 : index
        %get3A_365 = tpu.vector_load %arg4[%get3A_363, %get3A_364] {strides = array<i32>} : memref<256x128xf32, #tpu.memory_space<vmem>>, vector<1x16xf32>,
        %get3A_366 = vector.shape_cast %get3A_365 : vector<1x16xf32> to vector<16xf32>
        %add3A_367 = arith.addf %scan3A_354, %get3A_366 : vector<16xf32>
        %add3A_368 = arith.addi %mul3A_260, %scan3A_353 : i32
        %get3A_369 = arith.index_cast %add3A_368 : i32 to index
        %get3A_370 = arith.constant 16 : index
        %get3A_371 = tpu.vector_load %arg4[%get3A_369, %get3A_370] {strides = array<i32>} : memref<256x128xf32, #tpu.memory_space<vmem>>, vector<1x16xf32>,
        %get3A_372 = vector.shape_cast %get3A_371 : vector<1x16xf32> to vector<16xf32>
        %add3A_373 = arith.addf %scan3A_355, %get3A_372 : vector<16xf32>
        %add3A_374 = arith.addi %mul3A_260, %scan3A_353 : i32
        %get3A_375 = arith.index_cast %add3A_374 : i32 to index
        %get3A_376 = arith.constant 32 : index
        %get3A_377 = tpu.vector_load %arg4[%get3A_375, %get3A_376] {strides = array<i32>} : memref<256x128xf32, #tpu.memory_space<vmem>>, vector<1x16xf32>,
        %get3A_378 = vector.shape_cast %get3A_377 : vector<1x16xf32> to vector<16xf32>
        %add3A_379 = arith.addf %scan3A_356, %get3A_378 : vector<16xf32>
        %add3A_380 = arith.addi %mul3A_260, %scan3A_353 : i32
        %get3A_381 = arith.index_cast %add3A_380 : i32 to index
        %get3A_382 = arith.constant 48 : index
        %get3A_383 = tpu.vector_load %arg4[%get3A_381, %get3A_382] {strides = array<i32>} : memref<256x128xf32, #tpu.memory_space<vmem>>, vector<1x16xf32>,
        %get3A_384 = vector.shape_cast %get3A_383 : vector<1x16xf32> to vector<16xf32>
        %add3A_385 = arith.addf %scan3A_357, %get3A_384 : vector<16xf32>
        %add3A_386 = arith.addi %mul3A_260, %scan3A_353 : i32
        %get3A_387 = arith.index_cast %add3A_386 : i32 to index
        %get3A_388 = arith.constant 64 : index
        %get3A_389 = tpu.vector_load %arg4[%get3A_387, %get3A_388] {strides = array<i32>} : memref<256x128xf32, #tpu.memory_space<vmem>>, vector<1x16xf32>,
        %get3A_390 = vector.shape_cast %get3A_389 : vector<1x16xf32> to vector<16xf32>
        %add3A_391 = arith.addf %scan3A_358, %get3A_390 : vector<16xf32>
        %add3A_392 = arith.addi %mul3A_260, %scan3A_353 : i32
        %get3A_393 = arith.index_cast %add3A_392 : i32 to index
        %get3A_394 = arith.constant 80 : index
        %get3A_395 = tpu.vector_load %arg4[%get3A_393, %get3A_394] {strides = array<i32>} : memref<256x128xf32, #tpu.memory_space<vmem>>, vector<1x16xf32>,
        %get3A_396 = vector.shape_cast %get3A_395 : vector<1x16xf32> to vector<16xf32>
        %add3A_397 = arith.addf %scan3A_359, %get3A_396 : vector<16xf32>
        %add3A_398 = arith.addi %mul3A_260, %scan3A_353 : i32
        %get3A_399 = arith.index_cast %add3A_398 : i32 to index
        %get3A_400 = arith.constant 96 : index
        %get3A_401 = tpu.vector_load %arg4[%get3A_399, %get3A_400] {strides = array<i32>} : memref<256x128xf32, #tpu.memory_space<vmem>>, vector<1x16xf32>,
        %get3A_402 = vector.shape_cast %get3A_401 : vector<1x16xf32> to vector<16xf32>
        %add3A_403 = arith.addf %scan3A_360, %get3A_402 : vector<16xf32>
        %add3A_404 = arith.addi %mul3A_260, %scan3A_353 : i32
        %get3A_405 = arith.index_cast %add3A_404 : i32 to index
        %get3A_406 = arith.constant 112 : index
        %get3A_407 = tpu.vector_load %arg4[%get3A_405, %get3A_406] {strides = array<i32>} : memref<256x128xf32, #tpu.memory_space<vmem>>, vector<1x16xf32>,
        %get3A_408 = vector.shape_cast %get3A_407 : vector<1x16xf32> to vector<16xf32>
        %add3A_409 = arith.addf %scan3A_361, %get3A_408 : vector<16xf32>
        scf.yield %add3A_367, %add3A_373, %add3A_379, %add3A_385, %add3A_391, %add3A_397, %add3A_403, %add3A_409 : vector<16xf32>, vector<16xf32>, vector<16xf32>, vector<16xf32>, vector<16xf32>, vector<16xf32>, vector<16xf32>, vector<16xf32>
      }
      %scan3A_297 = arith.constant 31 : i32
      %add3A_298 = arith.constant 24 : i32
      %add3A_299 = arith.addi %add3A_298, %scan3A_258 : i32
      %swap3A = arith.index_cast %add3A_299 : i32 to index
      %swap3A_300 = arith.constant 0 : index
      %swap3A_301 = tpu.vector_load %arg7[%swap3A, %swap3A_300] {strides = array<i32>} : memref<128x128xf32, #tpu.memory_space<vmem>>, vector<1x16xf32>,
      %swap3A_302 = vector.shape_cast %swap3A_301 : vector<1x16xf32> to vector<16xf32>
      %swap3A_303 = vector.shape_cast %scan3A_296#0 : vector<16xf32> to vector<1x16xf32>
      tpu.vector_store %arg7[%swap3A, %swap3A_300], %swap3A_303 {strides = array<i32>} : memref<128x128xf32, #tpu.memory_space<vmem>>, vector<1x16xf32>,
      %add3A_304 = arith.constant 24 : i32
      %add3A_305 = arith.addi %add3A_304, %scan3A_258 : i32
      %swap3A_306 = arith.index_cast %add3A_305 : i32 to index
      %swap3A_307 = arith.constant 16 : index
      %swap3A_308 = tpu.vector_load %arg7[%swap3A_306, %swap3A_307] {strides = array<i32>} : memref<128x128xf32, #tpu.memory_space<vmem>>, vector<1x16xf32>,
      %swap3A_309 = vector.shape_cast %swap3A_308 : vector<1x16xf32> to vector<16xf32>
      %swap3A_310 = vector.shape_cast %scan3A_296#1 : vector<16xf32> to vector<1x16xf32>
      tpu.vector_store %arg7[%swap3A_306, %swap3A_307], %swap3A_310 {strides = array<i32>} : memref<128x128xf32, #tpu.memory_space<vmem>>, vector<1x16xf32>,
      %add3A_311 = arith.constant 24 : i32
      %add3A_312 = arith.addi %add3A_311, %scan3A_258 : i32
      %swap3A_313 = arith.index_cast %add3A_312 : i32 to index
      %swap3A_314 = arith.constant 32 : index
      %swap3A_315 = tpu.vector_load %arg7[%swap3A_313, %swap3A_314] {strides = array<i32>} : memref<128x128xf32, #tpu.memory_space<vmem>>, vector<1x16xf32>,
      %swap3A_316 = vector.shape_cast %swap3A_315 : vector<1x16xf32> to vector<16xf32>
      %swap3A_317 = vector.shape_cast %scan3A_296#2 : vector<16xf32> to vector<1x16xf32>
      tpu.vector_store %arg7[%swap3A_313, %swap3A_314], %swap3A_317 {strides = array<i32>} : memref<128x128xf32, #tpu.memory_space<vmem>>, vector<1x16xf32>,
      %add3A_318 = arith.constant 24 : i32
      %add3A_319 = arith.addi %add3A_318, %scan3A_258 : i32
      %swap3A_320 = arith.index_cast %add3A_319 : i32 to index
      %swap3A_321 = arith.constant 48 : index
      %swap3A_322 = tpu.vector_load %arg7[%swap3A_320, %swap3A_321] {strides = array<i32>} : memref<128x128xf32, #tpu.memory_space<vmem>>, vector<1x16xf32>,
      %swap3A_323 = vector.shape_cast %swap3A_322 : vector<1x16xf32> to vector<16xf32>
      %swap3A_324 = vector.shape_cast %scan3A_296#3 : vector<16xf32> to vector<1x16xf32>
      tpu.vector_store %arg7[%swap3A_320, %swap3A_321], %swap3A_324 {strides = array<i32>} : memref<128x128xf32, #tpu.memory_space<vmem>>, vector<1x16xf32>,
      %add3A_325 = arith.constant 24 : i32
      %add3A_326 = arith.addi %add3A_325, %scan3A_258 : i32
      %swap3A_327 = arith.index_cast %add3A_326 : i32 to index
      %swap3A_328 = arith.constant 64 : index
      %swap3A_329 = tpu.vector_load %arg7[%swap3A_327, %swap3A_328] {strides = array<i32>} : memref<128x128xf32, #tpu.memory_space<vmem>>, vector<1x16xf32>,
      %swap3A_330 = vector.shape_cast %swap3A_329 : vector<1x16xf32> to vector<16xf32>
      %swap3A_331 = vector.shape_cast %scan3A_296#4 : vector<16xf32> to vector<1x16xf32>
      tpu.vector_store %arg7[%swap3A_327, %swap3A_328], %swap3A_331 {strides = array<i32>} : memref<128x128xf32, #tpu.memory_space<vmem>>, vector<1x16xf32>,
      %add3A_332 = arith.constant 24 : i32
      %add3A_333 = arith.addi %add3A_332, %scan3A_258 : i32
      %swap3A_334 = arith.index_cast %add3A_333 : i32 to index
      %swap3A_335 = arith.constant 80 : index
      %swap3A_336 = tpu.vector_load %arg7[%swap3A_334, %swap3A_335] {strides = array<i32>} : memref<128x128xf32, #tpu.memory_space<vmem>>, vector<1x16xf32>,
      %swap3A_337 = vector.shape_cast %swap3A_336 : vector<1x16xf32> to vector<16xf32>
      %swap3A_338 = vector.shape_cast %scan3A_296#5 : vector<16xf32> to vector<1x16xf32>
      tpu.vector_store %arg7[%swap3A_334, %swap3A_335], %swap3A_338 {strides = array<i32>} : memref<128x128xf32, #tpu.memory_space<vmem>>, vector<1x16xf32>,
      %add3A_339 = arith.constant 24 : i32
      %add3A_340 = arith.addi %add3A_339, %scan3A_258 : i32
      %swap3A_341 = arith.index_cast %add3A_340 : i32 to index
      %swap3A_342 = arith.constant 96 : index
      %swap3A_343 = tpu.vector_load %arg7[%swap3A_341, %swap3A_342] {strides = array<i32>} : memref<128x128xf32, #tpu.memory_space<vmem>>, vector<1x16xf32>,
      %swap3A_344 = vector.shape_cast %swap3A_343 : vector<1x16xf32> to vector<16xf32>
      %swap3A_345 = vector.shape_cast %scan3A_296#6 : vector<16xf32> to vector<1x16xf32>
      tpu.vector_store %arg7[%swap3A_341, %swap3A_342], %swap3A_345 {strides = array<i32>} : memref<128x128xf32, #tpu.memory_space<vmem>>, vector<1x16xf32>,
      %add3A_346 = arith.constant 24 : i32
      %add3A_347 = arith.addi %add3A_346, %scan3A_258 : i32
      %swap3A_348 = arith.index_cast %add3A_347 : i32 to index
      %swap3A_349 = arith.constant 112 : index
      %swap3A_350 = tpu.vector_load %arg7[%swap3A_348, %swap3A_349] {strides = array<i32>} : memref<128x128xf32, #tpu.memory_space<vmem>>, vector<1x16xf32>,
      %swap3A_351 = vector.shape_cast %swap3A_350 : vector<1x16xf32> to vector<16xf32>
      %swap3A_352 = vector.shape_cast %scan3A_296#7 : vector<16xf32> to vector<1x16xf32>
      tpu.vector_store %arg7[%swap3A_348, %swap3A_349], %swap3A_352 {strides = array<i32>} : memref<128x128xf32, #tpu.memory_space<vmem>>, vector<1x16xf32>,
    }
    %scan3A_75 = arith.constant 8 : i32
    %dma_wait3A_76 = arith.constant 0 : i32
    %dma_wait3A_77 = tpu.memref_slice %arg2[%add3A_49, %dma_wait3A_76] : memref<131072x128xf32, #tpu.memory_space<hbm>> -> memref<256x128xf32, #tpu.memory_space<hbm>>
    %dma_wait3A_78 = arith.constant 0 : i32
    %dma_wait3A_79 = tpu.memref_slice %arg2[%add3A_49, %dma_wait3A_78] : memref<131072x128xf32, #tpu.memory_space<hbm>> -> memref<256x128xf32, #tpu.memory_space<hbm>>
    tpu.wait_dma2 semaphore(%arg9 : memref<!tpu.dma_semaphore, #tpu.memory_space<semaphore_mem>>) src(%dma_wait3A_79 : memref<256x128xf32, #tpu.memory_space<hbm>>) dst(%arg5 : memref<256x128xf32, #tpu.memory_space<vmem>>)
    %add3A_80 = arith.constant 1536 : i32
    %add3A_81 = arith.addi %mul3A_2, %add3A_80 : i32
    %dma_start3A_82 = arith.constant 0 : i32
    %dma_start3A_83 = tpu.memref_slice %arg2[%add3A_81, %dma_start3A_82] : memref<131072x128xf32, #tpu.memory_space<hbm>> -> memref<256x128xf32, #tpu.memory_space<hbm>>
    %dma_start3A_84 = arith.constant 0 : i32
    %dma_start3A_85 = tpu.memref_slice %arg2[%add3A_81, %dma_start3A_84] : memref<131072x128xf32, #tpu.memory_space<hbm>> -> memref<256x128xf32, #tpu.memory_space<hbm>>
    tpu.enqueue_dma source(%dma_start3A_85 : memref<256x128xf32, #tpu.memory_space<hbm>>) target(%arg4 : memref<256x128xf32, #tpu.memory_space<vmem>>) target_semaphore(%arg8 : memref<!tpu.dma_semaphore, #tpu.memory_space<semaphore_mem>>)
    %scan3A_86 = arith.constant 0 : i32
    %scan3A_87 = arith.constant 0 : i32
    %scan3A_88 = arith.constant 8 : i32
    %scan3A_89 = arith.addi %scan3A_87, %scan3A_88 : i32
    %scan3A_90 = arith.constant 1 : i32
    scf.for %scan3A_258 = %scan3A_87 to %scan3A_89 step %scan3A_90  : i32 {
      %mul3A_259 = arith.constant 32 : i32
      %mul3A_260 = arith.muli %scan3A_258, %mul3A_259 : i32
      %get3A = arith.index_cast %mul3A_260 : i32 to index
      %get3A_261 = arith.constant 0 : index
      %get3A_262 = tpu.vector_load %arg5[%get3A, %get3A_261] {strides = array<i32>} : memref<256x128xf32, #tpu.memory_space<vmem>>, vector<1x16xf32>,
      %get3A_263 = vector.shape_cast %get3A_262 : vector<1x16xf32> to vector<16xf32>
      %get3A_264 = arith.index_cast %mul3A_260 : i32 to index
      %get3A_265 = arith.constant 16 : index
      %get3A_266 = tpu.vector_load %arg5[%get3A_264, %get3A_265] {strides = array<i32>} : memref<256x128xf32, #tpu.memory_space<vmem>>, vector<1x16xf32>,
      %get3A_267 = vector.shape_cast %get3A_266 : vector<1x16xf32> to vector<16xf32>
      %get3A_268 = arith.index_cast %mul3A_260 : i32 to index
      %get3A_269 = arith.constant 32 : index
      %get3A_270 = tpu.vector_load %arg5[%get3A_268, %get3A_269] {strides = array<i32>} : memref<256x128xf32, #tpu.memory_space<vmem>>, vector<1x16xf32>,
      %get3A_271 = vector.shape_cast %get3A_270 : vector<1x16xf32> to vector<16xf32>
      %get3A_272 = arith.index_cast %mul3A_260 : i32 to index
      %get3A_273 = arith.constant 48 : index
      %get3A_274 = tpu.vector_load %arg5[%get3A_272, %get3A_273] {strides = array<i32>} : memref<256x128xf32, #tpu.memory_space<vmem>>, vector<1x16xf32>,
      %get3A_275 = vector.shape_cast %get3A_274 : vector<1x16xf32> to vector<16xf32>
      %get3A_276 = arith.index_cast %mul3A_260 : i32 to index
      %get3A_277 = arith.constant 64 : index
      %get3A_278 = tpu.vector_load %arg5[%get3A_276, %get3A_277] {strides = array<i32>} : memref<256x128xf32, #tpu.memory_space<vmem>>, vector<1x16xf32>,
      %get3A_279 = vector.shape_cast %get3A_278 : vector<1x16xf32> to vector<16xf32>
      %get3A_280 = arith.index_cast %mul3A_260 : i32 to index
      %get3A_281 = arith.constant 80 : index
      %get3A_282 = tpu.vector_load %arg5[%get3A_280, %get3A_281] {strides = array<i32>} : memref<256x128xf32, #tpu.memory_space<vmem>>, vector<1x16xf32>,
      %get3A_283 = vector.shape_cast %get3A_282 : vector<1x16xf32> to vector<16xf32>
      %get3A_284 = arith.index_cast %mul3A_260 : i32 to index
      %get3A_285 = arith.constant 96 : index
      %get3A_286 = tpu.vector_load %arg5[%get3A_284, %get3A_285] {strides = array<i32>} : memref<256x128xf32, #tpu.memory_space<vmem>>, vector<1x16xf32>,
      %get3A_287 = vector.shape_cast %get3A_286 : vector<1x16xf32> to vector<16xf32>
      %get3A_288 = arith.index_cast %mul3A_260 : i32 to index
      %get3A_289 = arith.constant 112 : index
      %get3A_290 = tpu.vector_load %arg5[%get3A_288, %get3A_289] {strides = array<i32>} : memref<256x128xf32, #tpu.memory_space<vmem>>, vector<1x16xf32>,
      %get3A_291 = vector.shape_cast %get3A_290 : vector<1x16xf32> to vector<16xf32>
      %scan3A_292 = arith.constant 1 : i32
      %scan3A_293 = arith.constant 31 : i32
      %scan3A_294 = arith.addi %scan3A_292, %scan3A_293 : i32
      %scan3A_295 = arith.constant 1 : i32
      %scan3A_296:8 = scf.for %scan3A_353 = %scan3A_292 to %scan3A_294 step %scan3A_295 iter_args(%scan3A_354 = %get3A_263, %scan3A_355 = %get3A_267, %scan3A_356 = %get3A_271, %scan3A_357 = %get3A_275, %scan3A_358 = %get3A_279, %scan3A_359 = %get3A_283, %scan3A_360 = %get3A_287, %scan3A_361 = %get3A_291) -> (vector<16xf32>, vector<16xf32>, vector<16xf32>, vector<16xf32>, vector<16xf32>, vector<16xf32>, vector<16xf32>, vector<16xf32>)  : i32 {
        %add3A_362 = arith.addi %mul3A_260, %scan3A_353 : i32
        %get3A_363 = arith.index_cast %add3A_362 : i32 to index
        %get3A_364 = arith.constant 0 : index
        %get3A_365 = tpu.vector_load %arg5[%get3A_363, %get3A_364] {strides = array<i32>} : memref<256x128xf32, #tpu.memory_space<vmem>>, vector<1x16xf32>,
        %get3A_366 = vector.shape_cast %get3A_365 : vector<1x16xf32> to vector<16xf32>
        %add3A_367 = arith.addf %scan3A_354, %get3A_366 : vector<16xf32>
        %add3A_368 = arith.addi %mul3A_260, %scan3A_353 : i32
        %get3A_369 = arith.index_cast %add3A_368 : i32 to index
        %get3A_370 = arith.constant 16 : index
        %get3A_371 = tpu.vector_load %arg5[%get3A_369, %get3A_370] {strides = array<i32>} : memref<256x128xf32, #tpu.memory_space<vmem>>, vector<1x16xf32>,
        %get3A_372 = vector.shape_cast %get3A_371 : vector<1x16xf32> to vector<16xf32>
        %add3A_373 = arith.addf %scan3A_355, %get3A_372 : vector<16xf32>
        %add3A_374 = arith.addi %mul3A_260, %scan3A_353 : i32
        %get3A_375 = arith.index_cast %add3A_374 : i32 to index
        %get3A_376 = arith.constant 32 : index
        %get3A_377 = tpu.vector_load %arg5[%get3A_375, %get3A_376] {strides = array<i32>} : memref<256x128xf32, #tpu.memory_space<vmem>>, vector<1x16xf32>,
        %get3A_378 = vector.shape_cast %get3A_377 : vector<1x16xf32> to vector<16xf32>
        %add3A_379 = arith.addf %scan3A_356, %get3A_378 : vector<16xf32>
        %add3A_380 = arith.addi %mul3A_260, %scan3A_353 : i32
        %get3A_381 = arith.index_cast %add3A_380 : i32 to index
        %get3A_382 = arith.constant 48 : index
        %get3A_383 = tpu.vector_load %arg5[%get3A_381, %get3A_382] {strides = array<i32>} : memref<256x128xf32, #tpu.memory_space<vmem>>, vector<1x16xf32>,
        %get3A_384 = vector.shape_cast %get3A_383 : vector<1x16xf32> to vector<16xf32>
        %add3A_385 = arith.addf %scan3A_357, %get3A_384 : vector<16xf32>
        %add3A_386 = arith.addi %mul3A_260, %scan3A_353 : i32
        %get3A_387 = arith.index_cast %add3A_386 : i32 to index
        %get3A_388 = arith.constant 64 : index
        %get3A_389 = tpu.vector_load %arg5[%get3A_387, %get3A_388] {strides = array<i32>} : memref<256x128xf32, #tpu.memory_space<vmem>>, vector<1x16xf32>,
        %get3A_390 = vector.shape_cast %get3A_389 : vector<1x16xf32> to vector<16xf32>
        %add3A_391 = arith.addf %scan3A_358, %get3A_390 : vector<16xf32>
        %add3A_392 = arith.addi %mul3A_260, %scan3A_353 : i32
        %get3A_393 = arith.index_cast %add3A_392 : i32 to index
        %get3A_394 = arith.constant 80 : index
        %get3A_395 = tpu.vector_load %arg5[%get3A_393, %get3A_394] {strides = array<i32>} : memref<256x128xf32, #tpu.memory_space<vmem>>, vector<1x16xf32>,
        %get3A_396 = vector.shape_cast %get3A_395 : vector<1x16xf32> to vector<16xf32>
        %add3A_397 = arith.addf %scan3A_359, %get3A_396 : vector<16xf32>
        %add3A_398 = arith.addi %mul3A_260, %scan3A_353 : i32
        %get3A_399 = arith.index_cast %add3A_398 : i32 to index
        %get3A_400 = arith.constant 96 : index
        %get3A_401 = tpu.vector_load %arg5[%get3A_399, %get3A_400] {strides = array<i32>} : memref<256x128xf32, #tpu.memory_space<vmem>>, vector<1x16xf32>,
        %get3A_402 = vector.shape_cast %get3A_401 : vector<1x16xf32> to vector<16xf32>
        %add3A_403 = arith.addf %scan3A_360, %get3A_402 : vector<16xf32>
        %add3A_404 = arith.addi %mul3A_260, %scan3A_353 : i32
        %get3A_405 = arith.index_cast %add3A_404 : i32 to index
        %get3A_406 = arith.constant 112 : index
        %get3A_407 = tpu.vector_load %arg5[%get3A_405, %get3A_406] {strides = array<i32>} : memref<256x128xf32, #tpu.memory_space<vmem>>, vector<1x16xf32>,
        %get3A_408 = vector.shape_cast %get3A_407 : vector<1x16xf32> to vector<16xf32>
        %add3A_409 = arith.addf %scan3A_361, %get3A_408 : vector<16xf32>
        scf.yield %add3A_367, %add3A_373, %add3A_379, %add3A_385, %add3A_391, %add3A_397, %add3A_403, %add3A_409 : vector<16xf32>, vector<16xf32>, vector<16xf32>, vector<16xf32>, vector<16xf32>, vector<16xf32>, vector<16xf32>, vector<16xf32>
      }
      %scan3A_297 = arith.constant 31 : i32
      %add3A_298 = arith.constant 32 : i32
      %add3A_299 = arith.addi %add3A_298, %scan3A_258 : i32
      %swap3A = arith.index_cast %add3A_299 : i32 to index
      %swap3A_300 = arith.constant 0 : index
      %swap3A_301 = tpu.vector_load %arg7[%swap3A, %swap3A_300] {strides = array<i32>} : memref<128x128xf32, #tpu.memory_space<vmem>>, vector<1x16xf32>,
      %swap3A_302 = vector.shape_cast %swap3A_301 : vector<1x16xf32> to vector<16xf32>
      %swap3A_303 = vector.shape_cast %scan3A_296#0 : vector<16xf32> to vector<1x16xf32>
      tpu.vector_store %arg7[%swap3A, %swap3A_300], %swap3A_303 {strides = array<i32>} : memref<128x128xf32, #tpu.memory_space<vmem>>, vector<1x16xf32>,
      %add3A_304 = arith.constant 32 : i32
      %add3A_305 = arith.addi %add3A_304, %scan3A_258 : i32
      %swap3A_306 = arith.index_cast %add3A_305 : i32 to index
      %swap3A_307 = arith.constant 16 : index
      %swap3A_308 = tpu.vector_load %arg7[%swap3A_306, %swap3A_307] {strides = array<i32>} : memref<128x128xf32, #tpu.memory_space<vmem>>, vector<1x16xf32>,
      %swap3A_309 = vector.shape_cast %swap3A_308 : vector<1x16xf32> to vector<16xf32>
      %swap3A_310 = vector.shape_cast %scan3A_296#1 : vector<16xf32> to vector<1x16xf32>
      tpu.vector_store %arg7[%swap3A_306, %swap3A_307], %swap3A_310 {strides = array<i32>} : memref<128x128xf32, #tpu.memory_space<vmem>>, vector<1x16xf32>,
      %add3A_311 = arith.constant 32 : i32
      %add3A_312 = arith.addi %add3A_311, %scan3A_258 : i32
      %swap3A_313 = arith.index_cast %add3A_312 : i32 to index
      %swap3A_314 = arith.constant 32 : index
      %swap3A_315 = tpu.vector_load %arg7[%swap3A_313, %swap3A_314] {strides = array<i32>} : memref<128x128xf32, #tpu.memory_space<vmem>>, vector<1x16xf32>,
      %swap3A_316 = vector.shape_cast %swap3A_315 : vector<1x16xf32> to vector<16xf32>
      %swap3A_317 = vector.shape_cast %scan3A_296#2 : vector<16xf32> to vector<1x16xf32>
      tpu.vector_store %arg7[%swap3A_313, %swap3A_314], %swap3A_317 {strides = array<i32>} : memref<128x128xf32, #tpu.memory_space<vmem>>, vector<1x16xf32>,
      %add3A_318 = arith.constant 32 : i32
      %add3A_319 = arith.addi %add3A_318, %scan3A_258 : i32
      %swap3A_320 = arith.index_cast %add3A_319 : i32 to index
      %swap3A_321 = arith.constant 48 : index
      %swap3A_322 = tpu.vector_load %arg7[%swap3A_320, %swap3A_321] {strides = array<i32>} : memref<128x128xf32, #tpu.memory_space<vmem>>, vector<1x16xf32>,
      %swap3A_323 = vector.shape_cast %swap3A_322 : vector<1x16xf32> to vector<16xf32>
      %swap3A_324 = vector.shape_cast %scan3A_296#3 : vector<16xf32> to vector<1x16xf32>
      tpu.vector_store %arg7[%swap3A_320, %swap3A_321], %swap3A_324 {strides = array<i32>} : memref<128x128xf32, #tpu.memory_space<vmem>>, vector<1x16xf32>,
      %add3A_325 = arith.constant 32 : i32
      %add3A_326 = arith.addi %add3A_325, %scan3A_258 : i32
      %swap3A_327 = arith.index_cast %add3A_326 : i32 to index
      %swap3A_328 = arith.constant 64 : index
      %swap3A_329 = tpu.vector_load %arg7[%swap3A_327, %swap3A_328] {strides = array<i32>} : memref<128x128xf32, #tpu.memory_space<vmem>>, vector<1x16xf32>,
      %swap3A_330 = vector.shape_cast %swap3A_329 : vector<1x16xf32> to vector<16xf32>
      %swap3A_331 = vector.shape_cast %scan3A_296#4 : vector<16xf32> to vector<1x16xf32>
      tpu.vector_store %arg7[%swap3A_327, %swap3A_328], %swap3A_331 {strides = array<i32>} : memref<128x128xf32, #tpu.memory_space<vmem>>, vector<1x16xf32>,
      %add3A_332 = arith.constant 32 : i32
      %add3A_333 = arith.addi %add3A_332, %scan3A_258 : i32
      %swap3A_334 = arith.index_cast %add3A_333 : i32 to index
      %swap3A_335 = arith.constant 80 : index
      %swap3A_336 = tpu.vector_load %arg7[%swap3A_334, %swap3A_335] {strides = array<i32>} : memref<128x128xf32, #tpu.memory_space<vmem>>, vector<1x16xf32>,
      %swap3A_337 = vector.shape_cast %swap3A_336 : vector<1x16xf32> to vector<16xf32>
      %swap3A_338 = vector.shape_cast %scan3A_296#5 : vector<16xf32> to vector<1x16xf32>
      tpu.vector_store %arg7[%swap3A_334, %swap3A_335], %swap3A_338 {strides = array<i32>} : memref<128x128xf32, #tpu.memory_space<vmem>>, vector<1x16xf32>,
      %add3A_339 = arith.constant 32 : i32
      %add3A_340 = arith.addi %add3A_339, %scan3A_258 : i32
      %swap3A_341 = arith.index_cast %add3A_340 : i32 to index
      %swap3A_342 = arith.constant 96 : index
      %swap3A_343 = tpu.vector_load %arg7[%swap3A_341, %swap3A_342] {strides = array<i32>} : memref<128x128xf32, #tpu.memory_space<vmem>>, vector<1x16xf32>,
      %swap3A_344 = vector.shape_cast %swap3A_343 : vector<1x16xf32> to vector<16xf32>
      %swap3A_345 = vector.shape_cast %scan3A_296#6 : vector<16xf32> to vector<1x16xf32>
      tpu.vector_store %arg7[%swap3A_341, %swap3A_342], %swap3A_345 {strides = array<i32>} : memref<128x128xf32, #tpu.memory_space<vmem>>, vector<1x16xf32>,
      %add3A_346 = arith.constant 32 : i32
      %add3A_347 = arith.addi %add3A_346, %scan3A_258 : i32
      %swap3A_348 = arith.index_cast %add3A_347 : i32 to index
      %swap3A_349 = arith.constant 112 : index
      %swap3A_350 = tpu.vector_load %arg7[%swap3A_348, %swap3A_349] {strides = array<i32>} : memref<128x128xf32, #tpu.memory_space<vmem>>, vector<1x16xf32>,
      %swap3A_351 = vector.shape_cast %swap3A_350 : vector<1x16xf32> to vector<16xf32>
      %swap3A_352 = vector.shape_cast %scan3A_296#7 : vector<16xf32> to vector<1x16xf32>
      tpu.vector_store %arg7[%swap3A_348, %swap3A_349], %swap3A_352 {strides = array<i32>} : memref<128x128xf32, #tpu.memory_space<vmem>>, vector<1x16xf32>,
    }
    %scan3A_91 = arith.constant 8 : i32
    %dma_wait3A_92 = arith.constant 0 : i32
    %dma_wait3A_93 = tpu.memref_slice %arg2[%add3A_65, %dma_wait3A_92] : memref<131072x128xf32, #tpu.memory_space<hbm>> -> memref<256x128xf32, #tpu.memory_space<hbm>>
    %dma_wait3A_94 = arith.constant 0 : i32
    %dma_wait3A_95 = tpu.memref_slice %arg2[%add3A_65, %dma_wait3A_94] : memref<131072x128xf32, #tpu.memory_space<hbm>> -> memref<256x128xf32, #tpu.memory_space<hbm>>
    tpu.wait_dma2 semaphore(%arg10 : memref<!tpu.dma_semaphore, #tpu.memory_space<semaphore_mem>>) src(%dma_wait3A_95 : memref<256x128xf32, #tpu.memory_space<hbm>>) dst(%arg6 : memref<256x128xf32, #tpu.memory_space<vmem>>)
    %add3A_96 = arith.constant 1792 : i32
    %add3A_97 = arith.addi %mul3A_2, %add3A_96 : i32
    %dma_start3A_98 = arith.constant 0 : i32
    %dma_start3A_99 = tpu.memref_slice %arg2[%add3A_97, %dma_start3A_98] : memref<131072x128xf32, #tpu.memory_space<hbm>> -> memref<256x128xf32, #tpu.memory_space<hbm>>
    %dma_start3A_100 = arith.constant 0 : i32
    %dma_start3A_101 = tpu.memref_slice %arg2[%add3A_97, %dma_start3A_100] : memref<131072x128xf32, #tpu.memory_space<hbm>> -> memref<256x128xf32, #tpu.memory_space<hbm>>
    tpu.enqueue_dma source(%dma_start3A_101 : memref<256x128xf32, #tpu.memory_space<hbm>>) target(%arg5 : memref<256x128xf32, #tpu.memory_space<vmem>>) target_semaphore(%arg9 : memref<!tpu.dma_semaphore, #tpu.memory_space<semaphore_mem>>)
    %scan3A_102 = arith.constant 0 : i32
    %scan3A_103 = arith.constant 0 : i32
    %scan3A_104 = arith.constant 8 : i32
    %scan3A_105 = arith.addi %scan3A_103, %scan3A_104 : i32
    %scan3A_106 = arith.constant 1 : i32
    scf.for %scan3A_258 = %scan3A_103 to %scan3A_105 step %scan3A_106  : i32 {
      %mul3A_259 = arith.constant 32 : i32
      %mul3A_260 = arith.muli %scan3A_258, %mul3A_259 : i32
      %get3A = arith.index_cast %mul3A_260 : i32 to index
      %get3A_261 = arith.constant 0 : index
      %get3A_262 = tpu.vector_load %arg6[%get3A, %get3A_261] {strides = array<i32>} : memref<256x128xf32, #tpu.memory_space<vmem>>, vector<1x16xf32>,
      %get3A_263 = vector.shape_cast %get3A_262 : vector<1x16xf32> to vector<16xf32>
      %get3A_264 = arith.index_cast %mul3A_260 : i32 to index
      %get3A_265 = arith.constant 16 : index
      %get3A_266 = tpu.vector_load %arg6[%get3A_264, %get3A_265] {strides = array<i32>} : memref<256x128xf32, #tpu.memory_space<vmem>>, vector<1x16xf32>,
      %get3A_267 = vector.shape_cast %get3A_266 : vector<1x16xf32> to vector<16xf32>
      %get3A_268 = arith.index_cast %mul3A_260 : i32 to index
      %get3A_269 = arith.constant 32 : index
      %get3A_270 = tpu.vector_load %arg6[%get3A_268, %get3A_269] {strides = array<i32>} : memref<256x128xf32, #tpu.memory_space<vmem>>, vector<1x16xf32>,
      %get3A_271 = vector.shape_cast %get3A_270 : vector<1x16xf32> to vector<16xf32>
      %get3A_272 = arith.index_cast %mul3A_260 : i32 to index
      %get3A_273 = arith.constant 48 : index
      %get3A_274 = tpu.vector_load %arg6[%get3A_272, %get3A_273] {strides = array<i32>} : memref<256x128xf32, #tpu.memory_space<vmem>>, vector<1x16xf32>,
      %get3A_275 = vector.shape_cast %get3A_274 : vector<1x16xf32> to vector<16xf32>
      %get3A_276 = arith.index_cast %mul3A_260 : i32 to index
      %get3A_277 = arith.constant 64 : index
      %get3A_278 = tpu.vector_load %arg6[%get3A_276, %get3A_277] {strides = array<i32>} : memref<256x128xf32, #tpu.memory_space<vmem>>, vector<1x16xf32>,
      %get3A_279 = vector.shape_cast %get3A_278 : vector<1x16xf32> to vector<16xf32>
      %get3A_280 = arith.index_cast %mul3A_260 : i32 to index
      %get3A_281 = arith.constant 80 : index
      %get3A_282 = tpu.vector_load %arg6[%get3A_280, %get3A_281] {strides = array<i32>} : memref<256x128xf32, #tpu.memory_space<vmem>>, vector<1x16xf32>,
      %get3A_283 = vector.shape_cast %get3A_282 : vector<1x16xf32> to vector<16xf32>
      %get3A_284 = arith.index_cast %mul3A_260 : i32 to index
      %get3A_285 = arith.constant 96 : index
      %get3A_286 = tpu.vector_load %arg6[%get3A_284, %get3A_285] {strides = array<i32>} : memref<256x128xf32, #tpu.memory_space<vmem>>, vector<1x16xf32>,
      %get3A_287 = vector.shape_cast %get3A_286 : vector<1x16xf32> to vector<16xf32>
      %get3A_288 = arith.index_cast %mul3A_260 : i32 to index
      %get3A_289 = arith.constant 112 : index
      %get3A_290 = tpu.vector_load %arg6[%get3A_288, %get3A_289] {strides = array<i32>} : memref<256x128xf32, #tpu.memory_space<vmem>>, vector<1x16xf32>,
      %get3A_291 = vector.shape_cast %get3A_290 : vector<1x16xf32> to vector<16xf32>
      %scan3A_292 = arith.constant 1 : i32
      %scan3A_293 = arith.constant 31 : i32
      %scan3A_294 = arith.addi %scan3A_292, %scan3A_293 : i32
      %scan3A_295 = arith.constant 1 : i32
      %scan3A_296:8 = scf.for %scan3A_353 = %scan3A_292 to %scan3A_294 step %scan3A_295 iter_args(%scan3A_354 = %get3A_263, %scan3A_355 = %get3A_267, %scan3A_356 = %get3A_271, %scan3A_357 = %get3A_275, %scan3A_358 = %get3A_279, %scan3A_359 = %get3A_283, %scan3A_360 = %get3A_287, %scan3A_361 = %get3A_291) -> (vector<16xf32>, vector<16xf32>, vector<16xf32>, vector<16xf32>, vector<16xf32>, vector<16xf32>, vector<16xf32>, vector<16xf32>)  : i32 {
        %add3A_362 = arith.addi %mul3A_260, %scan3A_353 : i32
        %get3A_363 = arith.index_cast %add3A_362 : i32 to index
        %get3A_364 = arith.constant 0 : index
        %get3A_365 = tpu.vector_load %arg6[%get3A_363, %get3A_364] {strides = array<i32>} : memref<256x128xf32, #tpu.memory_space<vmem>>, vector<1x16xf32>,
        %get3A_366 = vector.shape_cast %get3A_365 : vector<1x16xf32> to vector<16xf32>
        %add3A_367 = arith.addf %scan3A_354, %get3A_366 : vector<16xf32>
        %add3A_368 = arith.addi %mul3A_260, %scan3A_353 : i32
        %get3A_369 = arith.index_cast %add3A_368 : i32 to index
        %get3A_370 = arith.constant 16 : index
        %get3A_371 = tpu.vector_load %arg6[%get3A_369, %get3A_370] {strides = array<i32>} : memref<256x128xf32, #tpu.memory_space<vmem>>, vector<1x16xf32>,
        %get3A_372 = vector.shape_cast %get3A_371 : vector<1x16xf32> to vector<16xf32>
        %add3A_373 = arith.addf %scan3A_355, %get3A_372 : vector<16xf32>
        %add3A_374 = arith.addi %mul3A_260, %scan3A_353 : i32
        %get3A_375 = arith.index_cast %add3A_374 : i32 to index
        %get3A_376 = arith.constant 32 : index
        %get3A_377 = tpu.vector_load %arg6[%get3A_375, %get3A_376] {strides = array<i32>} : memref<256x128xf32, #tpu.memory_space<vmem>>, vector<1x16xf32>,
        %get3A_378 = vector.shape_cast %get3A_377 : vector<1x16xf32> to vector<16xf32>
        %add3A_379 = arith.addf %scan3A_356, %get3A_378 : vector<16xf32>
        %add3A_380 = arith.addi %mul3A_260, %scan3A_353 : i32
        %get3A_381 = arith.index_cast %add3A_380 : i32 to index
        %get3A_382 = arith.constant 48 : index
        %get3A_383 = tpu.vector_load %arg6[%get3A_381, %get3A_382] {strides = array<i32>} : memref<256x128xf32, #tpu.memory_space<vmem>>, vector<1x16xf32>,
        %get3A_384 = vector.shape_cast %get3A_383 : vector<1x16xf32> to vector<16xf32>
        %add3A_385 = arith.addf %scan3A_357, %get3A_384 : vector<16xf32>
        %add3A_386 = arith.addi %mul3A_260, %scan3A_353 : i32
        %get3A_387 = arith.index_cast %add3A_386 : i32 to index
        %get3A_388 = arith.constant 64 : index
        %get3A_389 = tpu.vector_load %arg6[%get3A_387, %get3A_388] {strides = array<i32>} : memref<256x128xf32, #tpu.memory_space<vmem>>, vector<1x16xf32>,
        %get3A_390 = vector.shape_cast %get3A_389 : vector<1x16xf32> to vector<16xf32>
        %add3A_391 = arith.addf %scan3A_358, %get3A_390 : vector<16xf32>
        %add3A_392 = arith.addi %mul3A_260, %scan3A_353 : i32
        %get3A_393 = arith.index_cast %add3A_392 : i32 to index
        %get3A_394 = arith.constant 80 : index
        %get3A_395 = tpu.vector_load %arg6[%get3A_393, %get3A_394] {strides = array<i32>} : memref<256x128xf32, #tpu.memory_space<vmem>>, vector<1x16xf32>,
        %get3A_396 = vector.shape_cast %get3A_395 : vector<1x16xf32> to vector<16xf32>
        %add3A_397 = arith.addf %scan3A_359, %get3A_396 : vector<16xf32>
        %add3A_398 = arith.addi %mul3A_260, %scan3A_353 : i32
        %get3A_399 = arith.index_cast %add3A_398 : i32 to index
        %get3A_400 = arith.constant 96 : index
        %get3A_401 = tpu.vector_load %arg6[%get3A_399, %get3A_400] {strides = array<i32>} : memref<256x128xf32, #tpu.memory_space<vmem>>, vector<1x16xf32>,
        %get3A_402 = vector.shape_cast %get3A_401 : vector<1x16xf32> to vector<16xf32>
        %add3A_403 = arith.addf %scan3A_360, %get3A_402 : vector<16xf32>
        %add3A_404 = arith.addi %mul3A_260, %scan3A_353 : i32
        %get3A_405 = arith.index_cast %add3A_404 : i32 to index
        %get3A_406 = arith.constant 112 : index
        %get3A_407 = tpu.vector_load %arg6[%get3A_405, %get3A_406] {strides = array<i32>} : memref<256x128xf32, #tpu.memory_space<vmem>>, vector<1x16xf32>,
        %get3A_408 = vector.shape_cast %get3A_407 : vector<1x16xf32> to vector<16xf32>
        %add3A_409 = arith.addf %scan3A_361, %get3A_408 : vector<16xf32>
        scf.yield %add3A_367, %add3A_373, %add3A_379, %add3A_385, %add3A_391, %add3A_397, %add3A_403, %add3A_409 : vector<16xf32>, vector<16xf32>, vector<16xf32>, vector<16xf32>, vector<16xf32>, vector<16xf32>, vector<16xf32>, vector<16xf32>
      }
      %scan3A_297 = arith.constant 31 : i32
      %add3A_298 = arith.constant 40 : i32
      %add3A_299 = arith.addi %add3A_298, %scan3A_258 : i32
      %swap3A = arith.index_cast %add3A_299 : i32 to index
      %swap3A_300 = arith.constant 0 : index
      %swap3A_301 = tpu.vector_load %arg7[%swap3A, %swap3A_300] {strides = array<i32>} : memref<128x128xf32, #tpu.memory_space<vmem>>, vector<1x16xf32>,
      %swap3A_302 = vector.shape_cast %swap3A_301 : vector<1x16xf32> to vector<16xf32>
      %swap3A_303 = vector.shape_cast %scan3A_296#0 : vector<16xf32> to vector<1x16xf32>
      tpu.vector_store %arg7[%swap3A, %swap3A_300], %swap3A_303 {strides = array<i32>} : memref<128x128xf32, #tpu.memory_space<vmem>>, vector<1x16xf32>,
      %add3A_304 = arith.constant 40 : i32
      %add3A_305 = arith.addi %add3A_304, %scan3A_258 : i32
      %swap3A_306 = arith.index_cast %add3A_305 : i32 to index
      %swap3A_307 = arith.constant 16 : index
      %swap3A_308 = tpu.vector_load %arg7[%swap3A_306, %swap3A_307] {strides = array<i32>} : memref<128x128xf32, #tpu.memory_space<vmem>>, vector<1x16xf32>,
      %swap3A_309 = vector.shape_cast %swap3A_308 : vector<1x16xf32> to vector<16xf32>
      %swap3A_310 = vector.shape_cast %scan3A_296#1 : vector<16xf32> to vector<1x16xf32>
      tpu.vector_store %arg7[%swap3A_306, %swap3A_307], %swap3A_310 {strides = array<i32>} : memref<128x128xf32, #tpu.memory_space<vmem>>, vector<1x16xf32>,
      %add3A_311 = arith.constant 40 : i32
      %add3A_312 = arith.addi %add3A_311, %scan3A_258 : i32
      %swap3A_313 = arith.index_cast %add3A_312 : i32 to index
      %swap3A_314 = arith.constant 32 : index
      %swap3A_315 = tpu.vector_load %arg7[%swap3A_313, %swap3A_314] {strides = array<i32>} : memref<128x128xf32, #tpu.memory_space<vmem>>, vector<1x16xf32>,
      %swap3A_316 = vector.shape_cast %swap3A_315 : vector<1x16xf32> to vector<16xf32>
      %swap3A_317 = vector.shape_cast %scan3A_296#2 : vector<16xf32> to vector<1x16xf32>
      tpu.vector_store %arg7[%swap3A_313, %swap3A_314], %swap3A_317 {strides = array<i32>} : memref<128x128xf32, #tpu.memory_space<vmem>>, vector<1x16xf32>,
      %add3A_318 = arith.constant 40 : i32
      %add3A_319 = arith.addi %add3A_318, %scan3A_258 : i32
      %swap3A_320 = arith.index_cast %add3A_319 : i32 to index
      %swap3A_321 = arith.constant 48 : index
      %swap3A_322 = tpu.vector_load %arg7[%swap3A_320, %swap3A_321] {strides = array<i32>} : memref<128x128xf32, #tpu.memory_space<vmem>>, vector<1x16xf32>,
      %swap3A_323 = vector.shape_cast %swap3A_322 : vector<1x16xf32> to vector<16xf32>
      %swap3A_324 = vector.shape_cast %scan3A_296#3 : vector<16xf32> to vector<1x16xf32>
      tpu.vector_store %arg7[%swap3A_320, %swap3A_321], %swap3A_324 {strides = array<i32>} : memref<128x128xf32, #tpu.memory_space<vmem>>, vector<1x16xf32>,
      %add3A_325 = arith.constant 40 : i32
      %add3A_326 = arith.addi %add3A_325, %scan3A_258 : i32
      %swap3A_327 = arith.index_cast %add3A_326 : i32 to index
      %swap3A_328 = arith.constant 64 : index
      %swap3A_329 = tpu.vector_load %arg7[%swap3A_327, %swap3A_328] {strides = array<i32>} : memref<128x128xf32, #tpu.memory_space<vmem>>, vector<1x16xf32>,
      %swap3A_330 = vector.shape_cast %swap3A_329 : vector<1x16xf32> to vector<16xf32>
      %swap3A_331 = vector.shape_cast %scan3A_296#4 : vector<16xf32> to vector<1x16xf32>
      tpu.vector_store %arg7[%swap3A_327, %swap3A_328], %swap3A_331 {strides = array<i32>} : memref<128x128xf32, #tpu.memory_space<vmem>>, vector<1x16xf32>,
      %add3A_332 = arith.constant 40 : i32
      %add3A_333 = arith.addi %add3A_332, %scan3A_258 : i32
      %swap3A_334 = arith.index_cast %add3A_333 : i32 to index
      %swap3A_335 = arith.constant 80 : index
      %swap3A_336 = tpu.vector_load %arg7[%swap3A_334, %swap3A_335] {strides = array<i32>} : memref<128x128xf32, #tpu.memory_space<vmem>>, vector<1x16xf32>,
      %swap3A_337 = vector.shape_cast %swap3A_336 : vector<1x16xf32> to vector<16xf32>
      %swap3A_338 = vector.shape_cast %scan3A_296#5 : vector<16xf32> to vector<1x16xf32>
      tpu.vector_store %arg7[%swap3A_334, %swap3A_335], %swap3A_338 {strides = array<i32>} : memref<128x128xf32, #tpu.memory_space<vmem>>, vector<1x16xf32>,
      %add3A_339 = arith.constant 40 : i32
      %add3A_340 = arith.addi %add3A_339, %scan3A_258 : i32
      %swap3A_341 = arith.index_cast %add3A_340 : i32 to index
      %swap3A_342 = arith.constant 96 : index
      %swap3A_343 = tpu.vector_load %arg7[%swap3A_341, %swap3A_342] {strides = array<i32>} : memref<128x128xf32, #tpu.memory_space<vmem>>, vector<1x16xf32>,
      %swap3A_344 = vector.shape_cast %swap3A_343 : vector<1x16xf32> to vector<16xf32>
      %swap3A_345 = vector.shape_cast %scan3A_296#6 : vector<16xf32> to vector<1x16xf32>
      tpu.vector_store %arg7[%swap3A_341, %swap3A_342], %swap3A_345 {strides = array<i32>} : memref<128x128xf32, #tpu.memory_space<vmem>>, vector<1x16xf32>,
      %add3A_346 = arith.constant 40 : i32
      %add3A_347 = arith.addi %add3A_346, %scan3A_258 : i32
      %swap3A_348 = arith.index_cast %add3A_347 : i32 to index
      %swap3A_349 = arith.constant 112 : index
      %swap3A_350 = tpu.vector_load %arg7[%swap3A_348, %swap3A_349] {strides = array<i32>} : memref<128x128xf32, #tpu.memory_space<vmem>>, vector<1x16xf32>,
      %swap3A_351 = vector.shape_cast %swap3A_350 : vector<1x16xf32> to vector<16xf32>
      %swap3A_352 = vector.shape_cast %scan3A_296#7 : vector<16xf32> to vector<1x16xf32>
      tpu.vector_store %arg7[%swap3A_348, %swap3A_349], %swap3A_352 {strides = array<i32>} : memref<128x128xf32, #tpu.memory_space<vmem>>, vector<1x16xf32>,
    }
    %scan3A_107 = arith.constant 8 : i32
    %dma_wait3A_108 = arith.constant 0 : i32
    %dma_wait3A_109 = tpu.memref_slice %arg2[%add3A_81, %dma_wait3A_108] : memref<131072x128xf32, #tpu.memory_space<hbm>> -> memref<256x128xf32, #tpu.memory_space<hbm>>
    %dma_wait3A_110 = arith.constant 0 : i32
    %dma_wait3A_111 = tpu.memref_slice %arg2[%add3A_81, %dma_wait3A_110] : memref<131072x128xf32, #tpu.memory_space<hbm>> -> memref<256x128xf32, #tpu.memory_space<hbm>>
    tpu.wait_dma2 semaphore(%arg8 : memref<!tpu.dma_semaphore, #tpu.memory_space<semaphore_mem>>) src(%dma_wait3A_111 : memref<256x128xf32, #tpu.memory_space<hbm>>) dst(%arg4 : memref<256x128xf32, #tpu.memory_space<vmem>>)
    %add3A_112 = arith.constant 2048 : i32
    %add3A_113 = arith.addi %mul3A_2, %add3A_112 : i32
    %dma_start3A_114 = arith.constant 0 : i32
    %dma_start3A_115 = tpu.memref_slice %arg2[%add3A_113, %dma_start3A_114] : memref<131072x128xf32, #tpu.memory_space<hbm>> -> memref<256x128xf32, #tpu.memory_space<hbm>>
    %dma_start3A_116 = arith.constant 0 : i32
    %dma_start3A_117 = tpu.memref_slice %arg2[%add3A_113, %dma_start3A_116] : memref<131072x128xf32, #tpu.memory_space<hbm>> -> memref<256x128xf32, #tpu.memory_space<hbm>>
    tpu.enqueue_dma source(%dma_start3A_117 : memref<256x128xf32, #tpu.memory_space<hbm>>) target(%arg6 : memref<256x128xf32, #tpu.memory_space<vmem>>) target_semaphore(%arg10 : memref<!tpu.dma_semaphore, #tpu.memory_space<semaphore_mem>>)
    %scan3A_118 = arith.constant 0 : i32
    %scan3A_119 = arith.constant 0 : i32
    %scan3A_120 = arith.constant 8 : i32
    %scan3A_121 = arith.addi %scan3A_119, %scan3A_120 : i32
    %scan3A_122 = arith.constant 1 : i32
    scf.for %scan3A_258 = %scan3A_119 to %scan3A_121 step %scan3A_122  : i32 {
      %mul3A_259 = arith.constant 32 : i32
      %mul3A_260 = arith.muli %scan3A_258, %mul3A_259 : i32
      %get3A = arith.index_cast %mul3A_260 : i32 to index
      %get3A_261 = arith.constant 0 : index
      %get3A_262 = tpu.vector_load %arg4[%get3A, %get3A_261] {strides = array<i32>} : memref<256x128xf32, #tpu.memory_space<vmem>>, vector<1x16xf32>,
      %get3A_263 = vector.shape_cast %get3A_262 : vector<1x16xf32> to vector<16xf32>
      %get3A_264 = arith.index_cast %mul3A_260 : i32 to index
      %get3A_265 = arith.constant 16 : index
      %get3A_266 = tpu.vector_load %arg4[%get3A_264, %get3A_265] {strides = array<i32>} : memref<256x128xf32, #tpu.memory_space<vmem>>, vector<1x16xf32>,
      %get3A_267 = vector.shape_cast %get3A_266 : vector<1x16xf32> to vector<16xf32>
      %get3A_268 = arith.index_cast %mul3A_260 : i32 to index
      %get3A_269 = arith.constant 32 : index
      %get3A_270 = tpu.vector_load %arg4[%get3A_268, %get3A_269] {strides = array<i32>} : memref<256x128xf32, #tpu.memory_space<vmem>>, vector<1x16xf32>,
      %get3A_271 = vector.shape_cast %get3A_270 : vector<1x16xf32> to vector<16xf32>
      %get3A_272 = arith.index_cast %mul3A_260 : i32 to index
      %get3A_273 = arith.constant 48 : index
      %get3A_274 = tpu.vector_load %arg4[%get3A_272, %get3A_273] {strides = array<i32>} : memref<256x128xf32, #tpu.memory_space<vmem>>, vector<1x16xf32>,
      %get3A_275 = vector.shape_cast %get3A_274 : vector<1x16xf32> to vector<16xf32>
      %get3A_276 = arith.index_cast %mul3A_260 : i32 to index
      %get3A_277 = arith.constant 64 : index
      %get3A_278 = tpu.vector_load %arg4[%get3A_276, %get3A_277] {strides = array<i32>} : memref<256x128xf32, #tpu.memory_space<vmem>>, vector<1x16xf32>,
      %get3A_279 = vector.shape_cast %get3A_278 : vector<1x16xf32> to vector<16xf32>
      %get3A_280 = arith.index_cast %mul3A_260 : i32 to index
      %get3A_281 = arith.constant 80 : index
      %get3A_282 = tpu.vector_load %arg4[%get3A_280, %get3A_281] {strides = array<i32>} : memref<256x128xf32, #tpu.memory_space<vmem>>, vector<1x16xf32>,
      %get3A_283 = vector.shape_cast %get3A_282 : vector<1x16xf32> to vector<16xf32>
      %get3A_284 = arith.index_cast %mul3A_260 : i32 to index
      %get3A_285 = arith.constant 96 : index
      %get3A_286 = tpu.vector_load %arg4[%get3A_284, %get3A_285] {strides = array<i32>} : memref<256x128xf32, #tpu.memory_space<vmem>>, vector<1x16xf32>,
      %get3A_287 = vector.shape_cast %get3A_286 : vector<1x16xf32> to vector<16xf32>
      %get3A_288 = arith.index_cast %mul3A_260 : i32 to index
      %get3A_289 = arith.constant 112 : index
      %get3A_290 = tpu.vector_load %arg4[%get3A_288, %get3A_289] {strides = array<i32>} : memref<256x128xf32, #tpu.memory_space<vmem>>, vector<1x16xf32>,
      %get3A_291 = vector.shape_cast %get3A_290 : vector<1x16xf32> to vector<16xf32>
      %scan3A_292 = arith.constant 1 : i32
      %scan3A_293 = arith.constant 31 : i32
      %scan3A_294 = arith.addi %scan3A_292, %scan3A_293 : i32
      %scan3A_295 = arith.constant 1 : i32
      %scan3A_296:8 = scf.for %scan3A_353 = %scan3A_292 to %scan3A_294 step %scan3A_295 iter_args(%scan3A_354 = %get3A_263, %scan3A_355 = %get3A_267, %scan3A_356 = %get3A_271, %scan3A_357 = %get3A_275, %scan3A_358 = %get3A_279, %scan3A_359 = %get3A_283, %scan3A_360 = %get3A_287, %scan3A_361 = %get3A_291) -> (vector<16xf32>, vector<16xf32>, vector<16xf32>, vector<16xf32>, vector<16xf32>, vector<16xf32>, vector<16xf32>, vector<16xf32>)  : i32 {
        %add3A_362 = arith.addi %mul3A_260, %scan3A_353 : i32
        %get3A_363 = arith.index_cast %add3A_362 : i32 to index
        %get3A_364 = arith.constant 0 : index
        %get3A_365 = tpu.vector_load %arg4[%get3A_363, %get3A_364] {strides = array<i32>} : memref<256x128xf32, #tpu.memory_space<vmem>>, vector<1x16xf32>,
        %get3A_366 = vector.shape_cast %get3A_365 : vector<1x16xf32> to vector<16xf32>
        %add3A_367 = arith.addf %scan3A_354, %get3A_366 : vector<16xf32>
        %add3A_368 = arith.addi %mul3A_260, %scan3A_353 : i32
        %get3A_369 = arith.index_cast %add3A_368 : i32 to index
        %get3A_370 = arith.constant 16 : index
        %get3A_371 = tpu.vector_load %arg4[%get3A_369, %get3A_370] {strides = array<i32>} : memref<256x128xf32, #tpu.memory_space<vmem>>, vector<1x16xf32>,
        %get3A_372 = vector.shape_cast %get3A_371 : vector<1x16xf32> to vector<16xf32>
        %add3A_373 = arith.addf %scan3A_355, %get3A_372 : vector<16xf32>
        %add3A_374 = arith.addi %mul3A_260, %scan3A_353 : i32
        %get3A_375 = arith.index_cast %add3A_374 : i32 to index
        %get3A_376 = arith.constant 32 : index
        %get3A_377 = tpu.vector_load %arg4[%get3A_375, %get3A_376] {strides = array<i32>} : memref<256x128xf32, #tpu.memory_space<vmem>>, vector<1x16xf32>,
        %get3A_378 = vector.shape_cast %get3A_377 : vector<1x16xf32> to vector<16xf32>
        %add3A_379 = arith.addf %scan3A_356, %get3A_378 : vector<16xf32>
        %add3A_380 = arith.addi %mul3A_260, %scan3A_353 : i32
        %get3A_381 = arith.index_cast %add3A_380 : i32 to index
        %get3A_382 = arith.constant 48 : index
        %get3A_383 = tpu.vector_load %arg4[%get3A_381, %get3A_382] {strides = array<i32>} : memref<256x128xf32, #tpu.memory_space<vmem>>, vector<1x16xf32>,
        %get3A_384 = vector.shape_cast %get3A_383 : vector<1x16xf32> to vector<16xf32>
        %add3A_385 = arith.addf %scan3A_357, %get3A_384 : vector<16xf32>
        %add3A_386 = arith.addi %mul3A_260, %scan3A_353 : i32
        %get3A_387 = arith.index_cast %add3A_386 : i32 to index
        %get3A_388 = arith.constant 64 : index
        %get3A_389 = tpu.vector_load %arg4[%get3A_387, %get3A_388] {strides = array<i32>} : memref<256x128xf32, #tpu.memory_space<vmem>>, vector<1x16xf32>,
        %get3A_390 = vector.shape_cast %get3A_389 : vector<1x16xf32> to vector<16xf32>
        %add3A_391 = arith.addf %scan3A_358, %get3A_390 : vector<16xf32>
        %add3A_392 = arith.addi %mul3A_260, %scan3A_353 : i32
        %get3A_393 = arith.index_cast %add3A_392 : i32 to index
        %get3A_394 = arith.constant 80 : index
        %get3A_395 = tpu.vector_load %arg4[%get3A_393, %get3A_394] {strides = array<i32>} : memref<256x128xf32, #tpu.memory_space<vmem>>, vector<1x16xf32>,
        %get3A_396 = vector.shape_cast %get3A_395 : vector<1x16xf32> to vector<16xf32>
        %add3A_397 = arith.addf %scan3A_359, %get3A_396 : vector<16xf32>
        %add3A_398 = arith.addi %mul3A_260, %scan3A_353 : i32
        %get3A_399 = arith.index_cast %add3A_398 : i32 to index
        %get3A_400 = arith.constant 96 : index
        %get3A_401 = tpu.vector_load %arg4[%get3A_399, %get3A_400] {strides = array<i32>} : memref<256x128xf32, #tpu.memory_space<vmem>>, vector<1x16xf32>,
        %get3A_402 = vector.shape_cast %get3A_401 : vector<1x16xf32> to vector<16xf32>
        %add3A_403 = arith.addf %scan3A_360, %get3A_402 : vector<16xf32>
        %add3A_404 = arith.addi %mul3A_260, %scan3A_353 : i32
        %get3A_405 = arith.index_cast %add3A_404 : i32 to index
        %get3A_406 = arith.constant 112 : index
        %get3A_407 = tpu.vector_load %arg4[%get3A_405, %get3A_406] {strides = array<i32>} : memref<256x128xf32, #tpu.memory_space<vmem>>, vector<1x16xf32>,
        %get3A_408 = vector.shape_cast %get3A_407 : vector<1x16xf32> to vector<16xf32>
        %add3A_409 = arith.addf %scan3A_361, %get3A_408 : vector<16xf32>
        scf.yield %add3A_367, %add3A_373, %add3A_379, %add3A_385, %add3A_391, %add3A_397, %add3A_403, %add3A_409 : vector<16xf32>, vector<16xf32>, vector<16xf32>, vector<16xf32>, vector<16xf32>, vector<16xf32>, vector<16xf32>, vector<16xf32>
      }
      %scan3A_297 = arith.constant 31 : i32
      %add3A_298 = arith.constant 48 : i32
      %add3A_299 = arith.addi %add3A_298, %scan3A_258 : i32
      %swap3A = arith.index_cast %add3A_299 : i32 to index
      %swap3A_300 = arith.constant 0 : index
      %swap3A_301 = tpu.vector_load %arg7[%swap3A, %swap3A_300] {strides = array<i32>} : memref<128x128xf32, #tpu.memory_space<vmem>>, vector<1x16xf32>,
      %swap3A_302 = vector.shape_cast %swap3A_301 : vector<1x16xf32> to vector<16xf32>
      %swap3A_303 = vector.shape_cast %scan3A_296#0 : vector<16xf32> to vector<1x16xf32>
      tpu.vector_store %arg7[%swap3A, %swap3A_300], %swap3A_303 {strides = array<i32>} : memref<128x128xf32, #tpu.memory_space<vmem>>, vector<1x16xf32>,
      %add3A_304 = arith.constant 48 : i32
      %add3A_305 = arith.addi %add3A_304, %scan3A_258 : i32
      %swap3A_306 = arith.index_cast %add3A_305 : i32 to index
      %swap3A_307 = arith.constant 16 : index
      %swap3A_308 = tpu.vector_load %arg7[%swap3A_306, %swap3A_307] {strides = array<i32>} : memref<128x128xf32, #tpu.memory_space<vmem>>, vector<1x16xf32>,
      %swap3A_309 = vector.shape_cast %swap3A_308 : vector<1x16xf32> to vector<16xf32>
      %swap3A_310 = vector.shape_cast %scan3A_296#1 : vector<16xf32> to vector<1x16xf32>
      tpu.vector_store %arg7[%swap3A_306, %swap3A_307], %swap3A_310 {strides = array<i32>} : memref<128x128xf32, #tpu.memory_space<vmem>>, vector<1x16xf32>,
      %add3A_311 = arith.constant 48 : i32
      %add3A_312 = arith.addi %add3A_311, %scan3A_258 : i32
      %swap3A_313 = arith.index_cast %add3A_312 : i32 to index
      %swap3A_314 = arith.constant 32 : index
      %swap3A_315 = tpu.vector_load %arg7[%swap3A_313, %swap3A_314] {strides = array<i32>} : memref<128x128xf32, #tpu.memory_space<vmem>>, vector<1x16xf32>,
      %swap3A_316 = vector.shape_cast %swap3A_315 : vector<1x16xf32> to vector<16xf32>
      %swap3A_317 = vector.shape_cast %scan3A_296#2 : vector<16xf32> to vector<1x16xf32>
      tpu.vector_store %arg7[%swap3A_313, %swap3A_314], %swap3A_317 {strides = array<i32>} : memref<128x128xf32, #tpu.memory_space<vmem>>, vector<1x16xf32>,
      %add3A_318 = arith.constant 48 : i32
      %add3A_319 = arith.addi %add3A_318, %scan3A_258 : i32
      %swap3A_320 = arith.index_cast %add3A_319 : i32 to index
      %swap3A_321 = arith.constant 48 : index
      %swap3A_322 = tpu.vector_load %arg7[%swap3A_320, %swap3A_321] {strides = array<i32>} : memref<128x128xf32, #tpu.memory_space<vmem>>, vector<1x16xf32>,
      %swap3A_323 = vector.shape_cast %swap3A_322 : vector<1x16xf32> to vector<16xf32>
      %swap3A_324 = vector.shape_cast %scan3A_296#3 : vector<16xf32> to vector<1x16xf32>
      tpu.vector_store %arg7[%swap3A_320, %swap3A_321], %swap3A_324 {strides = array<i32>} : memref<128x128xf32, #tpu.memory_space<vmem>>, vector<1x16xf32>,
      %add3A_325 = arith.constant 48 : i32
      %add3A_326 = arith.addi %add3A_325, %scan3A_258 : i32
      %swap3A_327 = arith.index_cast %add3A_326 : i32 to index
      %swap3A_328 = arith.constant 64 : index
      %swap3A_329 = tpu.vector_load %arg7[%swap3A_327, %swap3A_328] {strides = array<i32>} : memref<128x128xf32, #tpu.memory_space<vmem>>, vector<1x16xf32>,
      %swap3A_330 = vector.shape_cast %swap3A_329 : vector<1x16xf32> to vector<16xf32>
      %swap3A_331 = vector.shape_cast %scan3A_296#4 : vector<16xf32> to vector<1x16xf32>
      tpu.vector_store %arg7[%swap3A_327, %swap3A_328], %swap3A_331 {strides = array<i32>} : memref<128x128xf32, #tpu.memory_space<vmem>>, vector<1x16xf32>,
      %add3A_332 = arith.constant 48 : i32
      %add3A_333 = arith.addi %add3A_332, %scan3A_258 : i32
      %swap3A_334 = arith.index_cast %add3A_333 : i32 to index
      %swap3A_335 = arith.constant 80 : index
      %swap3A_336 = tpu.vector_load %arg7[%swap3A_334, %swap3A_335] {strides = array<i32>} : memref<128x128xf32, #tpu.memory_space<vmem>>, vector<1x16xf32>,
      %swap3A_337 = vector.shape_cast %swap3A_336 : vector<1x16xf32> to vector<16xf32>
      %swap3A_338 = vector.shape_cast %scan3A_296#5 : vector<16xf32> to vector<1x16xf32>
      tpu.vector_store %arg7[%swap3A_334, %swap3A_335], %swap3A_338 {strides = array<i32>} : memref<128x128xf32, #tpu.memory_space<vmem>>, vector<1x16xf32>,
      %add3A_339 = arith.constant 48 : i32
      %add3A_340 = arith.addi %add3A_339, %scan3A_258 : i32
      %swap3A_341 = arith.index_cast %add3A_340 : i32 to index
      %swap3A_342 = arith.constant 96 : index
      %swap3A_343 = tpu.vector_load %arg7[%swap3A_341, %swap3A_342] {strides = array<i32>} : memref<128x128xf32, #tpu.memory_space<vmem>>, vector<1x16xf32>,
      %swap3A_344 = vector.shape_cast %swap3A_343 : vector<1x16xf32> to vector<16xf32>
      %swap3A_345 = vector.shape_cast %scan3A_296#6 : vector<16xf32> to vector<1x16xf32>
      tpu.vector_store %arg7[%swap3A_341, %swap3A_342], %swap3A_345 {strides = array<i32>} : memref<128x128xf32, #tpu.memory_space<vmem>>, vector<1x16xf32>,
      %add3A_346 = arith.constant 48 : i32
      %add3A_347 = arith.addi %add3A_346, %scan3A_258 : i32
      %swap3A_348 = arith.index_cast %add3A_347 : i32 to index
      %swap3A_349 = arith.constant 112 : index
      %swap3A_350 = tpu.vector_load %arg7[%swap3A_348, %swap3A_349] {strides = array<i32>} : memref<128x128xf32, #tpu.memory_space<vmem>>, vector<1x16xf32>,
      %swap3A_351 = vector.shape_cast %swap3A_350 : vector<1x16xf32> to vector<16xf32>
      %swap3A_352 = vector.shape_cast %scan3A_296#7 : vector<16xf32> to vector<1x16xf32>
      tpu.vector_store %arg7[%swap3A_348, %swap3A_349], %swap3A_352 {strides = array<i32>} : memref<128x128xf32, #tpu.memory_space<vmem>>, vector<1x16xf32>,
    }
    %scan3A_123 = arith.constant 8 : i32
    %dma_wait3A_124 = arith.constant 0 : i32
    %dma_wait3A_125 = tpu.memref_slice %arg2[%add3A_97, %dma_wait3A_124] : memref<131072x128xf32, #tpu.memory_space<hbm>> -> memref<256x128xf32, #tpu.memory_space<hbm>>
    %dma_wait3A_126 = arith.constant 0 : i32
    %dma_wait3A_127 = tpu.memref_slice %arg2[%add3A_97, %dma_wait3A_126] : memref<131072x128xf32, #tpu.memory_space<hbm>> -> memref<256x128xf32, #tpu.memory_space<hbm>>
    tpu.wait_dma2 semaphore(%arg9 : memref<!tpu.dma_semaphore, #tpu.memory_space<semaphore_mem>>) src(%dma_wait3A_127 : memref<256x128xf32, #tpu.memory_space<hbm>>) dst(%arg5 : memref<256x128xf32, #tpu.memory_space<vmem>>)
    %add3A_128 = arith.constant 2304 : i32
    %add3A_129 = arith.addi %mul3A_2, %add3A_128 : i32
    %dma_start3A_130 = arith.constant 0 : i32
    %dma_start3A_131 = tpu.memref_slice %arg2[%add3A_129, %dma_start3A_130] : memref<131072x128xf32, #tpu.memory_space<hbm>> -> memref<256x128xf32, #tpu.memory_space<hbm>>
    %dma_start3A_132 = arith.constant 0 : i32
    %dma_start3A_133 = tpu.memref_slice %arg2[%add3A_129, %dma_start3A_132] : memref<131072x128xf32, #tpu.memory_space<hbm>> -> memref<256x128xf32, #tpu.memory_space<hbm>>
    tpu.enqueue_dma source(%dma_start3A_133 : memref<256x128xf32, #tpu.memory_space<hbm>>) target(%arg4 : memref<256x128xf32, #tpu.memory_space<vmem>>) target_semaphore(%arg8 : memref<!tpu.dma_semaphore, #tpu.memory_space<semaphore_mem>>)
    %scan3A_134 = arith.constant 0 : i32
    %scan3A_135 = arith.constant 0 : i32
    %scan3A_136 = arith.constant 8 : i32
    %scan3A_137 = arith.addi %scan3A_135, %scan3A_136 : i32
    %scan3A_138 = arith.constant 1 : i32
    scf.for %scan3A_258 = %scan3A_135 to %scan3A_137 step %scan3A_138  : i32 {
      %mul3A_259 = arith.constant 32 : i32
      %mul3A_260 = arith.muli %scan3A_258, %mul3A_259 : i32
      %get3A = arith.index_cast %mul3A_260 : i32 to index
      %get3A_261 = arith.constant 0 : index
      %get3A_262 = tpu.vector_load %arg5[%get3A, %get3A_261] {strides = array<i32>} : memref<256x128xf32, #tpu.memory_space<vmem>>, vector<1x16xf32>,
      %get3A_263 = vector.shape_cast %get3A_262 : vector<1x16xf32> to vector<16xf32>
      %get3A_264 = arith.index_cast %mul3A_260 : i32 to index
      %get3A_265 = arith.constant 16 : index
      %get3A_266 = tpu.vector_load %arg5[%get3A_264, %get3A_265] {strides = array<i32>} : memref<256x128xf32, #tpu.memory_space<vmem>>, vector<1x16xf32>,
      %get3A_267 = vector.shape_cast %get3A_266 : vector<1x16xf32> to vector<16xf32>
      %get3A_268 = arith.index_cast %mul3A_260 : i32 to index
      %get3A_269 = arith.constant 32 : index
      %get3A_270 = tpu.vector_load %arg5[%get3A_268, %get3A_269] {strides = array<i32>} : memref<256x128xf32, #tpu.memory_space<vmem>>, vector<1x16xf32>,
      %get3A_271 = vector.shape_cast %get3A_270 : vector<1x16xf32> to vector<16xf32>
      %get3A_272 = arith.index_cast %mul3A_260 : i32 to index
      %get3A_273 = arith.constant 48 : index
      %get3A_274 = tpu.vector_load %arg5[%get3A_272, %get3A_273] {strides = array<i32>} : memref<256x128xf32, #tpu.memory_space<vmem>>, vector<1x16xf32>,
      %get3A_275 = vector.shape_cast %get3A_274 : vector<1x16xf32> to vector<16xf32>
      %get3A_276 = arith.index_cast %mul3A_260 : i32 to index
      %get3A_277 = arith.constant 64 : index
      %get3A_278 = tpu.vector_load %arg5[%get3A_276, %get3A_277] {strides = array<i32>} : memref<256x128xf32, #tpu.memory_space<vmem>>, vector<1x16xf32>,
      %get3A_279 = vector.shape_cast %get3A_278 : vector<1x16xf32> to vector<16xf32>
      %get3A_280 = arith.index_cast %mul3A_260 : i32 to index
      %get3A_281 = arith.constant 80 : index
      %get3A_282 = tpu.vector_load %arg5[%get3A_280, %get3A_281] {strides = array<i32>} : memref<256x128xf32, #tpu.memory_space<vmem>>, vector<1x16xf32>,
      %get3A_283 = vector.shape_cast %get3A_282 : vector<1x16xf32> to vector<16xf32>
      %get3A_284 = arith.index_cast %mul3A_260 : i32 to index
      %get3A_285 = arith.constant 96 : index
      %get3A_286 = tpu.vector_load %arg5[%get3A_284, %get3A_285] {strides = array<i32>} : memref<256x128xf32, #tpu.memory_space<vmem>>, vector<1x16xf32>,
      %get3A_287 = vector.shape_cast %get3A_286 : vector<1x16xf32> to vector<16xf32>
      %get3A_288 = arith.index_cast %mul3A_260 : i32 to index
      %get3A_289 = arith.constant 112 : index
      %get3A_290 = tpu.vector_load %arg5[%get3A_288, %get3A_289] {strides = array<i32>} : memref<256x128xf32, #tpu.memory_space<vmem>>, vector<1x16xf32>,
      %get3A_291 = vector.shape_cast %get3A_290 : vector<1x16xf32> to vector<16xf32>
      %scan3A_292 = arith.constant 1 : i32
      %scan3A_293 = arith.constant 31 : i32
      %scan3A_294 = arith.addi %scan3A_292, %scan3A_293 : i32
      %scan3A_295 = arith.constant 1 : i32
      %scan3A_296:8 = scf.for %scan3A_353 = %scan3A_292 to %scan3A_294 step %scan3A_295 iter_args(%scan3A_354 = %get3A_263, %scan3A_355 = %get3A_267, %scan3A_356 = %get3A_271, %scan3A_357 = %get3A_275, %scan3A_358 = %get3A_279, %scan3A_359 = %get3A_283, %scan3A_360 = %get3A_287, %scan3A_361 = %get3A_291) -> (vector<16xf32>, vector<16xf32>, vector<16xf32>, vector<16xf32>, vector<16xf32>, vector<16xf32>, vector<16xf32>, vector<16xf32>)  : i32 {
        %add3A_362 = arith.addi %mul3A_260, %scan3A_353 : i32
        %get3A_363 = arith.index_cast %add3A_362 : i32 to index
        %get3A_364 = arith.constant 0 : index
        %get3A_365 = tpu.vector_load %arg5[%get3A_363, %get3A_364] {strides = array<i32>} : memref<256x128xf32, #tpu.memory_space<vmem>>, vector<1x16xf32>,
        %get3A_366 = vector.shape_cast %get3A_365 : vector<1x16xf32> to vector<16xf32>
        %add3A_367 = arith.addf %scan3A_354, %get3A_366 : vector<16xf32>
        %add3A_368 = arith.addi %mul3A_260, %scan3A_353 : i32
        %get3A_369 = arith.index_cast %add3A_368 : i32 to index
        %get3A_370 = arith.constant 16 : index
        %get3A_371 = tpu.vector_load %arg5[%get3A_369, %get3A_370] {strides = array<i32>} : memref<256x128xf32, #tpu.memory_space<vmem>>, vector<1x16xf32>,
        %get3A_372 = vector.shape_cast %get3A_371 : vector<1x16xf32> to vector<16xf32>
        %add3A_373 = arith.addf %scan3A_355, %get3A_372 : vector<16xf32>
        %add3A_374 = arith.addi %mul3A_260, %scan3A_353 : i32
        %get3A_375 = arith.index_cast %add3A_374 : i32 to index
        %get3A_376 = arith.constant 32 : index
        %get3A_377 = tpu.vector_load %arg5[%get3A_375, %get3A_376] {strides = array<i32>} : memref<256x128xf32, #tpu.memory_space<vmem>>, vector<1x16xf32>,
        %get3A_378 = vector.shape_cast %get3A_377 : vector<1x16xf32> to vector<16xf32>
        %add3A_379 = arith.addf %scan3A_356, %get3A_378 : vector<16xf32>
        %add3A_380 = arith.addi %mul3A_260, %scan3A_353 : i32
        %get3A_381 = arith.index_cast %add3A_380 : i32 to index
        %get3A_382 = arith.constant 48 : index
        %get3A_383 = tpu.vector_load %arg5[%get3A_381, %get3A_382] {strides = array<i32>} : memref<256x128xf32, #tpu.memory_space<vmem>>, vector<1x16xf32>,
        %get3A_384 = vector.shape_cast %get3A_383 : vector<1x16xf32> to vector<16xf32>
        %add3A_385 = arith.addf %scan3A_357, %get3A_384 : vector<16xf32>
        %add3A_386 = arith.addi %mul3A_260, %scan3A_353 : i32
        %get3A_387 = arith.index_cast %add3A_386 : i32 to index
        %get3A_388 = arith.constant 64 : index
        %get3A_389 = tpu.vector_load %arg5[%get3A_387, %get3A_388] {strides = array<i32>} : memref<256x128xf32, #tpu.memory_space<vmem>>, vector<1x16xf32>,
        %get3A_390 = vector.shape_cast %get3A_389 : vector<1x16xf32> to vector<16xf32>
        %add3A_391 = arith.addf %scan3A_358, %get3A_390 : vector<16xf32>
        %add3A_392 = arith.addi %mul3A_260, %scan3A_353 : i32
        %get3A_393 = arith.index_cast %add3A_392 : i32 to index
        %get3A_394 = arith.constant 80 : index
        %get3A_395 = tpu.vector_load %arg5[%get3A_393, %get3A_394] {strides = array<i32>} : memref<256x128xf32, #tpu.memory_space<vmem>>, vector<1x16xf32>,
        %get3A_396 = vector.shape_cast %get3A_395 : vector<1x16xf32> to vector<16xf32>
        %add3A_397 = arith.addf %scan3A_359, %get3A_396 : vector<16xf32>
        %add3A_398 = arith.addi %mul3A_260, %scan3A_353 : i32
        %get3A_399 = arith.index_cast %add3A_398 : i32 to index
        %get3A_400 = arith.constant 96 : index
        %get3A_401 = tpu.vector_load %arg5[%get3A_399, %get3A_400] {strides = array<i32>} : memref<256x128xf32, #tpu.memory_space<vmem>>, vector<1x16xf32>,
        %get3A_402 = vector.shape_cast %get3A_401 : vector<1x16xf32> to vector<16xf32>
        %add3A_403 = arith.addf %scan3A_360, %get3A_402 : vector<16xf32>
        %add3A_404 = arith.addi %mul3A_260, %scan3A_353 : i32
        %get3A_405 = arith.index_cast %add3A_404 : i32 to index
        %get3A_406 = arith.constant 112 : index
        %get3A_407 = tpu.vector_load %arg5[%get3A_405, %get3A_406] {strides = array<i32>} : memref<256x128xf32, #tpu.memory_space<vmem>>, vector<1x16xf32>,
        %get3A_408 = vector.shape_cast %get3A_407 : vector<1x16xf32> to vector<16xf32>
        %add3A_409 = arith.addf %scan3A_361, %get3A_408 : vector<16xf32>
        scf.yield %add3A_367, %add3A_373, %add3A_379, %add3A_385, %add3A_391, %add3A_397, %add3A_403, %add3A_409 : vector<16xf32>, vector<16xf32>, vector<16xf32>, vector<16xf32>, vector<16xf32>, vector<16xf32>, vector<16xf32>, vector<16xf32>
      }
      %scan3A_297 = arith.constant 31 : i32
      %add3A_298 = arith.constant 56 : i32
      %add3A_299 = arith.addi %add3A_298, %scan3A_258 : i32
      %swap3A = arith.index_cast %add3A_299 : i32 to index
      %swap3A_300 = arith.constant 0 : index
      %swap3A_301 = tpu.vector_load %arg7[%swap3A, %swap3A_300] {strides = array<i32>} : memref<128x128xf32, #tpu.memory_space<vmem>>, vector<1x16xf32>,
      %swap3A_302 = vector.shape_cast %swap3A_301 : vector<1x16xf32> to vector<16xf32>
      %swap3A_303 = vector.shape_cast %scan3A_296#0 : vector<16xf32> to vector<1x16xf32>
      tpu.vector_store %arg7[%swap3A, %swap3A_300], %swap3A_303 {strides = array<i32>} : memref<128x128xf32, #tpu.memory_space<vmem>>, vector<1x16xf32>,
      %add3A_304 = arith.constant 56 : i32
      %add3A_305 = arith.addi %add3A_304, %scan3A_258 : i32
      %swap3A_306 = arith.index_cast %add3A_305 : i32 to index
      %swap3A_307 = arith.constant 16 : index
      %swap3A_308 = tpu.vector_load %arg7[%swap3A_306, %swap3A_307] {strides = array<i32>} : memref<128x128xf32, #tpu.memory_space<vmem>>, vector<1x16xf32>,
      %swap3A_309 = vector.shape_cast %swap3A_308 : vector<1x16xf32> to vector<16xf32>
      %swap3A_310 = vector.shape_cast %scan3A_296#1 : vector<16xf32> to vector<1x16xf32>
      tpu.vector_store %arg7[%swap3A_306, %swap3A_307], %swap3A_310 {strides = array<i32>} : memref<128x128xf32, #tpu.memory_space<vmem>>, vector<1x16xf32>,
      %add3A_311 = arith.constant 56 : i32
      %add3A_312 = arith.addi %add3A_311, %scan3A_258 : i32
      %swap3A_313 = arith.index_cast %add3A_312 : i32 to index
      %swap3A_314 = arith.constant 32 : index
      %swap3A_315 = tpu.vector_load %arg7[%swap3A_313, %swap3A_314] {strides = array<i32>} : memref<128x128xf32, #tpu.memory_space<vmem>>, vector<1x16xf32>,
      %swap3A_316 = vector.shape_cast %swap3A_315 : vector<1x16xf32> to vector<16xf32>
      %swap3A_317 = vector.shape_cast %scan3A_296#2 : vector<16xf32> to vector<1x16xf32>
      tpu.vector_store %arg7[%swap3A_313, %swap3A_314], %swap3A_317 {strides = array<i32>} : memref<128x128xf32, #tpu.memory_space<vmem>>, vector<1x16xf32>,
      %add3A_318 = arith.constant 56 : i32
      %add3A_319 = arith.addi %add3A_318, %scan3A_258 : i32
      %swap3A_320 = arith.index_cast %add3A_319 : i32 to index
      %swap3A_321 = arith.constant 48 : index
      %swap3A_322 = tpu.vector_load %arg7[%swap3A_320, %swap3A_321] {strides = array<i32>} : memref<128x128xf32, #tpu.memory_space<vmem>>, vector<1x16xf32>,
      %swap3A_323 = vector.shape_cast %swap3A_322 : vector<1x16xf32> to vector<16xf32>
      %swap3A_324 = vector.shape_cast %scan3A_296#3 : vector<16xf32> to vector<1x16xf32>
      tpu.vector_store %arg7[%swap3A_320, %swap3A_321], %swap3A_324 {strides = array<i32>} : memref<128x128xf32, #tpu.memory_space<vmem>>, vector<1x16xf32>,
      %add3A_325 = arith.constant 56 : i32
      %add3A_326 = arith.addi %add3A_325, %scan3A_258 : i32
      %swap3A_327 = arith.index_cast %add3A_326 : i32 to index
      %swap3A_328 = arith.constant 64 : index
      %swap3A_329 = tpu.vector_load %arg7[%swap3A_327, %swap3A_328] {strides = array<i32>} : memref<128x128xf32, #tpu.memory_space<vmem>>, vector<1x16xf32>,
      %swap3A_330 = vector.shape_cast %swap3A_329 : vector<1x16xf32> to vector<16xf32>
      %swap3A_331 = vector.shape_cast %scan3A_296#4 : vector<16xf32> to vector<1x16xf32>
      tpu.vector_store %arg7[%swap3A_327, %swap3A_328], %swap3A_331 {strides = array<i32>} : memref<128x128xf32, #tpu.memory_space<vmem>>, vector<1x16xf32>,
      %add3A_332 = arith.constant 56 : i32
      %add3A_333 = arith.addi %add3A_332, %scan3A_258 : i32
      %swap3A_334 = arith.index_cast %add3A_333 : i32 to index
      %swap3A_335 = arith.constant 80 : index
      %swap3A_336 = tpu.vector_load %arg7[%swap3A_334, %swap3A_335] {strides = array<i32>} : memref<128x128xf32, #tpu.memory_space<vmem>>, vector<1x16xf32>,
      %swap3A_337 = vector.shape_cast %swap3A_336 : vector<1x16xf32> to vector<16xf32>
      %swap3A_338 = vector.shape_cast %scan3A_296#5 : vector<16xf32> to vector<1x16xf32>
      tpu.vector_store %arg7[%swap3A_334, %swap3A_335], %swap3A_338 {strides = array<i32>} : memref<128x128xf32, #tpu.memory_space<vmem>>, vector<1x16xf32>,
      %add3A_339 = arith.constant 56 : i32
      %add3A_340 = arith.addi %add3A_339, %scan3A_258 : i32
      %swap3A_341 = arith.index_cast %add3A_340 : i32 to index
      %swap3A_342 = arith.constant 96 : index
      %swap3A_343 = tpu.vector_load %arg7[%swap3A_341, %swap3A_342] {strides = array<i32>} : memref<128x128xf32, #tpu.memory_space<vmem>>, vector<1x16xf32>,
      %swap3A_344 = vector.shape_cast %swap3A_343 : vector<1x16xf32> to vector<16xf32>
      %swap3A_345 = vector.shape_cast %scan3A_296#6 : vector<16xf32> to vector<1x16xf32>
      tpu.vector_store %arg7[%swap3A_341, %swap3A_342], %swap3A_345 {strides = array<i32>} : memref<128x128xf32, #tpu.memory_space<vmem>>, vector<1x16xf32>,
      %add3A_346 = arith.constant 56 : i32
      %add3A_347 = arith.addi %add3A_346, %scan3A_258 : i32
      %swap3A_348 = arith.index_cast %add3A_347 : i32 to index
      %swap3A_349 = arith.constant 112 : index
      %swap3A_350 = tpu.vector_load %arg7[%swap3A_348, %swap3A_349] {strides = array<i32>} : memref<128x128xf32, #tpu.memory_space<vmem>>, vector<1x16xf32>,
      %swap3A_351 = vector.shape_cast %swap3A_350 : vector<1x16xf32> to vector<16xf32>
      %swap3A_352 = vector.shape_cast %scan3A_296#7 : vector<16xf32> to vector<1x16xf32>
      tpu.vector_store %arg7[%swap3A_348, %swap3A_349], %swap3A_352 {strides = array<i32>} : memref<128x128xf32, #tpu.memory_space<vmem>>, vector<1x16xf32>,
    }
    %scan3A_139 = arith.constant 8 : i32
    %dma_wait3A_140 = arith.constant 0 : i32
    %dma_wait3A_141 = tpu.memref_slice %arg2[%add3A_113, %dma_wait3A_140] : memref<131072x128xf32, #tpu.memory_space<hbm>> -> memref<256x128xf32, #tpu.memory_space<hbm>>
    %dma_wait3A_142 = arith.constant 0 : i32
    %dma_wait3A_143 = tpu.memref_slice %arg2[%add3A_113, %dma_wait3A_142] : memref<131072x128xf32, #tpu.memory_space<hbm>> -> memref<256x128xf32, #tpu.memory_space<hbm>>
    tpu.wait_dma2 semaphore(%arg10 : memref<!tpu.dma_semaphore, #tpu.memory_space<semaphore_mem>>) src(%dma_wait3A_143 : memref<256x128xf32, #tpu.memory_space<hbm>>) dst(%arg6 : memref<256x128xf32, #tpu.memory_space<vmem>>)
    %add3A_144 = arith.constant 2560 : i32
    %add3A_145 = arith.addi %mul3A_2, %add3A_144 : i32
    %dma_start3A_146 = arith.constant 0 : i32
    %dma_start3A_147 = tpu.memref_slice %arg2[%add3A_145, %dma_start3A_146] : memref<131072x128xf32, #tpu.memory_space<hbm>> -> memref<256x128xf32, #tpu.memory_space<hbm>>
    %dma_start3A_148 = arith.constant 0 : i32
    %dma_start3A_149 = tpu.memref_slice %arg2[%add3A_145, %dma_start3A_148] : memref<131072x128xf32, #tpu.memory_space<hbm>> -> memref<256x128xf32, #tpu.memory_space<hbm>>
    tpu.enqueue_dma source(%dma_start3A_149 : memref<256x128xf32, #tpu.memory_space<hbm>>) target(%arg5 : memref<256x128xf32, #tpu.memory_space<vmem>>) target_semaphore(%arg9 : memref<!tpu.dma_semaphore, #tpu.memory_space<semaphore_mem>>)
    %scan3A_150 = arith.constant 0 : i32
    %scan3A_151 = arith.constant 0 : i32
    %scan3A_152 = arith.constant 8 : i32
    %scan3A_153 = arith.addi %scan3A_151, %scan3A_152 : i32
    %scan3A_154 = arith.constant 1 : i32
    scf.for %scan3A_258 = %scan3A_151 to %scan3A_153 step %scan3A_154  : i32 {
      %mul3A_259 = arith.constant 32 : i32
      %mul3A_260 = arith.muli %scan3A_258, %mul3A_259 : i32
      %get3A = arith.index_cast %mul3A_260 : i32 to index
      %get3A_261 = arith.constant 0 : index
      %get3A_262 = tpu.vector_load %arg6[%get3A, %get3A_261] {strides = array<i32>} : memref<256x128xf32, #tpu.memory_space<vmem>>, vector<1x16xf32>,
      %get3A_263 = vector.shape_cast %get3A_262 : vector<1x16xf32> to vector<16xf32>
      %get3A_264 = arith.index_cast %mul3A_260 : i32 to index
      %get3A_265 = arith.constant 16 : index
      %get3A_266 = tpu.vector_load %arg6[%get3A_264, %get3A_265] {strides = array<i32>} : memref<256x128xf32, #tpu.memory_space<vmem>>, vector<1x16xf32>,
      %get3A_267 = vector.shape_cast %get3A_266 : vector<1x16xf32> to vector<16xf32>
      %get3A_268 = arith.index_cast %mul3A_260 : i32 to index
      %get3A_269 = arith.constant 32 : index
      %get3A_270 = tpu.vector_load %arg6[%get3A_268, %get3A_269] {strides = array<i32>} : memref<256x128xf32, #tpu.memory_space<vmem>>, vector<1x16xf32>,
      %get3A_271 = vector.shape_cast %get3A_270 : vector<1x16xf32> to vector<16xf32>
      %get3A_272 = arith.index_cast %mul3A_260 : i32 to index
      %get3A_273 = arith.constant 48 : index
      %get3A_274 = tpu.vector_load %arg6[%get3A_272, %get3A_273] {strides = array<i32>} : memref<256x128xf32, #tpu.memory_space<vmem>>, vector<1x16xf32>,
      %get3A_275 = vector.shape_cast %get3A_274 : vector<1x16xf32> to vector<16xf32>
      %get3A_276 = arith.index_cast %mul3A_260 : i32 to index
      %get3A_277 = arith.constant 64 : index
      %get3A_278 = tpu.vector_load %arg6[%get3A_276, %get3A_277] {strides = array<i32>} : memref<256x128xf32, #tpu.memory_space<vmem>>, vector<1x16xf32>,
      %get3A_279 = vector.shape_cast %get3A_278 : vector<1x16xf32> to vector<16xf32>
      %get3A_280 = arith.index_cast %mul3A_260 : i32 to index
      %get3A_281 = arith.constant 80 : index
      %get3A_282 = tpu.vector_load %arg6[%get3A_280, %get3A_281] {strides = array<i32>} : memref<256x128xf32, #tpu.memory_space<vmem>>, vector<1x16xf32>,
      %get3A_283 = vector.shape_cast %get3A_282 : vector<1x16xf32> to vector<16xf32>
      %get3A_284 = arith.index_cast %mul3A_260 : i32 to index
      %get3A_285 = arith.constant 96 : index
      %get3A_286 = tpu.vector_load %arg6[%get3A_284, %get3A_285] {strides = array<i32>} : memref<256x128xf32, #tpu.memory_space<vmem>>, vector<1x16xf32>,
      %get3A_287 = vector.shape_cast %get3A_286 : vector<1x16xf32> to vector<16xf32>
      %get3A_288 = arith.index_cast %mul3A_260 : i32 to index
      %get3A_289 = arith.constant 112 : index
      %get3A_290 = tpu.vector_load %arg6[%get3A_288, %get3A_289] {strides = array<i32>} : memref<256x128xf32, #tpu.memory_space<vmem>>, vector<1x16xf32>,
      %get3A_291 = vector.shape_cast %get3A_290 : vector<1x16xf32> to vector<16xf32>
      %scan3A_292 = arith.constant 1 : i32
      %scan3A_293 = arith.constant 31 : i32
      %scan3A_294 = arith.addi %scan3A_292, %scan3A_293 : i32
      %scan3A_295 = arith.constant 1 : i32
      %scan3A_296:8 = scf.for %scan3A_353 = %scan3A_292 to %scan3A_294 step %scan3A_295 iter_args(%scan3A_354 = %get3A_263, %scan3A_355 = %get3A_267, %scan3A_356 = %get3A_271, %scan3A_357 = %get3A_275, %scan3A_358 = %get3A_279, %scan3A_359 = %get3A_283, %scan3A_360 = %get3A_287, %scan3A_361 = %get3A_291) -> (vector<16xf32>, vector<16xf32>, vector<16xf32>, vector<16xf32>, vector<16xf32>, vector<16xf32>, vector<16xf32>, vector<16xf32>)  : i32 {
        %add3A_362 = arith.addi %mul3A_260, %scan3A_353 : i32
        %get3A_363 = arith.index_cast %add3A_362 : i32 to index
        %get3A_364 = arith.constant 0 : index
        %get3A_365 = tpu.vector_load %arg6[%get3A_363, %get3A_364] {strides = array<i32>} : memref<256x128xf32, #tpu.memory_space<vmem>>, vector<1x16xf32>,
        %get3A_366 = vector.shape_cast %get3A_365 : vector<1x16xf32> to vector<16xf32>
        %add3A_367 = arith.addf %scan3A_354, %get3A_366 : vector<16xf32>
        %add3A_368 = arith.addi %mul3A_260, %scan3A_353 : i32
        %get3A_369 = arith.index_cast %add3A_368 : i32 to index
        %get3A_370 = arith.constant 16 : index
        %get3A_371 = tpu.vector_load %arg6[%get3A_369, %get3A_370] {strides = array<i32>} : memref<256x128xf32, #tpu.memory_space<vmem>>, vector<1x16xf32>,
        %get3A_372 = vector.shape_cast %get3A_371 : vector<1x16xf32> to vector<16xf32>
        %add3A_373 = arith.addf %scan3A_355, %get3A_372 : vector<16xf32>
        %add3A_374 = arith.addi %mul3A_260, %scan3A_353 : i32
        %get3A_375 = arith.index_cast %add3A_374 : i32 to index
        %get3A_376 = arith.constant 32 : index
        %get3A_377 = tpu.vector_load %arg6[%get3A_375, %get3A_376] {strides = array<i32>} : memref<256x128xf32, #tpu.memory_space<vmem>>, vector<1x16xf32>,
        %get3A_378 = vector.shape_cast %get3A_377 : vector<1x16xf32> to vector<16xf32>
        %add3A_379 = arith.addf %scan3A_356, %get3A_378 : vector<16xf32>
        %add3A_380 = arith.addi %mul3A_260, %scan3A_353 : i32
        %get3A_381 = arith.index_cast %add3A_380 : i32 to index
        %get3A_382 = arith.constant 48 : index
        %get3A_383 = tpu.vector_load %arg6[%get3A_381, %get3A_382] {strides = array<i32>} : memref<256x128xf32, #tpu.memory_space<vmem>>, vector<1x16xf32>,
        %get3A_384 = vector.shape_cast %get3A_383 : vector<1x16xf32> to vector<16xf32>
        %add3A_385 = arith.addf %scan3A_357, %get3A_384 : vector<16xf32>
        %add3A_386 = arith.addi %mul3A_260, %scan3A_353 : i32
        %get3A_387 = arith.index_cast %add3A_386 : i32 to index
        %get3A_388 = arith.constant 64 : index
        %get3A_389 = tpu.vector_load %arg6[%get3A_387, %get3A_388] {strides = array<i32>} : memref<256x128xf32, #tpu.memory_space<vmem>>, vector<1x16xf32>,
        %get3A_390 = vector.shape_cast %get3A_389 : vector<1x16xf32> to vector<16xf32>
        %add3A_391 = arith.addf %scan3A_358, %get3A_390 : vector<16xf32>
        %add3A_392 = arith.addi %mul3A_260, %scan3A_353 : i32
        %get3A_393 = arith.index_cast %add3A_392 : i32 to index
        %get3A_394 = arith.constant 80 : index
        %get3A_395 = tpu.vector_load %arg6[%get3A_393, %get3A_394] {strides = array<i32>} : memref<256x128xf32, #tpu.memory_space<vmem>>, vector<1x16xf32>,
        %get3A_396 = vector.shape_cast %get3A_395 : vector<1x16xf32> to vector<16xf32>
        %add3A_397 = arith.addf %scan3A_359, %get3A_396 : vector<16xf32>
        %add3A_398 = arith.addi %mul3A_260, %scan3A_353 : i32
        %get3A_399 = arith.index_cast %add3A_398 : i32 to index
        %get3A_400 = arith.constant 96 : index
        %get3A_401 = tpu.vector_load %arg6[%get3A_399, %get3A_400] {strides = array<i32>} : memref<256x128xf32, #tpu.memory_space<vmem>>, vector<1x16xf32>,
        %get3A_402 = vector.shape_cast %get3A_401 : vector<1x16xf32> to vector<16xf32>
        %add3A_403 = arith.addf %scan3A_360, %get3A_402 : vector<16xf32>
        %add3A_404 = arith.addi %mul3A_260, %scan3A_353 : i32
        %get3A_405 = arith.index_cast %add3A_404 : i32 to index
        %get3A_406 = arith.constant 112 : index
        %get3A_407 = tpu.vector_load %arg6[%get3A_405, %get3A_406] {strides = array<i32>} : memref<256x128xf32, #tpu.memory_space<vmem>>, vector<1x16xf32>,
        %get3A_408 = vector.shape_cast %get3A_407 : vector<1x16xf32> to vector<16xf32>
        %add3A_409 = arith.addf %scan3A_361, %get3A_408 : vector<16xf32>
        scf.yield %add3A_367, %add3A_373, %add3A_379, %add3A_385, %add3A_391, %add3A_397, %add3A_403, %add3A_409 : vector<16xf32>, vector<16xf32>, vector<16xf32>, vector<16xf32>, vector<16xf32>, vector<16xf32>, vector<16xf32>, vector<16xf32>
      }
      %scan3A_297 = arith.constant 31 : i32
      %add3A_298 = arith.constant 64 : i32
      %add3A_299 = arith.addi %add3A_298, %scan3A_258 : i32
      %swap3A = arith.index_cast %add3A_299 : i32 to index
      %swap3A_300 = arith.constant 0 : index
      %swap3A_301 = tpu.vector_load %arg7[%swap3A, %swap3A_300] {strides = array<i32>} : memref<128x128xf32, #tpu.memory_space<vmem>>, vector<1x16xf32>,
      %swap3A_302 = vector.shape_cast %swap3A_301 : vector<1x16xf32> to vector<16xf32>
      %swap3A_303 = vector.shape_cast %scan3A_296#0 : vector<16xf32> to vector<1x16xf32>
      tpu.vector_store %arg7[%swap3A, %swap3A_300], %swap3A_303 {strides = array<i32>} : memref<128x128xf32, #tpu.memory_space<vmem>>, vector<1x16xf32>,
      %add3A_304 = arith.constant 64 : i32
      %add3A_305 = arith.addi %add3A_304, %scan3A_258 : i32
      %swap3A_306 = arith.index_cast %add3A_305 : i32 to index
      %swap3A_307 = arith.constant 16 : index
      %swap3A_308 = tpu.vector_load %arg7[%swap3A_306, %swap3A_307] {strides = array<i32>} : memref<128x128xf32, #tpu.memory_space<vmem>>, vector<1x16xf32>,
      %swap3A_309 = vector.shape_cast %swap3A_308 : vector<1x16xf32> to vector<16xf32>
      %swap3A_310 = vector.shape_cast %scan3A_296#1 : vector<16xf32> to vector<1x16xf32>
      tpu.vector_store %arg7[%swap3A_306, %swap3A_307], %swap3A_310 {strides = array<i32>} : memref<128x128xf32, #tpu.memory_space<vmem>>, vector<1x16xf32>,
      %add3A_311 = arith.constant 64 : i32
      %add3A_312 = arith.addi %add3A_311, %scan3A_258 : i32
      %swap3A_313 = arith.index_cast %add3A_312 : i32 to index
      %swap3A_314 = arith.constant 32 : index
      %swap3A_315 = tpu.vector_load %arg7[%swap3A_313, %swap3A_314] {strides = array<i32>} : memref<128x128xf32, #tpu.memory_space<vmem>>, vector<1x16xf32>,
      %swap3A_316 = vector.shape_cast %swap3A_315 : vector<1x16xf32> to vector<16xf32>
      %swap3A_317 = vector.shape_cast %scan3A_296#2 : vector<16xf32> to vector<1x16xf32>
      tpu.vector_store %arg7[%swap3A_313, %swap3A_314], %swap3A_317 {strides = array<i32>} : memref<128x128xf32, #tpu.memory_space<vmem>>, vector<1x16xf32>,
      %add3A_318 = arith.constant 64 : i32
      %add3A_319 = arith.addi %add3A_318, %scan3A_258 : i32
      %swap3A_320 = arith.index_cast %add3A_319 : i32 to index
      %swap3A_321 = arith.constant 48 : index
      %swap3A_322 = tpu.vector_load %arg7[%swap3A_320, %swap3A_321] {strides = array<i32>} : memref<128x128xf32, #tpu.memory_space<vmem>>, vector<1x16xf32>,
      %swap3A_323 = vector.shape_cast %swap3A_322 : vector<1x16xf32> to vector<16xf32>
      %swap3A_324 = vector.shape_cast %scan3A_296#3 : vector<16xf32> to vector<1x16xf32>
      tpu.vector_store %arg7[%swap3A_320, %swap3A_321], %swap3A_324 {strides = array<i32>} : memref<128x128xf32, #tpu.memory_space<vmem>>, vector<1x16xf32>,
      %add3A_325 = arith.constant 64 : i32
      %add3A_326 = arith.addi %add3A_325, %scan3A_258 : i32
      %swap3A_327 = arith.index_cast %add3A_326 : i32 to index
      %swap3A_328 = arith.constant 64 : index
      %swap3A_329 = tpu.vector_load %arg7[%swap3A_327, %swap3A_328] {strides = array<i32>} : memref<128x128xf32, #tpu.memory_space<vmem>>, vector<1x16xf32>,
      %swap3A_330 = vector.shape_cast %swap3A_329 : vector<1x16xf32> to vector<16xf32>
      %swap3A_331 = vector.shape_cast %scan3A_296#4 : vector<16xf32> to vector<1x16xf32>
      tpu.vector_store %arg7[%swap3A_327, %swap3A_328], %swap3A_331 {strides = array<i32>} : memref<128x128xf32, #tpu.memory_space<vmem>>, vector<1x16xf32>,
      %add3A_332 = arith.constant 64 : i32
      %add3A_333 = arith.addi %add3A_332, %scan3A_258 : i32
      %swap3A_334 = arith.index_cast %add3A_333 : i32 to index
      %swap3A_335 = arith.constant 80 : index
      %swap3A_336 = tpu.vector_load %arg7[%swap3A_334, %swap3A_335] {strides = array<i32>} : memref<128x128xf32, #tpu.memory_space<vmem>>, vector<1x16xf32>,
      %swap3A_337 = vector.shape_cast %swap3A_336 : vector<1x16xf32> to vector<16xf32>
      %swap3A_338 = vector.shape_cast %scan3A_296#5 : vector<16xf32> to vector<1x16xf32>
      tpu.vector_store %arg7[%swap3A_334, %swap3A_335], %swap3A_338 {strides = array<i32>} : memref<128x128xf32, #tpu.memory_space<vmem>>, vector<1x16xf32>,
      %add3A_339 = arith.constant 64 : i32
      %add3A_340 = arith.addi %add3A_339, %scan3A_258 : i32
      %swap3A_341 = arith.index_cast %add3A_340 : i32 to index
      %swap3A_342 = arith.constant 96 : index
      %swap3A_343 = tpu.vector_load %arg7[%swap3A_341, %swap3A_342] {strides = array<i32>} : memref<128x128xf32, #tpu.memory_space<vmem>>, vector<1x16xf32>,
      %swap3A_344 = vector.shape_cast %swap3A_343 : vector<1x16xf32> to vector<16xf32>
      %swap3A_345 = vector.shape_cast %scan3A_296#6 : vector<16xf32> to vector<1x16xf32>
      tpu.vector_store %arg7[%swap3A_341, %swap3A_342], %swap3A_345 {strides = array<i32>} : memref<128x128xf32, #tpu.memory_space<vmem>>, vector<1x16xf32>,
      %add3A_346 = arith.constant 64 : i32
      %add3A_347 = arith.addi %add3A_346, %scan3A_258 : i32
      %swap3A_348 = arith.index_cast %add3A_347 : i32 to index
      %swap3A_349 = arith.constant 112 : index
      %swap3A_350 = tpu.vector_load %arg7[%swap3A_348, %swap3A_349] {strides = array<i32>} : memref<128x128xf32, #tpu.memory_space<vmem>>, vector<1x16xf32>,
      %swap3A_351 = vector.shape_cast %swap3A_350 : vector<1x16xf32> to vector<16xf32>
      %swap3A_352 = vector.shape_cast %scan3A_296#7 : vector<16xf32> to vector<1x16xf32>
      tpu.vector_store %arg7[%swap3A_348, %swap3A_349], %swap3A_352 {strides = array<i32>} : memref<128x128xf32, #tpu.memory_space<vmem>>, vector<1x16xf32>,
    }
    %scan3A_155 = arith.constant 8 : i32
    %dma_wait3A_156 = arith.constant 0 : i32
    %dma_wait3A_157 = tpu.memref_slice %arg2[%add3A_129, %dma_wait3A_156] : memref<131072x128xf32, #tpu.memory_space<hbm>> -> memref<256x128xf32, #tpu.memory_space<hbm>>
    %dma_wait3A_158 = arith.constant 0 : i32
    %dma_wait3A_159 = tpu.memref_slice %arg2[%add3A_129, %dma_wait3A_158] : memref<131072x128xf32, #tpu.memory_space<hbm>> -> memref<256x128xf32, #tpu.memory_space<hbm>>
    tpu.wait_dma2 semaphore(%arg8 : memref<!tpu.dma_semaphore, #tpu.memory_space<semaphore_mem>>) src(%dma_wait3A_159 : memref<256x128xf32, #tpu.memory_space<hbm>>) dst(%arg4 : memref<256x128xf32, #tpu.memory_space<vmem>>)
    %add3A_160 = arith.constant 2816 : i32
    %add3A_161 = arith.addi %mul3A_2, %add3A_160 : i32
    %dma_start3A_162 = arith.constant 0 : i32
    %dma_start3A_163 = tpu.memref_slice %arg2[%add3A_161, %dma_start3A_162] : memref<131072x128xf32, #tpu.memory_space<hbm>> -> memref<256x128xf32, #tpu.memory_space<hbm>>
    %dma_start3A_164 = arith.constant 0 : i32
    %dma_start3A_165 = tpu.memref_slice %arg2[%add3A_161, %dma_start3A_164] : memref<131072x128xf32, #tpu.memory_space<hbm>> -> memref<256x128xf32, #tpu.memory_space<hbm>>
    tpu.enqueue_dma source(%dma_start3A_165 : memref<256x128xf32, #tpu.memory_space<hbm>>) target(%arg6 : memref<256x128xf32, #tpu.memory_space<vmem>>) target_semaphore(%arg10 : memref<!tpu.dma_semaphore, #tpu.memory_space<semaphore_mem>>)
    %scan3A_166 = arith.constant 0 : i32
    %scan3A_167 = arith.constant 0 : i32
    %scan3A_168 = arith.constant 8 : i32
    %scan3A_169 = arith.addi %scan3A_167, %scan3A_168 : i32
    %scan3A_170 = arith.constant 1 : i32
    scf.for %scan3A_258 = %scan3A_167 to %scan3A_169 step %scan3A_170  : i32 {
      %mul3A_259 = arith.constant 32 : i32
      %mul3A_260 = arith.muli %scan3A_258, %mul3A_259 : i32
      %get3A = arith.index_cast %mul3A_260 : i32 to index
      %get3A_261 = arith.constant 0 : index
      %get3A_262 = tpu.vector_load %arg4[%get3A, %get3A_261] {strides = array<i32>} : memref<256x128xf32, #tpu.memory_space<vmem>>, vector<1x16xf32>,
      %get3A_263 = vector.shape_cast %get3A_262 : vector<1x16xf32> to vector<16xf32>
      %get3A_264 = arith.index_cast %mul3A_260 : i32 to index
      %get3A_265 = arith.constant 16 : index
      %get3A_266 = tpu.vector_load %arg4[%get3A_264, %get3A_265] {strides = array<i32>} : memref<256x128xf32, #tpu.memory_space<vmem>>, vector<1x16xf32>,
      %get3A_267 = vector.shape_cast %get3A_266 : vector<1x16xf32> to vector<16xf32>
      %get3A_268 = arith.index_cast %mul3A_260 : i32 to index
      %get3A_269 = arith.constant 32 : index
      %get3A_270 = tpu.vector_load %arg4[%get3A_268, %get3A_269] {strides = array<i32>} : memref<256x128xf32, #tpu.memory_space<vmem>>, vector<1x16xf32>,
      %get3A_271 = vector.shape_cast %get3A_270 : vector<1x16xf32> to vector<16xf32>
      %get3A_272 = arith.index_cast %mul3A_260 : i32 to index
      %get3A_273 = arith.constant 48 : index
      %get3A_274 = tpu.vector_load %arg4[%get3A_272, %get3A_273] {strides = array<i32>} : memref<256x128xf32, #tpu.memory_space<vmem>>, vector<1x16xf32>,
      %get3A_275 = vector.shape_cast %get3A_274 : vector<1x16xf32> to vector<16xf32>
      %get3A_276 = arith.index_cast %mul3A_260 : i32 to index
      %get3A_277 = arith.constant 64 : index
      %get3A_278 = tpu.vector_load %arg4[%get3A_276, %get3A_277] {strides = array<i32>} : memref<256x128xf32, #tpu.memory_space<vmem>>, vector<1x16xf32>,
      %get3A_279 = vector.shape_cast %get3A_278 : vector<1x16xf32> to vector<16xf32>
      %get3A_280 = arith.index_cast %mul3A_260 : i32 to index
      %get3A_281 = arith.constant 80 : index
      %get3A_282 = tpu.vector_load %arg4[%get3A_280, %get3A_281] {strides = array<i32>} : memref<256x128xf32, #tpu.memory_space<vmem>>, vector<1x16xf32>,
      %get3A_283 = vector.shape_cast %get3A_282 : vector<1x16xf32> to vector<16xf32>
      %get3A_284 = arith.index_cast %mul3A_260 : i32 to index
      %get3A_285 = arith.constant 96 : index
      %get3A_286 = tpu.vector_load %arg4[%get3A_284, %get3A_285] {strides = array<i32>} : memref<256x128xf32, #tpu.memory_space<vmem>>, vector<1x16xf32>,
      %get3A_287 = vector.shape_cast %get3A_286 : vector<1x16xf32> to vector<16xf32>
      %get3A_288 = arith.index_cast %mul3A_260 : i32 to index
      %get3A_289 = arith.constant 112 : index
      %get3A_290 = tpu.vector_load %arg4[%get3A_288, %get3A_289] {strides = array<i32>} : memref<256x128xf32, #tpu.memory_space<vmem>>, vector<1x16xf32>,
      %get3A_291 = vector.shape_cast %get3A_290 : vector<1x16xf32> to vector<16xf32>
      %scan3A_292 = arith.constant 1 : i32
      %scan3A_293 = arith.constant 31 : i32
      %scan3A_294 = arith.addi %scan3A_292, %scan3A_293 : i32
      %scan3A_295 = arith.constant 1 : i32
      %scan3A_296:8 = scf.for %scan3A_353 = %scan3A_292 to %scan3A_294 step %scan3A_295 iter_args(%scan3A_354 = %get3A_263, %scan3A_355 = %get3A_267, %scan3A_356 = %get3A_271, %scan3A_357 = %get3A_275, %scan3A_358 = %get3A_279, %scan3A_359 = %get3A_283, %scan3A_360 = %get3A_287, %scan3A_361 = %get3A_291) -> (vector<16xf32>, vector<16xf32>, vector<16xf32>, vector<16xf32>, vector<16xf32>, vector<16xf32>, vector<16xf32>, vector<16xf32>)  : i32 {
        %add3A_362 = arith.addi %mul3A_260, %scan3A_353 : i32
        %get3A_363 = arith.index_cast %add3A_362 : i32 to index
        %get3A_364 = arith.constant 0 : index
        %get3A_365 = tpu.vector_load %arg4[%get3A_363, %get3A_364] {strides = array<i32>} : memref<256x128xf32, #tpu.memory_space<vmem>>, vector<1x16xf32>,
        %get3A_366 = vector.shape_cast %get3A_365 : vector<1x16xf32> to vector<16xf32>
        %add3A_367 = arith.addf %scan3A_354, %get3A_366 : vector<16xf32>
        %add3A_368 = arith.addi %mul3A_260, %scan3A_353 : i32
        %get3A_369 = arith.index_cast %add3A_368 : i32 to index
        %get3A_370 = arith.constant 16 : index
        %get3A_371 = tpu.vector_load %arg4[%get3A_369, %get3A_370] {strides = array<i32>} : memref<256x128xf32, #tpu.memory_space<vmem>>, vector<1x16xf32>,
        %get3A_372 = vector.shape_cast %get3A_371 : vector<1x16xf32> to vector<16xf32>
        %add3A_373 = arith.addf %scan3A_355, %get3A_372 : vector<16xf32>
        %add3A_374 = arith.addi %mul3A_260, %scan3A_353 : i32
        %get3A_375 = arith.index_cast %add3A_374 : i32 to index
        %get3A_376 = arith.constant 32 : index
        %get3A_377 = tpu.vector_load %arg4[%get3A_375, %get3A_376] {strides = array<i32>} : memref<256x128xf32, #tpu.memory_space<vmem>>, vector<1x16xf32>,
        %get3A_378 = vector.shape_cast %get3A_377 : vector<1x16xf32> to vector<16xf32>
        %add3A_379 = arith.addf %scan3A_356, %get3A_378 : vector<16xf32>
        %add3A_380 = arith.addi %mul3A_260, %scan3A_353 : i32
        %get3A_381 = arith.index_cast %add3A_380 : i32 to index
        %get3A_382 = arith.constant 48 : index
        %get3A_383 = tpu.vector_load %arg4[%get3A_381, %get3A_382] {strides = array<i32>} : memref<256x128xf32, #tpu.memory_space<vmem>>, vector<1x16xf32>,
        %get3A_384 = vector.shape_cast %get3A_383 : vector<1x16xf32> to vector<16xf32>
        %add3A_385 = arith.addf %scan3A_357, %get3A_384 : vector<16xf32>
        %add3A_386 = arith.addi %mul3A_260, %scan3A_353 : i32
        %get3A_387 = arith.index_cast %add3A_386 : i32 to index
        %get3A_388 = arith.constant 64 : index
        %get3A_389 = tpu.vector_load %arg4[%get3A_387, %get3A_388] {strides = array<i32>} : memref<256x128xf32, #tpu.memory_space<vmem>>, vector<1x16xf32>,
        %get3A_390 = vector.shape_cast %get3A_389 : vector<1x16xf32> to vector<16xf32>
        %add3A_391 = arith.addf %scan3A_358, %get3A_390 : vector<16xf32>
        %add3A_392 = arith.addi %mul3A_260, %scan3A_353 : i32
        %get3A_393 = arith.index_cast %add3A_392 : i32 to index
        %get3A_394 = arith.constant 80 : index
        %get3A_395 = tpu.vector_load %arg4[%get3A_393, %get3A_394] {strides = array<i32>} : memref<256x128xf32, #tpu.memory_space<vmem>>, vector<1x16xf32>,
        %get3A_396 = vector.shape_cast %get3A_395 : vector<1x16xf32> to vector<16xf32>
        %add3A_397 = arith.addf %scan3A_359, %get3A_396 : vector<16xf32>
        %add3A_398 = arith.addi %mul3A_260, %scan3A_353 : i32
        %get3A_399 = arith.index_cast %add3A_398 : i32 to index
        %get3A_400 = arith.constant 96 : index
        %get3A_401 = tpu.vector_load %arg4[%get3A_399, %get3A_400] {strides = array<i32>} : memref<256x128xf32, #tpu.memory_space<vmem>>, vector<1x16xf32>,
        %get3A_402 = vector.shape_cast %get3A_401 : vector<1x16xf32> to vector<16xf32>
        %add3A_403 = arith.addf %scan3A_360, %get3A_402 : vector<16xf32>
        %add3A_404 = arith.addi %mul3A_260, %scan3A_353 : i32
        %get3A_405 = arith.index_cast %add3A_404 : i32 to index
        %get3A_406 = arith.constant 112 : index
        %get3A_407 = tpu.vector_load %arg4[%get3A_405, %get3A_406] {strides = array<i32>} : memref<256x128xf32, #tpu.memory_space<vmem>>, vector<1x16xf32>,
        %get3A_408 = vector.shape_cast %get3A_407 : vector<1x16xf32> to vector<16xf32>
        %add3A_409 = arith.addf %scan3A_361, %get3A_408 : vector<16xf32>
        scf.yield %add3A_367, %add3A_373, %add3A_379, %add3A_385, %add3A_391, %add3A_397, %add3A_403, %add3A_409 : vector<16xf32>, vector<16xf32>, vector<16xf32>, vector<16xf32>, vector<16xf32>, vector<16xf32>, vector<16xf32>, vector<16xf32>
      }
      %scan3A_297 = arith.constant 31 : i32
      %add3A_298 = arith.constant 72 : i32
      %add3A_299 = arith.addi %add3A_298, %scan3A_258 : i32
      %swap3A = arith.index_cast %add3A_299 : i32 to index
      %swap3A_300 = arith.constant 0 : index
      %swap3A_301 = tpu.vector_load %arg7[%swap3A, %swap3A_300] {strides = array<i32>} : memref<128x128xf32, #tpu.memory_space<vmem>>, vector<1x16xf32>,
      %swap3A_302 = vector.shape_cast %swap3A_301 : vector<1x16xf32> to vector<16xf32>
      %swap3A_303 = vector.shape_cast %scan3A_296#0 : vector<16xf32> to vector<1x16xf32>
      tpu.vector_store %arg7[%swap3A, %swap3A_300], %swap3A_303 {strides = array<i32>} : memref<128x128xf32, #tpu.memory_space<vmem>>, vector<1x16xf32>,
      %add3A_304 = arith.constant 72 : i32
      %add3A_305 = arith.addi %add3A_304, %scan3A_258 : i32
      %swap3A_306 = arith.index_cast %add3A_305 : i32 to index
      %swap3A_307 = arith.constant 16 : index
      %swap3A_308 = tpu.vector_load %arg7[%swap3A_306, %swap3A_307] {strides = array<i32>} : memref<128x128xf32, #tpu.memory_space<vmem>>, vector<1x16xf32>,
      %swap3A_309 = vector.shape_cast %swap3A_308 : vector<1x16xf32> to vector<16xf32>
      %swap3A_310 = vector.shape_cast %scan3A_296#1 : vector<16xf32> to vector<1x16xf32>
      tpu.vector_store %arg7[%swap3A_306, %swap3A_307], %swap3A_310 {strides = array<i32>} : memref<128x128xf32, #tpu.memory_space<vmem>>, vector<1x16xf32>,
      %add3A_311 = arith.constant 72 : i32
      %add3A_312 = arith.addi %add3A_311, %scan3A_258 : i32
      %swap3A_313 = arith.index_cast %add3A_312 : i32 to index
      %swap3A_314 = arith.constant 32 : index
      %swap3A_315 = tpu.vector_load %arg7[%swap3A_313, %swap3A_314] {strides = array<i32>} : memref<128x128xf32, #tpu.memory_space<vmem>>, vector<1x16xf32>,
      %swap3A_316 = vector.shape_cast %swap3A_315 : vector<1x16xf32> to vector<16xf32>
      %swap3A_317 = vector.shape_cast %scan3A_296#2 : vector<16xf32> to vector<1x16xf32>
      tpu.vector_store %arg7[%swap3A_313, %swap3A_314], %swap3A_317 {strides = array<i32>} : memref<128x128xf32, #tpu.memory_space<vmem>>, vector<1x16xf32>,
      %add3A_318 = arith.constant 72 : i32
      %add3A_319 = arith.addi %add3A_318, %scan3A_258 : i32
      %swap3A_320 = arith.index_cast %add3A_319 : i32 to index
      %swap3A_321 = arith.constant 48 : index
      %swap3A_322 = tpu.vector_load %arg7[%swap3A_320, %swap3A_321] {strides = array<i32>} : memref<128x128xf32, #tpu.memory_space<vmem>>, vector<1x16xf32>,
      %swap3A_323 = vector.shape_cast %swap3A_322 : vector<1x16xf32> to vector<16xf32>
      %swap3A_324 = vector.shape_cast %scan3A_296#3 : vector<16xf32> to vector<1x16xf32>
      tpu.vector_store %arg7[%swap3A_320, %swap3A_321], %swap3A_324 {strides = array<i32>} : memref<128x128xf32, #tpu.memory_space<vmem>>, vector<1x16xf32>,
      %add3A_325 = arith.constant 72 : i32
      %add3A_326 = arith.addi %add3A_325, %scan3A_258 : i32
      %swap3A_327 = arith.index_cast %add3A_326 : i32 to index
      %swap3A_328 = arith.constant 64 : index
      %swap3A_329 = tpu.vector_load %arg7[%swap3A_327, %swap3A_328] {strides = array<i32>} : memref<128x128xf32, #tpu.memory_space<vmem>>, vector<1x16xf32>,
      %swap3A_330 = vector.shape_cast %swap3A_329 : vector<1x16xf32> to vector<16xf32>
      %swap3A_331 = vector.shape_cast %scan3A_296#4 : vector<16xf32> to vector<1x16xf32>
      tpu.vector_store %arg7[%swap3A_327, %swap3A_328], %swap3A_331 {strides = array<i32>} : memref<128x128xf32, #tpu.memory_space<vmem>>, vector<1x16xf32>,
      %add3A_332 = arith.constant 72 : i32
      %add3A_333 = arith.addi %add3A_332, %scan3A_258 : i32
      %swap3A_334 = arith.index_cast %add3A_333 : i32 to index
      %swap3A_335 = arith.constant 80 : index
      %swap3A_336 = tpu.vector_load %arg7[%swap3A_334, %swap3A_335] {strides = array<i32>} : memref<128x128xf32, #tpu.memory_space<vmem>>, vector<1x16xf32>,
      %swap3A_337 = vector.shape_cast %swap3A_336 : vector<1x16xf32> to vector<16xf32>
      %swap3A_338 = vector.shape_cast %scan3A_296#5 : vector<16xf32> to vector<1x16xf32>
      tpu.vector_store %arg7[%swap3A_334, %swap3A_335], %swap3A_338 {strides = array<i32>} : memref<128x128xf32, #tpu.memory_space<vmem>>, vector<1x16xf32>,
      %add3A_339 = arith.constant 72 : i32
      %add3A_340 = arith.addi %add3A_339, %scan3A_258 : i32
      %swap3A_341 = arith.index_cast %add3A_340 : i32 to index
      %swap3A_342 = arith.constant 96 : index
      %swap3A_343 = tpu.vector_load %arg7[%swap3A_341, %swap3A_342] {strides = array<i32>} : memref<128x128xf32, #tpu.memory_space<vmem>>, vector<1x16xf32>,
      %swap3A_344 = vector.shape_cast %swap3A_343 : vector<1x16xf32> to vector<16xf32>
      %swap3A_345 = vector.shape_cast %scan3A_296#6 : vector<16xf32> to vector<1x16xf32>
      tpu.vector_store %arg7[%swap3A_341, %swap3A_342], %swap3A_345 {strides = array<i32>} : memref<128x128xf32, #tpu.memory_space<vmem>>, vector<1x16xf32>,
      %add3A_346 = arith.constant 72 : i32
      %add3A_347 = arith.addi %add3A_346, %scan3A_258 : i32
      %swap3A_348 = arith.index_cast %add3A_347 : i32 to index
      %swap3A_349 = arith.constant 112 : index
      %swap3A_350 = tpu.vector_load %arg7[%swap3A_348, %swap3A_349] {strides = array<i32>} : memref<128x128xf32, #tpu.memory_space<vmem>>, vector<1x16xf32>,
      %swap3A_351 = vector.shape_cast %swap3A_350 : vector<1x16xf32> to vector<16xf32>
      %swap3A_352 = vector.shape_cast %scan3A_296#7 : vector<16xf32> to vector<1x16xf32>
      tpu.vector_store %arg7[%swap3A_348, %swap3A_349], %swap3A_352 {strides = array<i32>} : memref<128x128xf32, #tpu.memory_space<vmem>>, vector<1x16xf32>,
    }
    %scan3A_171 = arith.constant 8 : i32
    %dma_wait3A_172 = arith.constant 0 : i32
    %dma_wait3A_173 = tpu.memref_slice %arg2[%add3A_145, %dma_wait3A_172] : memref<131072x128xf32, #tpu.memory_space<hbm>> -> memref<256x128xf32, #tpu.memory_space<hbm>>
    %dma_wait3A_174 = arith.constant 0 : i32
    %dma_wait3A_175 = tpu.memref_slice %arg2[%add3A_145, %dma_wait3A_174] : memref<131072x128xf32, #tpu.memory_space<hbm>> -> memref<256x128xf32, #tpu.memory_space<hbm>>
    tpu.wait_dma2 semaphore(%arg9 : memref<!tpu.dma_semaphore, #tpu.memory_space<semaphore_mem>>) src(%dma_wait3A_175 : memref<256x128xf32, #tpu.memory_space<hbm>>) dst(%arg5 : memref<256x128xf32, #tpu.memory_space<vmem>>)
    %add3A_176 = arith.constant 3072 : i32
    %add3A_177 = arith.addi %mul3A_2, %add3A_176 : i32
    %dma_start3A_178 = arith.constant 0 : i32
    %dma_start3A_179 = tpu.memref_slice %arg2[%add3A_177, %dma_start3A_178] : memref<131072x128xf32, #tpu.memory_space<hbm>> -> memref<256x128xf32, #tpu.memory_space<hbm>>
    %dma_start3A_180 = arith.constant 0 : i32
    %dma_start3A_181 = tpu.memref_slice %arg2[%add3A_177, %dma_start3A_180] : memref<131072x128xf32, #tpu.memory_space<hbm>> -> memref<256x128xf32, #tpu.memory_space<hbm>>
    tpu.enqueue_dma source(%dma_start3A_181 : memref<256x128xf32, #tpu.memory_space<hbm>>) target(%arg4 : memref<256x128xf32, #tpu.memory_space<vmem>>) target_semaphore(%arg8 : memref<!tpu.dma_semaphore, #tpu.memory_space<semaphore_mem>>)
    %scan3A_182 = arith.constant 0 : i32
    %scan3A_183 = arith.constant 0 : i32
    %scan3A_184 = arith.constant 8 : i32
    %scan3A_185 = arith.addi %scan3A_183, %scan3A_184 : i32
    %scan3A_186 = arith.constant 1 : i32
    scf.for %scan3A_258 = %scan3A_183 to %scan3A_185 step %scan3A_186  : i32 {
      %mul3A_259 = arith.constant 32 : i32
      %mul3A_260 = arith.muli %scan3A_258, %mul3A_259 : i32
      %get3A = arith.index_cast %mul3A_260 : i32 to index
      %get3A_261 = arith.constant 0 : index
      %get3A_262 = tpu.vector_load %arg5[%get3A, %get3A_261] {strides = array<i32>} : memref<256x128xf32, #tpu.memory_space<vmem>>, vector<1x16xf32>,
      %get3A_263 = vector.shape_cast %get3A_262 : vector<1x16xf32> to vector<16xf32>
      %get3A_264 = arith.index_cast %mul3A_260 : i32 to index
      %get3A_265 = arith.constant 16 : index
      %get3A_266 = tpu.vector_load %arg5[%get3A_264, %get3A_265] {strides = array<i32>} : memref<256x128xf32, #tpu.memory_space<vmem>>, vector<1x16xf32>,
      %get3A_267 = vector.shape_cast %get3A_266 : vector<1x16xf32> to vector<16xf32>
      %get3A_268 = arith.index_cast %mul3A_260 : i32 to index
      %get3A_269 = arith.constant 32 : index
      %get3A_270 = tpu.vector_load %arg5[%get3A_268, %get3A_269] {strides = array<i32>} : memref<256x128xf32, #tpu.memory_space<vmem>>, vector<1x16xf32>,
      %get3A_271 = vector.shape_cast %get3A_270 : vector<1x16xf32> to vector<16xf32>
      %get3A_272 = arith.index_cast %mul3A_260 : i32 to index
      %get3A_273 = arith.constant 48 : index
      %get3A_274 = tpu.vector_load %arg5[%get3A_272, %get3A_273] {strides = array<i32>} : memref<256x128xf32, #tpu.memory_space<vmem>>, vector<1x16xf32>,
      %get3A_275 = vector.shape_cast %get3A_274 : vector<1x16xf32> to vector<16xf32>
      %get3A_276 = arith.index_cast %mul3A_260 : i32 to index
      %get3A_277 = arith.constant 64 : index
      %get3A_278 = tpu.vector_load %arg5[%get3A_276, %get3A_277] {strides = array<i32>} : memref<256x128xf32, #tpu.memory_space<vmem>>, vector<1x16xf32>,
      %get3A_279 = vector.shape_cast %get3A_278 : vector<1x16xf32> to vector<16xf32>
      %get3A_280 = arith.index_cast %mul3A_260 : i32 to index
      %get3A_281 = arith.constant 80 : index
      %get3A_282 = tpu.vector_load %arg5[%get3A_280, %get3A_281] {strides = array<i32>} : memref<256x128xf32, #tpu.memory_space<vmem>>, vector<1x16xf32>,
      %get3A_283 = vector.shape_cast %get3A_282 : vector<1x16xf32> to vector<16xf32>
      %get3A_284 = arith.index_cast %mul3A_260 : i32 to index
      %get3A_285 = arith.constant 96 : index
      %get3A_286 = tpu.vector_load %arg5[%get3A_284, %get3A_285] {strides = array<i32>} : memref<256x128xf32, #tpu.memory_space<vmem>>, vector<1x16xf32>,
      %get3A_287 = vector.shape_cast %get3A_286 : vector<1x16xf32> to vector<16xf32>
      %get3A_288 = arith.index_cast %mul3A_260 : i32 to index
      %get3A_289 = arith.constant 112 : index
      %get3A_290 = tpu.vector_load %arg5[%get3A_288, %get3A_289] {strides = array<i32>} : memref<256x128xf32, #tpu.memory_space<vmem>>, vector<1x16xf32>,
      %get3A_291 = vector.shape_cast %get3A_290 : vector<1x16xf32> to vector<16xf32>
      %scan3A_292 = arith.constant 1 : i32
      %scan3A_293 = arith.constant 31 : i32
      %scan3A_294 = arith.addi %scan3A_292, %scan3A_293 : i32
      %scan3A_295 = arith.constant 1 : i32
      %scan3A_296:8 = scf.for %scan3A_353 = %scan3A_292 to %scan3A_294 step %scan3A_295 iter_args(%scan3A_354 = %get3A_263, %scan3A_355 = %get3A_267, %scan3A_356 = %get3A_271, %scan3A_357 = %get3A_275, %scan3A_358 = %get3A_279, %scan3A_359 = %get3A_283, %scan3A_360 = %get3A_287, %scan3A_361 = %get3A_291) -> (vector<16xf32>, vector<16xf32>, vector<16xf32>, vector<16xf32>, vector<16xf32>, vector<16xf32>, vector<16xf32>, vector<16xf32>)  : i32 {
        %add3A_362 = arith.addi %mul3A_260, %scan3A_353 : i32
        %get3A_363 = arith.index_cast %add3A_362 : i32 to index
        %get3A_364 = arith.constant 0 : index
        %get3A_365 = tpu.vector_load %arg5[%get3A_363, %get3A_364] {strides = array<i32>} : memref<256x128xf32, #tpu.memory_space<vmem>>, vector<1x16xf32>,
        %get3A_366 = vector.shape_cast %get3A_365 : vector<1x16xf32> to vector<16xf32>
        %add3A_367 = arith.addf %scan3A_354, %get3A_366 : vector<16xf32>
        %add3A_368 = arith.addi %mul3A_260, %scan3A_353 : i32
        %get3A_369 = arith.index_cast %add3A_368 : i32 to index
        %get3A_370 = arith.constant 16 : index
        %get3A_371 = tpu.vector_load %arg5[%get3A_369, %get3A_370] {strides = array<i32>} : memref<256x128xf32, #tpu.memory_space<vmem>>, vector<1x16xf32>,
        %get3A_372 = vector.shape_cast %get3A_371 : vector<1x16xf32> to vector<16xf32>
        %add3A_373 = arith.addf %scan3A_355, %get3A_372 : vector<16xf32>
        %add3A_374 = arith.addi %mul3A_260, %scan3A_353 : i32
        %get3A_375 = arith.index_cast %add3A_374 : i32 to index
        %get3A_376 = arith.constant 32 : index
        %get3A_377 = tpu.vector_load %arg5[%get3A_375, %get3A_376] {strides = array<i32>} : memref<256x128xf32, #tpu.memory_space<vmem>>, vector<1x16xf32>,
        %get3A_378 = vector.shape_cast %get3A_377 : vector<1x16xf32> to vector<16xf32>
        %add3A_379 = arith.addf %scan3A_356, %get3A_378 : vector<16xf32>
        %add3A_380 = arith.addi %mul3A_260, %scan3A_353 : i32
        %get3A_381 = arith.index_cast %add3A_380 : i32 to index
        %get3A_382 = arith.constant 48 : index
        %get3A_383 = tpu.vector_load %arg5[%get3A_381, %get3A_382] {strides = array<i32>} : memref<256x128xf32, #tpu.memory_space<vmem>>, vector<1x16xf32>,
        %get3A_384 = vector.shape_cast %get3A_383 : vector<1x16xf32> to vector<16xf32>
        %add3A_385 = arith.addf %scan3A_357, %get3A_384 : vector<16xf32>
        %add3A_386 = arith.addi %mul3A_260, %scan3A_353 : i32
        %get3A_387 = arith.index_cast %add3A_386 : i32 to index
        %get3A_388 = arith.constant 64 : index
        %get3A_389 = tpu.vector_load %arg5[%get3A_387, %get3A_388] {strides = array<i32>} : memref<256x128xf32, #tpu.memory_space<vmem>>, vector<1x16xf32>,
        %get3A_390 = vector.shape_cast %get3A_389 : vector<1x16xf32> to vector<16xf32>
        %add3A_391 = arith.addf %scan3A_358, %get3A_390 : vector<16xf32>
        %add3A_392 = arith.addi %mul3A_260, %scan3A_353 : i32
        %get3A_393 = arith.index_cast %add3A_392 : i32 to index
        %get3A_394 = arith.constant 80 : index
        %get3A_395 = tpu.vector_load %arg5[%get3A_393, %get3A_394] {strides = array<i32>} : memref<256x128xf32, #tpu.memory_space<vmem>>, vector<1x16xf32>,
        %get3A_396 = vector.shape_cast %get3A_395 : vector<1x16xf32> to vector<16xf32>
        %add3A_397 = arith.addf %scan3A_359, %get3A_396 : vector<16xf32>
        %add3A_398 = arith.addi %mul3A_260, %scan3A_353 : i32
        %get3A_399 = arith.index_cast %add3A_398 : i32 to index
        %get3A_400 = arith.constant 96 : index
        %get3A_401 = tpu.vector_load %arg5[%get3A_399, %get3A_400] {strides = array<i32>} : memref<256x128xf32, #tpu.memory_space<vmem>>, vector<1x16xf32>,
        %get3A_402 = vector.shape_cast %get3A_401 : vector<1x16xf32> to vector<16xf32>
        %add3A_403 = arith.addf %scan3A_360, %get3A_402 : vector<16xf32>
        %add3A_404 = arith.addi %mul3A_260, %scan3A_353 : i32
        %get3A_405 = arith.index_cast %add3A_404 : i32 to index
        %get3A_406 = arith.constant 112 : index
        %get3A_407 = tpu.vector_load %arg5[%get3A_405, %get3A_406] {strides = array<i32>} : memref<256x128xf32, #tpu.memory_space<vmem>>, vector<1x16xf32>,
        %get3A_408 = vector.shape_cast %get3A_407 : vector<1x16xf32> to vector<16xf32>
        %add3A_409 = arith.addf %scan3A_361, %get3A_408 : vector<16xf32>
        scf.yield %add3A_367, %add3A_373, %add3A_379, %add3A_385, %add3A_391, %add3A_397, %add3A_403, %add3A_409 : vector<16xf32>, vector<16xf32>, vector<16xf32>, vector<16xf32>, vector<16xf32>, vector<16xf32>, vector<16xf32>, vector<16xf32>
      }
      %scan3A_297 = arith.constant 31 : i32
      %add3A_298 = arith.constant 80 : i32
      %add3A_299 = arith.addi %add3A_298, %scan3A_258 : i32
      %swap3A = arith.index_cast %add3A_299 : i32 to index
      %swap3A_300 = arith.constant 0 : index
      %swap3A_301 = tpu.vector_load %arg7[%swap3A, %swap3A_300] {strides = array<i32>} : memref<128x128xf32, #tpu.memory_space<vmem>>, vector<1x16xf32>,
      %swap3A_302 = vector.shape_cast %swap3A_301 : vector<1x16xf32> to vector<16xf32>
      %swap3A_303 = vector.shape_cast %scan3A_296#0 : vector<16xf32> to vector<1x16xf32>
      tpu.vector_store %arg7[%swap3A, %swap3A_300], %swap3A_303 {strides = array<i32>} : memref<128x128xf32, #tpu.memory_space<vmem>>, vector<1x16xf32>,
      %add3A_304 = arith.constant 80 : i32
      %add3A_305 = arith.addi %add3A_304, %scan3A_258 : i32
      %swap3A_306 = arith.index_cast %add3A_305 : i32 to index
      %swap3A_307 = arith.constant 16 : index
      %swap3A_308 = tpu.vector_load %arg7[%swap3A_306, %swap3A_307] {strides = array<i32>} : memref<128x128xf32, #tpu.memory_space<vmem>>, vector<1x16xf32>,
      %swap3A_309 = vector.shape_cast %swap3A_308 : vector<1x16xf32> to vector<16xf32>
      %swap3A_310 = vector.shape_cast %scan3A_296#1 : vector<16xf32> to vector<1x16xf32>
      tpu.vector_store %arg7[%swap3A_306, %swap3A_307], %swap3A_310 {strides = array<i32>} : memref<128x128xf32, #tpu.memory_space<vmem>>, vector<1x16xf32>,
      %add3A_311 = arith.constant 80 : i32
      %add3A_312 = arith.addi %add3A_311, %scan3A_258 : i32
      %swap3A_313 = arith.index_cast %add3A_312 : i32 to index
      %swap3A_314 = arith.constant 32 : index
      %swap3A_315 = tpu.vector_load %arg7[%swap3A_313, %swap3A_314] {strides = array<i32>} : memref<128x128xf32, #tpu.memory_space<vmem>>, vector<1x16xf32>,
      %swap3A_316 = vector.shape_cast %swap3A_315 : vector<1x16xf32> to vector<16xf32>
      %swap3A_317 = vector.shape_cast %scan3A_296#2 : vector<16xf32> to vector<1x16xf32>
      tpu.vector_store %arg7[%swap3A_313, %swap3A_314], %swap3A_317 {strides = array<i32>} : memref<128x128xf32, #tpu.memory_space<vmem>>, vector<1x16xf32>,
      %add3A_318 = arith.constant 80 : i32
      %add3A_319 = arith.addi %add3A_318, %scan3A_258 : i32
      %swap3A_320 = arith.index_cast %add3A_319 : i32 to index
      %swap3A_321 = arith.constant 48 : index
      %swap3A_322 = tpu.vector_load %arg7[%swap3A_320, %swap3A_321] {strides = array<i32>} : memref<128x128xf32, #tpu.memory_space<vmem>>, vector<1x16xf32>,
      %swap3A_323 = vector.shape_cast %swap3A_322 : vector<1x16xf32> to vector<16xf32>
      %swap3A_324 = vector.shape_cast %scan3A_296#3 : vector<16xf32> to vector<1x16xf32>
      tpu.vector_store %arg7[%swap3A_320, %swap3A_321], %swap3A_324 {strides = array<i32>} : memref<128x128xf32, #tpu.memory_space<vmem>>, vector<1x16xf32>,
      %add3A_325 = arith.constant 80 : i32
      %add3A_326 = arith.addi %add3A_325, %scan3A_258 : i32
      %swap3A_327 = arith.index_cast %add3A_326 : i32 to index
      %swap3A_328 = arith.constant 64 : index
      %swap3A_329 = tpu.vector_load %arg7[%swap3A_327, %swap3A_328] {strides = array<i32>} : memref<128x128xf32, #tpu.memory_space<vmem>>, vector<1x16xf32>,
      %swap3A_330 = vector.shape_cast %swap3A_329 : vector<1x16xf32> to vector<16xf32>
      %swap3A_331 = vector.shape_cast %scan3A_296#4 : vector<16xf32> to vector<1x16xf32>
      tpu.vector_store %arg7[%swap3A_327, %swap3A_328], %swap3A_331 {strides = array<i32>} : memref<128x128xf32, #tpu.memory_space<vmem>>, vector<1x16xf32>,
      %add3A_332 = arith.constant 80 : i32
      %add3A_333 = arith.addi %add3A_332, %scan3A_258 : i32
      %swap3A_334 = arith.index_cast %add3A_333 : i32 to index
      %swap3A_335 = arith.constant 80 : index
      %swap3A_336 = tpu.vector_load %arg7[%swap3A_334, %swap3A_335] {strides = array<i32>} : memref<128x128xf32, #tpu.memory_space<vmem>>, vector<1x16xf32>,
      %swap3A_337 = vector.shape_cast %swap3A_336 : vector<1x16xf32> to vector<16xf32>
      %swap3A_338 = vector.shape_cast %scan3A_296#5 : vector<16xf32> to vector<1x16xf32>
      tpu.vector_store %arg7[%swap3A_334, %swap3A_335], %swap3A_338 {strides = array<i32>} : memref<128x128xf32, #tpu.memory_space<vmem>>, vector<1x16xf32>,
      %add3A_339 = arith.constant 80 : i32
      %add3A_340 = arith.addi %add3A_339, %scan3A_258 : i32
      %swap3A_341 = arith.index_cast %add3A_340 : i32 to index
      %swap3A_342 = arith.constant 96 : index
      %swap3A_343 = tpu.vector_load %arg7[%swap3A_341, %swap3A_342] {strides = array<i32>} : memref<128x128xf32, #tpu.memory_space<vmem>>, vector<1x16xf32>,
      %swap3A_344 = vector.shape_cast %swap3A_343 : vector<1x16xf32> to vector<16xf32>
      %swap3A_345 = vector.shape_cast %scan3A_296#6 : vector<16xf32> to vector<1x16xf32>
      tpu.vector_store %arg7[%swap3A_341, %swap3A_342], %swap3A_345 {strides = array<i32>} : memref<128x128xf32, #tpu.memory_space<vmem>>, vector<1x16xf32>,
      %add3A_346 = arith.constant 80 : i32
      %add3A_347 = arith.addi %add3A_346, %scan3A_258 : i32
      %swap3A_348 = arith.index_cast %add3A_347 : i32 to index
      %swap3A_349 = arith.constant 112 : index
      %swap3A_350 = tpu.vector_load %arg7[%swap3A_348, %swap3A_349] {strides = array<i32>} : memref<128x128xf32, #tpu.memory_space<vmem>>, vector<1x16xf32>,
      %swap3A_351 = vector.shape_cast %swap3A_350 : vector<1x16xf32> to vector<16xf32>
      %swap3A_352 = vector.shape_cast %scan3A_296#7 : vector<16xf32> to vector<1x16xf32>
      tpu.vector_store %arg7[%swap3A_348, %swap3A_349], %swap3A_352 {strides = array<i32>} : memref<128x128xf32, #tpu.memory_space<vmem>>, vector<1x16xf32>,
    }
    %scan3A_187 = arith.constant 8 : i32
    %dma_wait3A_188 = arith.constant 0 : i32
    %dma_wait3A_189 = tpu.memref_slice %arg2[%add3A_161, %dma_wait3A_188] : memref<131072x128xf32, #tpu.memory_space<hbm>> -> memref<256x128xf32, #tpu.memory_space<hbm>>
    %dma_wait3A_190 = arith.constant 0 : i32
    %dma_wait3A_191 = tpu.memref_slice %arg2[%add3A_161, %dma_wait3A_190] : memref<131072x128xf32, #tpu.memory_space<hbm>> -> memref<256x128xf32, #tpu.memory_space<hbm>>
    tpu.wait_dma2 semaphore(%arg10 : memref<!tpu.dma_semaphore, #tpu.memory_space<semaphore_mem>>) src(%dma_wait3A_191 : memref<256x128xf32, #tpu.memory_space<hbm>>) dst(%arg6 : memref<256x128xf32, #tpu.memory_space<vmem>>)
    %add3A_192 = arith.constant 3328 : i32
    %add3A_193 = arith.addi %mul3A_2, %add3A_192 : i32
    %dma_start3A_194 = arith.constant 0 : i32
    %dma_start3A_195 = tpu.memref_slice %arg2[%add3A_193, %dma_start3A_194] : memref<131072x128xf32, #tpu.memory_space<hbm>> -> memref<256x128xf32, #tpu.memory_space<hbm>>
    %dma_start3A_196 = arith.constant 0 : i32
    %dma_start3A_197 = tpu.memref_slice %arg2[%add3A_193, %dma_start3A_196] : memref<131072x128xf32, #tpu.memory_space<hbm>> -> memref<256x128xf32, #tpu.memory_space<hbm>>
    tpu.enqueue_dma source(%dma_start3A_197 : memref<256x128xf32, #tpu.memory_space<hbm>>) target(%arg5 : memref<256x128xf32, #tpu.memory_space<vmem>>) target_semaphore(%arg9 : memref<!tpu.dma_semaphore, #tpu.memory_space<semaphore_mem>>)
    %scan3A_198 = arith.constant 0 : i32
    %scan3A_199 = arith.constant 0 : i32
    %scan3A_200 = arith.constant 8 : i32
    %scan3A_201 = arith.addi %scan3A_199, %scan3A_200 : i32
    %scan3A_202 = arith.constant 1 : i32
    scf.for %scan3A_258 = %scan3A_199 to %scan3A_201 step %scan3A_202  : i32 {
      %mul3A_259 = arith.constant 32 : i32
      %mul3A_260 = arith.muli %scan3A_258, %mul3A_259 : i32
      %get3A = arith.index_cast %mul3A_260 : i32 to index
      %get3A_261 = arith.constant 0 : index
      %get3A_262 = tpu.vector_load %arg6[%get3A, %get3A_261] {strides = array<i32>} : memref<256x128xf32, #tpu.memory_space<vmem>>, vector<1x16xf32>,
      %get3A_263 = vector.shape_cast %get3A_262 : vector<1x16xf32> to vector<16xf32>
      %get3A_264 = arith.index_cast %mul3A_260 : i32 to index
      %get3A_265 = arith.constant 16 : index
      %get3A_266 = tpu.vector_load %arg6[%get3A_264, %get3A_265] {strides = array<i32>} : memref<256x128xf32, #tpu.memory_space<vmem>>, vector<1x16xf32>,
      %get3A_267 = vector.shape_cast %get3A_266 : vector<1x16xf32> to vector<16xf32>
      %get3A_268 = arith.index_cast %mul3A_260 : i32 to index
      %get3A_269 = arith.constant 32 : index
      %get3A_270 = tpu.vector_load %arg6[%get3A_268, %get3A_269] {strides = array<i32>} : memref<256x128xf32, #tpu.memory_space<vmem>>, vector<1x16xf32>,
      %get3A_271 = vector.shape_cast %get3A_270 : vector<1x16xf32> to vector<16xf32>
      %get3A_272 = arith.index_cast %mul3A_260 : i32 to index
      %get3A_273 = arith.constant 48 : index
      %get3A_274 = tpu.vector_load %arg6[%get3A_272, %get3A_273] {strides = array<i32>} : memref<256x128xf32, #tpu.memory_space<vmem>>, vector<1x16xf32>,
      %get3A_275 = vector.shape_cast %get3A_274 : vector<1x16xf32> to vector<16xf32>
      %get3A_276 = arith.index_cast %mul3A_260 : i32 to index
      %get3A_277 = arith.constant 64 : index
      %get3A_278 = tpu.vector_load %arg6[%get3A_276, %get3A_277] {strides = array<i32>} : memref<256x128xf32, #tpu.memory_space<vmem>>, vector<1x16xf32>,
      %get3A_279 = vector.shape_cast %get3A_278 : vector<1x16xf32> to vector<16xf32>
      %get3A_280 = arith.index_cast %mul3A_260 : i32 to index
      %get3A_281 = arith.constant 80 : index
      %get3A_282 = tpu.vector_load %arg6[%get3A_280, %get3A_281] {strides = array<i32>} : memref<256x128xf32, #tpu.memory_space<vmem>>, vector<1x16xf32>,
      %get3A_283 = vector.shape_cast %get3A_282 : vector<1x16xf32> to vector<16xf32>
      %get3A_284 = arith.index_cast %mul3A_260 : i32 to index
      %get3A_285 = arith.constant 96 : index
      %get3A_286 = tpu.vector_load %arg6[%get3A_284, %get3A_285] {strides = array<i32>} : memref<256x128xf32, #tpu.memory_space<vmem>>, vector<1x16xf32>,
      %get3A_287 = vector.shape_cast %get3A_286 : vector<1x16xf32> to vector<16xf32>
      %get3A_288 = arith.index_cast %mul3A_260 : i32 to index
      %get3A_289 = arith.constant 112 : index
      %get3A_290 = tpu.vector_load %arg6[%get3A_288, %get3A_289] {strides = array<i32>} : memref<256x128xf32, #tpu.memory_space<vmem>>, vector<1x16xf32>,
      %get3A_291 = vector.shape_cast %get3A_290 : vector<1x16xf32> to vector<16xf32>
      %scan3A_292 = arith.constant 1 : i32
      %scan3A_293 = arith.constant 31 : i32
      %scan3A_294 = arith.addi %scan3A_292, %scan3A_293 : i32
      %scan3A_295 = arith.constant 1 : i32
      %scan3A_296:8 = scf.for %scan3A_353 = %scan3A_292 to %scan3A_294 step %scan3A_295 iter_args(%scan3A_354 = %get3A_263, %scan3A_355 = %get3A_267, %scan3A_356 = %get3A_271, %scan3A_357 = %get3A_275, %scan3A_358 = %get3A_279, %scan3A_359 = %get3A_283, %scan3A_360 = %get3A_287, %scan3A_361 = %get3A_291) -> (vector<16xf32>, vector<16xf32>, vector<16xf32>, vector<16xf32>, vector<16xf32>, vector<16xf32>, vector<16xf32>, vector<16xf32>)  : i32 {
        %add3A_362 = arith.addi %mul3A_260, %scan3A_353 : i32
        %get3A_363 = arith.index_cast %add3A_362 : i32 to index
        %get3A_364 = arith.constant 0 : index
        %get3A_365 = tpu.vector_load %arg6[%get3A_363, %get3A_364] {strides = array<i32>} : memref<256x128xf32, #tpu.memory_space<vmem>>, vector<1x16xf32>,
        %get3A_366 = vector.shape_cast %get3A_365 : vector<1x16xf32> to vector<16xf32>
        %add3A_367 = arith.addf %scan3A_354, %get3A_366 : vector<16xf32>
        %add3A_368 = arith.addi %mul3A_260, %scan3A_353 : i32
        %get3A_369 = arith.index_cast %add3A_368 : i32 to index
        %get3A_370 = arith.constant 16 : index
        %get3A_371 = tpu.vector_load %arg6[%get3A_369, %get3A_370] {strides = array<i32>} : memref<256x128xf32, #tpu.memory_space<vmem>>, vector<1x16xf32>,
        %get3A_372 = vector.shape_cast %get3A_371 : vector<1x16xf32> to vector<16xf32>
        %add3A_373 = arith.addf %scan3A_355, %get3A_372 : vector<16xf32>
        %add3A_374 = arith.addi %mul3A_260, %scan3A_353 : i32
        %get3A_375 = arith.index_cast %add3A_374 : i32 to index
        %get3A_376 = arith.constant 32 : index
        %get3A_377 = tpu.vector_load %arg6[%get3A_375, %get3A_376] {strides = array<i32>} : memref<256x128xf32, #tpu.memory_space<vmem>>, vector<1x16xf32>,
        %get3A_378 = vector.shape_cast %get3A_377 : vector<1x16xf32> to vector<16xf32>
        %add3A_379 = arith.addf %scan3A_356, %get3A_378 : vector<16xf32>
        %add3A_380 = arith.addi %mul3A_260, %scan3A_353 : i32
        %get3A_381 = arith.index_cast %add3A_380 : i32 to index
        %get3A_382 = arith.constant 48 : index
        %get3A_383 = tpu.vector_load %arg6[%get3A_381, %get3A_382] {strides = array<i32>} : memref<256x128xf32, #tpu.memory_space<vmem>>, vector<1x16xf32>,
        %get3A_384 = vector.shape_cast %get3A_383 : vector<1x16xf32> to vector<16xf32>
        %add3A_385 = arith.addf %scan3A_357, %get3A_384 : vector<16xf32>
        %add3A_386 = arith.addi %mul3A_260, %scan3A_353 : i32
        %get3A_387 = arith.index_cast %add3A_386 : i32 to index
        %get3A_388 = arith.constant 64 : index
        %get3A_389 = tpu.vector_load %arg6[%get3A_387, %get3A_388] {strides = array<i32>} : memref<256x128xf32, #tpu.memory_space<vmem>>, vector<1x16xf32>,
        %get3A_390 = vector.shape_cast %get3A_389 : vector<1x16xf32> to vector<16xf32>
        %add3A_391 = arith.addf %scan3A_358, %get3A_390 : vector<16xf32>
        %add3A_392 = arith.addi %mul3A_260, %scan3A_353 : i32
        %get3A_393 = arith.index_cast %add3A_392 : i32 to index
        %get3A_394 = arith.constant 80 : index
        %get3A_395 = tpu.vector_load %arg6[%get3A_393, %get3A_394] {strides = array<i32>} : memref<256x128xf32, #tpu.memory_space<vmem>>, vector<1x16xf32>,
        %get3A_396 = vector.shape_cast %get3A_395 : vector<1x16xf32> to vector<16xf32>
        %add3A_397 = arith.addf %scan3A_359, %get3A_396 : vector<16xf32>
        %add3A_398 = arith.addi %mul3A_260, %scan3A_353 : i32
        %get3A_399 = arith.index_cast %add3A_398 : i32 to index
        %get3A_400 = arith.constant 96 : index
        %get3A_401 = tpu.vector_load %arg6[%get3A_399, %get3A_400] {strides = array<i32>} : memref<256x128xf32, #tpu.memory_space<vmem>>, vector<1x16xf32>,
        %get3A_402 = vector.shape_cast %get3A_401 : vector<1x16xf32> to vector<16xf32>
        %add3A_403 = arith.addf %scan3A_360, %get3A_402 : vector<16xf32>
        %add3A_404 = arith.addi %mul3A_260, %scan3A_353 : i32
        %get3A_405 = arith.index_cast %add3A_404 : i32 to index
        %get3A_406 = arith.constant 112 : index
        %get3A_407 = tpu.vector_load %arg6[%get3A_405, %get3A_406] {strides = array<i32>} : memref<256x128xf32, #tpu.memory_space<vmem>>, vector<1x16xf32>,
        %get3A_408 = vector.shape_cast %get3A_407 : vector<1x16xf32> to vector<16xf32>
        %add3A_409 = arith.addf %scan3A_361, %get3A_408 : vector<16xf32>
        scf.yield %add3A_367, %add3A_373, %add3A_379, %add3A_385, %add3A_391, %add3A_397, %add3A_403, %add3A_409 : vector<16xf32>, vector<16xf32>, vector<16xf32>, vector<16xf32>, vector<16xf32>, vector<16xf32>, vector<16xf32>, vector<16xf32>
      }
      %scan3A_297 = arith.constant 31 : i32
      %add3A_298 = arith.constant 88 : i32
      %add3A_299 = arith.addi %add3A_298, %scan3A_258 : i32
      %swap3A = arith.index_cast %add3A_299 : i32 to index
      %swap3A_300 = arith.constant 0 : index
      %swap3A_301 = tpu.vector_load %arg7[%swap3A, %swap3A_300] {strides = array<i32>} : memref<128x128xf32, #tpu.memory_space<vmem>>, vector<1x16xf32>,
      %swap3A_302 = vector.shape_cast %swap3A_301 : vector<1x16xf32> to vector<16xf32>
      %swap3A_303 = vector.shape_cast %scan3A_296#0 : vector<16xf32> to vector<1x16xf32>
      tpu.vector_store %arg7[%swap3A, %swap3A_300], %swap3A_303 {strides = array<i32>} : memref<128x128xf32, #tpu.memory_space<vmem>>, vector<1x16xf32>,
      %add3A_304 = arith.constant 88 : i32
      %add3A_305 = arith.addi %add3A_304, %scan3A_258 : i32
      %swap3A_306 = arith.index_cast %add3A_305 : i32 to index
      %swap3A_307 = arith.constant 16 : index
      %swap3A_308 = tpu.vector_load %arg7[%swap3A_306, %swap3A_307] {strides = array<i32>} : memref<128x128xf32, #tpu.memory_space<vmem>>, vector<1x16xf32>,
      %swap3A_309 = vector.shape_cast %swap3A_308 : vector<1x16xf32> to vector<16xf32>
      %swap3A_310 = vector.shape_cast %scan3A_296#1 : vector<16xf32> to vector<1x16xf32>
      tpu.vector_store %arg7[%swap3A_306, %swap3A_307], %swap3A_310 {strides = array<i32>} : memref<128x128xf32, #tpu.memory_space<vmem>>, vector<1x16xf32>,
      %add3A_311 = arith.constant 88 : i32
      %add3A_312 = arith.addi %add3A_311, %scan3A_258 : i32
      %swap3A_313 = arith.index_cast %add3A_312 : i32 to index
      %swap3A_314 = arith.constant 32 : index
      %swap3A_315 = tpu.vector_load %arg7[%swap3A_313, %swap3A_314] {strides = array<i32>} : memref<128x128xf32, #tpu.memory_space<vmem>>, vector<1x16xf32>,
      %swap3A_316 = vector.shape_cast %swap3A_315 : vector<1x16xf32> to vector<16xf32>
      %swap3A_317 = vector.shape_cast %scan3A_296#2 : vector<16xf32> to vector<1x16xf32>
      tpu.vector_store %arg7[%swap3A_313, %swap3A_314], %swap3A_317 {strides = array<i32>} : memref<128x128xf32, #tpu.memory_space<vmem>>, vector<1x16xf32>,
      %add3A_318 = arith.constant 88 : i32
      %add3A_319 = arith.addi %add3A_318, %scan3A_258 : i32
      %swap3A_320 = arith.index_cast %add3A_319 : i32 to index
      %swap3A_321 = arith.constant 48 : index
      %swap3A_322 = tpu.vector_load %arg7[%swap3A_320, %swap3A_321] {strides = array<i32>} : memref<128x128xf32, #tpu.memory_space<vmem>>, vector<1x16xf32>,
      %swap3A_323 = vector.shape_cast %swap3A_322 : vector<1x16xf32> to vector<16xf32>
      %swap3A_324 = vector.shape_cast %scan3A_296#3 : vector<16xf32> to vector<1x16xf32>
      tpu.vector_store %arg7[%swap3A_320, %swap3A_321], %swap3A_324 {strides = array<i32>} : memref<128x128xf32, #tpu.memory_space<vmem>>, vector<1x16xf32>,
      %add3A_325 = arith.constant 88 : i32
      %add3A_326 = arith.addi %add3A_325, %scan3A_258 : i32
      %swap3A_327 = arith.index_cast %add3A_326 : i32 to index
      %swap3A_328 = arith.constant 64 : index
      %swap3A_329 = tpu.vector_load %arg7[%swap3A_327, %swap3A_328] {strides = array<i32>} : memref<128x128xf32, #tpu.memory_space<vmem>>, vector<1x16xf32>,
      %swap3A_330 = vector.shape_cast %swap3A_329 : vector<1x16xf32> to vector<16xf32>
      %swap3A_331 = vector.shape_cast %scan3A_296#4 : vector<16xf32> to vector<1x16xf32>
      tpu.vector_store %arg7[%swap3A_327, %swap3A_328], %swap3A_331 {strides = array<i32>} : memref<128x128xf32, #tpu.memory_space<vmem>>, vector<1x16xf32>,
      %add3A_332 = arith.constant 88 : i32
      %add3A_333 = arith.addi %add3A_332, %scan3A_258 : i32
      %swap3A_334 = arith.index_cast %add3A_333 : i32 to index
      %swap3A_335 = arith.constant 80 : index
      %swap3A_336 = tpu.vector_load %arg7[%swap3A_334, %swap3A_335] {strides = array<i32>} : memref<128x128xf32, #tpu.memory_space<vmem>>, vector<1x16xf32>,
      %swap3A_337 = vector.shape_cast %swap3A_336 : vector<1x16xf32> to vector<16xf32>
      %swap3A_338 = vector.shape_cast %scan3A_296#5 : vector<16xf32> to vector<1x16xf32>
      tpu.vector_store %arg7[%swap3A_334, %swap3A_335], %swap3A_338 {strides = array<i32>} : memref<128x128xf32, #tpu.memory_space<vmem>>, vector<1x16xf32>,
      %add3A_339 = arith.constant 88 : i32
      %add3A_340 = arith.addi %add3A_339, %scan3A_258 : i32
      %swap3A_341 = arith.index_cast %add3A_340 : i32 to index
      %swap3A_342 = arith.constant 96 : index
      %swap3A_343 = tpu.vector_load %arg7[%swap3A_341, %swap3A_342] {strides = array<i32>} : memref<128x128xf32, #tpu.memory_space<vmem>>, vector<1x16xf32>,
      %swap3A_344 = vector.shape_cast %swap3A_343 : vector<1x16xf32> to vector<16xf32>
      %swap3A_345 = vector.shape_cast %scan3A_296#6 : vector<16xf32> to vector<1x16xf32>
      tpu.vector_store %arg7[%swap3A_341, %swap3A_342], %swap3A_345 {strides = array<i32>} : memref<128x128xf32, #tpu.memory_space<vmem>>, vector<1x16xf32>,
      %add3A_346 = arith.constant 88 : i32
      %add3A_347 = arith.addi %add3A_346, %scan3A_258 : i32
      %swap3A_348 = arith.index_cast %add3A_347 : i32 to index
      %swap3A_349 = arith.constant 112 : index
      %swap3A_350 = tpu.vector_load %arg7[%swap3A_348, %swap3A_349] {strides = array<i32>} : memref<128x128xf32, #tpu.memory_space<vmem>>, vector<1x16xf32>,
      %swap3A_351 = vector.shape_cast %swap3A_350 : vector<1x16xf32> to vector<16xf32>
      %swap3A_352 = vector.shape_cast %scan3A_296#7 : vector<16xf32> to vector<1x16xf32>
      tpu.vector_store %arg7[%swap3A_348, %swap3A_349], %swap3A_352 {strides = array<i32>} : memref<128x128xf32, #tpu.memory_space<vmem>>, vector<1x16xf32>,
    }
    %scan3A_203 = arith.constant 8 : i32
    %dma_wait3A_204 = arith.constant 0 : i32
    %dma_wait3A_205 = tpu.memref_slice %arg2[%add3A_177, %dma_wait3A_204] : memref<131072x128xf32, #tpu.memory_space<hbm>> -> memref<256x128xf32, #tpu.memory_space<hbm>>
    %dma_wait3A_206 = arith.constant 0 : i32
    %dma_wait3A_207 = tpu.memref_slice %arg2[%add3A_177, %dma_wait3A_206] : memref<131072x128xf32, #tpu.memory_space<hbm>> -> memref<256x128xf32, #tpu.memory_space<hbm>>
    tpu.wait_dma2 semaphore(%arg8 : memref<!tpu.dma_semaphore, #tpu.memory_space<semaphore_mem>>) src(%dma_wait3A_207 : memref<256x128xf32, #tpu.memory_space<hbm>>) dst(%arg4 : memref<256x128xf32, #tpu.memory_space<vmem>>)
    %add3A_208 = arith.constant 3584 : i32
    %add3A_209 = arith.addi %mul3A_2, %add3A_208 : i32
    %dma_start3A_210 = arith.constant 0 : i32
    %dma_start3A_211 = tpu.memref_slice %arg2[%add3A_209, %dma_start3A_210] : memref<131072x128xf32, #tpu.memory_space<hbm>> -> memref<256x128xf32, #tpu.memory_space<hbm>>
    %dma_start3A_212 = arith.constant 0 : i32
    %dma_start3A_213 = tpu.memref_slice %arg2[%add3A_209, %dma_start3A_212] : memref<131072x128xf32, #tpu.memory_space<hbm>> -> memref<256x128xf32, #tpu.memory_space<hbm>>
    tpu.enqueue_dma source(%dma_start3A_213 : memref<256x128xf32, #tpu.memory_space<hbm>>) target(%arg6 : memref<256x128xf32, #tpu.memory_space<vmem>>) target_semaphore(%arg10 : memref<!tpu.dma_semaphore, #tpu.memory_space<semaphore_mem>>)
    %scan3A_214 = arith.constant 0 : i32
    %scan3A_215 = arith.constant 0 : i32
    %scan3A_216 = arith.constant 8 : i32
    %scan3A_217 = arith.addi %scan3A_215, %scan3A_216 : i32
    %scan3A_218 = arith.constant 1 : i32
    scf.for %scan3A_258 = %scan3A_215 to %scan3A_217 step %scan3A_218  : i32 {
      %mul3A_259 = arith.constant 32 : i32
      %mul3A_260 = arith.muli %scan3A_258, %mul3A_259 : i32
      %get3A = arith.index_cast %mul3A_260 : i32 to index
      %get3A_261 = arith.constant 0 : index
      %get3A_262 = tpu.vector_load %arg4[%get3A, %get3A_261] {strides = array<i32>} : memref<256x128xf32, #tpu.memory_space<vmem>>, vector<1x16xf32>,
      %get3A_263 = vector.shape_cast %get3A_262 : vector<1x16xf32> to vector<16xf32>
      %get3A_264 = arith.index_cast %mul3A_260 : i32 to index
      %get3A_265 = arith.constant 16 : index
      %get3A_266 = tpu.vector_load %arg4[%get3A_264, %get3A_265] {strides = array<i32>} : memref<256x128xf32, #tpu.memory_space<vmem>>, vector<1x16xf32>,
      %get3A_267 = vector.shape_cast %get3A_266 : vector<1x16xf32> to vector<16xf32>
      %get3A_268 = arith.index_cast %mul3A_260 : i32 to index
      %get3A_269 = arith.constant 32 : index
      %get3A_270 = tpu.vector_load %arg4[%get3A_268, %get3A_269] {strides = array<i32>} : memref<256x128xf32, #tpu.memory_space<vmem>>, vector<1x16xf32>,
      %get3A_271 = vector.shape_cast %get3A_270 : vector<1x16xf32> to vector<16xf32>
      %get3A_272 = arith.index_cast %mul3A_260 : i32 to index
      %get3A_273 = arith.constant 48 : index
      %get3A_274 = tpu.vector_load %arg4[%get3A_272, %get3A_273] {strides = array<i32>} : memref<256x128xf32, #tpu.memory_space<vmem>>, vector<1x16xf32>,
      %get3A_275 = vector.shape_cast %get3A_274 : vector<1x16xf32> to vector<16xf32>
      %get3A_276 = arith.index_cast %mul3A_260 : i32 to index
      %get3A_277 = arith.constant 64 : index
      %get3A_278 = tpu.vector_load %arg4[%get3A_276, %get3A_277] {strides = array<i32>} : memref<256x128xf32, #tpu.memory_space<vmem>>, vector<1x16xf32>,
      %get3A_279 = vector.shape_cast %get3A_278 : vector<1x16xf32> to vector<16xf32>
      %get3A_280 = arith.index_cast %mul3A_260 : i32 to index
      %get3A_281 = arith.constant 80 : index
      %get3A_282 = tpu.vector_load %arg4[%get3A_280, %get3A_281] {strides = array<i32>} : memref<256x128xf32, #tpu.memory_space<vmem>>, vector<1x16xf32>,
      %get3A_283 = vector.shape_cast %get3A_282 : vector<1x16xf32> to vector<16xf32>
      %get3A_284 = arith.index_cast %mul3A_260 : i32 to index
      %get3A_285 = arith.constant 96 : index
      %get3A_286 = tpu.vector_load %arg4[%get3A_284, %get3A_285] {strides = array<i32>} : memref<256x128xf32, #tpu.memory_space<vmem>>, vector<1x16xf32>,
      %get3A_287 = vector.shape_cast %get3A_286 : vector<1x16xf32> to vector<16xf32>
      %get3A_288 = arith.index_cast %mul3A_260 : i32 to index
      %get3A_289 = arith.constant 112 : index
      %get3A_290 = tpu.vector_load %arg4[%get3A_288, %get3A_289] {strides = array<i32>} : memref<256x128xf32, #tpu.memory_space<vmem>>, vector<1x16xf32>,
      %get3A_291 = vector.shape_cast %get3A_290 : vector<1x16xf32> to vector<16xf32>
      %scan3A_292 = arith.constant 1 : i32
      %scan3A_293 = arith.constant 31 : i32
      %scan3A_294 = arith.addi %scan3A_292, %scan3A_293 : i32
      %scan3A_295 = arith.constant 1 : i32
      %scan3A_296:8 = scf.for %scan3A_353 = %scan3A_292 to %scan3A_294 step %scan3A_295 iter_args(%scan3A_354 = %get3A_263, %scan3A_355 = %get3A_267, %scan3A_356 = %get3A_271, %scan3A_357 = %get3A_275, %scan3A_358 = %get3A_279, %scan3A_359 = %get3A_283, %scan3A_360 = %get3A_287, %scan3A_361 = %get3A_291) -> (vector<16xf32>, vector<16xf32>, vector<16xf32>, vector<16xf32>, vector<16xf32>, vector<16xf32>, vector<16xf32>, vector<16xf32>)  : i32 {
        %add3A_362 = arith.addi %mul3A_260, %scan3A_353 : i32
        %get3A_363 = arith.index_cast %add3A_362 : i32 to index
        %get3A_364 = arith.constant 0 : index
        %get3A_365 = tpu.vector_load %arg4[%get3A_363, %get3A_364] {strides = array<i32>} : memref<256x128xf32, #tpu.memory_space<vmem>>, vector<1x16xf32>,
        %get3A_366 = vector.shape_cast %get3A_365 : vector<1x16xf32> to vector<16xf32>
        %add3A_367 = arith.addf %scan3A_354, %get3A_366 : vector<16xf32>
        %add3A_368 = arith.addi %mul3A_260, %scan3A_353 : i32
        %get3A_369 = arith.index_cast %add3A_368 : i32 to index
        %get3A_370 = arith.constant 16 : index
        %get3A_371 = tpu.vector_load %arg4[%get3A_369, %get3A_370] {strides = array<i32>} : memref<256x128xf32, #tpu.memory_space<vmem>>, vector<1x16xf32>,
        %get3A_372 = vector.shape_cast %get3A_371 : vector<1x16xf32> to vector<16xf32>
        %add3A_373 = arith.addf %scan3A_355, %get3A_372 : vector<16xf32>
        %add3A_374 = arith.addi %mul3A_260, %scan3A_353 : i32
        %get3A_375 = arith.index_cast %add3A_374 : i32 to index
        %get3A_376 = arith.constant 32 : index
        %get3A_377 = tpu.vector_load %arg4[%get3A_375, %get3A_376] {strides = array<i32>} : memref<256x128xf32, #tpu.memory_space<vmem>>, vector<1x16xf32>,
        %get3A_378 = vector.shape_cast %get3A_377 : vector<1x16xf32> to vector<16xf32>
        %add3A_379 = arith.addf %scan3A_356, %get3A_378 : vector<16xf32>
        %add3A_380 = arith.addi %mul3A_260, %scan3A_353 : i32
        %get3A_381 = arith.index_cast %add3A_380 : i32 to index
        %get3A_382 = arith.constant 48 : index
        %get3A_383 = tpu.vector_load %arg4[%get3A_381, %get3A_382] {strides = array<i32>} : memref<256x128xf32, #tpu.memory_space<vmem>>, vector<1x16xf32>,
        %get3A_384 = vector.shape_cast %get3A_383 : vector<1x16xf32> to vector<16xf32>
        %add3A_385 = arith.addf %scan3A_357, %get3A_384 : vector<16xf32>
        %add3A_386 = arith.addi %mul3A_260, %scan3A_353 : i32
        %get3A_387 = arith.index_cast %add3A_386 : i32 to index
        %get3A_388 = arith.constant 64 : index
        %get3A_389 = tpu.vector_load %arg4[%get3A_387, %get3A_388] {strides = array<i32>} : memref<256x128xf32, #tpu.memory_space<vmem>>, vector<1x16xf32>,
        %get3A_390 = vector.shape_cast %get3A_389 : vector<1x16xf32> to vector<16xf32>
        %add3A_391 = arith.addf %scan3A_358, %get3A_390 : vector<16xf32>
        %add3A_392 = arith.addi %mul3A_260, %scan3A_353 : i32
        %get3A_393 = arith.index_cast %add3A_392 : i32 to index
        %get3A_394 = arith.constant 80 : index
        %get3A_395 = tpu.vector_load %arg4[%get3A_393, %get3A_394] {strides = array<i32>} : memref<256x128xf32, #tpu.memory_space<vmem>>, vector<1x16xf32>,
        %get3A_396 = vector.shape_cast %get3A_395 : vector<1x16xf32> to vector<16xf32>
        %add3A_397 = arith.addf %scan3A_359, %get3A_396 : vector<16xf32>
        %add3A_398 = arith.addi %mul3A_260, %scan3A_353 : i32
        %get3A_399 = arith.index_cast %add3A_398 : i32 to index
        %get3A_400 = arith.constant 96 : index
        %get3A_401 = tpu.vector_load %arg4[%get3A_399, %get3A_400] {strides = array<i32>} : memref<256x128xf32, #tpu.memory_space<vmem>>, vector<1x16xf32>,
        %get3A_402 = vector.shape_cast %get3A_401 : vector<1x16xf32> to vector<16xf32>
        %add3A_403 = arith.addf %scan3A_360, %get3A_402 : vector<16xf32>
        %add3A_404 = arith.addi %mul3A_260, %scan3A_353 : i32
        %get3A_405 = arith.index_cast %add3A_404 : i32 to index
        %get3A_406 = arith.constant 112 : index
        %get3A_407 = tpu.vector_load %arg4[%get3A_405, %get3A_406] {strides = array<i32>} : memref<256x128xf32, #tpu.memory_space<vmem>>, vector<1x16xf32>,
        %get3A_408 = vector.shape_cast %get3A_407 : vector<1x16xf32> to vector<16xf32>
        %add3A_409 = arith.addf %scan3A_361, %get3A_408 : vector<16xf32>
        scf.yield %add3A_367, %add3A_373, %add3A_379, %add3A_385, %add3A_391, %add3A_397, %add3A_403, %add3A_409 : vector<16xf32>, vector<16xf32>, vector<16xf32>, vector<16xf32>, vector<16xf32>, vector<16xf32>, vector<16xf32>, vector<16xf32>
      }
      %scan3A_297 = arith.constant 31 : i32
      %add3A_298 = arith.constant 96 : i32
      %add3A_299 = arith.addi %add3A_298, %scan3A_258 : i32
      %swap3A = arith.index_cast %add3A_299 : i32 to index
      %swap3A_300 = arith.constant 0 : index
      %swap3A_301 = tpu.vector_load %arg7[%swap3A, %swap3A_300] {strides = array<i32>} : memref<128x128xf32, #tpu.memory_space<vmem>>, vector<1x16xf32>,
      %swap3A_302 = vector.shape_cast %swap3A_301 : vector<1x16xf32> to vector<16xf32>
      %swap3A_303 = vector.shape_cast %scan3A_296#0 : vector<16xf32> to vector<1x16xf32>
      tpu.vector_store %arg7[%swap3A, %swap3A_300], %swap3A_303 {strides = array<i32>} : memref<128x128xf32, #tpu.memory_space<vmem>>, vector<1x16xf32>,
      %add3A_304 = arith.constant 96 : i32
      %add3A_305 = arith.addi %add3A_304, %scan3A_258 : i32
      %swap3A_306 = arith.index_cast %add3A_305 : i32 to index
      %swap3A_307 = arith.constant 16 : index
      %swap3A_308 = tpu.vector_load %arg7[%swap3A_306, %swap3A_307] {strides = array<i32>} : memref<128x128xf32, #tpu.memory_space<vmem>>, vector<1x16xf32>,
      %swap3A_309 = vector.shape_cast %swap3A_308 : vector<1x16xf32> to vector<16xf32>
      %swap3A_310 = vector.shape_cast %scan3A_296#1 : vector<16xf32> to vector<1x16xf32>
      tpu.vector_store %arg7[%swap3A_306, %swap3A_307], %swap3A_310 {strides = array<i32>} : memref<128x128xf32, #tpu.memory_space<vmem>>, vector<1x16xf32>,
      %add3A_311 = arith.constant 96 : i32
      %add3A_312 = arith.addi %add3A_311, %scan3A_258 : i32
      %swap3A_313 = arith.index_cast %add3A_312 : i32 to index
      %swap3A_314 = arith.constant 32 : index
      %swap3A_315 = tpu.vector_load %arg7[%swap3A_313, %swap3A_314] {strides = array<i32>} : memref<128x128xf32, #tpu.memory_space<vmem>>, vector<1x16xf32>,
      %swap3A_316 = vector.shape_cast %swap3A_315 : vector<1x16xf32> to vector<16xf32>
      %swap3A_317 = vector.shape_cast %scan3A_296#2 : vector<16xf32> to vector<1x16xf32>
      tpu.vector_store %arg7[%swap3A_313, %swap3A_314], %swap3A_317 {strides = array<i32>} : memref<128x128xf32, #tpu.memory_space<vmem>>, vector<1x16xf32>,
      %add3A_318 = arith.constant 96 : i32
      %add3A_319 = arith.addi %add3A_318, %scan3A_258 : i32
      %swap3A_320 = arith.index_cast %add3A_319 : i32 to index
      %swap3A_321 = arith.constant 48 : index
      %swap3A_322 = tpu.vector_load %arg7[%swap3A_320, %swap3A_321] {strides = array<i32>} : memref<128x128xf32, #tpu.memory_space<vmem>>, vector<1x16xf32>,
      %swap3A_323 = vector.shape_cast %swap3A_322 : vector<1x16xf32> to vector<16xf32>
      %swap3A_324 = vector.shape_cast %scan3A_296#3 : vector<16xf32> to vector<1x16xf32>
      tpu.vector_store %arg7[%swap3A_320, %swap3A_321], %swap3A_324 {strides = array<i32>} : memref<128x128xf32, #tpu.memory_space<vmem>>, vector<1x16xf32>,
      %add3A_325 = arith.constant 96 : i32
      %add3A_326 = arith.addi %add3A_325, %scan3A_258 : i32
      %swap3A_327 = arith.index_cast %add3A_326 : i32 to index
      %swap3A_328 = arith.constant 64 : index
      %swap3A_329 = tpu.vector_load %arg7[%swap3A_327, %swap3A_328] {strides = array<i32>} : memref<128x128xf32, #tpu.memory_space<vmem>>, vector<1x16xf32>,
      %swap3A_330 = vector.shape_cast %swap3A_329 : vector<1x16xf32> to vector<16xf32>
      %swap3A_331 = vector.shape_cast %scan3A_296#4 : vector<16xf32> to vector<1x16xf32>
      tpu.vector_store %arg7[%swap3A_327, %swap3A_328], %swap3A_331 {strides = array<i32>} : memref<128x128xf32, #tpu.memory_space<vmem>>, vector<1x16xf32>,
      %add3A_332 = arith.constant 96 : i32
      %add3A_333 = arith.addi %add3A_332, %scan3A_258 : i32
      %swap3A_334 = arith.index_cast %add3A_333 : i32 to index
      %swap3A_335 = arith.constant 80 : index
      %swap3A_336 = tpu.vector_load %arg7[%swap3A_334, %swap3A_335] {strides = array<i32>} : memref<128x128xf32, #tpu.memory_space<vmem>>, vector<1x16xf32>,
      %swap3A_337 = vector.shape_cast %swap3A_336 : vector<1x16xf32> to vector<16xf32>
      %swap3A_338 = vector.shape_cast %scan3A_296#5 : vector<16xf32> to vector<1x16xf32>
      tpu.vector_store %arg7[%swap3A_334, %swap3A_335], %swap3A_338 {strides = array<i32>} : memref<128x128xf32, #tpu.memory_space<vmem>>, vector<1x16xf32>,
      %add3A_339 = arith.constant 96 : i32
      %add3A_340 = arith.addi %add3A_339, %scan3A_258 : i32
      %swap3A_341 = arith.index_cast %add3A_340 : i32 to index
      %swap3A_342 = arith.constant 96 : index
      %swap3A_343 = tpu.vector_load %arg7[%swap3A_341, %swap3A_342] {strides = array<i32>} : memref<128x128xf32, #tpu.memory_space<vmem>>, vector<1x16xf32>,
      %swap3A_344 = vector.shape_cast %swap3A_343 : vector<1x16xf32> to vector<16xf32>
      %swap3A_345 = vector.shape_cast %scan3A_296#6 : vector<16xf32> to vector<1x16xf32>
      tpu.vector_store %arg7[%swap3A_341, %swap3A_342], %swap3A_345 {strides = array<i32>} : memref<128x128xf32, #tpu.memory_space<vmem>>, vector<1x16xf32>,
      %add3A_346 = arith.constant 96 : i32
      %add3A_347 = arith.addi %add3A_346, %scan3A_258 : i32
      %swap3A_348 = arith.index_cast %add3A_347 : i32 to index
      %swap3A_349 = arith.constant 112 : index
      %swap3A_350 = tpu.vector_load %arg7[%swap3A_348, %swap3A_349] {strides = array<i32>} : memref<128x128xf32, #tpu.memory_space<vmem>>, vector<1x16xf32>,
      %swap3A_351 = vector.shape_cast %swap3A_350 : vector<1x16xf32> to vector<16xf32>
      %swap3A_352 = vector.shape_cast %scan3A_296#7 : vector<16xf32> to vector<1x16xf32>
      tpu.vector_store %arg7[%swap3A_348, %swap3A_349], %swap3A_352 {strides = array<i32>} : memref<128x128xf32, #tpu.memory_space<vmem>>, vector<1x16xf32>,
    }
    %scan3A_219 = arith.constant 8 : i32
    %dma_wait3A_220 = arith.constant 0 : i32
    %dma_wait3A_221 = tpu.memref_slice %arg2[%add3A_193, %dma_wait3A_220] : memref<131072x128xf32, #tpu.memory_space<hbm>> -> memref<256x128xf32, #tpu.memory_space<hbm>>
    %dma_wait3A_222 = arith.constant 0 : i32
    %dma_wait3A_223 = tpu.memref_slice %arg2[%add3A_193, %dma_wait3A_222] : memref<131072x128xf32, #tpu.memory_space<hbm>> -> memref<256x128xf32, #tpu.memory_space<hbm>>
    tpu.wait_dma2 semaphore(%arg9 : memref<!tpu.dma_semaphore, #tpu.memory_space<semaphore_mem>>) src(%dma_wait3A_223 : memref<256x128xf32, #tpu.memory_space<hbm>>) dst(%arg5 : memref<256x128xf32, #tpu.memory_space<vmem>>)
    %add3A_224 = arith.constant 3840 : i32
    %add3A_225 = arith.addi %mul3A_2, %add3A_224 : i32
    %dma_start3A_226 = arith.constant 0 : i32
    %dma_start3A_227 = tpu.memref_slice %arg2[%add3A_225, %dma_start3A_226] : memref<131072x128xf32, #tpu.memory_space<hbm>> -> memref<256x128xf32, #tpu.memory_space<hbm>>
    %dma_start3A_228 = arith.constant 0 : i32
    %dma_start3A_229 = tpu.memref_slice %arg2[%add3A_225, %dma_start3A_228] : memref<131072x128xf32, #tpu.memory_space<hbm>> -> memref<256x128xf32, #tpu.memory_space<hbm>>
    tpu.enqueue_dma source(%dma_start3A_229 : memref<256x128xf32, #tpu.memory_space<hbm>>) target(%arg4 : memref<256x128xf32, #tpu.memory_space<vmem>>) target_semaphore(%arg8 : memref<!tpu.dma_semaphore, #tpu.memory_space<semaphore_mem>>)
    %scan3A_230 = arith.constant 0 : i32
    %scan3A_231 = arith.constant 0 : i32
    %scan3A_232 = arith.constant 8 : i32
    %scan3A_233 = arith.addi %scan3A_231, %scan3A_232 : i32
    %scan3A_234 = arith.constant 1 : i32
    scf.for %scan3A_258 = %scan3A_231 to %scan3A_233 step %scan3A_234  : i32 {
      %mul3A_259 = arith.constant 32 : i32
      %mul3A_260 = arith.muli %scan3A_258, %mul3A_259 : i32
      %get3A = arith.index_cast %mul3A_260 : i32 to index
      %get3A_261 = arith.constant 0 : index
      %get3A_262 = tpu.vector_load %arg5[%get3A, %get3A_261] {strides = array<i32>} : memref<256x128xf32, #tpu.memory_space<vmem>>, vector<1x16xf32>,
      %get3A_263 = vector.shape_cast %get3A_262 : vector<1x16xf32> to vector<16xf32>
      %get3A_264 = arith.index_cast %mul3A_260 : i32 to index
      %get3A_265 = arith.constant 16 : index
      %get3A_266 = tpu.vector_load %arg5[%get3A_264, %get3A_265] {strides = array<i32>} : memref<256x128xf32, #tpu.memory_space<vmem>>, vector<1x16xf32>,
      %get3A_267 = vector.shape_cast %get3A_266 : vector<1x16xf32> to vector<16xf32>
      %get3A_268 = arith.index_cast %mul3A_260 : i32 to index
      %get3A_269 = arith.constant 32 : index
      %get3A_270 = tpu.vector_load %arg5[%get3A_268, %get3A_269] {strides = array<i32>} : memref<256x128xf32, #tpu.memory_space<vmem>>, vector<1x16xf32>,
      %get3A_271 = vector.shape_cast %get3A_270 : vector<1x16xf32> to vector<16xf32>
      %get3A_272 = arith.index_cast %mul3A_260 : i32 to index
      %get3A_273 = arith.constant 48 : index
      %get3A_274 = tpu.vector_load %arg5[%get3A_272, %get3A_273] {strides = array<i32>} : memref<256x128xf32, #tpu.memory_space<vmem>>, vector<1x16xf32>,
      %get3A_275 = vector.shape_cast %get3A_274 : vector<1x16xf32> to vector<16xf32>
      %get3A_276 = arith.index_cast %mul3A_260 : i32 to index
      %get3A_277 = arith.constant 64 : index
      %get3A_278 = tpu.vector_load %arg5[%get3A_276, %get3A_277] {strides = array<i32>} : memref<256x128xf32, #tpu.memory_space<vmem>>, vector<1x16xf32>,
      %get3A_279 = vector.shape_cast %get3A_278 : vector<1x16xf32> to vector<16xf32>
      %get3A_280 = arith.index_cast %mul3A_260 : i32 to index
      %get3A_281 = arith.constant 80 : index
      %get3A_282 = tpu.vector_load %arg5[%get3A_280, %get3A_281] {strides = array<i32>} : memref<256x128xf32, #tpu.memory_space<vmem>>, vector<1x16xf32>,
      %get3A_283 = vector.shape_cast %get3A_282 : vector<1x16xf32> to vector<16xf32>
      %get3A_284 = arith.index_cast %mul3A_260 : i32 to index
      %get3A_285 = arith.constant 96 : index
      %get3A_286 = tpu.vector_load %arg5[%get3A_284, %get3A_285] {strides = array<i32>} : memref<256x128xf32, #tpu.memory_space<vmem>>, vector<1x16xf32>,
      %get3A_287 = vector.shape_cast %get3A_286 : vector<1x16xf32> to vector<16xf32>
      %get3A_288 = arith.index_cast %mul3A_260 : i32 to index
      %get3A_289 = arith.constant 112 : index
      %get3A_290 = tpu.vector_load %arg5[%get3A_288, %get3A_289] {strides = array<i32>} : memref<256x128xf32, #tpu.memory_space<vmem>>, vector<1x16xf32>,
      %get3A_291 = vector.shape_cast %get3A_290 : vector<1x16xf32> to vector<16xf32>
      %scan3A_292 = arith.constant 1 : i32
      %scan3A_293 = arith.constant 31 : i32
      %scan3A_294 = arith.addi %scan3A_292, %scan3A_293 : i32
      %scan3A_295 = arith.constant 1 : i32
      %scan3A_296:8 = scf.for %scan3A_353 = %scan3A_292 to %scan3A_294 step %scan3A_295 iter_args(%scan3A_354 = %get3A_263, %scan3A_355 = %get3A_267, %scan3A_356 = %get3A_271, %scan3A_357 = %get3A_275, %scan3A_358 = %get3A_279, %scan3A_359 = %get3A_283, %scan3A_360 = %get3A_287, %scan3A_361 = %get3A_291) -> (vector<16xf32>, vector<16xf32>, vector<16xf32>, vector<16xf32>, vector<16xf32>, vector<16xf32>, vector<16xf32>, vector<16xf32>)  : i32 {
        %add3A_362 = arith.addi %mul3A_260, %scan3A_353 : i32
        %get3A_363 = arith.index_cast %add3A_362 : i32 to index
        %get3A_364 = arith.constant 0 : index
        %get3A_365 = tpu.vector_load %arg5[%get3A_363, %get3A_364] {strides = array<i32>} : memref<256x128xf32, #tpu.memory_space<vmem>>, vector<1x16xf32>,
        %get3A_366 = vector.shape_cast %get3A_365 : vector<1x16xf32> to vector<16xf32>
        %add3A_367 = arith.addf %scan3A_354, %get3A_366 : vector<16xf32>
        %add3A_368 = arith.addi %mul3A_260, %scan3A_353 : i32
        %get3A_369 = arith.index_cast %add3A_368 : i32 to index
        %get3A_370 = arith.constant 16 : index
        %get3A_371 = tpu.vector_load %arg5[%get3A_369, %get3A_370] {strides = array<i32>} : memref<256x128xf32, #tpu.memory_space<vmem>>, vector<1x16xf32>,
        %get3A_372 = vector.shape_cast %get3A_371 : vector<1x16xf32> to vector<16xf32>
        %add3A_373 = arith.addf %scan3A_355, %get3A_372 : vector<16xf32>
        %add3A_374 = arith.addi %mul3A_260, %scan3A_353 : i32
        %get3A_375 = arith.index_cast %add3A_374 : i32 to index
        %get3A_376 = arith.constant 32 : index
        %get3A_377 = tpu.vector_load %arg5[%get3A_375, %get3A_376] {strides = array<i32>} : memref<256x128xf32, #tpu.memory_space<vmem>>, vector<1x16xf32>,
        %get3A_378 = vector.shape_cast %get3A_377 : vector<1x16xf32> to vector<16xf32>
        %add3A_379 = arith.addf %scan3A_356, %get3A_378 : vector<16xf32>
        %add3A_380 = arith.addi %mul3A_260, %scan3A_353 : i32
        %get3A_381 = arith.index_cast %add3A_380 : i32 to index
        %get3A_382 = arith.constant 48 : index
        %get3A_383 = tpu.vector_load %arg5[%get3A_381, %get3A_382] {strides = array<i32>} : memref<256x128xf32, #tpu.memory_space<vmem>>, vector<1x16xf32>,
        %get3A_384 = vector.shape_cast %get3A_383 : vector<1x16xf32> to vector<16xf32>
        %add3A_385 = arith.addf %scan3A_357, %get3A_384 : vector<16xf32>
        %add3A_386 = arith.addi %mul3A_260, %scan3A_353 : i32
        %get3A_387 = arith.index_cast %add3A_386 : i32 to index
        %get3A_388 = arith.constant 64 : index
        %get3A_389 = tpu.vector_load %arg5[%get3A_387, %get3A_388] {strides = array<i32>} : memref<256x128xf32, #tpu.memory_space<vmem>>, vector<1x16xf32>,
        %get3A_390 = vector.shape_cast %get3A_389 : vector<1x16xf32> to vector<16xf32>
        %add3A_391 = arith.addf %scan3A_358, %get3A_390 : vector<16xf32>
        %add3A_392 = arith.addi %mul3A_260, %scan3A_353 : i32
        %get3A_393 = arith.index_cast %add3A_392 : i32 to index
        %get3A_394 = arith.constant 80 : index
        %get3A_395 = tpu.vector_load %arg5[%get3A_393, %get3A_394] {strides = array<i32>} : memref<256x128xf32, #tpu.memory_space<vmem>>, vector<1x16xf32>,
        %get3A_396 = vector.shape_cast %get3A_395 : vector<1x16xf32> to vector<16xf32>
        %add3A_397 = arith.addf %scan3A_359, %get3A_396 : vector<16xf32>
        %add3A_398 = arith.addi %mul3A_260, %scan3A_353 : i32
        %get3A_399 = arith.index_cast %add3A_398 : i32 to index
        %get3A_400 = arith.constant 96 : index
        %get3A_401 = tpu.vector_load %arg5[%get3A_399, %get3A_400] {strides = array<i32>} : memref<256x128xf32, #tpu.memory_space<vmem>>, vector<1x16xf32>,
        %get3A_402 = vector.shape_cast %get3A_401 : vector<1x16xf32> to vector<16xf32>
        %add3A_403 = arith.addf %scan3A_360, %get3A_402 : vector<16xf32>
        %add3A_404 = arith.addi %mul3A_260, %scan3A_353 : i32
        %get3A_405 = arith.index_cast %add3A_404 : i32 to index
        %get3A_406 = arith.constant 112 : index
        %get3A_407 = tpu.vector_load %arg5[%get3A_405, %get3A_406] {strides = array<i32>} : memref<256x128xf32, #tpu.memory_space<vmem>>, vector<1x16xf32>,
        %get3A_408 = vector.shape_cast %get3A_407 : vector<1x16xf32> to vector<16xf32>
        %add3A_409 = arith.addf %scan3A_361, %get3A_408 : vector<16xf32>
        scf.yield %add3A_367, %add3A_373, %add3A_379, %add3A_385, %add3A_391, %add3A_397, %add3A_403, %add3A_409 : vector<16xf32>, vector<16xf32>, vector<16xf32>, vector<16xf32>, vector<16xf32>, vector<16xf32>, vector<16xf32>, vector<16xf32>
      }
      %scan3A_297 = arith.constant 31 : i32
      %add3A_298 = arith.constant 104 : i32
      %add3A_299 = arith.addi %add3A_298, %scan3A_258 : i32
      %swap3A = arith.index_cast %add3A_299 : i32 to index
      %swap3A_300 = arith.constant 0 : index
      %swap3A_301 = tpu.vector_load %arg7[%swap3A, %swap3A_300] {strides = array<i32>} : memref<128x128xf32, #tpu.memory_space<vmem>>, vector<1x16xf32>,
      %swap3A_302 = vector.shape_cast %swap3A_301 : vector<1x16xf32> to vector<16xf32>
      %swap3A_303 = vector.shape_cast %scan3A_296#0 : vector<16xf32> to vector<1x16xf32>
      tpu.vector_store %arg7[%swap3A, %swap3A_300], %swap3A_303 {strides = array<i32>} : memref<128x128xf32, #tpu.memory_space<vmem>>, vector<1x16xf32>,
      %add3A_304 = arith.constant 104 : i32
      %add3A_305 = arith.addi %add3A_304, %scan3A_258 : i32
      %swap3A_306 = arith.index_cast %add3A_305 : i32 to index
      %swap3A_307 = arith.constant 16 : index
      %swap3A_308 = tpu.vector_load %arg7[%swap3A_306, %swap3A_307] {strides = array<i32>} : memref<128x128xf32, #tpu.memory_space<vmem>>, vector<1x16xf32>,
      %swap3A_309 = vector.shape_cast %swap3A_308 : vector<1x16xf32> to vector<16xf32>
      %swap3A_310 = vector.shape_cast %scan3A_296#1 : vector<16xf32> to vector<1x16xf32>
      tpu.vector_store %arg7[%swap3A_306, %swap3A_307], %swap3A_310 {strides = array<i32>} : memref<128x128xf32, #tpu.memory_space<vmem>>, vector<1x16xf32>,
      %add3A_311 = arith.constant 104 : i32
      %add3A_312 = arith.addi %add3A_311, %scan3A_258 : i32
      %swap3A_313 = arith.index_cast %add3A_312 : i32 to index
      %swap3A_314 = arith.constant 32 : index
      %swap3A_315 = tpu.vector_load %arg7[%swap3A_313, %swap3A_314] {strides = array<i32>} : memref<128x128xf32, #tpu.memory_space<vmem>>, vector<1x16xf32>,
      %swap3A_316 = vector.shape_cast %swap3A_315 : vector<1x16xf32> to vector<16xf32>
      %swap3A_317 = vector.shape_cast %scan3A_296#2 : vector<16xf32> to vector<1x16xf32>
      tpu.vector_store %arg7[%swap3A_313, %swap3A_314], %swap3A_317 {strides = array<i32>} : memref<128x128xf32, #tpu.memory_space<vmem>>, vector<1x16xf32>,
      %add3A_318 = arith.constant 104 : i32
      %add3A_319 = arith.addi %add3A_318, %scan3A_258 : i32
      %swap3A_320 = arith.index_cast %add3A_319 : i32 to index
      %swap3A_321 = arith.constant 48 : index
      %swap3A_322 = tpu.vector_load %arg7[%swap3A_320, %swap3A_321] {strides = array<i32>} : memref<128x128xf32, #tpu.memory_space<vmem>>, vector<1x16xf32>,
      %swap3A_323 = vector.shape_cast %swap3A_322 : vector<1x16xf32> to vector<16xf32>
      %swap3A_324 = vector.shape_cast %scan3A_296#3 : vector<16xf32> to vector<1x16xf32>
      tpu.vector_store %arg7[%swap3A_320, %swap3A_321], %swap3A_324 {strides = array<i32>} : memref<128x128xf32, #tpu.memory_space<vmem>>, vector<1x16xf32>,
      %add3A_325 = arith.constant 104 : i32
      %add3A_326 = arith.addi %add3A_325, %scan3A_258 : i32
      %swap3A_327 = arith.index_cast %add3A_326 : i32 to index
      %swap3A_328 = arith.constant 64 : index
      %swap3A_329 = tpu.vector_load %arg7[%swap3A_327, %swap3A_328] {strides = array<i32>} : memref<128x128xf32, #tpu.memory_space<vmem>>, vector<1x16xf32>,
      %swap3A_330 = vector.shape_cast %swap3A_329 : vector<1x16xf32> to vector<16xf32>
      %swap3A_331 = vector.shape_cast %scan3A_296#4 : vector<16xf32> to vector<1x16xf32>
      tpu.vector_store %arg7[%swap3A_327, %swap3A_328], %swap3A_331 {strides = array<i32>} : memref<128x128xf32, #tpu.memory_space<vmem>>, vector<1x16xf32>,
      %add3A_332 = arith.constant 104 : i32
      %add3A_333 = arith.addi %add3A_332, %scan3A_258 : i32
      %swap3A_334 = arith.index_cast %add3A_333 : i32 to index
      %swap3A_335 = arith.constant 80 : index
      %swap3A_336 = tpu.vector_load %arg7[%swap3A_334, %swap3A_335] {strides = array<i32>} : memref<128x128xf32, #tpu.memory_space<vmem>>, vector<1x16xf32>,
      %swap3A_337 = vector.shape_cast %swap3A_336 : vector<1x16xf32> to vector<16xf32>
      %swap3A_338 = vector.shape_cast %scan3A_296#5 : vector<16xf32> to vector<1x16xf32>
      tpu.vector_store %arg7[%swap3A_334, %swap3A_335], %swap3A_338 {strides = array<i32>} : memref<128x128xf32, #tpu.memory_space<vmem>>, vector<1x16xf32>,
      %add3A_339 = arith.constant 104 : i32
      %add3A_340 = arith.addi %add3A_339, %scan3A_258 : i32
      %swap3A_341 = arith.index_cast %add3A_340 : i32 to index
      %swap3A_342 = arith.constant 96 : index
      %swap3A_343 = tpu.vector_load %arg7[%swap3A_341, %swap3A_342] {strides = array<i32>} : memref<128x128xf32, #tpu.memory_space<vmem>>, vector<1x16xf32>,
      %swap3A_344 = vector.shape_cast %swap3A_343 : vector<1x16xf32> to vector<16xf32>
      %swap3A_345 = vector.shape_cast %scan3A_296#6 : vector<16xf32> to vector<1x16xf32>
      tpu.vector_store %arg7[%swap3A_341, %swap3A_342], %swap3A_345 {strides = array<i32>} : memref<128x128xf32, #tpu.memory_space<vmem>>, vector<1x16xf32>,
      %add3A_346 = arith.constant 104 : i32
      %add3A_347 = arith.addi %add3A_346, %scan3A_258 : i32
      %swap3A_348 = arith.index_cast %add3A_347 : i32 to index
      %swap3A_349 = arith.constant 112 : index
      %swap3A_350 = tpu.vector_load %arg7[%swap3A_348, %swap3A_349] {strides = array<i32>} : memref<128x128xf32, #tpu.memory_space<vmem>>, vector<1x16xf32>,
      %swap3A_351 = vector.shape_cast %swap3A_350 : vector<1x16xf32> to vector<16xf32>
      %swap3A_352 = vector.shape_cast %scan3A_296#7 : vector<16xf32> to vector<1x16xf32>
      tpu.vector_store %arg7[%swap3A_348, %swap3A_349], %swap3A_352 {strides = array<i32>} : memref<128x128xf32, #tpu.memory_space<vmem>>, vector<1x16xf32>,
    }
    %scan3A_235 = arith.constant 8 : i32
    %dma_wait3A_236 = arith.constant 0 : i32
    %dma_wait3A_237 = tpu.memref_slice %arg2[%add3A_209, %dma_wait3A_236] : memref<131072x128xf32, #tpu.memory_space<hbm>> -> memref<256x128xf32, #tpu.memory_space<hbm>>
    %dma_wait3A_238 = arith.constant 0 : i32
    %dma_wait3A_239 = tpu.memref_slice %arg2[%add3A_209, %dma_wait3A_238] : memref<131072x128xf32, #tpu.memory_space<hbm>> -> memref<256x128xf32, #tpu.memory_space<hbm>>
    tpu.wait_dma2 semaphore(%arg10 : memref<!tpu.dma_semaphore, #tpu.memory_space<semaphore_mem>>) src(%dma_wait3A_239 : memref<256x128xf32, #tpu.memory_space<hbm>>) dst(%arg6 : memref<256x128xf32, #tpu.memory_space<vmem>>)
    %scan3A_240 = arith.constant 0 : i32
    %scan3A_241 = arith.constant 0 : i32
    %scan3A_242 = arith.constant 8 : i32
    %scan3A_243 = arith.addi %scan3A_241, %scan3A_242 : i32
    %scan3A_244 = arith.constant 1 : i32
    scf.for %scan3A_258 = %scan3A_241 to %scan3A_243 step %scan3A_244  : i32 {
      %mul3A_259 = arith.constant 32 : i32
      %mul3A_260 = arith.muli %scan3A_258, %mul3A_259 : i32
      %get3A = arith.index_cast %mul3A_260 : i32 to index
      %get3A_261 = arith.constant 0 : index
      %get3A_262 = tpu.vector_load %arg6[%get3A, %get3A_261] {strides = array<i32>} : memref<256x128xf32, #tpu.memory_space<vmem>>, vector<1x16xf32>,
      %get3A_263 = vector.shape_cast %get3A_262 : vector<1x16xf32> to vector<16xf32>
      %get3A_264 = arith.index_cast %mul3A_260 : i32 to index
      %get3A_265 = arith.constant 16 : index
      %get3A_266 = tpu.vector_load %arg6[%get3A_264, %get3A_265] {strides = array<i32>} : memref<256x128xf32, #tpu.memory_space<vmem>>, vector<1x16xf32>,
      %get3A_267 = vector.shape_cast %get3A_266 : vector<1x16xf32> to vector<16xf32>
      %get3A_268 = arith.index_cast %mul3A_260 : i32 to index
      %get3A_269 = arith.constant 32 : index
      %get3A_270 = tpu.vector_load %arg6[%get3A_268, %get3A_269] {strides = array<i32>} : memref<256x128xf32, #tpu.memory_space<vmem>>, vector<1x16xf32>,
      %get3A_271 = vector.shape_cast %get3A_270 : vector<1x16xf32> to vector<16xf32>
      %get3A_272 = arith.index_cast %mul3A_260 : i32 to index
      %get3A_273 = arith.constant 48 : index
      %get3A_274 = tpu.vector_load %arg6[%get3A_272, %get3A_273] {strides = array<i32>} : memref<256x128xf32, #tpu.memory_space<vmem>>, vector<1x16xf32>,
      %get3A_275 = vector.shape_cast %get3A_274 : vector<1x16xf32> to vector<16xf32>
      %get3A_276 = arith.index_cast %mul3A_260 : i32 to index
      %get3A_277 = arith.constant 64 : index
      %get3A_278 = tpu.vector_load %arg6[%get3A_276, %get3A_277] {strides = array<i32>} : memref<256x128xf32, #tpu.memory_space<vmem>>, vector<1x16xf32>,
      %get3A_279 = vector.shape_cast %get3A_278 : vector<1x16xf32> to vector<16xf32>
      %get3A_280 = arith.index_cast %mul3A_260 : i32 to index
      %get3A_281 = arith.constant 80 : index
      %get3A_282 = tpu.vector_load %arg6[%get3A_280, %get3A_281] {strides = array<i32>} : memref<256x128xf32, #tpu.memory_space<vmem>>, vector<1x16xf32>,
      %get3A_283 = vector.shape_cast %get3A_282 : vector<1x16xf32> to vector<16xf32>
      %get3A_284 = arith.index_cast %mul3A_260 : i32 to index
      %get3A_285 = arith.constant 96 : index
      %get3A_286 = tpu.vector_load %arg6[%get3A_284, %get3A_285] {strides = array<i32>} : memref<256x128xf32, #tpu.memory_space<vmem>>, vector<1x16xf32>,
      %get3A_287 = vector.shape_cast %get3A_286 : vector<1x16xf32> to vector<16xf32>
      %get3A_288 = arith.index_cast %mul3A_260 : i32 to index
      %get3A_289 = arith.constant 112 : index
      %get3A_290 = tpu.vector_load %arg6[%get3A_288, %get3A_289] {strides = array<i32>} : memref<256x128xf32, #tpu.memory_space<vmem>>, vector<1x16xf32>,
      %get3A_291 = vector.shape_cast %get3A_290 : vector<1x16xf32> to vector<16xf32>
      %scan3A_292 = arith.constant 1 : i32
      %scan3A_293 = arith.constant 31 : i32
      %scan3A_294 = arith.addi %scan3A_292, %scan3A_293 : i32
      %scan3A_295 = arith.constant 1 : i32
      %scan3A_296:8 = scf.for %scan3A_353 = %scan3A_292 to %scan3A_294 step %scan3A_295 iter_args(%scan3A_354 = %get3A_263, %scan3A_355 = %get3A_267, %scan3A_356 = %get3A_271, %scan3A_357 = %get3A_275, %scan3A_358 = %get3A_279, %scan3A_359 = %get3A_283, %scan3A_360 = %get3A_287, %scan3A_361 = %get3A_291) -> (vector<16xf32>, vector<16xf32>, vector<16xf32>, vector<16xf32>, vector<16xf32>, vector<16xf32>, vector<16xf32>, vector<16xf32>)  : i32 {
        %add3A_362 = arith.addi %mul3A_260, %scan3A_353 : i32
        %get3A_363 = arith.index_cast %add3A_362 : i32 to index
        %get3A_364 = arith.constant 0 : index
        %get3A_365 = tpu.vector_load %arg6[%get3A_363, %get3A_364] {strides = array<i32>} : memref<256x128xf32, #tpu.memory_space<vmem>>, vector<1x16xf32>,
        %get3A_366 = vector.shape_cast %get3A_365 : vector<1x16xf32> to vector<16xf32>
        %add3A_367 = arith.addf %scan3A_354, %get3A_366 : vector<16xf32>
        %add3A_368 = arith.addi %mul3A_260, %scan3A_353 : i32
        %get3A_369 = arith.index_cast %add3A_368 : i32 to index
        %get3A_370 = arith.constant 16 : index
        %get3A_371 = tpu.vector_load %arg6[%get3A_369, %get3A_370] {strides = array<i32>} : memref<256x128xf32, #tpu.memory_space<vmem>>, vector<1x16xf32>,
        %get3A_372 = vector.shape_cast %get3A_371 : vector<1x16xf32> to vector<16xf32>
        %add3A_373 = arith.addf %scan3A_355, %get3A_372 : vector<16xf32>
        %add3A_374 = arith.addi %mul3A_260, %scan3A_353 : i32
        %get3A_375 = arith.index_cast %add3A_374 : i32 to index
        %get3A_376 = arith.constant 32 : index
        %get3A_377 = tpu.vector_load %arg6[%get3A_375, %get3A_376] {strides = array<i32>} : memref<256x128xf32, #tpu.memory_space<vmem>>, vector<1x16xf32>,
        %get3A_378 = vector.shape_cast %get3A_377 : vector<1x16xf32> to vector<16xf32>
        %add3A_379 = arith.addf %scan3A_356, %get3A_378 : vector<16xf32>
        %add3A_380 = arith.addi %mul3A_260, %scan3A_353 : i32
        %get3A_381 = arith.index_cast %add3A_380 : i32 to index
        %get3A_382 = arith.constant 48 : index
        %get3A_383 = tpu.vector_load %arg6[%get3A_381, %get3A_382] {strides = array<i32>} : memref<256x128xf32, #tpu.memory_space<vmem>>, vector<1x16xf32>,
        %get3A_384 = vector.shape_cast %get3A_383 : vector<1x16xf32> to vector<16xf32>
        %add3A_385 = arith.addf %scan3A_357, %get3A_384 : vector<16xf32>
        %add3A_386 = arith.addi %mul3A_260, %scan3A_353 : i32
        %get3A_387 = arith.index_cast %add3A_386 : i32 to index
        %get3A_388 = arith.constant 64 : index
        %get3A_389 = tpu.vector_load %arg6[%get3A_387, %get3A_388] {strides = array<i32>} : memref<256x128xf32, #tpu.memory_space<vmem>>, vector<1x16xf32>,
        %get3A_390 = vector.shape_cast %get3A_389 : vector<1x16xf32> to vector<16xf32>
        %add3A_391 = arith.addf %scan3A_358, %get3A_390 : vector<16xf32>
        %add3A_392 = arith.addi %mul3A_260, %scan3A_353 : i32
        %get3A_393 = arith.index_cast %add3A_392 : i32 to index
        %get3A_394 = arith.constant 80 : index
        %get3A_395 = tpu.vector_load %arg6[%get3A_393, %get3A_394] {strides = array<i32>} : memref<256x128xf32, #tpu.memory_space<vmem>>, vector<1x16xf32>,
        %get3A_396 = vector.shape_cast %get3A_395 : vector<1x16xf32> to vector<16xf32>
        %add3A_397 = arith.addf %scan3A_359, %get3A_396 : vector<16xf32>
        %add3A_398 = arith.addi %mul3A_260, %scan3A_353 : i32
        %get3A_399 = arith.index_cast %add3A_398 : i32 to index
        %get3A_400 = arith.constant 96 : index
        %get3A_401 = tpu.vector_load %arg6[%get3A_399, %get3A_400] {strides = array<i32>} : memref<256x128xf32, #tpu.memory_space<vmem>>, vector<1x16xf32>,
        %get3A_402 = vector.shape_cast %get3A_401 : vector<1x16xf32> to vector<16xf32>
        %add3A_403 = arith.addf %scan3A_360, %get3A_402 : vector<16xf32>
        %add3A_404 = arith.addi %mul3A_260, %scan3A_353 : i32
        %get3A_405 = arith.index_cast %add3A_404 : i32 to index
        %get3A_406 = arith.constant 112 : index
        %get3A_407 = tpu.vector_load %arg6[%get3A_405, %get3A_406] {strides = array<i32>} : memref<256x128xf32, #tpu.memory_space<vmem>>, vector<1x16xf32>,
        %get3A_408 = vector.shape_cast %get3A_407 : vector<1x16xf32> to vector<16xf32>
        %add3A_409 = arith.addf %scan3A_361, %get3A_408 : vector<16xf32>
        scf.yield %add3A_367, %add3A_373, %add3A_379, %add3A_385, %add3A_391, %add3A_397, %add3A_403, %add3A_409 : vector<16xf32>, vector<16xf32>, vector<16xf32>, vector<16xf32>, vector<16xf32>, vector<16xf32>, vector<16xf32>, vector<16xf32>
      }
      %scan3A_297 = arith.constant 31 : i32
      %add3A_298 = arith.constant 112 : i32
      %add3A_299 = arith.addi %add3A_298, %scan3A_258 : i32
      %swap3A = arith.index_cast %add3A_299 : i32 to index
      %swap3A_300 = arith.constant 0 : index
      %swap3A_301 = tpu.vector_load %arg7[%swap3A, %swap3A_300] {strides = array<i32>} : memref<128x128xf32, #tpu.memory_space<vmem>>, vector<1x16xf32>,
      %swap3A_302 = vector.shape_cast %swap3A_301 : vector<1x16xf32> to vector<16xf32>
      %swap3A_303 = vector.shape_cast %scan3A_296#0 : vector<16xf32> to vector<1x16xf32>
      tpu.vector_store %arg7[%swap3A, %swap3A_300], %swap3A_303 {strides = array<i32>} : memref<128x128xf32, #tpu.memory_space<vmem>>, vector<1x16xf32>,
      %add3A_304 = arith.constant 112 : i32
      %add3A_305 = arith.addi %add3A_304, %scan3A_258 : i32
      %swap3A_306 = arith.index_cast %add3A_305 : i32 to index
      %swap3A_307 = arith.constant 16 : index
      %swap3A_308 = tpu.vector_load %arg7[%swap3A_306, %swap3A_307] {strides = array<i32>} : memref<128x128xf32, #tpu.memory_space<vmem>>, vector<1x16xf32>,
      %swap3A_309 = vector.shape_cast %swap3A_308 : vector<1x16xf32> to vector<16xf32>
      %swap3A_310 = vector.shape_cast %scan3A_296#1 : vector<16xf32> to vector<1x16xf32>
      tpu.vector_store %arg7[%swap3A_306, %swap3A_307], %swap3A_310 {strides = array<i32>} : memref<128x128xf32, #tpu.memory_space<vmem>>, vector<1x16xf32>,
      %add3A_311 = arith.constant 112 : i32
      %add3A_312 = arith.addi %add3A_311, %scan3A_258 : i32
      %swap3A_313 = arith.index_cast %add3A_312 : i32 to index
      %swap3A_314 = arith.constant 32 : index
      %swap3A_315 = tpu.vector_load %arg7[%swap3A_313, %swap3A_314] {strides = array<i32>} : memref<128x128xf32, #tpu.memory_space<vmem>>, vector<1x16xf32>,
      %swap3A_316 = vector.shape_cast %swap3A_315 : vector<1x16xf32> to vector<16xf32>
      %swap3A_317 = vector.shape_cast %scan3A_296#2 : vector<16xf32> to vector<1x16xf32>
      tpu.vector_store %arg7[%swap3A_313, %swap3A_314], %swap3A_317 {strides = array<i32>} : memref<128x128xf32, #tpu.memory_space<vmem>>, vector<1x16xf32>,
      %add3A_318 = arith.constant 112 : i32
      %add3A_319 = arith.addi %add3A_318, %scan3A_258 : i32
      %swap3A_320 = arith.index_cast %add3A_319 : i32 to index
      %swap3A_321 = arith.constant 48 : index
      %swap3A_322 = tpu.vector_load %arg7[%swap3A_320, %swap3A_321] {strides = array<i32>} : memref<128x128xf32, #tpu.memory_space<vmem>>, vector<1x16xf32>,
      %swap3A_323 = vector.shape_cast %swap3A_322 : vector<1x16xf32> to vector<16xf32>
      %swap3A_324 = vector.shape_cast %scan3A_296#3 : vector<16xf32> to vector<1x16xf32>
      tpu.vector_store %arg7[%swap3A_320, %swap3A_321], %swap3A_324 {strides = array<i32>} : memref<128x128xf32, #tpu.memory_space<vmem>>, vector<1x16xf32>,
      %add3A_325 = arith.constant 112 : i32
      %add3A_326 = arith.addi %add3A_325, %scan3A_258 : i32
      %swap3A_327 = arith.index_cast %add3A_326 : i32 to index
      %swap3A_328 = arith.constant 64 : index
      %swap3A_329 = tpu.vector_load %arg7[%swap3A_327, %swap3A_328] {strides = array<i32>} : memref<128x128xf32, #tpu.memory_space<vmem>>, vector<1x16xf32>,
      %swap3A_330 = vector.shape_cast %swap3A_329 : vector<1x16xf32> to vector<16xf32>
      %swap3A_331 = vector.shape_cast %scan3A_296#4 : vector<16xf32> to vector<1x16xf32>
      tpu.vector_store %arg7[%swap3A_327, %swap3A_328], %swap3A_331 {strides = array<i32>} : memref<128x128xf32, #tpu.memory_space<vmem>>, vector<1x16xf32>,
      %add3A_332 = arith.constant 112 : i32
      %add3A_333 = arith.addi %add3A_332, %scan3A_258 : i32
      %swap3A_334 = arith.index_cast %add3A_333 : i32 to index
      %swap3A_335 = arith.constant 80 : index
      %swap3A_336 = tpu.vector_load %arg7[%swap3A_334, %swap3A_335] {strides = array<i32>} : memref<128x128xf32, #tpu.memory_space<vmem>>, vector<1x16xf32>,
      %swap3A_337 = vector.shape_cast %swap3A_336 : vector<1x16xf32> to vector<16xf32>
      %swap3A_338 = vector.shape_cast %scan3A_296#5 : vector<16xf32> to vector<1x16xf32>
      tpu.vector_store %arg7[%swap3A_334, %swap3A_335], %swap3A_338 {strides = array<i32>} : memref<128x128xf32, #tpu.memory_space<vmem>>, vector<1x16xf32>,
      %add3A_339 = arith.constant 112 : i32
      %add3A_340 = arith.addi %add3A_339, %scan3A_258 : i32
      %swap3A_341 = arith.index_cast %add3A_340 : i32 to index
      %swap3A_342 = arith.constant 96 : index
      %swap3A_343 = tpu.vector_load %arg7[%swap3A_341, %swap3A_342] {strides = array<i32>} : memref<128x128xf32, #tpu.memory_space<vmem>>, vector<1x16xf32>,
      %swap3A_344 = vector.shape_cast %swap3A_343 : vector<1x16xf32> to vector<16xf32>
      %swap3A_345 = vector.shape_cast %scan3A_296#6 : vector<16xf32> to vector<1x16xf32>
      tpu.vector_store %arg7[%swap3A_341, %swap3A_342], %swap3A_345 {strides = array<i32>} : memref<128x128xf32, #tpu.memory_space<vmem>>, vector<1x16xf32>,
      %add3A_346 = arith.constant 112 : i32
      %add3A_347 = arith.addi %add3A_346, %scan3A_258 : i32
      %swap3A_348 = arith.index_cast %add3A_347 : i32 to index
      %swap3A_349 = arith.constant 112 : index
      %swap3A_350 = tpu.vector_load %arg7[%swap3A_348, %swap3A_349] {strides = array<i32>} : memref<128x128xf32, #tpu.memory_space<vmem>>, vector<1x16xf32>,
      %swap3A_351 = vector.shape_cast %swap3A_350 : vector<1x16xf32> to vector<16xf32>
      %swap3A_352 = vector.shape_cast %scan3A_296#7 : vector<16xf32> to vector<1x16xf32>
      tpu.vector_store %arg7[%swap3A_348, %swap3A_349], %swap3A_352 {strides = array<i32>} : memref<128x128xf32, #tpu.memory_space<vmem>>, vector<1x16xf32>,
    }
    %scan3A_245 = arith.constant 8 : i32
    %dma_wait3A_246 = arith.constant 0 : i32
    %dma_wait3A_247 = tpu.memref_slice %arg2[%add3A_225, %dma_wait3A_246] : memref<131072x128xf32, #tpu.memory_space<hbm>> -> memref<256x128xf32, #tpu.memory_space<hbm>>
    %dma_wait3A_248 = arith.constant 0 : i32
    %dma_wait3A_249 = tpu.memref_slice %arg2[%add3A_225, %dma_wait3A_248] : memref<131072x128xf32, #tpu.memory_space<hbm>> -> memref<256x128xf32, #tpu.memory_space<hbm>>
    tpu.wait_dma2 semaphore(%arg8 : memref<!tpu.dma_semaphore, #tpu.memory_space<semaphore_mem>>) src(%dma_wait3A_249 : memref<256x128xf32, #tpu.memory_space<hbm>>) dst(%arg4 : memref<256x128xf32, #tpu.memory_space<vmem>>)
    %scan3A_250 = arith.constant 0 : i32
    %scan3A_251 = arith.constant 0 : i32
    %scan3A_252 = arith.constant 8 : i32
    %scan3A_253 = arith.addi %scan3A_251, %scan3A_252 : i32
    %scan3A_254 = arith.constant 1 : i32
    scf.for %scan3A_258 = %scan3A_251 to %scan3A_253 step %scan3A_254  : i32 {
      %mul3A_259 = arith.constant 32 : i32
      %mul3A_260 = arith.muli %scan3A_258, %mul3A_259 : i32
      %get3A = arith.index_cast %mul3A_260 : i32 to index
      %get3A_261 = arith.constant 0 : index
      %get3A_262 = tpu.vector_load %arg4[%get3A, %get3A_261] {strides = array<i32>} : memref<256x128xf32, #tpu.memory_space<vmem>>, vector<1x16xf32>,
      %get3A_263 = vector.shape_cast %get3A_262 : vector<1x16xf32> to vector<16xf32>
      %get3A_264 = arith.index_cast %mul3A_260 : i32 to index
      %get3A_265 = arith.constant 16 : index
      %get3A_266 = tpu.vector_load %arg4[%get3A_264, %get3A_265] {strides = array<i32>} : memref<256x128xf32, #tpu.memory_space<vmem>>, vector<1x16xf32>,
      %get3A_267 = vector.shape_cast %get3A_266 : vector<1x16xf32> to vector<16xf32>
      %get3A_268 = arith.index_cast %mul3A_260 : i32 to index
      %get3A_269 = arith.constant 32 : index
      %get3A_270 = tpu.vector_load %arg4[%get3A_268, %get3A_269] {strides = array<i32>} : memref<256x128xf32, #tpu.memory_space<vmem>>, vector<1x16xf32>,
      %get3A_271 = vector.shape_cast %get3A_270 : vector<1x16xf32> to vector<16xf32>
      %get3A_272 = arith.index_cast %mul3A_260 : i32 to index
      %get3A_273 = arith.constant 48 : index
      %get3A_274 = tpu.vector_load %arg4[%get3A_272, %get3A_273] {strides = array<i32>} : memref<256x128xf32, #tpu.memory_space<vmem>>, vector<1x16xf32>,
      %get3A_275 = vector.shape_cast %get3A_274 : vector<1x16xf32> to vector<16xf32>
      %get3A_276 = arith.index_cast %mul3A_260 : i32 to index
      %get3A_277 = arith.constant 64 : index
      %get3A_278 = tpu.vector_load %arg4[%get3A_276, %get3A_277] {strides = array<i32>} : memref<256x128xf32, #tpu.memory_space<vmem>>, vector<1x16xf32>,
      %get3A_279 = vector.shape_cast %get3A_278 : vector<1x16xf32> to vector<16xf32>
      %get3A_280 = arith.index_cast %mul3A_260 : i32 to index
      %get3A_281 = arith.constant 80 : index
      %get3A_282 = tpu.vector_load %arg4[%get3A_280, %get3A_281] {strides = array<i32>} : memref<256x128xf32, #tpu.memory_space<vmem>>, vector<1x16xf32>,
      %get3A_283 = vector.shape_cast %get3A_282 : vector<1x16xf32> to vector<16xf32>
      %get3A_284 = arith.index_cast %mul3A_260 : i32 to index
      %get3A_285 = arith.constant 96 : index
      %get3A_286 = tpu.vector_load %arg4[%get3A_284, %get3A_285] {strides = array<i32>} : memref<256x128xf32, #tpu.memory_space<vmem>>, vector<1x16xf32>,
      %get3A_287 = vector.shape_cast %get3A_286 : vector<1x16xf32> to vector<16xf32>
      %get3A_288 = arith.index_cast %mul3A_260 : i32 to index
      %get3A_289 = arith.constant 112 : index
      %get3A_290 = tpu.vector_load %arg4[%get3A_288, %get3A_289] {strides = array<i32>} : memref<256x128xf32, #tpu.memory_space<vmem>>, vector<1x16xf32>,
      %get3A_291 = vector.shape_cast %get3A_290 : vector<1x16xf32> to vector<16xf32>
      %scan3A_292 = arith.constant 1 : i32
      %scan3A_293 = arith.constant 31 : i32
      %scan3A_294 = arith.addi %scan3A_292, %scan3A_293 : i32
      %scan3A_295 = arith.constant 1 : i32
      %scan3A_296:8 = scf.for %scan3A_353 = %scan3A_292 to %scan3A_294 step %scan3A_295 iter_args(%scan3A_354 = %get3A_263, %scan3A_355 = %get3A_267, %scan3A_356 = %get3A_271, %scan3A_357 = %get3A_275, %scan3A_358 = %get3A_279, %scan3A_359 = %get3A_283, %scan3A_360 = %get3A_287, %scan3A_361 = %get3A_291) -> (vector<16xf32>, vector<16xf32>, vector<16xf32>, vector<16xf32>, vector<16xf32>, vector<16xf32>, vector<16xf32>, vector<16xf32>)  : i32 {
        %add3A_362 = arith.addi %mul3A_260, %scan3A_353 : i32
        %get3A_363 = arith.index_cast %add3A_362 : i32 to index
        %get3A_364 = arith.constant 0 : index
        %get3A_365 = tpu.vector_load %arg4[%get3A_363, %get3A_364] {strides = array<i32>} : memref<256x128xf32, #tpu.memory_space<vmem>>, vector<1x16xf32>,
        %get3A_366 = vector.shape_cast %get3A_365 : vector<1x16xf32> to vector<16xf32>
        %add3A_367 = arith.addf %scan3A_354, %get3A_366 : vector<16xf32>
        %add3A_368 = arith.addi %mul3A_260, %scan3A_353 : i32
        %get3A_369 = arith.index_cast %add3A_368 : i32 to index
        %get3A_370 = arith.constant 16 : index
        %get3A_371 = tpu.vector_load %arg4[%get3A_369, %get3A_370] {strides = array<i32>} : memref<256x128xf32, #tpu.memory_space<vmem>>, vector<1x16xf32>,
        %get3A_372 = vector.shape_cast %get3A_371 : vector<1x16xf32> to vector<16xf32>
        %add3A_373 = arith.addf %scan3A_355, %get3A_372 : vector<16xf32>
        %add3A_374 = arith.addi %mul3A_260, %scan3A_353 : i32
        %get3A_375 = arith.index_cast %add3A_374 : i32 to index
        %get3A_376 = arith.constant 32 : index
        %get3A_377 = tpu.vector_load %arg4[%get3A_375, %get3A_376] {strides = array<i32>} : memref<256x128xf32, #tpu.memory_space<vmem>>, vector<1x16xf32>,
        %get3A_378 = vector.shape_cast %get3A_377 : vector<1x16xf32> to vector<16xf32>
        %add3A_379 = arith.addf %scan3A_356, %get3A_378 : vector<16xf32>
        %add3A_380 = arith.addi %mul3A_260, %scan3A_353 : i32
        %get3A_381 = arith.index_cast %add3A_380 : i32 to index
        %get3A_382 = arith.constant 48 : index
        %get3A_383 = tpu.vector_load %arg4[%get3A_381, %get3A_382] {strides = array<i32>} : memref<256x128xf32, #tpu.memory_space<vmem>>, vector<1x16xf32>,
        %get3A_384 = vector.shape_cast %get3A_383 : vector<1x16xf32> to vector<16xf32>
        %add3A_385 = arith.addf %scan3A_357, %get3A_384 : vector<16xf32>
        %add3A_386 = arith.addi %mul3A_260, %scan3A_353 : i32
        %get3A_387 = arith.index_cast %add3A_386 : i32 to index
        %get3A_388 = arith.constant 64 : index
        %get3A_389 = tpu.vector_load %arg4[%get3A_387, %get3A_388] {strides = array<i32>} : memref<256x128xf32, #tpu.memory_space<vmem>>, vector<1x16xf32>,
        %get3A_390 = vector.shape_cast %get3A_389 : vector<1x16xf32> to vector<16xf32>
        %add3A_391 = arith.addf %scan3A_358, %get3A_390 : vector<16xf32>
        %add3A_392 = arith.addi %mul3A_260, %scan3A_353 : i32
        %get3A_393 = arith.index_cast %add3A_392 : i32 to index
        %get3A_394 = arith.constant 80 : index
        %get3A_395 = tpu.vector_load %arg4[%get3A_393, %get3A_394] {strides = array<i32>} : memref<256x128xf32, #tpu.memory_space<vmem>>, vector<1x16xf32>,
        %get3A_396 = vector.shape_cast %get3A_395 : vector<1x16xf32> to vector<16xf32>
        %add3A_397 = arith.addf %scan3A_359, %get3A_396 : vector<16xf32>
        %add3A_398 = arith.addi %mul3A_260, %scan3A_353 : i32
        %get3A_399 = arith.index_cast %add3A_398 : i32 to index
        %get3A_400 = arith.constant 96 : index
        %get3A_401 = tpu.vector_load %arg4[%get3A_399, %get3A_400] {strides = array<i32>} : memref<256x128xf32, #tpu.memory_space<vmem>>, vector<1x16xf32>,
        %get3A_402 = vector.shape_cast %get3A_401 : vector<1x16xf32> to vector<16xf32>
        %add3A_403 = arith.addf %scan3A_360, %get3A_402 : vector<16xf32>
        %add3A_404 = arith.addi %mul3A_260, %scan3A_353 : i32
        %get3A_405 = arith.index_cast %add3A_404 : i32 to index
        %get3A_406 = arith.constant 112 : index
        %get3A_407 = tpu.vector_load %arg4[%get3A_405, %get3A_406] {strides = array<i32>} : memref<256x128xf32, #tpu.memory_space<vmem>>, vector<1x16xf32>,
        %get3A_408 = vector.shape_cast %get3A_407 : vector<1x16xf32> to vector<16xf32>
        %add3A_409 = arith.addf %scan3A_361, %get3A_408 : vector<16xf32>
        scf.yield %add3A_367, %add3A_373, %add3A_379, %add3A_385, %add3A_391, %add3A_397, %add3A_403, %add3A_409 : vector<16xf32>, vector<16xf32>, vector<16xf32>, vector<16xf32>, vector<16xf32>, vector<16xf32>, vector<16xf32>, vector<16xf32>
      }
      %scan3A_297 = arith.constant 31 : i32
      %add3A_298 = arith.constant 120 : i32
      %add3A_299 = arith.addi %add3A_298, %scan3A_258 : i32
      %swap3A = arith.index_cast %add3A_299 : i32 to index
      %swap3A_300 = arith.constant 0 : index
      %swap3A_301 = tpu.vector_load %arg7[%swap3A, %swap3A_300] {strides = array<i32>} : memref<128x128xf32, #tpu.memory_space<vmem>>, vector<1x16xf32>,
      %swap3A_302 = vector.shape_cast %swap3A_301 : vector<1x16xf32> to vector<16xf32>
      %swap3A_303 = vector.shape_cast %scan3A_296#0 : vector<16xf32> to vector<1x16xf32>
      tpu.vector_store %arg7[%swap3A, %swap3A_300], %swap3A_303 {strides = array<i32>} : memref<128x128xf32, #tpu.memory_space<vmem>>, vector<1x16xf32>,
      %add3A_304 = arith.constant 120 : i32
      %add3A_305 = arith.addi %add3A_304, %scan3A_258 : i32
      %swap3A_306 = arith.index_cast %add3A_305 : i32 to index
      %swap3A_307 = arith.constant 16 : index
      %swap3A_308 = tpu.vector_load %arg7[%swap3A_306, %swap3A_307] {strides = array<i32>} : memref<128x128xf32, #tpu.memory_space<vmem>>, vector<1x16xf32>,
      %swap3A_309 = vector.shape_cast %swap3A_308 : vector<1x16xf32> to vector<16xf32>
      %swap3A_310 = vector.shape_cast %scan3A_296#1 : vector<16xf32> to vector<1x16xf32>
      tpu.vector_store %arg7[%swap3A_306, %swap3A_307], %swap3A_310 {strides = array<i32>} : memref<128x128xf32, #tpu.memory_space<vmem>>, vector<1x16xf32>,
      %add3A_311 = arith.constant 120 : i32
      %add3A_312 = arith.addi %add3A_311, %scan3A_258 : i32
      %swap3A_313 = arith.index_cast %add3A_312 : i32 to index
      %swap3A_314 = arith.constant 32 : index
      %swap3A_315 = tpu.vector_load %arg7[%swap3A_313, %swap3A_314] {strides = array<i32>} : memref<128x128xf32, #tpu.memory_space<vmem>>, vector<1x16xf32>,
      %swap3A_316 = vector.shape_cast %swap3A_315 : vector<1x16xf32> to vector<16xf32>
      %swap3A_317 = vector.shape_cast %scan3A_296#2 : vector<16xf32> to vector<1x16xf32>
      tpu.vector_store %arg7[%swap3A_313, %swap3A_314], %swap3A_317 {strides = array<i32>} : memref<128x128xf32, #tpu.memory_space<vmem>>, vector<1x16xf32>,
      %add3A_318 = arith.constant 120 : i32
      %add3A_319 = arith.addi %add3A_318, %scan3A_258 : i32
      %swap3A_320 = arith.index_cast %add3A_319 : i32 to index
      %swap3A_321 = arith.constant 48 : index
      %swap3A_322 = tpu.vector_load %arg7[%swap3A_320, %swap3A_321] {strides = array<i32>} : memref<128x128xf32, #tpu.memory_space<vmem>>, vector<1x16xf32>,
      %swap3A_323 = vector.shape_cast %swap3A_322 : vector<1x16xf32> to vector<16xf32>
      %swap3A_324 = vector.shape_cast %scan3A_296#3 : vector<16xf32> to vector<1x16xf32>
      tpu.vector_store %arg7[%swap3A_320, %swap3A_321], %swap3A_324 {strides = array<i32>} : memref<128x128xf32, #tpu.memory_space<vmem>>, vector<1x16xf32>,
      %add3A_325 = arith.constant 120 : i32
      %add3A_326 = arith.addi %add3A_325, %scan3A_258 : i32
      %swap3A_327 = arith.index_cast %add3A_326 : i32 to index
      %swap3A_328 = arith.constant 64 : index
      %swap3A_329 = tpu.vector_load %arg7[%swap3A_327, %swap3A_328] {strides = array<i32>} : memref<128x128xf32, #tpu.memory_space<vmem>>, vector<1x16xf32>,
      %swap3A_330 = vector.shape_cast %swap3A_329 : vector<1x16xf32> to vector<16xf32>
      %swap3A_331 = vector.shape_cast %scan3A_296#4 : vector<16xf32> to vector<1x16xf32>
      tpu.vector_store %arg7[%swap3A_327, %swap3A_328], %swap3A_331 {strides = array<i32>} : memref<128x128xf32, #tpu.memory_space<vmem>>, vector<1x16xf32>,
      %add3A_332 = arith.constant 120 : i32
      %add3A_333 = arith.addi %add3A_332, %scan3A_258 : i32
      %swap3A_334 = arith.index_cast %add3A_333 : i32 to index
      %swap3A_335 = arith.constant 80 : index
      %swap3A_336 = tpu.vector_load %arg7[%swap3A_334, %swap3A_335] {strides = array<i32>} : memref<128x128xf32, #tpu.memory_space<vmem>>, vector<1x16xf32>,
      %swap3A_337 = vector.shape_cast %swap3A_336 : vector<1x16xf32> to vector<16xf32>
      %swap3A_338 = vector.shape_cast %scan3A_296#5 : vector<16xf32> to vector<1x16xf32>
      tpu.vector_store %arg7[%swap3A_334, %swap3A_335], %swap3A_338 {strides = array<i32>} : memref<128x128xf32, #tpu.memory_space<vmem>>, vector<1x16xf32>,
      %add3A_339 = arith.constant 120 : i32
      %add3A_340 = arith.addi %add3A_339, %scan3A_258 : i32
      %swap3A_341 = arith.index_cast %add3A_340 : i32 to index
      %swap3A_342 = arith.constant 96 : index
      %swap3A_343 = tpu.vector_load %arg7[%swap3A_341, %swap3A_342] {strides = array<i32>} : memref<128x128xf32, #tpu.memory_space<vmem>>, vector<1x16xf32>,
      %swap3A_344 = vector.shape_cast %swap3A_343 : vector<1x16xf32> to vector<16xf32>
      %swap3A_345 = vector.shape_cast %scan3A_296#6 : vector<16xf32> to vector<1x16xf32>
      tpu.vector_store %arg7[%swap3A_341, %swap3A_342], %swap3A_345 {strides = array<i32>} : memref<128x128xf32, #tpu.memory_space<vmem>>, vector<1x16xf32>,
      %add3A_346 = arith.constant 120 : i32
      %add3A_347 = arith.addi %add3A_346, %scan3A_258 : i32
      %swap3A_348 = arith.index_cast %add3A_347 : i32 to index
      %swap3A_349 = arith.constant 112 : index
      %swap3A_350 = tpu.vector_load %arg7[%swap3A_348, %swap3A_349] {strides = array<i32>} : memref<128x128xf32, #tpu.memory_space<vmem>>, vector<1x16xf32>,
      %swap3A_351 = vector.shape_cast %swap3A_350 : vector<1x16xf32> to vector<16xf32>
      %swap3A_352 = vector.shape_cast %scan3A_296#7 : vector<16xf32> to vector<1x16xf32>
      tpu.vector_store %arg7[%swap3A_348, %swap3A_349], %swap3A_352 {strides = array<i32>} : memref<128x128xf32, #tpu.memory_space<vmem>>, vector<1x16xf32>,
    }
    %scan3A_255 = arith.constant 8 : i32
    %mul3A_256 = arith.constant 128 : i32
    %mul3A_257 = arith.muli %add3A, %mul3A_256 : i32
    "tpu.region"() ({
      %run_scoped3A = tpu.sem_alloc : memref<!tpu.dma_semaphore, #tpu.memory_space<semaphore_mem>>
      %dma_start3A_258 = arith.constant 0 : i32
      %dma_start3A_259 = tpu.memref_slice %arg3[%mul3A_257, %dma_start3A_258] : memref<4096x128xf32, #tpu.memory_space<hbm>> -> memref<128x128xf32, #tpu.memory_space<hbm>>
      %dma_start3A_260 = arith.constant 0 : i32
      %dma_start3A_261 = tpu.memref_slice %arg3[%mul3A_257, %dma_start3A_260] : memref<4096x128xf32, #tpu.memory_space<hbm>> -> memref<128x128xf32, #tpu.memory_space<hbm>>
      tpu.enqueue_dma source(%arg7 : memref<128x128xf32, #tpu.memory_space<vmem>>) target(%dma_start3A_261 : memref<128x128xf32, #tpu.memory_space<hbm>>) target_semaphore(%run_scoped3A : memref<!tpu.dma_semaphore, #tpu.memory_space<semaphore_mem>>)
      %dma_wait3A_262 = arith.constant 0 : i32
      %dma_wait3A_263 = tpu.memref_slice %arg3[%mul3A_257, %dma_wait3A_262] : memref<4096x128xf32, #tpu.memory_space<hbm>> -> memref<128x128xf32, #tpu.memory_space<hbm>>
      %dma_wait3A_264 = arith.constant 0 : i32
      %dma_wait3A_265 = tpu.memref_slice %arg3[%mul3A_257, %dma_wait3A_264] : memref<4096x128xf32, #tpu.memory_space<hbm>> -> memref<128x128xf32, #tpu.memory_space<hbm>>
      tpu.wait_dma2 semaphore(%run_scoped3A : memref<!tpu.dma_semaphore, #tpu.memory_space<semaphore_mem>>) src(%arg7 : memref<128x128xf32, #tpu.memory_space<vmem>>) dst(%dma_wait3A_265 : memref<128x128xf32, #tpu.memory_space<hbm>>)
      tpu.yield
    }) : () -> ()
    return
  }
}

module attributes {stable_mosaic.version = 14 : i64} {
  func.func @_mlp_body(%arg0: memref<4096x128xf32, #tpu.memory_space<vmem>>, %arg1: memref<128x128xf32, #tpu.memory_space<vmem>>, %arg2: memref<1x128xf32, #tpu.memory_space<vmem>>, %arg3: memref<4096x128xf32, #tpu.memory_space<vmem>>) attributes {dimension_semantics = [], scalar_prefetch = 0 : i64, scratch_operands = 0 : i64, tpu.core_type = #tpu.core_type<tc>} {
    %get3A = arith.constant 0 : index
    %get3A_0 = arith.constant 0 : index
    %get3A_1 = vector.load %arg0[%get3A, %get3A_0] : memref<4096x128xf32, #tpu.memory_space<vmem>>, vector<4096x128xf32>
    %get3A_2 = arith.constant 0 : index
    %get3A_3 = arith.constant 0 : index
    %get3A_4 = vector.load %arg1[%get3A_2, %get3A_3] : memref<128x128xf32, #tpu.memory_space<vmem>>, vector<128x128xf32>
    %dot_general3A = arith.constant dense<0.000000e+00> : vector<4096x128xf32>
    %dot_general3A_5 = tpu.matmul %get3A_1, %get3A_4, %dot_general3A {dimension_numbers = #tpu.dot_dimension_numbers<[1], [1], [0], [0], [0, 0, 1, 0], [], []>, precision = #tpu.contract_precision<fp32>, transpose_lhs_hint = false} : vector<4096x128xf32>, vector<128x128xf32>, vector<4096x128xf32> -> vector<4096x128xf32>
    %get3A_6 = arith.constant 0 : index
    %get3A_7 = arith.constant 0 : index
    %get3A_8 = vector.load %arg2[%get3A_6, %get3A_7] : memref<1x128xf32, #tpu.memory_space<vmem>>, vector<1x128xf32>
    %add3A = vector.broadcast %get3A_8 : vector<1x128xf32> to vector<4096x128xf32>
    %add3A_9 = arith.addf %dot_general3A_5, %add3A : vector<4096x128xf32>
    %swap3A = arith.constant 0 : index
    %swap3A_10 = arith.constant 0 : index
    %swap3A_11 = vector.load %arg3[%swap3A, %swap3A_10] : memref<4096x128xf32, #tpu.memory_space<vmem>>, vector<4096x128xf32>
    tpu.vector_store %arg3[%swap3A, %swap3A_10], %add3A_9 {strides = array<i32>} : memref<4096x128xf32, #tpu.memory_space<vmem>>, vector<4096x128xf32>,
    return
  }
}

</mosaic_0001>

<sc_bundles>
// kernel: kernel.4.cloned.1.call-start
scs
__scs_entry_jumppad:
0x0: {  	(pc) =	sbr.rel $0x88, $3  }
0x1: {  	(tag) =	ssettag $0x0;
	lr =	simm.s32 $0x1  }
0x2: {  	[smem:$0x3F9E] =	sst lr;
	_ =	strace $0xD0000000  }
0x3: {  	_ = 	snop  }
0x4: {  	_ = 	snop  }
0x5: {  	_ = 	snop  }
0x6: {  	_ = 	snop  }
0x7: {  	_ = 	snop  }
__scs_overlays_trampoline_lowered:
0x8: {  	[smem:$0x3FAD] =	sst s0  }
0x9: {  	[smem:$0x3FAE] =	sst s1  }
0xa: {  	[smem:$0x3FAF] =	sst s2  }
0xb: {  	[smem:$0x3FB0] =	sst s3  }
0xc: {  	[smem:$0x3FB1] =	sst s4  }
0xd: {  	[smem:$0x3FB2] =	sst s5  }
0xe: {  	[smem:$0x3FB3] =	sst s6  }
0xf: {  	[smem:$0x3FB4] =	sst s7  }
0x10: {  	[smem:$0x3FB5] =	sst s8  }
0x11: {  	[smem:$0x3FB6] =	sst s9;
	s0 =	simm.s32 @!p0 $0x0  }
0x12: {  	s1 =	sld [smem:$0x3F9C];
	s0 =	simm.s32 @p0 $0x1  }
0x13: {  	[smem:$0x3FB7] =	sst s0;
	s0 =	simm.s32 @!p1 $0x0  }
0x14: {  	s2 =	sld [smem:$0x3F9B];
	s0 =	simm.s32 @p1 $0x1  }
0x15: {  	[smem:$0x3FB8] =	sst s0;
	s0 =	simm.s32 @!p2 $0x0  }
0x16: {  	s3 =	sld [smem:$0x3FDB];
	s0 =	simm.s32 @p2 $0x1  }
0x17: {  	s4 =	simm.s32 $0x1BF5;
	[smem:$0x3FBA] =	sst s0  }
0x18: {  	s0 =	sld [smem:$0x3F9D];
	_ =	swait.ge [sflag:s4], $0x0  }
0x19: {  	s7 =	sld [smem:$0x3F9E]  }
0x1a: {  	s8 =	sadd.s32 $0xFFFFE003, lr  }
0x1b: {  	s9 =	sadd.s32 $0xFFFFFEF7, lr;
	s5 =	simm.s32 $0xFFFFFFFF;
	p2 =	slt.u32 s8, $0xFFFFF086  }
0x1c: {  	p1 =	slt.u32 s9, $0xF7A;
	s5 =	simm.s32 @!p2 $0x0  }
0x1d: {  	s5 =	simm.s32 @p1 $0x1;
	p0 =	seq.s32 s7, s2  }
0x1e: {  	s7 =	smul.u32 @!p0 $0xF7A, s2;
	p2 =	seq.s32 @!p0 s5, $0x0  }
0x1f: {  	s9 =	smul.u32 $0xF7A, s1;
	s8 =	simm.s32 @!p0 $0x1BF5;
	p2 =	por !p2, p0  }
0x20: {  	[sflag:s8] =	ssyncset.s32 @!p0 $0xFFFFF086;
	s6 =	sadd.s32 @!p0 s3, s7;
	s7 =	simm.s32 @!p0 $0x108  }
0x21: {  	s3 =	sadd.s32 s3, s9;
	s6 =	sadd.s32 @!p0 $0x88, s6;
	s7 =	simm.s32 @p2 $0x1082  }
0x22: {  	[simem:s7], [sflag:s8] =	dma.local @!p0 [hbm:s6], $0xF7A  }
0x23: {  	s9 =	sor.u32 $0xD0000000, s2;
	s6 =	simm.s32 $0x108;
	_ =	swait.ge @!p0 [sflag:s8], $0x0  }
0x24: {  	s3 =	sadd.s32 $0x88, s3;
	s6 =	simm.s32 @!p1 $0x1082;
	[sflag:s4] =	ssyncset.s32 $0xFFFFF086  }
0x25: {  	[simem:s6], [sflag:s4] =	dma.local [hbm:s3], $0xF7A  }
0x26: {  	[smem:$0x3F9E] =	sst s1;
	(tag) =	ssettag s2;
	_ =	strace s9  }
0x27: {  	s1 =	sld [smem:$0x3FAE]  }
0x28: {  	s2 =	sld [smem:$0x3FAF]  }
0x29: {  	s4 =	sld [smem:$0x3FB1]  }
0x2a: {  	p0 =	seq.s32 s5, $0x0;
	s5 =	sld [smem:$0x3FB2]  }
0x2b: {  	s6 =	sld [smem:$0x3FB3]  }
0x2c: {  	s7 =	sld [smem:$0x3FB4]  }
0x2d: {  	s3 =	simm.s32 $0x108;
	s8 =	sld [smem:$0x3FB5]  }
0x2e: {  	s3 =	simm.s32 @!p0 $0x1082;
	s9 =	sld [smem:$0x3FB6]  }
0x2f: {  	lr =	sadd.s32 s0, s3;
	s0 =	sld [smem:$0x3FAD]  }
0x30: {  	s3 =	sld [smem:$0x3FB0]  }
0x31: {  	[smem:$0x3FB9] =	sst s10  }
0x32: {  	s10 =	sld [smem:$0x3FB7];
	_ =	sdelay $0x3  }
0x33: {  	p0 =	seq.s32 s10, $0x1;
	s10 =	sld [smem:$0x3FB9];
	_ =	sdelay $0x3  }
0x34: {  	[smem:$0x3FB9] =	sst s10  }
0x35: {  	s10 =	sld [smem:$0x3FB8];
	_ =	sdelay $0x3  }
0x36: {  	p1 =	seq.s32 s10, $0x1;
	s10 =	sld [smem:$0x3FB9];
	_ =	sdelay $0x3  }
0x37: {  	[smem:$0x3FB9] =	sst s10  }
0x38: {  	s10 =	sld [smem:$0x3FBA]  }
0x39: {  	_ = 	snop;
	(pc) =	sbr.ind lr, $3  }
0x3a: {  	_ = 	snop  }
0x3b: {  	_ = 	snop  }
0x3c: {  	p2 =	seq.s32 s10, $0x1;
	s10 =	sld [smem:$0x3FB9]  }
0x3d: {  	_ =	shalt  }
0x3e: {  	_ =	shalt  }
0x3f: {  	_ =	shalt  }
0x40: {  	_ =	shalt  }
0x41: {  	_ =	shalt  }
0x42: {  	_ =	shalt  }
0x43: {  	_ =	shalt  }
0x44: {  	_ =	shalt  }
0x45: {  	_ =	shalt  }
0x46: {  	_ =	shalt  }
0x47: {  	_ =	shalt  }
0x48: {  	_ =	shalt  }
0x49: {  	_ =	shalt  }
0x4a: {  	_ =	shalt  }
0x4b: {  	_ =	shalt  }
0x4c: {  	_ =	shalt  }
0x4d: {  	_ =	shalt  }
0x4e: {  	_ =	shalt  }
0x4f: {  	_ =	shalt  }
0x50: {  	_ =	shalt  }
0x51: {  	_ =	shalt  }
0x52: {  	_ =	shalt  }
0x53: {  	_ =	shalt  }
0x54: {  	_ =	shalt  }
0x55: {  	_ =	shalt  }
0x56: {  	_ =	shalt  }
0x57: {  	_ =	shalt  }
0x58: {  	_ =	shalt  }
0x59: {  	_ =	shalt  }
0x5a: {  	_ =	shalt  }
0x5b: {  	_ =	shalt  }
0x5c: {  	_ =	shalt  }
0x5d: {  	_ =	shalt  }
0x5e: {  	_ =	shalt  }
0x5f: {  	_ =	shalt  }
0x60: {  	_ =	shalt  }
0x61: {  	_ =	shalt  }
0x62: {  	_ =	shalt  }
0x63: {  	_ =	shalt  }
0x64: {  	_ =	shalt  }
0x65: {  	_ =	shalt  }
0x66: {  	_ =	shalt  }
0x67: {  	_ =	shalt  }
0x68: {  	_ =	shalt  }
0x69: {  	_ =	shalt  }
0x6a: {  	_ =	shalt  }
0x6b: {  	_ =	shalt  }
0x6c: {  	_ =	shalt  }
0x6d: {  	_ =	shalt  }
0x6e: {  	_ =	shalt  }
0x6f: {  	_ =	shalt  }
0x70: {  	_ =	shalt  }
0x71: {  	_ =	shalt  }
0x72: {  	_ =	shalt  }
0x73: {  	_ =	shalt  }
0x74: {  	_ =	shalt  }
0x75: {  	_ =	shalt  }
0x76: {  	_ =	shalt  }
0x77: {  	_ =	shalt  }
0x78: {  	_ =	shalt  }
0x79: {  	_ =	shalt  }
0x7a: {  	_ =	shalt  }
0x7b: {  	_ =	shalt  }
0x7c: {  	_ =	shalt  }
0x7d: {  	_ =	shalt  }
0x7e: {  	_ =	shalt  }
0x7f: {  	_ =	shalt  }
0x80: {  	_ =	shalt  }
0x81: {  	_ =	shalt  }
0x82: {  	_ =	shalt  }
0x83: {  	_ =	shalt  }
0x84: {  	_ =	shalt  }
0x85: {  	_ =	shalt  }
0x86: {  	_ =	shalt  }
0x87: {  	_ =	shalt  }
.Lfunc_end0:
.L_simem_size_0:
called_computation_lowered:
.L_overlay_start_0:
0x88: {  	s2 =	sld [smem:$0x3FD9]  }
0x89: {  	s3 =	sld [smem:$0x3FFE];
	_ =	sdelay $0x1  }
0x8a: {  	s1 =	srdreg.scid  }
0x8b: {  	s0 =	sand.u32 $0x1, s1  }
0x8c: {  	s18 =	sshll.u32 s0, $0xA;
	s2 =	sadd.s32 s3, s2  }
0x8d: {  	s2 =	sadd.s32 s2, s18  }
0x8e: {  	[smem:$0x3FC5] =	sst s2  }
0x8f: {  	_ = 	snop  }
0x90: {  	s2 =	sld [smem:$0x3FC9]  }
0x91: {  	s19 =	sld [smem:$0x3FD0];
	(tm) =	ssettm $0x1  }
0x92: {  	s4 =	sld [smem:$0x3FFB];
	_ =	sdelay $0x3  }
0x93: {  	_ =	strace s4  }
0x94: {  	s4 =	sld [smem:$0x3FFC];
	_ =	sdelay $0x3  }
0x95: {  	_ =	strace s4  }
0x96: {  	s4 =	sld [smem:$0x3FFD];
	_ =	sdelay $0x3  }
0x97: {  	_ =	strace s4  }
0x98: {  	_ =	strace $0x8FFFFFFF  }
0x99: {  	s20 =	sld [smem:$0x3FDB];
	_ =	sdelay $0x1  }
0x9a: {  	s5 =	simm.s32 $_scs_section_size  }
0x9b: {  	s6 =	simm.s32 $_size__tile_overlayer_lowered;
	s7 =	simm.s32 $_tile_overlayer_lowered  }
0x9c: {  	s23 =	simm.s32 $0x1BFF;
	s22 =	sshll.u32 s7, $0x1;
	s4 =	sadd.s32 s5, s20  }
0x9d: {  	s8 =	simm.s32 $0x0;
	s21 =	sshll.u32 s6, $0x1;
	s6 =	sadd.s32 s22, s4  }
0x9e: {  	[timem:s8], [sflag:s23] =	dma.local [hbm:s6], s21  }
0x9f: {  	_ =	swait.ge [sflag:s23], s21  }
0xa0: {  	s5 =	ssub.s32 $0x0, s21;
	[sflag:s23] =	ssyncset.done $0x0  }
0xa1: {  	[sflag:s23] =	ssyncadd.s32 s5;
	_ =	sdelay $0x1  }
0xa2: {  	s24 =	simm.s32 $0x1B8B  }
0xa3: {  	_ =	swait.ge [sflag:s24], $0x1  }
0xa4: {  	[sflag:s24] =	ssyncset.done $0x0  }
0xa5: {  	s25 =	simm.s32 $0x1B8E;
	[sflag:s24] =	ssyncadd.s32 $0xFFFFFFFF  }
0xa6: {  	s26 =	simm.s32 $execute0_lowered;
	[smem:$0x3FD2] =	sst s25  }
0xa7: {  	s5 =	sshll.u32 s26, $0x1;
	_ =	strace $0x80000046;
	[dreg:$0x1] =	wrdreg $0xFFFFFFFF  }
0xa8: {  	s28 =	simm.s32 $_size_execute0_lowered;
	s4 =	sadd.s32 s4, s5;
	[dreg:$0x0] =	wrdreg $0x0  }
0xa9: {  	s5 =	sshll.u32 s28, $0x1;
	[dreg:$0x2] =	wrdreg s4  }
0xaa: {  	[dreg:$0x3] =	wrdreg s5  }
0xab: {  	[dreg:$0x4] =	wrdreg $0xC0  }
0xac: {  	_ =	task [dreg:s8], $0x5FFFF  }
0xad: {  	[dreg:$0x1] =	wrdreg $0xFFFFFFFF  }
0xae: {  	[dreg:$0x0] =	wrdreg $0x60  }
0xaf: {  	[dreg:$0x2] =	wrdreg s2  }
0xb0: {  	[dreg:$0x3] =	wrdreg s19  }
0xb1: {  	[dreg:$0x4] =	wrdreg $0x9  }
0xb2: {  	_ =	task.clear_ibuf [dreg:s8], $0x5FFFF;
	_ =	strace $0x90000046  }
0xb3: {  	s29 =	simm.s32 $0x9;
	_ =	strace $0x80000048  }
0xb4: {  	_ =	swait.ge [sflag:s29], $0x1  }
0xb5: {  	[sflag:s29] =	ssyncadd.s32 $0xFFFFFFFF  }
0xb6: {  	_ =	strace $0x90000048  }
0xb7: {  	_ =	sfence  }
0xb8: {  	s30 =	sld [smem:$0x0];
	_ =	sdelay $0x2  }
0xb9: {  	s31 =	sshll.u32 s1, $0xD;
	s1 =	sshrl.u32 s1, $0x2  }
0xba: {  	s3 =	sand.u32 $0x4000, s31;
	s1 =	sadd.s32 s1, s30  }
0xbb: {  	s0 =	sor.u32 s3, s0;
	s1 =	sshll.u32 s1, $0x11  }
0xbc: {  	s0 =	sor.u32 s1, s0  }
0xbd: {  	s0 =	sadd.s32 $0x8F2B, s0  }
0xbe: {  	[sflag:s0] =	ssyncadd.remote.s32 $0x1  }
0xbf: {  	_ =	sfence.sel $0xFFFF  }
0xc0: {  	[dreg:$0x0] =	wrdreg $0xFFFFFFFF;
	(pc) =	sbr.abs _section_cstart, $3  }
0xc1: {  	[dreg:$0x1] =	wrdreg $0xFFFFFFFF  }
0xc2: {  	_ =	task.clear_ibuf [dreg:s8], $0x2FFFF;
	_ =	strace $0x9FFFFFFF  }
0xc3: {  	(tm) =	ssettm $0x7FFFFFFF  }
tec
execute0_lowered:
.L_overlay_start_1:
0x0: {  	(tag) =	ssettag $0x1  }
0x1: {  	s0 =	srdreg.scid;
	s1 =	rddreg [dreg:$0x0]  }
0x2: {  	s19 =	rddreg [dreg:$0x1];
	s4 =	stileid.u32  }
0x3: {  	s2 =	simm.s32 $0x0;
	s21 =	simm.s32 $0x8000;
	s22 =	simm.s32 $0x1  }
0x4: {  	s23 =	simm.s32 $0x10000;
	s24 =	simm.s32 $0x2;
	s25 =	simm.s32 $0x3  }
0x5: {  	s28 =	simm.s32 $0x4;
	s29 =	simm.s32 $0x0;
	s0 =	sand.u32 $0x1, s0  }
0x6: {  	[smem:$0x7FF] =	sst s2;
	s3 =	sshll.u32 s0, $0x4;
	s0 =	ssub.s32 $0x2, s0  }
0x7: {  	_ =	strace $0x80000047;
	s17 =	sor.u32 s4, s3;
	s30 =	sshrl.u32 s0, $0x1  }
0x8: {  	s3 =	sshll.u32 s17, $0x10;
	s0 =	ssub.s32 s0, s30;
	s31 =	sshll.u32 s17, $0xB  }
0x9: {  	s3 =	sadd.s32 s1, s3;
	s19 =	sadd.s32 s19, s31;
	s20 =	smax.u32 s0, $0x1  }
0xa: {  	s4 =	sadd.s32 $0x1000, s3;
	s5 =	sadd.s32 $0x2000, s3;
	s6 =	sadd.s32 $0x3000, s3  }
0xb: {  	s7 =	sadd.s32 $0x4000, s3;
	s8 =	sadd.s32 $0x5000, s3;
	s9 =	sadd.s32 $0x6000, s3  }
0xc: {  	s10 =	sadd.s32 $0x7000, s3;
	s11 =	sadd.s32 $0x8000, s3;
	s12 =	sadd.s32 $0x9000, s3  }
0xd: {  	s13 =	sadd.s32 $0xA000, s3;
	s14 =	sadd.s32 $0xB000, s3;
	s15 =	sadd.s32 $0xC000, s3  }
0xe: {  	s16 =	sadd.s32 $0xD000, s3;
	s17 =	sadd.s32 $0xE000, s3;
	s18 =	sadd.s32 $0xF000, s3  }
.LBB2_1:
0xf: {  	[tilespmem:s2], [sflag:$0x1] =	stream.linear.gather [hbm4b:s3+s2], $0x8000, $0x38;
	[tilespmem:$0x1C000] =	vst v63  }
0x10: {  	_ = 	snop  }
0x11: {  	[tilespmem:s21], [sflag:$0x2] =	stream.linear.gather [hbm4b:s4+s2], $0x8000, $0x38;
	[tilespmem:$0x1C000] =	vst v63  }
0x12: {  	_ =	swait.ge [sflag:s22], $0x8000  }
0x13: {  	[sflag:s22] =	ssyncset.done $0x0  }
0x14: {  	s30 =	simm.s32 $0x80;
	s31 =	simm.s32 $0x0;
	[sflag:s22] =	ssyncadd.s32 $0xFFFF8000  }
0x15: {  	[tilespmem:s23], [sflag:$0x3] =	stream.linear.gather [hbm4b:s5+s2], $0x8000, $0x38;
	[tilespmem:$0x1C000] =	vst v63  }
.LBB2_2:
0x16: {  	s0 =	sshll.u32 s31, $0xE  }
0x17: {  	s0 =	sshra.s32 s0, $0x2  }
0x18: {  	v10 =	vld [tilespmem:s0+$0x0]  }
0x19: {  	v7 =	vld [tilespmem:s0+$0x10]  }
0x1a: {  	v6 =	vld [tilespmem:s0+$0x20]  }
0x1b: {  	v5 =	vmov s30;
	v4 =	vld [tilespmem:s0+$0x30]  }
0x1c: {  	v3 =	vld [tilespmem:s0+$0x40]  }
0x1d: {  	v1 =	vld [tilespmem:s0+$0x50]  }
0x1e: {  	v0 =	vld [tilespmem:s0+$0x60]  }
0x1f: {  	s26 =	simm.s32 $0x0;
	v2 =	vld [tilespmem:s0+$0x70]  }
0x20: {  	v14 =	vld.idx.msk [tilespmem:v5+s26+$0x70 ss:$0x1], $0xffff  }
0x21: {  	v15 =	vld.idx.msk [tilespmem:v5+s26+$0x0 ss:$0x1], $0xffff  }
0x22: {  	v13 =	vld.idx.msk [tilespmem:v5+s26+$0x10 ss:$0x1], $0xffff  }
0x23: {  	v12 =	vld.idx.msk [tilespmem:v5+s26+$0x20 ss:$0x1], $0xffff  }
0x24: {  	v11 =	vld.idx.msk [tilespmem:v5+s26+$0x30 ss:$0x1], $0xffff  }
0x25: {  	v9 =	vld.idx.msk [tilespmem:v5+s26+$0x40 ss:$0x1], $0xffff  }
0x26: {  	v8 =	vld.idx.msk [tilespmem:v5+s26+$0x50 ss:$0x1], $0xffff  }
0x27: {  	s1 =	simm.s32 $0x400;
	s0 =	simm.s32 $0x80;
	v2 =	vadd.f32 v14, v2;
	v14 =	vadd.f32 v15, v10;
	v10 =	vld.idx.msk [tilespmem:v5+s26+$0x60 ss:$0x1], $0xffff  }
.LBB2_3:
0x28: {  	p0 =	sne.s32 s1, $0x3C00;
	v15 =	vld.idx.msk [tilespmem:v5+s0+$0x70 ss:$0x1], $0xffff;
	v7 =	vadd.f32 v13, v7  }
0x29: {  	v6 =	vadd.f32 v12, v6;
	v16 =	vld.idx.msk [tilespmem:v5+s0+$0x0 ss:$0x1], $0xffff  }
0x2a: {  	v4 =	vadd.f32 v11, v4;
	v13 =	vld.idx.msk [tilespmem:v5+s0+$0x10 ss:$0x1], $0xffff  }
.Ltmp0:
0x2b: {  	v3 =	vadd.f32 v9, v3;
	v12 =	vld.idx.msk [tilespmem:v5+s0+$0x20 ss:$0x1], $0xffff;
	(pc) =	sbr.rel @p0 .LBB2_3-.Ltmp0, $4  }
0x2c: {  	v1 =	vadd.f32 v8, v1;
	v11 =	vld.idx.msk [tilespmem:v5+s0+$0x30 ss:$0x1], $0xffff  }
0x2d: {  	v0 =	vadd.f32 v10, v0;
	v9 =	vld.idx.msk [tilespmem:v5+s0+$0x40 ss:$0x1], $0xffff  }
0x2e: {  	v2 =	vadd.f32 v15, v2;
	v8 =	vld.idx.msk [tilespmem:v5+s0+$0x50 ss:$0x1], $0xffff  }
0x2f: {  	v14 =	vadd.f32 v16, v14;
	v10 =	vld.idx.msk [tilespmem:v5+s0+$0x60 ss:$0x1], $0xffff;
	s0 =	sshra.s32 s1, $0x2;
	s1 =	sadd.s32 $0x200, s1  }
0x30: {  	_ =	sdelay $0x3  }
0x31: {  	v16 =	vld.idx.msk [tilespmem:v5+s0+$0x0 ss:$0x1], $0xffff  }
0x32: {  	v17 =	vld.idx.msk [tilespmem:v5+s0+$0x10 ss:$0x1], $0xffff  }
0x33: {  	v18 =	vld.idx.msk [tilespmem:v5+s0+$0x20 ss:$0x1], $0xffff  }
0x34: {  	v19 =	vld.idx.msk [tilespmem:v5+s0+$0x30 ss:$0x1], $0xffff  }
0x35: {  	v7 =	vadd.f32 v13, v7;
	v60 =	vld.idx.msk [tilespmem:v5+s0+$0x40 ss:$0x1], $0xffff  }
0x36: {  	v6 =	vadd.f32 v12, v6;
	v62 =	vld.idx.msk [tilespmem:v5+s0+$0x50 ss:$0x1], $0xffff;
	s1 =	sshll.u32 s31, $0x7;
	v61 =	vadd.f32 v16, v14  }
0x37: {  	v15 =	vld.idx.msk [tilespmem:v5+s0+$0x70 ss:$0x1], $0xffff;
	v4 =	vadd.f32 v11, v4;
	s26 =	sand.u32 $0x3FFFFF80, s1;
	v7 =	vadd.f32 v17, v7  }
0x38: {  	v63 =	vld.idx.msk [tilespmem:v5+s0+$0x60 ss:$0x1], $0xffff;
	v3 =	vadd.f32 v9, v3;
	v6 =	vadd.f32 v18, v6;
	[tilespmem:s26+$0x18000] =	vst v61  }
0x39: {  	s31 =	sadd.s32 $0x1, s31;
	v1 =	vadd.f32 v8, v1;
	v4 =	vadd.f32 v19, v4;
	[tilespmem:s26+$0x18010] =	vst v7  }
0x3a: {  	p0 =	sne.s32 s31, $0x8;
	v3 =	vadd.f32 v60, v3;
	[tilespmem:s26+$0x18020] =	vst v6  }
.Ltmp1:
0x3b: {  	v0 =	vadd.f32 v10, v0;
	v1 =	vadd.f32 v62, v1;
	[tilespmem:s26+$0x18030] =	vst v4;
	(pc) =	sbr.rel @p0 .LBB2_2-.Ltmp1, $4  }
0x3c: {  	v2 =	vadd.f32 v15, v2;
	[tilespmem:s26+$0x18040] =	vst v3  }
0x3d: {  	v0 =	vadd.f32 v63, v0;
	[tilespmem:s26+$0x18050] =	vst v1  }
0x3e: {  	[tilespmem:s26+$0x18070] =	vst v2  }
0x3f: {  	s30 =	sadd.s32 $0x1000, s30;
	[tilespmem:s26+$0x18060] =	vst v0  }
0x40: {  	_ =	swait.ge [sflag:s24], $0x8000  }
0x41: {  	[sflag:s24] =	ssyncset.done $0x0  }
0x42: {  	s30 =	simm.s32 $0x0;
	s31 =	simm.s32 $0x8080;
	[sflag:s24] =	ssyncadd.s32 $0xFFFF8000  }
0x43: {  	[tilespmem:s30], [sflag:$0x1] =	stream.linear.gather [hbm4b:s6+s30], $0x8000, $0x38;
	[tilespmem:$0x1C000] =	vst v63  }
.LBB2_6:
0x44: {  	s0 =	sshll.u32 s30, $0xE  }
0x45: {  	s0 =	sshra.s32 s0, $0x2  }
0x46: {  	v10 =	vld [tilespmem:s0+$0x8000]  }
0x47: {  	v7 =	vld [tilespmem:s0+$0x8010]  }
0x48: {  	v6 =	vld [tilespmem:s0+$0x8020]  }
0x49: {  	v5 =	vmov s31;
	v4 =	vld [tilespmem:s0+$0x8030]  }
0x4a: {  	v3 =	vld [tilespmem:s0+$0x8040]  }
0x4b: {  	v1 =	vld [tilespmem:s0+$0x8050]  }
0x4c: {  	v0 =	vld [tilespmem:s0+$0x8060]  }
0x4d: {  	s26 =	simm.s32 $0x0;
	v2 =	vld [tilespmem:s0+$0x8070]  }
0x4e: {  	v14 =	vld.idx.msk [tilespmem:v5+s26+$0x70 ss:$0x1], $0xffff  }
0x4f: {  	v15 =	vld.idx.msk [tilespmem:v5+s26+$0x0 ss:$0x1], $0xffff  }
0x50: {  	v13 =	vld.idx.msk [tilespmem:v5+s26+$0x10 ss:$0x1], $0xffff  }
0x51: {  	v12 =	vld.idx.msk [tilespmem:v5+s26+$0x20 ss:$0x1], $0xffff  }
0x52: {  	v11 =	vld.idx.msk [tilespmem:v5+s26+$0x30 ss:$0x1], $0xffff  }
0x53: {  	v9 =	vld.idx.msk [tilespmem:v5+s26+$0x40 ss:$0x1], $0xffff  }
0x54: {  	v8 =	vld.idx.msk [tilespmem:v5+s26+$0x50 ss:$0x1], $0xffff  }
0x55: {  	s1 =	simm.s32 $0x400;
	s0 =	simm.s32 $0x80;
	v2 =	vadd.f32 v14, v2;
	v14 =	vadd.f32 v15, v10;
	v10 =	vld.idx.msk [tilespmem:v5+s26+$0x60 ss:$0x1], $0xffff  }
.LBB2_7:
0x56: {  	p0 =	sne.s32 s1, $0x3C00;
	v15 =	vld.idx.msk [tilespmem:v5+s0+$0x70 ss:$0x1], $0xffff;
	v7 =	vadd.f32 v13, v7  }
0x57: {  	v6 =	vadd.f32 v12, v6;
	v16 =	vld.idx.msk [tilespmem:v5+s0+$0x0 ss:$0x1], $0xffff  }
0x58: {  	v4 =	vadd.f32 v11, v4;
	v13 =	vld.idx.msk [tilespmem:v5+s0+$0x10 ss:$0x1], $0xffff  }
.Ltmp2:
0x59: {  	v3 =	vadd.f32 v9, v3;
	v12 =	vld.idx.msk [tilespmem:v5+s0+$0x20 ss:$0x1], $0xffff;
	(pc) =	sbr.rel @p0 .LBB2_7-.Ltmp2, $4  }
0x5a: {  	v1 =	vadd.f32 v8, v1;
	v11 =	vld.idx.msk [tilespmem:v5+s0+$0x30 ss:$0x1], $0xffff  }
0x5b: {  	v0 =	vadd.f32 v10, v0;
	v9 =	vld.idx.msk [tilespmem:v5+s0+$0x40 ss:$0x1], $0xffff  }
0x5c: {  	v2 =	vadd.f32 v15, v2;
	v8 =	vld.idx.msk [tilespmem:v5+s0+$0x50 ss:$0x1], $0xffff  }
0x5d: {  	v14 =	vadd.f32 v16, v14;
	v10 =	vld.idx.msk [tilespmem:v5+s0+$0x60 ss:$0x1], $0xffff;
	s0 =	sshra.s32 s1, $0x2;
	s1 =	sadd.s32 $0x200, s1  }
0x5e: {  	_ =	sdelay $0x3  }
0x5f: {  	v16 =	vld.idx.msk [tilespmem:v5+s0+$0x0 ss:$0x1], $0xffff  }
0x60: {  	v17 =	vld.idx.msk [tilespmem:v5+s0+$0x10 ss:$0x1], $0xffff  }
0x61: {  	v18 =	vld.idx.msk [tilespmem:v5+s0+$0x20 ss:$0x1], $0xffff  }
0x62: {  	v19 =	vld.idx.msk [tilespmem:v5+s0+$0x30 ss:$0x1], $0xffff  }
0x63: {  	v7 =	vadd.f32 v13, v7;
	v60 =	vld.idx.msk [tilespmem:v5+s0+$0x40 ss:$0x1], $0xffff  }
0x64: {  	v6 =	vadd.f32 v12, v6;
	v62 =	vld.idx.msk [tilespmem:v5+s0+$0x50 ss:$0x1], $0xffff;
	s1 =	sshll.u32 s30, $0x7;
	v61 =	vadd.f32 v16, v14  }
0x65: {  	v15 =	vld.idx.msk [tilespmem:v5+s0+$0x70 ss:$0x1], $0xffff;
	v4 =	vadd.f32 v11, v4;
	s26 =	sand.u32 $0x3FFFFF80, s1;
	v7 =	vadd.f32 v17, v7  }
0x66: {  	v63 =	vld.idx.msk [tilespmem:v5+s0+$0x60 ss:$0x1], $0xffff;
	v3 =	vadd.f32 v9, v3;
	v6 =	vadd.f32 v18, v6;
	[tilespmem:s26+$0x18400] =	vst v61  }
0x67: {  	s30 =	sadd.s32 $0x1, s30;
	v1 =	vadd.f32 v8, v1;
	v4 =	vadd.f32 v19, v4;
	[tilespmem:s26+$0x18410] =	vst v7  }
0x68: {  	p0 =	sne.s32 s30, $0x8;
	v3 =	vadd.f32 v60, v3;
	[tilespmem:s26+$0x18420] =	vst v6  }
.Ltmp3:
0x69: {  	v0 =	vadd.f32 v10, v0;
	v1 =	vadd.f32 v62, v1;
	[tilespmem:s26+$0x18430] =	vst v4;
	(pc) =	sbr.rel @p0 .LBB2_6-.Ltmp3, $4  }
0x6a: {  	v2 =	vadd.f32 v15, v2;
	[tilespmem:s26+$0x18440] =	vst v3  }
0x6b: {  	v0 =	vadd.f32 v63, v0;
	[tilespmem:s26+$0x18450] =	vst v1  }
0x6c: {  	[tilespmem:s26+$0x18470] =	vst v2  }
0x6d: {  	s31 =	sadd.s32 $0x1000, s31;
	[tilespmem:s26+$0x18460] =	vst v0  }
0x6e: {  	_ =	swait.ge [sflag:s25], $0x8000  }
0x6f: {  	[sflag:s25] =	ssyncset.done $0x0  }
0x70: {  	s30 =	simm.s32 $0x0;
	s31 =	simm.s32 $0x10080;
	[sflag:s25] =	ssyncadd.s32 $0xFFFF8000  }
0x71: {  	[tilespmem:s21], [sflag:$0x2] =	stream.linear.gather [hbm4b:s7+s30], $0x8000, $0x38;
	[tilespmem:$0x1C000] =	vst v63  }
.LBB2_10:
0x72: {  	s0 =	sshll.u32 s30, $0xE  }
0x73: {  	s0 =	sshra.s32 s0, $0x2  }
0x74: {  	v10 =	vld [tilespmem:s0+$0x10000]  }
0x75: {  	v7 =	vld [tilespmem:s0+$0x10010]  }
0x76: {  	v6 =	vld [tilespmem:s0+$0x10020]  }
0x77: {  	v5 =	vmov s31;
	v4 =	vld [tilespmem:s0+$0x10030]  }
0x78: {  	v3 =	vld [tilespmem:s0+$0x10040]  }
0x79: {  	v1 =	vld [tilespmem:s0+$0x10050]  }
0x7a: {  	v0 =	vld [tilespmem:s0+$0x10060]  }
0x7b: {  	s26 =	simm.s32 $0x0;
	v2 =	vld [tilespmem:s0+$0x10070]  }
0x7c: {  	v14 =	vld.idx.msk [tilespmem:v5+s26+$0x70 ss:$0x1], $0xffff  }
0x7d: {  	v15 =	vld.idx.msk [tilespmem:v5+s26+$0x0 ss:$0x1], $0xffff  }
0x7e: {  	v13 =	vld.idx.msk [tilespmem:v5+s26+$0x10 ss:$0x1], $0xffff  }
0x7f: {  	v12 =	vld.idx.msk [tilespmem:v5+s26+$0x20 ss:$0x1], $0xffff  }
0x80: {  	v11 =	vld.idx.msk [tilespmem:v5+s26+$0x30 ss:$0x1], $0xffff  }
0x81: {  	v9 =	vld.idx.msk [tilespmem:v5+s26+$0x40 ss:$0x1], $0xffff  }
0x82: {  	v8 =	vld.idx.msk [tilespmem:v5+s26+$0x50 ss:$0x1], $0xffff  }
0x83: {  	s1 =	simm.s32 $0x400;
	s0 =	simm.s32 $0x80;
	v2 =	vadd.f32 v14, v2;
	v14 =	vadd.f32 v15, v10;
	v10 =	vld.idx.msk [tilespmem:v5+s26+$0x60 ss:$0x1], $0xffff  }
.LBB2_11:
0x84: {  	p0 =	sne.s32 s1, $0x3C00;
	v15 =	vld.idx.msk [tilespmem:v5+s0+$0x70 ss:$0x1], $0xffff;
	v7 =	vadd.f32 v13, v7  }
0x85: {  	v6 =	vadd.f32 v12, v6;
	v16 =	vld.idx.msk [tilespmem:v5+s0+$0x0 ss:$0x1], $0xffff  }
0x86: {  	v4 =	vadd.f32 v11, v4;
	v13 =	vld.idx.msk [tilespmem:v5+s0+$0x10 ss:$0x1], $0xffff  }
.Ltmp4:
0x87: {  	v3 =	vadd.f32 v9, v3;
	v12 =	vld.idx.msk [tilespmem:v5+s0+$0x20 ss:$0x1], $0xffff;
	(pc) =	sbr.rel @p0 .LBB2_11-.Ltmp4, $4  }
0x88: {  	v1 =	vadd.f32 v8, v1;
	v11 =	vld.idx.msk [tilespmem:v5+s0+$0x30 ss:$0x1], $0xffff  }
0x89: {  	v0 =	vadd.f32 v10, v0;
	v9 =	vld.idx.msk [tilespmem:v5+s0+$0x40 ss:$0x1], $0xffff  }
0x8a: {  	v2 =	vadd.f32 v15, v2;
	v8 =	vld.idx.msk [tilespmem:v5+s0+$0x50 ss:$0x1], $0xffff  }
0x8b: {  	v14 =	vadd.f32 v16, v14;
	v10 =	vld.idx.msk [tilespmem:v5+s0+$0x60 ss:$0x1], $0xffff;
	s0 =	sshra.s32 s1, $0x2;
	s1 =	sadd.s32 $0x200, s1  }
0x8c: {  	_ =	sdelay $0x3  }
0x8d: {  	v16 =	vld.idx.msk [tilespmem:v5+s0+$0x0 ss:$0x1], $0xffff  }
0x8e: {  	v17 =	vld.idx.msk [tilespmem:v5+s0+$0x10 ss:$0x1], $0xffff  }
0x8f: {  	v18 =	vld.idx.msk [tilespmem:v5+s0+$0x20 ss:$0x1], $0xffff  }
0x90: {  	v19 =	vld.idx.msk [tilespmem:v5+s0+$0x30 ss:$0x1], $0xffff  }
0x91: {  	v7 =	vadd.f32 v13, v7;
	v60 =	vld.idx.msk [tilespmem:v5+s0+$0x40 ss:$0x1], $0xffff  }
0x92: {  	v6 =	vadd.f32 v12, v6;
	v62 =	vld.idx.msk [tilespmem:v5+s0+$0x50 ss:$0x1], $0xffff;
	s1 =	sshll.u32 s30, $0x7;
	v61 =	vadd.f32 v16, v14  }
0x93: {  	v15 =	vld.idx.msk [tilespmem:v5+s0+$0x70 ss:$0x1], $0xffff;
	v4 =	vadd.f32 v11, v4;
	s26 =	sand.u32 $0x3FFFFF80, s1;
	v7 =	vadd.f32 v17, v7  }
0x94: {  	v63 =	vld.idx.msk [tilespmem:v5+s0+$0x60 ss:$0x1], $0xffff;
	v3 =	vadd.f32 v9, v3;
	v6 =	vadd.f32 v18, v6;
	[tilespmem:s26+$0x18800] =	vst v61  }
0x95: {  	s30 =	sadd.s32 $0x1, s30;
	v1 =	vadd.f32 v8, v1;
	v4 =	vadd.f32 v19, v4;
	[tilespmem:s26+$0x18810] =	vst v7  }
0x96: {  	p0 =	sne.s32 s30, $0x8;
	v3 =	vadd.f32 v60, v3;
	[tilespmem:s26+$0x18820] =	vst v6  }
.Ltmp5:
0x97: {  	v0 =	vadd.f32 v10, v0;
	v1 =	vadd.f32 v62, v1;
	[tilespmem:s26+$0x18830] =	vst v4;
	(pc) =	sbr.rel @p0 .LBB2_10-.Ltmp5, $4  }
0x98: {  	v2 =	vadd.f32 v15, v2;
	[tilespmem:s26+$0x18840] =	vst v3  }
0x99: {  	v0 =	vadd.f32 v63, v0;
	[tilespmem:s26+$0x18850] =	vst v1  }
0x9a: {  	[tilespmem:s26+$0x18870] =	vst v2  }
0x9b: {  	s31 =	sadd.s32 $0x1000, s31;
	[tilespmem:s26+$0x18860] =	vst v0  }
0x9c: {  	_ =	swait.ge [sflag:s22], $0x8000  }
0x9d: {  	[sflag:s22] =	ssyncset.done $0x0  }
0x9e: {  	s30 =	simm.s32 $0x0;
	s31 =	simm.s32 $0x80;
	[sflag:s22] =	ssyncadd.s32 $0xFFFF8000  }
0x9f: {  	[tilespmem:s23], [sflag:$0x3] =	stream.linear.gather [hbm4b:s8+s30], $0x8000, $0x38;
	[tilespmem:$0x1C000] =	vst v63  }
.LBB2_14:
0xa0: {  	s0 =	sshll.u32 s30, $0xE  }
0xa1: {  	s0 =	sshra.s32 s0, $0x2  }
0xa2: {  	v10 =	vld [tilespmem:s0+$0x0]  }
0xa3: {  	v7 =	vld [tilespmem:s0+$0x10]  }
0xa4: {  	v6 =	vld [tilespmem:s0+$0x20]  }
0xa5: {  	v5 =	vmov s31;
	v4 =	vld [tilespmem:s0+$0x30]  }
0xa6: {  	v3 =	vld [tilespmem:s0+$0x40]  }
0xa7: {  	v1 =	vld [tilespmem:s0+$0x50]  }
0xa8: {  	v0 =	vld [tilespmem:s0+$0x60]  }
0xa9: {  	s26 =	simm.s32 $0x0;
	v2 =	vld [tilespmem:s0+$0x70]  }
0xaa: {  	v14 =	vld.idx.msk [tilespmem:v5+s26+$0x70 ss:$0x1], $0xffff  }
0xab: {  	v15 =	vld.idx.msk [tilespmem:v5+s26+$0x0 ss:$0x1], $0xffff  }
0xac: {  	v13 =	vld.idx.msk [tilespmem:v5+s26+$0x10 ss:$0x1], $0xffff  }
0xad: {  	v12 =	vld.idx.msk [tilespmem:v5+s26+$0x20 ss:$0x1], $0xffff  }
0xae: {  	v11 =	vld.idx.msk [tilespmem:v5+s26+$0x30 ss:$0x1], $0xffff  }
0xaf: {  	v9 =	vld.idx.msk [tilespmem:v5+s26+$0x40 ss:$0x1], $0xffff  }
0xb0: {  	v8 =	vld.idx.msk [tilespmem:v5+s26+$0x50 ss:$0x1], $0xffff  }
0xb1: {  	s1 =	simm.s32 $0x400;
	s0 =	simm.s32 $0x80;
	v2 =	vadd.f32 v14, v2;
	v14 =	vadd.f32 v15, v10;
	v10 =	vld.idx.msk [tilespmem:v5+s26+$0x60 ss:$0x1], $0xffff  }
.LBB2_15:
0xb2: {  	p0 =	sne.s32 s1, $0x3C00;
	v15 =	vld.idx.msk [tilespmem:v5+s0+$0x70 ss:$0x1], $0xffff;
	v7 =	vadd.f32 v13, v7  }
0xb3: {  	v6 =	vadd.f32 v12, v6;
	v16 =	vld.idx.msk [tilespmem:v5+s0+$0x0 ss:$0x1], $0xffff  }
0xb4: {  	v4 =	vadd.f32 v11, v4;
	v13 =	vld.idx.msk [tilespmem:v5+s0+$0x10 ss:$0x1], $0xffff  }
.Ltmp6:
0xb5: {  	v3 =	vadd.f32 v9, v3;
	v12 =	vld.idx.msk [tilespmem:v5+s0+$0x20 ss:$0x1], $0xffff;
	(pc) =	sbr.rel @p0 .LBB2_15-.Ltmp6, $4  }
0xb6: {  	v1 =	vadd.f32 v8, v1;
	v11 =	vld.idx.msk [tilespmem:v5+s0+$0x30 ss:$0x1], $0xffff  }
0xb7: {  	v0 =	vadd.f32 v10, v0;
	v9 =	vld.idx.msk [tilespmem:v5+s0+$0x40 ss:$0x1], $0xffff  }
0xb8: {  	v2 =	vadd.f32 v15, v2;
	v8 =	vld.idx.msk [tilespmem:v5+s0+$0x50 ss:$0x1], $0xffff  }
0xb9: {  	v14 =	vadd.f32 v16, v14;
	v10 =	vld.idx.msk [tilespmem:v5+s0+$0x60 ss:$0x1], $0xffff;
	s0 =	sshra.s32 s1, $0x2;
	s1 =	sadd.s32 $0x200, s1  }
0xba: {  	_ =	sdelay $0x3  }
0xbb: {  	v16 =	vld.idx.msk [tilespmem:v5+s0+$0x0 ss:$0x1], $0xffff  }
0xbc: {  	v17 =	vld.idx.msk [tilespmem:v5+s0+$0x10 ss:$0x1], $0xffff  }
0xbd: {  	v18 =	vld.idx.msk [tilespmem:v5+s0+$0x20 ss:$0x1], $0xffff  }
0xbe: {  	v19 =	vld.idx.msk [tilespmem:v5+s0+$0x30 ss:$0x1], $0xffff  }
0xbf: {  	v7 =	vadd.f32 v13, v7;
	v60 =	vld.idx.msk [tilespmem:v5+s0+$0x40 ss:$0x1], $0xffff  }
0xc0: {  	v6 =	vadd.f32 v12, v6;
	v62 =	vld.idx.msk [tilespmem:v5+s0+$0x50 ss:$0x1], $0xffff;
	s1 =	sshll.u32 s30, $0x7;
	v61 =	vadd.f32 v16, v14  }
0xc1: {  	v15 =	vld.idx.msk [tilespmem:v5+s0+$0x70 ss:$0x1], $0xffff;
	v4 =	vadd.f32 v11, v4;
	s26 =	sand.u32 $0x3FFFFF80, s1;
	v7 =	vadd.f32 v17, v7  }
0xc2: {  	v63 =	vld.idx.msk [tilespmem:v5+s0+$0x60 ss:$0x1], $0xffff;
	v3 =	vadd.f32 v9, v3;
	v6 =	vadd.f32 v18, v6;
	[tilespmem:s26+$0x18C00] =	vst v61  }
0xc3: {  	s30 =	sadd.s32 $0x1, s30;
	v1 =	vadd.f32 v8, v1;
	v4 =	vadd.f32 v19, v4;
	[tilespmem:s26+$0x18C10] =	vst v7  }
0xc4: {  	p0 =	sne.s32 s30, $0x8;
	v3 =	vadd.f32 v60, v3;
	[tilespmem:s26+$0x18C20] =	vst v6  }
.Ltmp7:
0xc5: {  	v0 =	vadd.f32 v10, v0;
	v1 =	vadd.f32 v62, v1;
	[tilespmem:s26+$0x18C30] =	vst v4;
	(pc) =	sbr.rel @p0 .LBB2_14-.Ltmp7, $4  }
0xc6: {  	v2 =	vadd.f32 v15, v2;
	[tilespmem:s26+$0x18C40] =	vst v3  }
0xc7: {  	v0 =	vadd.f32 v63, v0;
	[tilespmem:s26+$0x18C50] =	vst v1  }
0xc8: {  	[tilespmem:s26+$0x18C70] =	vst v2  }
0xc9: {  	s31 =	sadd.s32 $0x1000, s31;
	[tilespmem:s26+$0x18C60] =	vst v0  }
0xca: {  	_ =	swait.ge [sflag:s24], $0x8000  }
0xcb: {  	[sflag:s24] =	ssyncset.done $0x0  }
0xcc: {  	s30 =	simm.s32 $0x0;
	s31 =	simm.s32 $0x8080;
	[sflag:s24] =	ssyncadd.s32 $0xFFFF8000  }
0xcd: {  	[tilespmem:s30], [sflag:$0x1] =	stream.linear.gather [hbm4b:s9+s30], $0x8000, $0x38;
	[tilespmem:$0x1C000] =	vst v63  }
.LBB2_18:
0xce: {  	s0 =	sshll.u32 s30, $0xE  }
0xcf: {  	s0 =	sshra.s32 s0, $0x2  }
0xd0: {  	v10 =	vld [tilespmem:s0+$0x8000]  }
0xd1: {  	v7 =	vld [tilespmem:s0+$0x8010]  }
0xd2: {  	v6 =	vld [tilespmem:s0+$0x8020]  }
0xd3: {  	v5 =	vmov s31;
	v4 =	vld [tilespmem:s0+$0x8030]  }
0xd4: {  	v3 =	vld [tilespmem:s0+$0x8040]  }
0xd5: {  	v1 =	vld [tilespmem:s0+$0x8050]  }
0xd6: {  	v0 =	vld [tilespmem:s0+$0x8060]  }
0xd7: {  	s26 =	simm.s32 $0x0;
	v2 =	vld [tilespmem:s0+$0x8070]  }
0xd8: {  	v14 =	vld.idx.msk [tilespmem:v5+s26+$0x70 ss:$0x1], $0xffff  }
0xd9: {  	v15 =	vld.idx.msk [tilespmem:v5+s26+$0x0 ss:$0x1], $0xffff  }
0xda: {  	v13 =	vld.idx.msk [tilespmem:v5+s26+$0x10 ss:$0x1], $0xffff  }
0xdb: {  	v12 =	vld.idx.msk [tilespmem:v5+s26+$0x20 ss:$0x1], $0xffff  }
0xdc: {  	v11 =	vld.idx.msk [tilespmem:v5+s26+$0x30 ss:$0x1], $0xffff  }
0xdd: {  	v9 =	vld.idx.msk [tilespmem:v5+s26+$0x40 ss:$0x1], $0xffff  }
0xde: {  	v8 =	vld.idx.msk [tilespmem:v5+s26+$0x50 ss:$0x1], $0xffff  }
0xdf: {  	s1 =	simm.s32 $0x400;
	s0 =	simm.s32 $0x80;
	v2 =	vadd.f32 v14, v2;
	v14 =	vadd.f32 v15, v10;
	v10 =	vld.idx.msk [tilespmem:v5+s26+$0x60 ss:$0x1], $0xffff  }
.LBB2_19:
0xe0: {  	p0 =	sne.s32 s1, $0x3C00;
	v15 =	vld.idx.msk [tilespmem:v5+s0+$0x70 ss:$0x1], $0xffff;
	v7 =	vadd.f32 v13, v7  }
0xe1: {  	v6 =	vadd.f32 v12, v6;
	v16 =	vld.idx.msk [tilespmem:v5+s0+$0x0 ss:$0x1], $0xffff  }
0xe2: {  	v4 =	vadd.f32 v11, v4;
	v13 =	vld.idx.msk [tilespmem:v5+s0+$0x10 ss:$0x1], $0xffff  }
.Ltmp8:
0xe3: {  	v3 =	vadd.f32 v9, v3;
	v12 =	vld.idx.msk [tilespmem:v5+s0+$0x20 ss:$0x1], $0xffff;
	(pc) =	sbr.rel @p0 .LBB2_19-.Ltmp8, $4  }
0xe4: {  	v1 =	vadd.f32 v8, v1;
	v11 =	vld.idx.msk [tilespmem:v5+s0+$0x30 ss:$0x1], $0xffff  }
0xe5: {  	v0 =	vadd.f32 v10, v0;
	v9 =	vld.idx.msk [tilespmem:v5+s0+$0x40 ss:$0x1], $0xffff  }
0xe6: {  	v2 =	vadd.f32 v15, v2;
	v8 =	vld.idx.msk [tilespmem:v5+s0+$0x50 ss:$0x1], $0xffff  }
0xe7: {  	v14 =	vadd.f32 v16, v14;
	v10 =	vld.idx.msk [tilespmem:v5+s0+$0x60 ss:$0x1], $0xffff;
	s0 =	sshra.s32 s1, $0x2;
	s1 =	sadd.s32 $0x200, s1  }
0xe8: {  	_ =	sdelay $0x3  }
0xe9: {  	v16 =	vld.idx.msk [tilespmem:v5+s0+$0x0 ss:$0x1], $0xffff  }
0xea: {  	v17 =	vld.idx.msk [tilespmem:v5+s0+$0x10 ss:$0x1], $0xffff  }
0xeb: {  	v18 =	vld.idx.msk [tilespmem:v5+s0+$0x20 ss:$0x1], $0xffff  }
0xec: {  	v19 =	vld.idx.msk [tilespmem:v5+s0+$0x30 ss:$0x1], $0xffff  }
0xed: {  	v7 =	vadd.f32 v13, v7;
	v60 =	vld.idx.msk [tilespmem:v5+s0+$0x40 ss:$0x1], $0xffff  }
0xee: {  	v6 =	vadd.f32 v12, v6;
	v62 =	vld.idx.msk [tilespmem:v5+s0+$0x50 ss:$0x1], $0xffff;
	s1 =	sshll.u32 s30, $0x7;
	v61 =	vadd.f32 v16, v14  }
0xef: {  	v15 =	vld.idx.msk [tilespmem:v5+s0+$0x70 ss:$0x1], $0xffff;
	v4 =	vadd.f32 v11, v4;
	s26 =	sand.u32 $0x3FFFFF80, s1;
	v7 =	vadd.f32 v17, v7  }
0xf0: {  	v63 =	vld.idx.msk [tilespmem:v5+s0+$0x60 ss:$0x1], $0xffff;
	v3 =	vadd.f32 v9, v3;
	v6 =	vadd.f32 v18, v6;
	[tilespmem:s26+$0x19000] =	vst v61  }
0xf1: {  	s30 =	sadd.s32 $0x1, s30;
	v1 =	vadd.f32 v8, v1;
	v4 =	vadd.f32 v19, v4;
	[tilespmem:s26+$0x19010] =	vst v7  }
0xf2: {  	p0 =	sne.s32 s30, $0x8;
	v3 =	vadd.f32 v60, v3;
	[tilespmem:s26+$0x19020] =	vst v6  }
.Ltmp9:
0xf3: {  	v0 =	vadd.f32 v10, v0;
	v1 =	vadd.f32 v62, v1;
	[tilespmem:s26+$0x19030] =	vst v4;
	(pc) =	sbr.rel @p0 .LBB2_18-.Ltmp9, $4  }
0xf4: {  	v2 =	vadd.f32 v15, v2;
	[tilespmem:s26+$0x19040] =	vst v3  }
0xf5: {  	v0 =	vadd.f32 v63, v0;
	[tilespmem:s26+$0x19050] =	vst v1  }
0xf6: {  	[tilespmem:s26+$0x19070] =	vst v2  }
0xf7: {  	s31 =	sadd.s32 $0x1000, s31;
	[tilespmem:s26+$0x19060] =	vst v0  }
0xf8: {  	_ =	swait.ge [sflag:s25], $0x8000  }
0xf9: {  	[sflag:s25] =	ssyncset.done $0x0  }
0xfa: {  	s30 =	simm.s32 $0x0;
	s31 =	simm.s32 $0x10080;
	[sflag:s25] =	ssyncadd.s32 $0xFFFF8000  }
0xfb: {  	[tilespmem:s21], [sflag:$0x2] =	stream.linear.gather [hbm4b:s10+s30], $0x8000, $0x38;
	[tilespmem:$0x1C000] =	vst v63  }
.LBB2_22:
0xfc: {  	s0 =	sshll.u32 s30, $0xE  }
0xfd: {  	s0 =	sshra.s32 s0, $0x2  }
0xfe: {  	v10 =	vld [tilespmem:s0+$0x10000]  }
0xff: {  	v7 =	vld [tilespmem:s0+$0x10010]  }
0x100: {  	v6 =	vld [tilespmem:s0+$0x10020]  }
0x101: {  	v5 =	vmov s31;
	v4 =	vld [tilespmem:s0+$0x10030]  }
0x102: {  	v3 =	vld [tilespmem:s0+$0x10040]  }
0x103: {  	v1 =	vld [tilespmem:s0+$0x10050]  }
0x104: {  	v0 =	vld [tilespmem:s0+$0x10060]  }
0x105: {  	s26 =	simm.s32 $0x0;
	v2 =	vld [tilespmem:s0+$0x10070]  }
0x106: {  	v14 =	vld.idx.msk [tilespmem:v5+s26+$0x70 ss:$0x1], $0xffff  }
0x107: {  	v15 =	vld.idx.msk [tilespmem:v5+s26+$0x0 ss:$0x1], $0xffff  }
0x108: {  	v13 =	vld.idx.msk [tilespmem:v5+s26+$0x10 ss:$0x1], $0xffff  }
0x109: {  	v12 =	vld.idx.msk [tilespmem:v5+s26+$0x20 ss:$0x1], $0xffff  }
0x10a: {  	v11 =	vld.idx.msk [tilespmem:v5+s26+$0x30 ss:$0x1], $0xffff  }
0x10b: {  	v9 =	vld.idx.msk [tilespmem:v5+s26+$0x40 ss:$0x1], $0xffff  }
0x10c: {  	v8 =	vld.idx.msk [tilespmem:v5+s26+$0x50 ss:$0x1], $0xffff  }
0x10d: {  	s1 =	simm.s32 $0x400;
	s0 =	simm.s32 $0x80;
	v2 =	vadd.f32 v14, v2;
	v14 =	vadd.f32 v15, v10;
	v10 =	vld.idx.msk [tilespmem:v5+s26+$0x60 ss:$0x1], $0xffff  }
.LBB2_23:
0x10e: {  	p0 =	sne.s32 s1, $0x3C00;
	v15 =	vld.idx.msk [tilespmem:v5+s0+$0x70 ss:$0x1], $0xffff;
	v7 =	vadd.f32 v13, v7  }
0x10f: {  	v6 =	vadd.f32 v12, v6;
	v16 =	vld.idx.msk [tilespmem:v5+s0+$0x0 ss:$0x1], $0xffff  }
0x110: {  	v4 =	vadd.f32 v11, v4;
	v13 =	vld.idx.msk [tilespmem:v5+s0+$0x10 ss:$0x1], $0xffff  }
.Ltmp10:
0x111: {  	v3 =	vadd.f32 v9, v3;
	v12 =	vld.idx.msk [tilespmem:v5+s0+$0x20 ss:$0x1], $0xffff;
	(pc) =	sbr.rel @p0 .LBB2_23-.Ltmp10, $4  }
0x112: {  	v1 =	vadd.f32 v8, v1;
	v11 =	vld.idx.msk [tilespmem:v5+s0+$0x30 ss:$0x1], $0xffff  }
0x113: {  	v0 =	vadd.f32 v10, v0;
	v9 =	vld.idx.msk [tilespmem:v5+s0+$0x40 ss:$0x1], $0xffff  }
0x114: {  	v2 =	vadd.f32 v15, v2;
	v8 =	vld.idx.msk [tilespmem:v5+s0+$0x50 ss:$0x1], $0xffff  }
0x115: {  	v14 =	vadd.f32 v16, v14;
	v10 =	vld.idx.msk [tilespmem:v5+s0+$0x60 ss:$0x1], $0xffff;
	s0 =	sshra.s32 s1, $0x2;
	s1 =	sadd.s32 $0x200, s1  }
0x116: {  	_ =	sdelay $0x3  }
0x117: {  	v16 =	vld.idx.msk [tilespmem:v5+s0+$0x0 ss:$0x1], $0xffff  }
0x118: {  	v17 =	vld.idx.msk [tilespmem:v5+s0+$0x10 ss:$0x1], $0xffff  }
0x119: {  	v18 =	vld.idx.msk [tilespmem:v5+s0+$0x20 ss:$0x1], $0xffff  }
0x11a: {  	v19 =	vld.idx.msk [tilespmem:v5+s0+$0x30 ss:$0x1], $0xffff  }
0x11b: {  	v7 =	vadd.f32 v13, v7;
	v60 =	vld.idx.msk [tilespmem:v5+s0+$0x40 ss:$0x1], $0xffff  }
0x11c: {  	v6 =	vadd.f32 v12, v6;
	v62 =	vld.idx.msk [tilespmem:v5+s0+$0x50 ss:$0x1], $0xffff;
	s1 =	sshll.u32 s30, $0x7;
	v61 =	vadd.f32 v16, v14  }
0x11d: {  	v15 =	vld.idx.msk [tilespmem:v5+s0+$0x70 ss:$0x1], $0xffff;
	v4 =	vadd.f32 v11, v4;
	s26 =	sand.u32 $0x3FFFFF80, s1;
	v7 =	vadd.f32 v17, v7  }
0x11e: {  	v63 =	vld.idx.msk [tilespmem:v5+s0+$0x60 ss:$0x1], $0xffff;
	v3 =	vadd.f32 v9, v3;
	v6 =	vadd.f32 v18, v6;
	[tilespmem:s26+$0x19400] =	vst v61  }
0x11f: {  	s30 =	sadd.s32 $0x1, s30;
	v1 =	vadd.f32 v8, v1;
	v4 =	vadd.f32 v19, v4;
	[tilespmem:s26+$0x19410] =	vst v7  }
0x120: {  	p0 =	sne.s32 s30, $0x8;
	v3 =	vadd.f32 v60, v3;
	[tilespmem:s26+$0x19420] =	vst v6  }
.Ltmp11:
0x121: {  	v0 =	vadd.f32 v10, v0;
	v1 =	vadd.f32 v62, v1;
	[tilespmem:s26+$0x19430] =	vst v4;
	(pc) =	sbr.rel @p0 .LBB2_22-.Ltmp11, $4  }
0x122: {  	v2 =	vadd.f32 v15, v2;
	[tilespmem:s26+$0x19440] =	vst v3  }
0x123: {  	v0 =	vadd.f32 v63, v0;
	[tilespmem:s26+$0x19450] =	vst v1  }
0x124: {  	[tilespmem:s26+$0x19470] =	vst v2  }
0x125: {  	s31 =	sadd.s32 $0x1000, s31;
	[tilespmem:s26+$0x19460] =	vst v0  }
0x126: {  	_ =	swait.ge [sflag:s22], $0x8000  }
0x127: {  	[sflag:s22] =	ssyncset.done $0x0  }
0x128: {  	s30 =	simm.s32 $0x0;
	s31 =	simm.s32 $0x80;
	[sflag:s22] =	ssyncadd.s32 $0xFFFF8000  }
0x129: {  	[tilespmem:s23], [sflag:$0x3] =	stream.linear.gather [hbm4b:s11+s30], $0x8000, $0x38;
	[tilespmem:$0x1C000] =	vst v63  }
.LBB2_26:
0x12a: {  	s0 =	sshll.u32 s30, $0xE  }
0x12b: {  	s0 =	sshra.s32 s0, $0x2  }
0x12c: {  	v10 =	vld [tilespmem:s0+$0x0]  }
0x12d: {  	v7 =	vld [tilespmem:s0+$0x10]  }
0x12e: {  	v6 =	vld [tilespmem:s0+$0x20]  }
0x12f: {  	v5 =	vmov s31;
	v4 =	vld [tilespmem:s0+$0x30]  }
0x130: {  	v3 =	vld [tilespmem:s0+$0x40]  }
0x131: {  	v1 =	vld [tilespmem:s0+$0x50]  }
0x132: {  	v0 =	vld [tilespmem:s0+$0x60]  }
0x133: {  	s26 =	simm.s32 $0x0;
	v2 =	vld [tilespmem:s0+$0x70]  }
0x134: {  	v14 =	vld.idx.msk [tilespmem:v5+s26+$0x70 ss:$0x1], $0xffff  }
0x135: {  	v15 =	vld.idx.msk [tilespmem:v5+s26+$0x0 ss:$0x1], $0xffff  }
0x136: {  	v13 =	vld.idx.msk [tilespmem:v5+s26+$0x10 ss:$0x1], $0xffff  }
0x137: {  	v12 =	vld.idx.msk [tilespmem:v5+s26+$0x20 ss:$0x1], $0xffff  }
0x138: {  	v11 =	vld.idx.msk [tilespmem:v5+s26+$0x30 ss:$0x1], $0xffff  }
0x139: {  	v9 =	vld.idx.msk [tilespmem:v5+s26+$0x40 ss:$0x1], $0xffff  }
0x13a: {  	v8 =	vld.idx.msk [tilespmem:v5+s26+$0x50 ss:$0x1], $0xffff  }
0x13b: {  	s1 =	simm.s32 $0x400;
	s0 =	simm.s32 $0x80;
	v2 =	vadd.f32 v14, v2;
	v14 =	vadd.f32 v15, v10;
	v10 =	vld.idx.msk [tilespmem:v5+s26+$0x60 ss:$0x1], $0xffff  }
.LBB2_27:
0x13c: {  	p0 =	sne.s32 s1, $0x3C00;
	v15 =	vld.idx.msk [tilespmem:v5+s0+$0x70 ss:$0x1], $0xffff;
	v7 =	vadd.f32 v13, v7  }
0x13d: {  	v6 =	vadd.f32 v12, v6;
	v16 =	vld.idx.msk [tilespmem:v5+s0+$0x0 ss:$0x1], $0xffff  }
0x13e: {  	v4 =	vadd.f32 v11, v4;
	v13 =	vld.idx.msk [tilespmem:v5+s0+$0x10 ss:$0x1], $0xffff  }
.Ltmp12:
0x13f: {  	v3 =	vadd.f32 v9, v3;
	v12 =	vld.idx.msk [tilespmem:v5+s0+$0x20 ss:$0x1], $0xffff;
	(pc) =	sbr.rel @p0 .LBB2_27-.Ltmp12, $4  }
0x140: {  	v1 =	vadd.f32 v8, v1;
	v11 =	vld.idx.msk [tilespmem:v5+s0+$0x30 ss:$0x1], $0xffff  }
0x141: {  	v0 =	vadd.f32 v10, v0;
	v9 =	vld.idx.msk [tilespmem:v5+s0+$0x40 ss:$0x1], $0xffff  }
0x142: {  	v2 =	vadd.f32 v15, v2;
	v8 =	vld.idx.msk [tilespmem:v5+s0+$0x50 ss:$0x1], $0xffff  }
0x143: {  	v14 =	vadd.f32 v16, v14;
	v10 =	vld.idx.msk [tilespmem:v5+s0+$0x60 ss:$0x1], $0xffff;
	s0 =	sshra.s32 s1, $0x2;
	s1 =	sadd.s32 $0x200, s1  }
0x144: {  	_ =	sdelay $0x3  }
0x145: {  	v16 =	vld.idx.msk [tilespmem:v5+s0+$0x0 ss:$0x1], $0xffff  }
0x146: {  	v17 =	vld.idx.msk [tilespmem:v5+s0+$0x10 ss:$0x1], $0xffff  }
0x147: {  	v18 =	vld.idx.msk [tilespmem:v5+s0+$0x20 ss:$0x1], $0xffff  }
0x148: {  	v19 =	vld.idx.msk [tilespmem:v5+s0+$0x30 ss:$0x1], $0xffff  }
0x149: {  	v7 =	vadd.f32 v13, v7;
	v60 =	vld.idx.msk [tilespmem:v5+s0+$0x40 ss:$0x1], $0xffff  }
0x14a: {  	v6 =	vadd.f32 v12, v6;
	v62 =	vld.idx.msk [tilespmem:v5+s0+$0x50 ss:$0x1], $0xffff;
	s1 =	sshll.u32 s30, $0x7;
	v61 =	vadd.f32 v16, v14  }
0x14b: {  	v15 =	vld.idx.msk [tilespmem:v5+s0+$0x70 ss:$0x1], $0xffff;
	v4 =	vadd.f32 v11, v4;
	s26 =	sand.u32 $0x3FFFFF80, s1;
	v7 =	vadd.f32 v17, v7  }
0x14c: {  	v63 =	vld.idx.msk [tilespmem:v5+s0+$0x60 ss:$0x1], $0xffff;
	v3 =	vadd.f32 v9, v3;
	v6 =	vadd.f32 v18, v6;
	[tilespmem:s26+$0x19800] =	vst v61  }
0x14d: {  	s30 =	sadd.s32 $0x1, s30;
	v1 =	vadd.f32 v8, v1;
	v4 =	vadd.f32 v19, v4;
	[tilespmem:s26+$0x19810] =	vst v7  }
0x14e: {  	p0 =	sne.s32 s30, $0x8;
	v3 =	vadd.f32 v60, v3;
	[tilespmem:s26+$0x19820] =	vst v6  }
.Ltmp13:
0x14f: {  	v0 =	vadd.f32 v10, v0;
	v1 =	vadd.f32 v62, v1;
	[tilespmem:s26+$0x19830] =	vst v4;
	(pc) =	sbr.rel @p0 .LBB2_26-.Ltmp13, $4  }
0x150: {  	v2 =	vadd.f32 v15, v2;
	[tilespmem:s26+$0x19840] =	vst v3  }
0x151: {  	v0 =	vadd.f32 v63, v0;
	[tilespmem:s26+$0x19850] =	vst v1  }
0x152: {  	[tilespmem:s26+$0x19870] =	vst v2  }
0x153: {  	s31 =	sadd.s32 $0x1000, s31;
	[tilespmem:s26+$0x19860] =	vst v0  }
0x154: {  	_ =	swait.ge [sflag:s24], $0x8000  }
0x155: {  	[sflag:s24] =	ssyncset.done $0x0  }
0x156: {  	s30 =	simm.s32 $0x0;
	s31 =	simm.s32 $0x8080;
	[sflag:s24] =	ssyncadd.s32 $0xFFFF8000  }
0x157: {  	[tilespmem:s30], [sflag:$0x1] =	stream.linear.gather [hbm4b:s12+s30], $0x8000, $0x38;
	[tilespmem:$0x1C000] =	vst v63  }
.LBB2_30:
0x158: {  	s0 =	sshll.u32 s30, $0xE  }
0x159: {  	s0 =	sshra.s32 s0, $0x2  }
0x15a: {  	v10 =	vld [tilespmem:s0+$0x8000]  }
0x15b: {  	v7 =	vld [tilespmem:s0+$0x8010]  }
0x15c: {  	v6 =	vld [tilespmem:s0+$0x8020]  }
0x15d: {  	v5 =	vmov s31;
	v4 =	vld [tilespmem:s0+$0x8030]  }
0x15e: {  	v3 =	vld [tilespmem:s0+$0x8040]  }
0x15f: {  	v1 =	vld [tilespmem:s0+$0x8050]  }
0x160: {  	v0 =	vld [tilespmem:s0+$0x8060]  }
0x161: {  	s26 =	simm.s32 $0x0;
	v2 =	vld [tilespmem:s0+$0x8070]  }
0x162: {  	v14 =	vld.idx.msk [tilespmem:v5+s26+$0x70 ss:$0x1], $0xffff  }
0x163: {  	v15 =	vld.idx.msk [tilespmem:v5+s26+$0x0 ss:$0x1], $0xffff  }
0x164: {  	v13 =	vld.idx.msk [tilespmem:v5+s26+$0x10 ss:$0x1], $0xffff  }
0x165: {  	v12 =	vld.idx.msk [tilespmem:v5+s26+$0x20 ss:$0x1], $0xffff  }
0x166: {  	v11 =	vld.idx.msk [tilespmem:v5+s26+$0x30 ss:$0x1], $0xffff  }
0x167: {  	v9 =	vld.idx.msk [tilespmem:v5+s26+$0x40 ss:$0x1], $0xffff  }
0x168: {  	v8 =	vld.idx.msk [tilespmem:v5+s26+$0x50 ss:$0x1], $0xffff  }
0x169: {  	s1 =	simm.s32 $0x400;
	s0 =	simm.s32 $0x80;
	v2 =	vadd.f32 v14, v2;
	v14 =	vadd.f32 v15, v10;
	v10 =	vld.idx.msk [tilespmem:v5+s26+$0x60 ss:$0x1], $0xffff  }
.LBB2_31:
0x16a: {  	p0 =	sne.s32 s1, $0x3C00;
	v15 =	vld.idx.msk [tilespmem:v5+s0+$0x70 ss:$0x1], $0xffff;
	v7 =	vadd.f32 v13, v7  }
0x16b: {  	v6 =	vadd.f32 v12, v6;
	v16 =	vld.idx.msk [tilespmem:v5+s0+$0x0 ss:$0x1], $0xffff  }
0x16c: {  	v4 =	vadd.f32 v11, v4;
	v13 =	vld.idx.msk [tilespmem:v5+s0+$0x10 ss:$0x1], $0xffff  }
.Ltmp14:
0x16d: {  	v3 =	vadd.f32 v9, v3;
	v12 =	vld.idx.msk [tilespmem:v5+s0+$0x20 ss:$0x1], $0xffff;
	(pc) =	sbr.rel @p0 .LBB2_31-.Ltmp14, $4  }
0x16e: {  	v1 =	vadd.f32 v8, v1;
	v11 =	vld.idx.msk [tilespmem:v5+s0+$0x30 ss:$0x1], $0xffff  }
0x16f: {  	v0 =	vadd.f32 v10, v0;
	v9 =	vld.idx.msk [tilespmem:v5+s0+$0x40 ss:$0x1], $0xffff  }
0x170: {  	v2 =	vadd.f32 v15, v2;
	v8 =	vld.idx.msk [tilespmem:v5+s0+$0x50 ss:$0x1], $0xffff  }
0x171: {  	v14 =	vadd.f32 v16, v14;
	v10 =	vld.idx.msk [tilespmem:v5+s0+$0x60 ss:$0x1], $0xffff;
	s0 =	sshra.s32 s1, $0x2;
	s1 =	sadd.s32 $0x200, s1  }
0x172: {  	_ =	sdelay $0x3  }
0x173: {  	v16 =	vld.idx.msk [tilespmem:v5+s0+$0x0 ss:$0x1], $0xffff  }
0x174: {  	v17 =	vld.idx.msk [tilespmem:v5+s0+$0x10 ss:$0x1], $0xffff  }
0x175: {  	v18 =	vld.idx.msk [tilespmem:v5+s0+$0x20 ss:$0x1], $0xffff  }
0x176: {  	v19 =	vld.idx.msk [tilespmem:v5+s0+$0x30 ss:$0x1], $0xffff  }
0x177: {  	v7 =	vadd.f32 v13, v7;
	v60 =	vld.idx.msk [tilespmem:v5+s0+$0x40 ss:$0x1], $0xffff  }
0x178: {  	v6 =	vadd.f32 v12, v6;
	v62 =	vld.idx.msk [tilespmem:v5+s0+$0x50 ss:$0x1], $0xffff;
	s1 =	sshll.u32 s30, $0x7;
	v61 =	vadd.f32 v16, v14  }
0x179: {  	v15 =	vld.idx.msk [tilespmem:v5+s0+$0x70 ss:$0x1], $0xffff;
	v4 =	vadd.f32 v11, v4;
	s26 =	sand.u32 $0x3FFFFF80, s1;
	v7 =	vadd.f32 v17, v7  }
0x17a: {  	v63 =	vld.idx.msk [tilespmem:v5+s0+$0x60 ss:$0x1], $0xffff;
	v3 =	vadd.f32 v9, v3;
	v6 =	vadd.f32 v18, v6;
	[tilespmem:s26+$0x19C00] =	vst v61  }
0x17b: {  	s30 =	sadd.s32 $0x1, s30;
	v1 =	vadd.f32 v8, v1;
	v4 =	vadd.f32 v19, v4;
	[tilespmem:s26+$0x19C10] =	vst v7  }
0x17c: {  	p0 =	sne.s32 s30, $0x8;
	v3 =	vadd.f32 v60, v3;
	[tilespmem:s26+$0x19C20] =	vst v6  }
.Ltmp15:
0x17d: {  	v0 =	vadd.f32 v10, v0;
	v1 =	vadd.f32 v62, v1;
	[tilespmem:s26+$0x19C30] =	vst v4;
	(pc) =	sbr.rel @p0 .LBB2_30-.Ltmp15, $4  }
0x17e: {  	v2 =	vadd.f32 v15, v2;
	[tilespmem:s26+$0x19C40] =	vst v3  }
0x17f: {  	v0 =	vadd.f32 v63, v0;
	[tilespmem:s26+$0x19C50] =	vst v1  }
0x180: {  	[tilespmem:s26+$0x19C70] =	vst v2  }
0x181: {  	s31 =	sadd.s32 $0x1000, s31;
	[tilespmem:s26+$0x19C60] =	vst v0  }
0x182: {  	_ =	swait.ge [sflag:s25], $0x8000  }
0x183: {  	[sflag:s25] =	ssyncset.done $0x0  }
0x184: {  	s30 =	simm.s32 $0x0;
	s31 =	simm.s32 $0x10080;
	[sflag:s25] =	ssyncadd.s32 $0xFFFF8000  }
0x185: {  	[tilespmem:s21], [sflag:$0x2] =	stream.linear.gather [hbm4b:s13+s30], $0x8000, $0x38;
	[tilespmem:$0x1C000] =	vst v63  }
.LBB2_34:
0x186: {  	s0 =	sshll.u32 s30, $0xE  }
0x187: {  	s0 =	sshra.s32 s0, $0x2  }
0x188: {  	v10 =	vld [tilespmem:s0+$0x10000]  }
0x189: {  	v7 =	vld [tilespmem:s0+$0x10010]  }
0x18a: {  	v6 =	vld [tilespmem:s0+$0x10020]  }
0x18b: {  	v5 =	vmov s31;
	v4 =	vld [tilespmem:s0+$0x10030]  }
0x18c: {  	v3 =	vld [tilespmem:s0+$0x10040]  }
0x18d: {  	v1 =	vld [tilespmem:s0+$0x10050]  }
0x18e: {  	v0 =	vld [tilespmem:s0+$0x10060]  }
0x18f: {  	s26 =	simm.s32 $0x0;
	v2 =	vld [tilespmem:s0+$0x10070]  }
0x190: {  	v14 =	vld.idx.msk [tilespmem:v5+s26+$0x70 ss:$0x1], $0xffff  }
0x191: {  	v15 =	vld.idx.msk [tilespmem:v5+s26+$0x0 ss:$0x1], $0xffff  }
0x192: {  	v13 =	vld.idx.msk [tilespmem:v5+s26+$0x10 ss:$0x1], $0xffff  }
0x193: {  	v12 =	vld.idx.msk [tilespmem:v5+s26+$0x20 ss:$0x1], $0xffff  }
0x194: {  	v11 =	vld.idx.msk [tilespmem:v5+s26+$0x30 ss:$0x1], $0xffff  }
0x195: {  	v9 =	vld.idx.msk [tilespmem:v5+s26+$0x40 ss:$0x1], $0xffff  }
0x196: {  	v8 =	vld.idx.msk [tilespmem:v5+s26+$0x50 ss:$0x1], $0xffff  }
0x197: {  	s1 =	simm.s32 $0x400;
	s0 =	simm.s32 $0x80;
	v2 =	vadd.f32 v14, v2;
	v14 =	vadd.f32 v15, v10;
	v10 =	vld.idx.msk [tilespmem:v5+s26+$0x60 ss:$0x1], $0xffff  }
.LBB2_35:
0x198: {  	p0 =	sne.s32 s1, $0x3C00;
	v15 =	vld.idx.msk [tilespmem:v5+s0+$0x70 ss:$0x1], $0xffff;
	v7 =	vadd.f32 v13, v7  }
0x199: {  	v6 =	vadd.f32 v12, v6;
	v16 =	vld.idx.msk [tilespmem:v5+s0+$0x0 ss:$0x1], $0xffff  }
0x19a: {  	v4 =	vadd.f32 v11, v4;
	v13 =	vld.idx.msk [tilespmem:v5+s0+$0x10 ss:$0x1], $0xffff  }
.Ltmp16:
0x19b: {  	v3 =	vadd.f32 v9, v3;
	v12 =	vld.idx.msk [tilespmem:v5+s0+$0x20 ss:$0x1], $0xffff;
	(pc) =	sbr.rel @p0 .LBB2_35-.Ltmp16, $4  }
0x19c: {  	v1 =	vadd.f32 v8, v1;
	v11 =	vld.idx.msk [tilespmem:v5+s0+$0x30 ss:$0x1], $0xffff  }
0x19d: {  	v0 =	vadd.f32 v10, v0;
	v9 =	vld.idx.msk [tilespmem:v5+s0+$0x40 ss:$0x1], $0xffff  }
0x19e: {  	v2 =	vadd.f32 v15, v2;
	v8 =	vld.idx.msk [tilespmem:v5+s0+$0x50 ss:$0x1], $0xffff  }
0x19f: {  	v14 =	vadd.f32 v16, v14;
	v10 =	vld.idx.msk [tilespmem:v5+s0+$0x60 ss:$0x1], $0xffff;
	s0 =	sshra.s32 s1, $0x2;
	s1 =	sadd.s32 $0x200, s1  }
0x1a0: {  	_ =	sdelay $0x3  }
0x1a1: {  	v16 =	vld.idx.msk [tilespmem:v5+s0+$0x0 ss:$0x1], $0xffff  }
0x1a2: {  	v17 =	vld.idx.msk [tilespmem:v5+s0+$0x10 ss:$0x1], $0xffff  }
0x1a3: {  	v18 =	vld.idx.msk [tilespmem:v5+s0+$0x20 ss:$0x1], $0xffff  }
0x1a4: {  	v19 =	vld.idx.msk [tilespmem:v5+s0+$0x30 ss:$0x1], $0xffff  }
0x1a5: {  	v7 =	vadd.f32 v13, v7;
	v60 =	vld.idx.msk [tilespmem:v5+s0+$0x40 ss:$0x1], $0xffff  }
0x1a6: {  	v6 =	vadd.f32 v12, v6;
	v62 =	vld.idx.msk [tilespmem:v5+s0+$0x50 ss:$0x1], $0xffff;
	s1 =	sshll.u32 s30, $0x7;
	v61 =	vadd.f32 v16, v14  }
0x1a7: {  	v15 =	vld.idx.msk [tilespmem:v5+s0+$0x70 ss:$0x1], $0xffff;
	v4 =	vadd.f32 v11, v4;
	s26 =	sand.u32 $0x3FFFFF80, s1;
	v7 =	vadd.f32 v17, v7  }
0x1a8: {  	v63 =	vld.idx.msk [tilespmem:v5+s0+$0x60 ss:$0x1], $0xffff;
	v3 =	vadd.f32 v9, v3;
	v6 =	vadd.f32 v18, v6;
	[tilespmem:s26+$0x1A000] =	vst v61  }
0x1a9: {  	s30 =	sadd.s32 $0x1, s30;
	v1 =	vadd.f32 v8, v1;
	v4 =	vadd.f32 v19, v4;
	[tilespmem:s26+$0x1A010] =	vst v7  }
0x1aa: {  	p0 =	sne.s32 s30, $0x8;
	v3 =	vadd.f32 v60, v3;
	[tilespmem:s26+$0x1A020] =	vst v6  }
.Ltmp17:
0x1ab: {  	v0 =	vadd.f32 v10, v0;
	v1 =	vadd.f32 v62, v1;
	[tilespmem:s26+$0x1A030] =	vst v4;
	(pc) =	sbr.rel @p0 .LBB2_34-.Ltmp17, $4  }
0x1ac: {  	v2 =	vadd.f32 v15, v2;
	[tilespmem:s26+$0x1A040] =	vst v3  }
0x1ad: {  	v0 =	vadd.f32 v63, v0;
	[tilespmem:s26+$0x1A050] =	vst v1  }
0x1ae: {  	[tilespmem:s26+$0x1A070] =	vst v2  }
0x1af: {  	s31 =	sadd.s32 $0x1000, s31;
	[tilespmem:s26+$0x1A060] =	vst v0  }
0x1b0: {  	_ =	swait.ge [sflag:s22], $0x8000  }
0x1b1: {  	[sflag:s22] =	ssyncset.done $0x0  }
0x1b2: {  	s30 =	simm.s32 $0x0;
	s31 =	simm.s32 $0x80;
	[sflag:s22] =	ssyncadd.s32 $0xFFFF8000  }
0x1b3: {  	[tilespmem:s23], [sflag:$0x3] =	stream.linear.gather [hbm4b:s14+s30], $0x8000, $0x38;
	[tilespmem:$0x1C000] =	vst v63  }
.LBB2_38:
0x1b4: {  	s0 =	sshll.u32 s30, $0xE  }
0x1b5: {  	s0 =	sshra.s32 s0, $0x2  }
0x1b6: {  	v10 =	vld [tilespmem:s0+$0x0]  }
0x1b7: {  	v7 =	vld [tilespmem:s0+$0x10]  }
0x1b8: {  	v6 =	vld [tilespmem:s0+$0x20]  }
0x1b9: {  	v5 =	vmov s31;
	v4 =	vld [tilespmem:s0+$0x30]  }
0x1ba: {  	v3 =	vld [tilespmem:s0+$0x40]  }
0x1bb: {  	v1 =	vld [tilespmem:s0+$0x50]  }
0x1bc: {  	v0 =	vld [tilespmem:s0+$0x60]  }
0x1bd: {  	s26 =	simm.s32 $0x0;
	v2 =	vld [tilespmem:s0+$0x70]  }
0x1be: {  	v14 =	vld.idx.msk [tilespmem:v5+s26+$0x70 ss:$0x1], $0xffff  }
0x1bf: {  	v15 =	vld.idx.msk [tilespmem:v5+s26+$0x0 ss:$0x1], $0xffff  }
0x1c0: {  	v13 =	vld.idx.msk [tilespmem:v5+s26+$0x10 ss:$0x1], $0xffff  }
0x1c1: {  	v12 =	vld.idx.msk [tilespmem:v5+s26+$0x20 ss:$0x1], $0xffff  }
0x1c2: {  	v11 =	vld.idx.msk [tilespmem:v5+s26+$0x30 ss:$0x1], $0xffff  }
0x1c3: {  	v9 =	vld.idx.msk [tilespmem:v5+s26+$0x40 ss:$0x1], $0xffff  }
0x1c4: {  	v8 =	vld.idx.msk [tilespmem:v5+s26+$0x50 ss:$0x1], $0xffff  }
0x1c5: {  	s1 =	simm.s32 $0x400;
	s0 =	simm.s32 $0x80;
	v2 =	vadd.f32 v14, v2;
	v14 =	vadd.f32 v15, v10;
	v10 =	vld.idx.msk [tilespmem:v5+s26+$0x60 ss:$0x1], $0xffff  }
.LBB2_39:
0x1c6: {  	p0 =	sne.s32 s1, $0x3C00;
	v15 =	vld.idx.msk [tilespmem:v5+s0+$0x70 ss:$0x1], $0xffff;
	v7 =	vadd.f32 v13, v7  }
0x1c7: {  	v6 =	vadd.f32 v12, v6;
	v16 =	vld.idx.msk [tilespmem:v5+s0+$0x0 ss:$0x1], $0xffff  }
0x1c8: {  	v4 =	vadd.f32 v11, v4;
	v13 =	vld.idx.msk [tilespmem:v5+s0+$0x10 ss:$0x1], $0xffff  }
.Ltmp18:
0x1c9: {  	v3 =	vadd.f32 v9, v3;
	v12 =	vld.idx.msk [tilespmem:v5+s0+$0x20 ss:$0x1], $0xffff;
	(pc) =	sbr.rel @p0 .LBB2_39-.Ltmp18, $4  }
0x1ca: {  	v1 =	vadd.f32 v8, v1;
	v11 =	vld.idx.msk [tilespmem:v5+s0+$0x30 ss:$0x1], $0xffff  }
0x1cb: {  	v0 =	vadd.f32 v10, v0;
	v9 =	vld.idx.msk [tilespmem:v5+s0+$0x40 ss:$0x1], $0xffff  }
0x1cc: {  	v2 =	vadd.f32 v15, v2;
	v8 =	vld.idx.msk [tilespmem:v5+s0+$0x50 ss:$0x1], $0xffff  }
0x1cd: {  	v14 =	vadd.f32 v16, v14;
	v10 =	vld.idx.msk [tilespmem:v5+s0+$0x60 ss:$0x1], $0xffff;
	s0 =	sshra.s32 s1, $0x2;
	s1 =	sadd.s32 $0x200, s1  }
0x1ce: {  	_ =	sdelay $0x3  }
0x1cf: {  	v16 =	vld.idx.msk [tilespmem:v5+s0+$0x0 ss:$0x1], $0xffff  }
0x1d0: {  	v17 =	vld.idx.msk [tilespmem:v5+s0+$0x10 ss:$0x1], $0xffff  }
0x1d1: {  	v18 =	vld.idx.msk [tilespmem:v5+s0+$0x20 ss:$0x1], $0xffff  }
0x1d2: {  	v19 =	vld.idx.msk [tilespmem:v5+s0+$0x30 ss:$0x1], $0xffff  }
0x1d3: {  	v7 =	vadd.f32 v13, v7;
	v60 =	vld.idx.msk [tilespmem:v5+s0+$0x40 ss:$0x1], $0xffff  }
0x1d4: {  	v6 =	vadd.f32 v12, v6;
	v62 =	vld.idx.msk [tilespmem:v5+s0+$0x50 ss:$0x1], $0xffff;
	s1 =	sshll.u32 s30, $0x7;
	v61 =	vadd.f32 v16, v14  }
0x1d5: {  	v15 =	vld.idx.msk [tilespmem:v5+s0+$0x70 ss:$0x1], $0xffff;
	v4 =	vadd.f32 v11, v4;
	s26 =	sand.u32 $0x3FFFFF80, s1;
	v7 =	vadd.f32 v17, v7  }
0x1d6: {  	v63 =	vld.idx.msk [tilespmem:v5+s0+$0x60 ss:$0x1], $0xffff;
	v3 =	vadd.f32 v9, v3;
	v6 =	vadd.f32 v18, v6;
	[tilespmem:s26+$0x1A400] =	vst v61  }
0x1d7: {  	s30 =	sadd.s32 $0x1, s30;
	v1 =	vadd.f32 v8, v1;
	v4 =	vadd.f32 v19, v4;
	[tilespmem:s26+$0x1A410] =	vst v7  }
0x1d8: {  	p0 =	sne.s32 s30, $0x8;
	v3 =	vadd.f32 v60, v3;
	[tilespmem:s26+$0x1A420] =	vst v6  }
.Ltmp19:
0x1d9: {  	v0 =	vadd.f32 v10, v0;
	v1 =	vadd.f32 v62, v1;
	[tilespmem:s26+$0x1A430] =	vst v4;
	(pc) =	sbr.rel @p0 .LBB2_38-.Ltmp19, $4  }
0x1da: {  	v2 =	vadd.f32 v15, v2;
	[tilespmem:s26+$0x1A440] =	vst v3  }
0x1db: {  	v0 =	vadd.f32 v63, v0;
	[tilespmem:s26+$0x1A450] =	vst v1  }
0x1dc: {  	[tilespmem:s26+$0x1A470] =	vst v2  }
0x1dd: {  	s31 =	sadd.s32 $0x1000, s31;
	[tilespmem:s26+$0x1A460] =	vst v0  }
0x1de: {  	_ =	swait.ge [sflag:s24], $0x8000  }
0x1df: {  	[sflag:s24] =	ssyncset.done $0x0  }
0x1e0: {  	s30 =	simm.s32 $0x0;
	s31 =	simm.s32 $0x8080;
	[sflag:s24] =	ssyncadd.s32 $0xFFFF8000  }
0x1e1: {  	[tilespmem:s30], [sflag:$0x1] =	stream.linear.gather [hbm4b:s15+s30], $0x8000, $0x38;
	[tilespmem:$0x1C000] =	vst v63  }
.LBB2_42:
0x1e2: {  	s0 =	sshll.u32 s30, $0xE  }
0x1e3: {  	s0 =	sshra.s32 s0, $0x2  }
0x1e4: {  	v10 =	vld [tilespmem:s0+$0x8000]  }
0x1e5: {  	v7 =	vld [tilespmem:s0+$0x8010]  }
0x1e6: {  	v6 =	vld [tilespmem:s0+$0x8020]  }
0x1e7: {  	v5 =	vmov s31;
	v4 =	vld [tilespmem:s0+$0x8030]  }
0x1e8: {  	v3 =	vld [tilespmem:s0+$0x8040]  }
0x1e9: {  	v1 =	vld [tilespmem:s0+$0x8050]  }
0x1ea: {  	v0 =	vld [tilespmem:s0+$0x8060]  }
0x1eb: {  	s26 =	simm.s32 $0x0;
	v2 =	vld [tilespmem:s0+$0x8070]  }
0x1ec: {  	v14 =	vld.idx.msk [tilespmem:v5+s26+$0x70 ss:$0x1], $0xffff  }
0x1ed: {  	v15 =	vld.idx.msk [tilespmem:v5+s26+$0x0 ss:$0x1], $0xffff  }
0x1ee: {  	v13 =	vld.idx.msk [tilespmem:v5+s26+$0x10 ss:$0x1], $0xffff  }
0x1ef: {  	v12 =	vld.idx.msk [tilespmem:v5+s26+$0x20 ss:$0x1], $0xffff  }
0x1f0: {  	v11 =	vld.idx.msk [tilespmem:v5+s26+$0x30 ss:$0x1], $0xffff  }
0x1f1: {  	v9 =	vld.idx.msk [tilespmem:v5+s26+$0x40 ss:$0x1], $0xffff  }
0x1f2: {  	v8 =	vld.idx.msk [tilespmem:v5+s26+$0x50 ss:$0x1], $0xffff  }
0x1f3: {  	s1 =	simm.s32 $0x400;
	s0 =	simm.s32 $0x80;
	v2 =	vadd.f32 v14, v2;
	v14 =	vadd.f32 v15, v10;
	v10 =	vld.idx.msk [tilespmem:v5+s26+$0x60 ss:$0x1], $0xffff  }
.LBB2_43:
0x1f4: {  	p0 =	sne.s32 s1, $0x3C00;
	v15 =	vld.idx.msk [tilespmem:v5+s0+$0x70 ss:$0x1], $0xffff;
	v7 =	vadd.f32 v13, v7  }
0x1f5: {  	v6 =	vadd.f32 v12, v6;
	v16 =	vld.idx.msk [tilespmem:v5+s0+$0x0 ss:$0x1], $0xffff  }
0x1f6: {  	v4 =	vadd.f32 v11, v4;
	v13 =	vld.idx.msk [tilespmem:v5+s0+$0x10 ss:$0x1], $0xffff  }
.Ltmp20:
0x1f7: {  	v3 =	vadd.f32 v9, v3;
	v12 =	vld.idx.msk [tilespmem:v5+s0+$0x20 ss:$0x1], $0xffff;
	(pc) =	sbr.rel @p0 .LBB2_43-.Ltmp20, $4  }
0x1f8: {  	v1 =	vadd.f32 v8, v1;
	v11 =	vld.idx.msk [tilespmem:v5+s0+$0x30 ss:$0x1], $0xffff  }
0x1f9: {  	v0 =	vadd.f32 v10, v0;
	v9 =	vld.idx.msk [tilespmem:v5+s0+$0x40 ss:$0x1], $0xffff  }
0x1fa: {  	v2 =	vadd.f32 v15, v2;
	v8 =	vld.idx.msk [tilespmem:v5+s0+$0x50 ss:$0x1], $0xffff  }
0x1fb: {  	v14 =	vadd.f32 v16, v14;
	v10 =	vld.idx.msk [tilespmem:v5+s0+$0x60 ss:$0x1], $0xffff;
	s0 =	sshra.s32 s1, $0x2;
	s1 =	sadd.s32 $0x200, s1  }
0x1fc: {  	_ =	sdelay $0x3  }
0x1fd: {  	v16 =	vld.idx.msk [tilespmem:v5+s0+$0x0 ss:$0x1], $0xffff  }
0x1fe: {  	v17 =	vld.idx.msk [tilespmem:v5+s0+$0x10 ss:$0x1], $0xffff  }
0x1ff: {  	v18 =	vld.idx.msk [tilespmem:v5+s0+$0x20 ss:$0x1], $0xffff  }
0x200: {  	v19 =	vld.idx.msk [tilespmem:v5+s0+$0x30 ss:$0x1], $0xffff  }
0x201: {  	v7 =	vadd.f32 v13, v7;
	v60 =	vld.idx.msk [tilespmem:v5+s0+$0x40 ss:$0x1], $0xffff  }
0x202: {  	v6 =	vadd.f32 v12, v6;
	v62 =	vld.idx.msk [tilespmem:v5+s0+$0x50 ss:$0x1], $0xffff;
	s1 =	sshll.u32 s30, $0x7;
	v61 =	vadd.f32 v16, v14  }
0x203: {  	v15 =	vld.idx.msk [tilespmem:v5+s0+$0x70 ss:$0x1], $0xffff;
	v4 =	vadd.f32 v11, v4;
	s26 =	sand.u32 $0x3FFFFF80, s1;
	v7 =	vadd.f32 v17, v7  }
0x204: {  	v63 =	vld.idx.msk [tilespmem:v5+s0+$0x60 ss:$0x1], $0xffff;
	v3 =	vadd.f32 v9, v3;
	v6 =	vadd.f32 v18, v6;
	[tilespmem:s26+$0x1A800] =	vst v61  }
0x205: {  	s30 =	sadd.s32 $0x1, s30;
	v1 =	vadd.f32 v8, v1;
	v4 =	vadd.f32 v19, v4;
	[tilespmem:s26+$0x1A810] =	vst v7  }
0x206: {  	p0 =	sne.s32 s30, $0x8;
	v3 =	vadd.f32 v60, v3;
	[tilespmem:s26+$0x1A820] =	vst v6  }
.Ltmp21:
0x207: {  	v0 =	vadd.f32 v10, v0;
	v1 =	vadd.f32 v62, v1;
	[tilespmem:s26+$0x1A830] =	vst v4;
	(pc) =	sbr.rel @p0 .LBB2_42-.Ltmp21, $4  }
0x208: {  	v2 =	vadd.f32 v15, v2;
	[tilespmem:s26+$0x1A840] =	vst v3  }
0x209: {  	v0 =	vadd.f32 v63, v0;
	[tilespmem:s26+$0x1A850] =	vst v1  }
0x20a: {  	[tilespmem:s26+$0x1A870] =	vst v2  }
0x20b: {  	s31 =	sadd.s32 $0x1000, s31;
	[tilespmem:s26+$0x1A860] =	vst v0  }
0x20c: {  	_ =	swait.ge [sflag:s25], $0x8000  }
0x20d: {  	[sflag:s25] =	ssyncset.done $0x0  }
0x20e: {  	s30 =	simm.s32 $0x0;
	s31 =	simm.s32 $0x10080;
	[sflag:s25] =	ssyncadd.s32 $0xFFFF8000  }
0x20f: {  	[tilespmem:s21], [sflag:$0x2] =	stream.linear.gather [hbm4b:s16+s30], $0x8000, $0x38;
	[tilespmem:$0x1C000] =	vst v63  }
.LBB2_46:
0x210: {  	s0 =	sshll.u32 s30, $0xE  }
0x211: {  	s0 =	sshra.s32 s0, $0x2  }
0x212: {  	v10 =	vld [tilespmem:s0+$0x10000]  }
0x213: {  	v7 =	vld [tilespmem:s0+$0x10010]  }
0x214: {  	v6 =	vld [tilespmem:s0+$0x10020]  }
0x215: {  	v5 =	vmov s31;
	v4 =	vld [tilespmem:s0+$0x10030]  }
0x216: {  	v3 =	vld [tilespmem:s0+$0x10040]  }
0x217: {  	v1 =	vld [tilespmem:s0+$0x10050]  }
0x218: {  	v0 =	vld [tilespmem:s0+$0x10060]  }
0x219: {  	s26 =	simm.s32 $0x0;
	v2 =	vld [tilespmem:s0+$0x10070]  }
0x21a: {  	v14 =	vld.idx.msk [tilespmem:v5+s26+$0x70 ss:$0x1], $0xffff  }
0x21b: {  	v15 =	vld.idx.msk [tilespmem:v5+s26+$0x0 ss:$0x1], $0xffff  }
0x21c: {  	v13 =	vld.idx.msk [tilespmem:v5+s26+$0x10 ss:$0x1], $0xffff  }
0x21d: {  	v12 =	vld.idx.msk [tilespmem:v5+s26+$0x20 ss:$0x1], $0xffff  }
0x21e: {  	v11 =	vld.idx.msk [tilespmem:v5+s26+$0x30 ss:$0x1], $0xffff  }
0x21f: {  	v9 =	vld.idx.msk [tilespmem:v5+s26+$0x40 ss:$0x1], $0xffff  }
0x220: {  	v8 =	vld.idx.msk [tilespmem:v5+s26+$0x50 ss:$0x1], $0xffff  }
0x221: {  	s1 =	simm.s32 $0x400;
	s0 =	simm.s32 $0x80;
	v2 =	vadd.f32 v14, v2;
	v14 =	vadd.f32 v15, v10;
	v10 =	vld.idx.msk [tilespmem:v5+s26+$0x60 ss:$0x1], $0xffff  }
.LBB2_47:
0x222: {  	p0 =	sne.s32 s1, $0x3C00;
	v15 =	vld.idx.msk [tilespmem:v5+s0+$0x70 ss:$0x1], $0xffff;
	v7 =	vadd.f32 v13, v7  }
0x223: {  	v6 =	vadd.f32 v12, v6;
	v16 =	vld.idx.msk [tilespmem:v5+s0+$0x0 ss:$0x1], $0xffff  }
0x224: {  	v4 =	vadd.f32 v11, v4;
	v13 =	vld.idx.msk [tilespmem:v5+s0+$0x10 ss:$0x1], $0xffff  }
.Ltmp22:
0x225: {  	v3 =	vadd.f32 v9, v3;
	v12 =	vld.idx.msk [tilespmem:v5+s0+$0x20 ss:$0x1], $0xffff;
	(pc) =	sbr.rel @p0 .LBB2_47-.Ltmp22, $4  }
0x226: {  	v1 =	vadd.f32 v8, v1;
	v11 =	vld.idx.msk [tilespmem:v5+s0+$0x30 ss:$0x1], $0xffff  }
0x227: {  	v0 =	vadd.f32 v10, v0;
	v9 =	vld.idx.msk [tilespmem:v5+s0+$0x40 ss:$0x1], $0xffff  }
0x228: {  	v2 =	vadd.f32 v15, v2;
	v8 =	vld.idx.msk [tilespmem:v5+s0+$0x50 ss:$0x1], $0xffff  }
0x229: {  	v14 =	vadd.f32 v16, v14;
	v10 =	vld.idx.msk [tilespmem:v5+s0+$0x60 ss:$0x1], $0xffff;
	s0 =	sshra.s32 s1, $0x2;
	s1 =	sadd.s32 $0x200, s1  }
0x22a: {  	_ =	sdelay $0x3  }
0x22b: {  	v16 =	vld.idx.msk [tilespmem:v5+s0+$0x0 ss:$0x1], $0xffff  }
0x22c: {  	v17 =	vld.idx.msk [tilespmem:v5+s0+$0x10 ss:$0x1], $0xffff  }
0x22d: {  	v18 =	vld.idx.msk [tilespmem:v5+s0+$0x20 ss:$0x1], $0xffff  }
0x22e: {  	v19 =	vld.idx.msk [tilespmem:v5+s0+$0x30 ss:$0x1], $0xffff  }
0x22f: {  	v7 =	vadd.f32 v13, v7;
	v60 =	vld.idx.msk [tilespmem:v5+s0+$0x40 ss:$0x1], $0xffff  }
0x230: {  	v6 =	vadd.f32 v12, v6;
	v62 =	vld.idx.msk [tilespmem:v5+s0+$0x50 ss:$0x1], $0xffff;
	s1 =	sshll.u32 s30, $0x7;
	v61 =	vadd.f32 v16, v14  }
0x231: {  	v15 =	vld.idx.msk [tilespmem:v5+s0+$0x70 ss:$0x1], $0xffff;
	v4 =	vadd.f32 v11, v4;
	s26 =	sand.u32 $0x3FFFFF80, s1;
	v7 =	vadd.f32 v17, v7  }
0x232: {  	v63 =	vld.idx.msk [tilespmem:v5+s0+$0x60 ss:$0x1], $0xffff;
	v3 =	vadd.f32 v9, v3;
	v6 =	vadd.f32 v18, v6;
	[tilespmem:s26+$0x1AC00] =	vst v61  }
0x233: {  	s30 =	sadd.s32 $0x1, s30;
	v1 =	vadd.f32 v8, v1;
	v4 =	vadd.f32 v19, v4;
	[tilespmem:s26+$0x1AC10] =	vst v7  }
0x234: {  	p0 =	sne.s32 s30, $0x8;
	v3 =	vadd.f32 v60, v3;
	[tilespmem:s26+$0x1AC20] =	vst v6  }
.Ltmp23:
0x235: {  	v0 =	vadd.f32 v10, v0;
	v1 =	vadd.f32 v62, v1;
	[tilespmem:s26+$0x1AC30] =	vst v4;
	(pc) =	sbr.rel @p0 .LBB2_46-.Ltmp23, $4  }
0x236: {  	v2 =	vadd.f32 v15, v2;
	[tilespmem:s26+$0x1AC40] =	vst v3  }
0x237: {  	v0 =	vadd.f32 v63, v0;
	[tilespmem:s26+$0x1AC50] =	vst v1  }
0x238: {  	[tilespmem:s26+$0x1AC70] =	vst v2  }
0x239: {  	s31 =	sadd.s32 $0x1000, s31;
	[tilespmem:s26+$0x1AC60] =	vst v0  }
0x23a: {  	_ =	swait.ge [sflag:s22], $0x8000  }
0x23b: {  	[sflag:s22] =	ssyncset.done $0x0  }
0x23c: {  	s30 =	simm.s32 $0x0;
	s31 =	simm.s32 $0x80;
	[sflag:s22] =	ssyncadd.s32 $0xFFFF8000  }
0x23d: {  	[tilespmem:s23], [sflag:$0x3] =	stream.linear.gather [hbm4b:s17+s30], $0x8000, $0x38;
	[tilespmem:$0x1C000] =	vst v63  }
.LBB2_50:
0x23e: {  	s0 =	sshll.u32 s30, $0xE  }
0x23f: {  	s0 =	sshra.s32 s0, $0x2  }
0x240: {  	v10 =	vld [tilespmem:s0+$0x0]  }
0x241: {  	v7 =	vld [tilespmem:s0+$0x10]  }
0x242: {  	v6 =	vld [tilespmem:s0+$0x20]  }
0x243: {  	v5 =	vmov s31;
	v4 =	vld [tilespmem:s0+$0x30]  }
0x244: {  	v3 =	vld [tilespmem:s0+$0x40]  }
0x245: {  	v1 =	vld [tilespmem:s0+$0x50]  }
0x246: {  	v0 =	vld [tilespmem:s0+$0x60]  }
0x247: {  	s26 =	simm.s32 $0x0;
	v2 =	vld [tilespmem:s0+$0x70]  }
0x248: {  	v14 =	vld.idx.msk [tilespmem:v5+s26+$0x70 ss:$0x1], $0xffff  }
0x249: {  	v15 =	vld.idx.msk [tilespmem:v5+s26+$0x0 ss:$0x1], $0xffff  }
0x24a: {  	v13 =	vld.idx.msk [tilespmem:v5+s26+$0x10 ss:$0x1], $0xffff  }
0x24b: {  	v12 =	vld.idx.msk [tilespmem:v5+s26+$0x20 ss:$0x1], $0xffff  }
0x24c: {  	v11 =	vld.idx.msk [tilespmem:v5+s26+$0x30 ss:$0x1], $0xffff  }
0x24d: {  	v9 =	vld.idx.msk [tilespmem:v5+s26+$0x40 ss:$0x1], $0xffff  }
0x24e: {  	v8 =	vld.idx.msk [tilespmem:v5+s26+$0x50 ss:$0x1], $0xffff  }
0x24f: {  	s1 =	simm.s32 $0x400;
	s0 =	simm.s32 $0x80;
	v2 =	vadd.f32 v14, v2;
	v14 =	vadd.f32 v15, v10;
	v10 =	vld.idx.msk [tilespmem:v5+s26+$0x60 ss:$0x1], $0xffff  }
.LBB2_51:
0x250: {  	p0 =	sne.s32 s1, $0x3C00;
	v15 =	vld.idx.msk [tilespmem:v5+s0+$0x70 ss:$0x1], $0xffff;
	v7 =	vadd.f32 v13, v7  }
0x251: {  	v6 =	vadd.f32 v12, v6;
	v16 =	vld.idx.msk [tilespmem:v5+s0+$0x0 ss:$0x1], $0xffff  }
0x252: {  	v4 =	vadd.f32 v11, v4;
	v13 =	vld.idx.msk [tilespmem:v5+s0+$0x10 ss:$0x1], $0xffff  }
.Ltmp24:
0x253: {  	v3 =	vadd.f32 v9, v3;
	v12 =	vld.idx.msk [tilespmem:v5+s0+$0x20 ss:$0x1], $0xffff;
	(pc) =	sbr.rel @p0 .LBB2_51-.Ltmp24, $4  }
0x254: {  	v1 =	vadd.f32 v8, v1;
	v11 =	vld.idx.msk [tilespmem:v5+s0+$0x30 ss:$0x1], $0xffff  }
0x255: {  	v0 =	vadd.f32 v10, v0;
	v9 =	vld.idx.msk [tilespmem:v5+s0+$0x40 ss:$0x1], $0xffff  }
0x256: {  	v2 =	vadd.f32 v15, v2;
	v8 =	vld.idx.msk [tilespmem:v5+s0+$0x50 ss:$0x1], $0xffff  }
0x257: {  	v14 =	vadd.f32 v16, v14;
	v10 =	vld.idx.msk [tilespmem:v5+s0+$0x60 ss:$0x1], $0xffff;
	s0 =	sshra.s32 s1, $0x2;
	s1 =	sadd.s32 $0x200, s1  }
0x258: {  	_ =	sdelay $0x3  }
0x259: {  	v16 =	vld.idx.msk [tilespmem:v5+s0+$0x0 ss:$0x1], $0xffff  }
0x25a: {  	v17 =	vld.idx.msk [tilespmem:v5+s0+$0x10 ss:$0x1], $0xffff  }
0x25b: {  	v18 =	vld.idx.msk [tilespmem:v5+s0+$0x20 ss:$0x1], $0xffff  }
0x25c: {  	v19 =	vld.idx.msk [tilespmem:v5+s0+$0x30 ss:$0x1], $0xffff  }
0x25d: {  	v7 =	vadd.f32 v13, v7;
	v60 =	vld.idx.msk [tilespmem:v5+s0+$0x40 ss:$0x1], $0xffff  }
0x25e: {  	v6 =	vadd.f32 v12, v6;
	v62 =	vld.idx.msk [tilespmem:v5+s0+$0x50 ss:$0x1], $0xffff;
	s1 =	sshll.u32 s30, $0x7;
	v61 =	vadd.f32 v16, v14  }
0x25f: {  	v15 =	vld.idx.msk [tilespmem:v5+s0+$0x70 ss:$0x1], $0xffff;
	v4 =	vadd.f32 v11, v4;
	s26 =	sand.u32 $0x3FFFFF80, s1;
	v7 =	vadd.f32 v17, v7  }
0x260: {  	v63 =	vld.idx.msk [tilespmem:v5+s0+$0x60 ss:$0x1], $0xffff;
	v3 =	vadd.f32 v9, v3;
	v6 =	vadd.f32 v18, v6;
	[tilespmem:s26+$0x1B000] =	vst v61  }
0x261: {  	s30 =	sadd.s32 $0x1, s30;
	v1 =	vadd.f32 v8, v1;
	v4 =	vadd.f32 v19, v4;
	[tilespmem:s26+$0x1B010] =	vst v7  }
0x262: {  	p0 =	sne.s32 s30, $0x8;
	v3 =	vadd.f32 v60, v3;
	[tilespmem:s26+$0x1B020] =	vst v6  }
.Ltmp25:
0x263: {  	v0 =	vadd.f32 v10, v0;
	v1 =	vadd.f32 v62, v1;
	[tilespmem:s26+$0x1B030] =	vst v4;
	(pc) =	sbr.rel @p0 .LBB2_50-.Ltmp25, $4  }
0x264: {  	v2 =	vadd.f32 v15, v2;
	[tilespmem:s26+$0x1B040] =	vst v3  }
0x265: {  	v0 =	vadd.f32 v63, v0;
	[tilespmem:s26+$0x1B050] =	vst v1  }
0x266: {  	[tilespmem:s26+$0x1B070] =	vst v2  }
0x267: {  	s31 =	sadd.s32 $0x1000, s31;
	[tilespmem:s26+$0x1B060] =	vst v0  }
0x268: {  	_ =	swait.ge [sflag:s24], $0x8000  }
0x269: {  	[sflag:s24] =	ssyncset.done $0x0  }
0x26a: {  	s30 =	simm.s32 $0x0;
	s31 =	simm.s32 $0x8080;
	[sflag:s24] =	ssyncadd.s32 $0xFFFF8000  }
0x26b: {  	[tilespmem:s30], [sflag:$0x1] =	stream.linear.gather [hbm4b:s18+s30], $0x8000, $0x38;
	[tilespmem:$0x1C000] =	vst v63  }
.LBB2_54:
0x26c: {  	s0 =	sshll.u32 s30, $0xE  }
0x26d: {  	s0 =	sshra.s32 s0, $0x2  }
0x26e: {  	v10 =	vld [tilespmem:s0+$0x8000]  }
0x26f: {  	v7 =	vld [tilespmem:s0+$0x8010]  }
0x270: {  	v6 =	vld [tilespmem:s0+$0x8020]  }
0x271: {  	v5 =	vmov s31;
	v4 =	vld [tilespmem:s0+$0x8030]  }
0x272: {  	v3 =	vld [tilespmem:s0+$0x8040]  }
0x273: {  	v1 =	vld [tilespmem:s0+$0x8050]  }
0x274: {  	v0 =	vld [tilespmem:s0+$0x8060]  }
0x275: {  	s26 =	simm.s32 $0x0;
	v2 =	vld [tilespmem:s0+$0x8070]  }
0x276: {  	v14 =	vld.idx.msk [tilespmem:v5+s26+$0x70 ss:$0x1], $0xffff  }
0x277: {  	v15 =	vld.idx.msk [tilespmem:v5+s26+$0x0 ss:$0x1], $0xffff  }
0x278: {  	v13 =	vld.idx.msk [tilespmem:v5+s26+$0x10 ss:$0x1], $0xffff  }
0x279: {  	v12 =	vld.idx.msk [tilespmem:v5+s26+$0x20 ss:$0x1], $0xffff  }
0x27a: {  	v11 =	vld.idx.msk [tilespmem:v5+s26+$0x30 ss:$0x1], $0xffff  }
0x27b: {  	v9 =	vld.idx.msk [tilespmem:v5+s26+$0x40 ss:$0x1], $0xffff  }
0x27c: {  	v8 =	vld.idx.msk [tilespmem:v5+s26+$0x50 ss:$0x1], $0xffff  }
0x27d: {  	s1 =	simm.s32 $0x400;
	s0 =	simm.s32 $0x80;
	v2 =	vadd.f32 v14, v2;
	v14 =	vadd.f32 v15, v10;
	v10 =	vld.idx.msk [tilespmem:v5+s26+$0x60 ss:$0x1], $0xffff  }
.LBB2_55:
0x27e: {  	p0 =	sne.s32 s1, $0x3C00;
	v15 =	vld.idx.msk [tilespmem:v5+s0+$0x70 ss:$0x1], $0xffff;
	v7 =	vadd.f32 v13, v7  }
0x27f: {  	v6 =	vadd.f32 v12, v6;
	v16 =	vld.idx.msk [tilespmem:v5+s0+$0x0 ss:$0x1], $0xffff  }
0x280: {  	v4 =	vadd.f32 v11, v4;
	v13 =	vld.idx.msk [tilespmem:v5+s0+$0x10 ss:$0x1], $0xffff  }
.Ltmp26:
0x281: {  	v3 =	vadd.f32 v9, v3;
	v12 =	vld.idx.msk [tilespmem:v5+s0+$0x20 ss:$0x1], $0xffff;
	(pc) =	sbr.rel @p0 .LBB2_55-.Ltmp26, $4  }
0x282: {  	v1 =	vadd.f32 v8, v1;
	v11 =	vld.idx.msk [tilespmem:v5+s0+$0x30 ss:$0x1], $0xffff  }
0x283: {  	v0 =	vadd.f32 v10, v0;
	v9 =	vld.idx.msk [tilespmem:v5+s0+$0x40 ss:$0x1], $0xffff  }
0x284: {  	v2 =	vadd.f32 v15, v2;
	v8 =	vld.idx.msk [tilespmem:v5+s0+$0x50 ss:$0x1], $0xffff  }
0x285: {  	v14 =	vadd.f32 v16, v14;
	v10 =	vld.idx.msk [tilespmem:v5+s0+$0x60 ss:$0x1], $0xffff;
	s0 =	sshra.s32 s1, $0x2;
	s1 =	sadd.s32 $0x200, s1  }
0x286: {  	_ =	sdelay $0x3  }
0x287: {  	v16 =	vld.idx.msk [tilespmem:v5+s0+$0x0 ss:$0x1], $0xffff  }
0x288: {  	v17 =	vld.idx.msk [tilespmem:v5+s0+$0x10 ss:$0x1], $0xffff  }
0x289: {  	v18 =	vld.idx.msk [tilespmem:v5+s0+$0x20 ss:$0x1], $0xffff  }
0x28a: {  	v19 =	vld.idx.msk [tilespmem:v5+s0+$0x30 ss:$0x1], $0xffff  }
0x28b: {  	v7 =	vadd.f32 v13, v7;
	v60 =	vld.idx.msk [tilespmem:v5+s0+$0x40 ss:$0x1], $0xffff  }
0x28c: {  	v6 =	vadd.f32 v12, v6;
	v62 =	vld.idx.msk [tilespmem:v5+s0+$0x50 ss:$0x1], $0xffff;
	s1 =	sshll.u32 s30, $0x7;
	v61 =	vadd.f32 v16, v14  }
0x28d: {  	v15 =	vld.idx.msk [tilespmem:v5+s0+$0x70 ss:$0x1], $0xffff;
	v4 =	vadd.f32 v11, v4;
	s26 =	sand.u32 $0x3FFFFF80, s1;
	v7 =	vadd.f32 v17, v7  }
0x28e: {  	v63 =	vld.idx.msk [tilespmem:v5+s0+$0x60 ss:$0x1], $0xffff;
	v3 =	vadd.f32 v9, v3;
	v6 =	vadd.f32 v18, v6;
	[tilespmem:s26+$0x1B400] =	vst v61  }
0x28f: {  	s30 =	sadd.s32 $0x1, s30;
	v1 =	vadd.f32 v8, v1;
	v4 =	vadd.f32 v19, v4;
	[tilespmem:s26+$0x1B410] =	vst v7  }
0x290: {  	p0 =	sne.s32 s30, $0x8;
	v3 =	vadd.f32 v60, v3;
	[tilespmem:s26+$0x1B420] =	vst v6  }
.Ltmp27:
0x291: {  	v0 =	vadd.f32 v10, v0;
	v1 =	vadd.f32 v62, v1;
	[tilespmem:s26+$0x1B430] =	vst v4;
	(pc) =	sbr.rel @p0 .LBB2_54-.Ltmp27, $4  }
0x292: {  	v2 =	vadd.f32 v15, v2;
	[tilespmem:s26+$0x1B440] =	vst v3  }
0x293: {  	v0 =	vadd.f32 v63, v0;
	[tilespmem:s26+$0x1B450] =	vst v1  }
0x294: {  	[tilespmem:s26+$0x1B470] =	vst v2  }
0x295: {  	s31 =	sadd.s32 $0x1000, s31;
	[tilespmem:s26+$0x1B460] =	vst v0  }
0x296: {  	_ =	swait.ge [sflag:s25], $0x8000  }
0x297: {  	[sflag:s25] =	ssyncset.done $0x0  }
0x298: {  	s30 =	simm.s32 $0x0;
	s31 =	simm.s32 $0x10080;
	[sflag:s25] =	ssyncadd.s32 $0xFFFF8000  }
.LBB2_58:
0x299: {  	s0 =	sshll.u32 s30, $0xE  }
0x29a: {  	s0 =	sshra.s32 s0, $0x2  }
0x29b: {  	v10 =	vld [tilespmem:s0+$0x10000]  }
0x29c: {  	v7 =	vld [tilespmem:s0+$0x10010]  }
0x29d: {  	v6 =	vld [tilespmem:s0+$0x10020]  }
0x29e: {  	v5 =	vmov s31;
	v4 =	vld [tilespmem:s0+$0x10030]  }
0x29f: {  	v3 =	vld [tilespmem:s0+$0x10040]  }
0x2a0: {  	v1 =	vld [tilespmem:s0+$0x10050]  }
0x2a1: {  	v0 =	vld [tilespmem:s0+$0x10060]  }
0x2a2: {  	s26 =	simm.s32 $0x0;
	v2 =	vld [tilespmem:s0+$0x10070]  }
0x2a3: {  	v14 =	vld.idx.msk [tilespmem:v5+s26+$0x70 ss:$0x1], $0xffff  }
0x2a4: {  	v15 =	vld.idx.msk [tilespmem:v5+s26+$0x0 ss:$0x1], $0xffff  }
0x2a5: {  	v13 =	vld.idx.msk [tilespmem:v5+s26+$0x10 ss:$0x1], $0xffff  }
0x2a6: {  	v12 =	vld.idx.msk [tilespmem:v5+s26+$0x20 ss:$0x1], $0xffff  }
0x2a7: {  	v11 =	vld.idx.msk [tilespmem:v5+s26+$0x30 ss:$0x1], $0xffff  }
0x2a8: {  	v9 =	vld.idx.msk [tilespmem:v5+s26+$0x40 ss:$0x1], $0xffff  }
0x2a9: {  	v8 =	vld.idx.msk [tilespmem:v5+s26+$0x50 ss:$0x1], $0xffff  }
0x2aa: {  	s1 =	simm.s32 $0x400;
	s0 =	simm.s32 $0x80;
	v2 =	vadd.f32 v14, v2;
	v14 =	vadd.f32 v15, v10;
	v10 =	vld.idx.msk [tilespmem:v5+s26+$0x60 ss:$0x1], $0xffff  }
.LBB2_59:
0x2ab: {  	p0 =	sne.s32 s1, $0x3C00;
	v15 =	vld.idx.msk [tilespmem:v5+s0+$0x70 ss:$0x1], $0xffff;
	v7 =	vadd.f32 v13, v7  }
0x2ac: {  	v6 =	vadd.f32 v12, v6;
	v16 =	vld.idx.msk [tilespmem:v5+s0+$0x0 ss:$0x1], $0xffff  }
0x2ad: {  	v4 =	vadd.f32 v11, v4;
	v13 =	vld.idx.msk [tilespmem:v5+s0+$0x10 ss:$0x1], $0xffff  }
.Ltmp28:
0x2ae: {  	v3 =	vadd.f32 v9, v3;
	v12 =	vld.idx.msk [tilespmem:v5+s0+$0x20 ss:$0x1], $0xffff;
	(pc) =	sbr.rel @p0 .LBB2_59-.Ltmp28, $4  }
0x2af: {  	v1 =	vadd.f32 v8, v1;
	v11 =	vld.idx.msk [tilespmem:v5+s0+$0x30 ss:$0x1], $0xffff  }
0x2b0: {  	v0 =	vadd.f32 v10, v0;
	v9 =	vld.idx.msk [tilespmem:v5+s0+$0x40 ss:$0x1], $0xffff  }
0x2b1: {  	v2 =	vadd.f32 v15, v2;
	v8 =	vld.idx.msk [tilespmem:v5+s0+$0x50 ss:$0x1], $0xffff  }
0x2b2: {  	v14 =	vadd.f32 v16, v14;
	v10 =	vld.idx.msk [tilespmem:v5+s0+$0x60 ss:$0x1], $0xffff;
	s0 =	sshra.s32 s1, $0x2;
	s1 =	sadd.s32 $0x200, s1  }
0x2b3: {  	_ =	sdelay $0x3  }
0x2b4: {  	v16 =	vld.idx.msk [tilespmem:v5+s0+$0x0 ss:$0x1], $0xffff  }
0x2b5: {  	v17 =	vld.idx.msk [tilespmem:v5+s0+$0x10 ss:$0x1], $0xffff  }
0x2b6: {  	v18 =	vld.idx.msk [tilespmem:v5+s0+$0x20 ss:$0x1], $0xffff  }
0x2b7: {  	v19 =	vld.idx.msk [tilespmem:v5+s0+$0x30 ss:$0x1], $0xffff  }
0x2b8: {  	v7 =	vadd.f32 v13, v7;
	v60 =	vld.idx.msk [tilespmem:v5+s0+$0x40 ss:$0x1], $0xffff  }
0x2b9: {  	v6 =	vadd.f32 v12, v6;
	v62 =	vld.idx.msk [tilespmem:v5+s0+$0x50 ss:$0x1], $0xffff;
	s1 =	sshll.u32 s30, $0x7;
	v61 =	vadd.f32 v16, v14  }
0x2ba: {  	v15 =	vld.idx.msk [tilespmem:v5+s0+$0x70 ss:$0x1], $0xffff;
	v4 =	vadd.f32 v11, v4;
	s26 =	sand.u32 $0x3FFFFF80, s1;
	v7 =	vadd.f32 v17, v7  }
0x2bb: {  	v63 =	vld.idx.msk [tilespmem:v5+s0+$0x60 ss:$0x1], $0xffff;
	v3 =	vadd.f32 v9, v3;
	v6 =	vadd.f32 v18, v6;
	[tilespmem:s26+$0x1B800] =	vst v61  }
0x2bc: {  	s30 =	sadd.s32 $0x1, s30;
	v1 =	vadd.f32 v8, v1;
	v4 =	vadd.f32 v19, v4;
	[tilespmem:s26+$0x1B810] =	vst v7  }
0x2bd: {  	p0 =	sne.s32 s30, $0x8;
	v3 =	vadd.f32 v60, v3;
	[tilespmem:s26+$0x1B820] =	vst v6  }
.Ltmp29:
0x2be: {  	v0 =	vadd.f32 v10, v0;
	v1 =	vadd.f32 v62, v1;
	[tilespmem:s26+$0x1B830] =	vst v4;
	(pc) =	sbr.rel @p0 .LBB2_58-.Ltmp29, $4  }
0x2bf: {  	v2 =	vadd.f32 v15, v2;
	[tilespmem:s26+$0x1B840] =	vst v3  }
0x2c0: {  	v0 =	vadd.f32 v63, v0;
	[tilespmem:s26+$0x1B850] =	vst v1  }
0x2c1: {  	[tilespmem:s26+$0x1B870] =	vst v2  }
0x2c2: {  	s31 =	sadd.s32 $0x1000, s31;
	[tilespmem:s26+$0x1B860] =	vst v0  }
0x2c3: {  	_ =	swait.ge [sflag:s22], $0x8000  }
0x2c4: {  	[sflag:s22] =	ssyncset.done $0x0  }
0x2c5: {  	s30 =	simm.s32 $0x0;
	s31 =	simm.s32 $0x80;
	[sflag:s22] =	ssyncadd.s32 $0xFFFF8000  }
.LBB2_62:
0x2c6: {  	s0 =	sshll.u32 s30, $0xE  }
0x2c7: {  	s0 =	sshra.s32 s0, $0x2  }
0x2c8: {  	v10 =	vld [tilespmem:s0+$0x0]  }
0x2c9: {  	v7 =	vld [tilespmem:s0+$0x10]  }
0x2ca: {  	v6 =	vld [tilespmem:s0+$0x20]  }
0x2cb: {  	v5 =	vmov s31;
	v4 =	vld [tilespmem:s0+$0x30]  }
0x2cc: {  	v3 =	vld [tilespmem:s0+$0x40]  }
0x2cd: {  	v1 =	vld [tilespmem:s0+$0x50]  }
0x2ce: {  	v0 =	vld [tilespmem:s0+$0x60]  }
0x2cf: {  	s26 =	simm.s32 $0x0;
	v2 =	vld [tilespmem:s0+$0x70]  }
0x2d0: {  	v14 =	vld.idx.msk [tilespmem:v5+s26+$0x70 ss:$0x1], $0xffff  }
0x2d1: {  	v15 =	vld.idx.msk [tilespmem:v5+s26+$0x0 ss:$0x1], $0xffff  }
0x2d2: {  	v13 =	vld.idx.msk [tilespmem:v5+s26+$0x10 ss:$0x1], $0xffff  }
0x2d3: {  	v12 =	vld.idx.msk [tilespmem:v5+s26+$0x20 ss:$0x1], $0xffff  }
0x2d4: {  	v11 =	vld.idx.msk [tilespmem:v5+s26+$0x30 ss:$0x1], $0xffff  }
0x2d5: {  	v9 =	vld.idx.msk [tilespmem:v5+s26+$0x40 ss:$0x1], $0xffff  }
0x2d6: {  	v8 =	vld.idx.msk [tilespmem:v5+s26+$0x50 ss:$0x1], $0xffff  }
0x2d7: {  	s1 =	simm.s32 $0x400;
	s0 =	simm.s32 $0x80;
	v2 =	vadd.f32 v14, v2;
	v14 =	vadd.f32 v15, v10;
	v10 =	vld.idx.msk [tilespmem:v5+s26+$0x60 ss:$0x1], $0xffff  }
.LBB2_63:
0x2d8: {  	p0 =	sne.s32 s1, $0x3C00;
	v15 =	vld.idx.msk [tilespmem:v5+s0+$0x70 ss:$0x1], $0xffff;
	v7 =	vadd.f32 v13, v7  }
0x2d9: {  	v6 =	vadd.f32 v12, v6;
	v16 =	vld.idx.msk [tilespmem:v5+s0+$0x0 ss:$0x1], $0xffff  }
0x2da: {  	v4 =	vadd.f32 v11, v4;
	v13 =	vld.idx.msk [tilespmem:v5+s0+$0x10 ss:$0x1], $0xffff  }
.Ltmp30:
0x2db: {  	v3 =	vadd.f32 v9, v3;
	v12 =	vld.idx.msk [tilespmem:v5+s0+$0x20 ss:$0x1], $0xffff;
	(pc) =	sbr.rel @p0 .LBB2_63-.Ltmp30, $4  }
0x2dc: {  	v1 =	vadd.f32 v8, v1;
	v11 =	vld.idx.msk [tilespmem:v5+s0+$0x30 ss:$0x1], $0xffff  }
0x2dd: {  	v0 =	vadd.f32 v10, v0;
	v9 =	vld.idx.msk [tilespmem:v5+s0+$0x40 ss:$0x1], $0xffff  }
0x2de: {  	v2 =	vadd.f32 v15, v2;
	v8 =	vld.idx.msk [tilespmem:v5+s0+$0x50 ss:$0x1], $0xffff  }
0x2df: {  	v14 =	vadd.f32 v16, v14;
	v10 =	vld.idx.msk [tilespmem:v5+s0+$0x60 ss:$0x1], $0xffff;
	s0 =	sshra.s32 s1, $0x2;
	s1 =	sadd.s32 $0x200, s1  }
0x2e0: {  	_ =	sdelay $0x3  }
0x2e1: {  	v16 =	vld.idx.msk [tilespmem:v5+s0+$0x0 ss:$0x1], $0xffff  }
0x2e2: {  	v17 =	vld.idx.msk [tilespmem:v5+s0+$0x10 ss:$0x1], $0xffff  }
0x2e3: {  	v18 =	vld.idx.msk [tilespmem:v5+s0+$0x20 ss:$0x1], $0xffff  }
0x2e4: {  	v19 =	vld.idx.msk [tilespmem:v5+s0+$0x30 ss:$0x1], $0xffff  }
0x2e5: {  	v7 =	vadd.f32 v13, v7;
	v60 =	vld.idx.msk [tilespmem:v5+s0+$0x40 ss:$0x1], $0xffff  }
0x2e6: {  	v6 =	vadd.f32 v12, v6;
	v62 =	vld.idx.msk [tilespmem:v5+s0+$0x50 ss:$0x1], $0xffff;
	s1 =	sshll.u32 s30, $0x7;
	v61 =	vadd.f32 v16, v14  }
0x2e7: {  	v15 =	vld.idx.msk [tilespmem:v5+s0+$0x70 ss:$0x1], $0xffff;
	v4 =	vadd.f32 v11, v4;
	s26 =	sand.u32 $0x3FFFFF80, s1;
	v7 =	vadd.f32 v17, v7  }
0x2e8: {  	v63 =	vld.idx.msk [tilespmem:v5+s0+$0x60 ss:$0x1], $0xffff;
	v3 =	vadd.f32 v9, v3;
	v6 =	vadd.f32 v18, v6;
	[tilespmem:s26+$0x1BC00] =	vst v61  }
0x2e9: {  	s30 =	sadd.s32 $0x1, s30;
	v1 =	vadd.f32 v8, v1;
	v4 =	vadd.f32 v19, v4;
	[tilespmem:s26+$0x1BC10] =	vst v7  }
0x2ea: {  	p0 =	sne.s32 s30, $0x8;
	v3 =	vadd.f32 v60, v3;
	[tilespmem:s26+$0x1BC20] =	vst v6  }
.Ltmp31:
0x2eb: {  	v0 =	vadd.f32 v10, v0;
	v1 =	vadd.f32 v62, v1;
	[tilespmem:s26+$0x1BC30] =	vst v4;
	(pc) =	sbr.rel @p0 .LBB2_62-.Ltmp31, $4  }
0x2ec: {  	v2 =	vadd.f32 v15, v2;
	[tilespmem:s26+$0x1BC40] =	vst v3  }
0x2ed: {  	v0 =	vadd.f32 v63, v0;
	[tilespmem:s26+$0x1BC50] =	vst v1  }
0x2ee: {  	[tilespmem:s26+$0x1BC70] =	vst v2  }
0x2ef: {  	s31 =	sadd.s32 $0x1000, s31;
	[tilespmem:s26+$0x1BC60] =	vst v0  }
0x2f0: {  	s29 =	sadd.s32 $0x1, s29  }
0x2f1: {  	p0 =	sne.s32 s29, s20  }
.Ltmp32:
0x2f2: {  	s0 =	simm.s32 $0x18000;
	(pc) =	sbr.rel @p0 .LBB2_1-.Ltmp32, $4  }
0x2f3: {  	[hbm4b:s19+s2] =	stream.linear.scatter [tilespmem:s0], [sflag:$0x4], $0x4000, $0x38;
	[tilespmem:$0x1C000] =	vst v63  }
0x2f4: {  	_ =	swait.ge [sflag:s28], $0x4000  }
0x2f5: {  	[sflag:s28] =	ssyncset.done $0x0  }
0x2f6: {  	[sflag:s28] =	ssyncadd.s32 $0xFFFFC000  }
0x2f7: {  	_ =	sfence.sel $0x180000  }
0x2f8: {  	[bflag:$0x0] =	sbarrier.arrive $0xFFFF  }
0x2f9: {  	_ =	strace $0x90000047  }
0x2fa: {  	s0 =	stileid.u32;
	[bflag:$0x2] =	sbarrier.arrive $0xFFFF  }
0x2fb: {  	p0 =	sne.s32 s0, $0x0;
	s0 =	rddreg [dreg:$0x2]  }
0x2fc: {  	s0 =	sadd.s32 @!p0 $0x100000, s0  }
0x2fd: {  	[sflag:s0] =	ssyncadd.tile.s32 @!p0 $0x1;
	_ =	shalt  }
.Lfunc_end2:
_tile_overlayer_lowered:
.L_overlay_start_2:
0x2fe: {  	(tag) =	ssettag $0x2  }
0x2ff: {  	s0 =	rddreg [dreg:$0x0];
	s2 =	stileid.u32  }
0x300: {  	s1 =	rddreg [dreg:$0x1];
	p0 =	sne.s32 s2, $0x0  }
0x301: {  	s3 =	rddreg [dreg:$0x2];
	[bflag:$0x3] =	sbarrier.arrive $0xFFFF;
	s2 =	simm.s32 @!p0 $0x1C04  }
0x302: {  	[timem:s3], [sflag:s2] =	dma.local @!p0 [hbm:s0], s1  }
0x303: {  	s0 =	simm.s32 @!p0 $0x4  }
0x304: {  	_ =	swait.ge @!p0 [sflag:s0], s1  }
0x305: {  	s1 =	ssub.s32 @!p0 $0x0, s1;
	[sflag:s0] =	ssyncset.done @!p0 $0x0  }
0x306: {  	[sflag:s0] =	ssyncadd.s32 @!p0 s1  }
0x307: {  	[bflag:$0x3] =	sbarrier.arrive $0xFFFF  }
0x308: {  	_ =	shalt  }

</sc_bundles>
